<compile_context>
chip_gen: v7x
topology: tpu7x:2x2x1
jax: 0.10.2.dev20260603
libtpu: 0.0.44.dev20260713+nightly
codegen_flags: <defaults>
</compile_context>

<pallas_src>
import functools

import jax
import jax.numpy as jnp
from jax import lax
from jax.experimental import pallas as pl
from jax.experimental.pallas import tpu as pltpu
from jax.experimental.pallas import tpu_sc as plsc

N = 10000
F = 128
E = 320000
NUM_CLASSES = 5

NW = 32
CHUNK = 128
CPW = 80
EPW = CPW * CHUNK
E_PAD = NW * EPW
RE = E_PAD // CHUNK
NP = 10112
NPS = NP // 16

_mesh = plsc.VectorSubcoreMesh(core_axis_name="c", subcore_axis_name="s")
_sc_params = pltpu.CompilerParams(needs_layout_passes=False)


@functools.partial(
    pl.kernel,
    out_type=jax.ShapeDtypeStruct((2 * NP,), jnp.float32),
    mesh=_mesh,
    compiler_params=_sc_params,
    scratch_types=[
        pltpu.VMEM((EPW,), jnp.int32),
        pltpu.VMEM((EPW,), jnp.int32),
        pltpu.VMEM((EPW,), jnp.float32),
        pltpu.VMEM((CPW, CHUNK), jnp.int32),
        pltpu.VMEM((NPS,), jnp.float32),
        pltpu.VMEM_SHARED((NP,), jnp.float32),
        pltpu.SemaphoreType.DMA,
    ],
)
def _deg(src1_hbm, dst1_hbm, ew1_hbm, src2_hbm, z1_hbm, deg_out,
         sflat, dflat, wflat, srcv2, zbuf, acc, sem):
    c = lax.axis_index("c")
    s = lax.axis_index("s")
    wid = s * 2 + c
    base1 = wid * EPW
    pltpu.sync_copy(src1_hbm.at[pl.ds(base1, EPW)], sflat)
    pltpu.sync_copy(dst1_hbm.at[pl.ds(base1, EPW)], dflat)
    pltpu.sync_copy(ew1_hbm.at[pl.ds(base1, EPW)], wflat)
    pltpu.sync_copy(src2_hbm.at[pl.ds(wid * CPW, CPW)], srcv2)
    pltpu.sync_copy(z1_hbm.at[pl.ds(s * NPS, NPS)], zbuf)
    pltpu.sync_copy(zbuf, acc.at[pl.ds(s * NPS, NPS)])

    def mask_body(i, carry):
        sl = pl.ds(i * 16, 16)
        wflat[sl] = jnp.where(sflat[sl] != dflat[sl], wflat[sl], 0.0)
        return carry

    lax.fori_loop(0, EPW // 16, mask_body, 0)
    plsc.subcore_barrier()

    def chunk_body(j, carry):
        pltpu.sync_copy(wflat.at[pl.ds(j * CHUNK, CHUNK)],
                        acc.at[srcv2.at[j]], add=True)
        return carry

    lax.fori_loop(0, CPW, chunk_body, 0)
    plsc.subcore_barrier()
    pltpu.sync_copy(acc.at[pl.ds(s * NPS, NPS)], zbuf)
    pltpu.sync_copy(zbuf, deg_out.at[pl.ds(c * NP + s * NPS, NPS)])


G = 8
NG = CPW // G
GE = G * CHUNK
CPW0 = 120
CPW1 = 2 * CPW - CPW0


@functools.partial(
    pl.kernel,
    out_type=jax.ShapeDtypeStruct((2, NP, F), jnp.float32),
    mesh=_mesh,
    compiler_params=_sc_params,
    scratch_types=[
        pltpu.VMEM((GE,), jnp.int32),
        pltpu.VMEM((GE,), jnp.int32),
        pltpu.VMEM((GE,), jnp.float32),
        pltpu.VMEM((NP,), jnp.float32),
        pltpu.VMEM((G, CHUNK), jnp.int32),
        pltpu.VMEM((G, CHUNK), jnp.int32),
        pltpu.VMEM((CHUNK, F), jnp.float32),
        pltpu.VMEM((CHUNK, F), jnp.float32),
        pltpu.VMEM_SHARED((NP, F), jnp.float32),
        pltpu.SemaphoreType.DMA,
        pltpu.SemaphoreType.DMA,
    ],
)
def _row_pass(tab_hbm, src1_hbm, dst1_hbm, ew1_hbm, src2_hbm, dst2_hbm,
              dis_hbm, znf_hbm, s_out,
              sflat, dflat, wflat, disv, srcv2, dstv2, rows_a, rows_b,
              acc, sem_a, sem_b):
    c = lax.axis_index("c")
    s = lax.axis_index("s")
    my_cpw = jnp.where(c == 0, CPW0, CPW1)
    chunk0 = s * (2 * CPW) + c * CPW0
    pltpu.sync_copy(dis_hbm.at[pl.ds(0, NP)], disv)
    pltpu.sync_copy(znf_hbm.at[pl.ds(s * NPS, NPS)], acc.at[pl.ds(s * NPS, NPS)])
    plsc.subcore_barrier()

    def group_body(m, carry):
        base2 = chunk0 + m * G
        base1 = base2 * CHUNK
        pltpu.sync_copy(src1_hbm.at[pl.ds(base1, GE)], sflat)
        pltpu.sync_copy(dst1_hbm.at[pl.ds(base1, GE)], dflat)
        pltpu.sync_copy(ew1_hbm.at[pl.ds(base1, GE)], wflat)
        pltpu.sync_copy(src2_hbm.at[pl.ds(base2, G)], srcv2)
        pltpu.sync_copy(dst2_hbm.at[pl.ds(base2, G)], dstv2)

        def scale_body(i, carry2):
            sl = pl.ds(i * 16, 16)
            s16 = sflat[sl]
            d16 = dflat[sl]
            w = plsc.load_gather(disv, [s16]) * wflat[sl] * plsc.load_gather(disv, [d16])
            wflat[sl] = jnp.where(s16 != d16, -w, 0.0)
            return carry2

        lax.fori_loop(0, GE // 16, scale_body, 0)

        def process(j, rows):
            def row_body(jr, carry3):
                for rr in range(4):
                    r = jr * 4 + rr
                    idx = jnp.full((16,), j * CHUNK + r, jnp.int32)
                    w = plsc.load_gather(wflat, [idx])
                    for g in range(F // 16):
                        sl = pl.ds(g * 16, 16)
                        rows[r, sl] = rows[r, sl] * w
                return carry3

            lax.fori_loop(0, CHUNK // 4, row_body, 0)
            pltpu.sync_copy(rows, acc.at[dstv2.at[j]], add=True)

        pltpu.async_copy(tab_hbm.at[srcv2.at[0]], rows_a, sem_a)

        def pair_body(jj, carry2):
            j = jj * 2
            pltpu.async_copy(tab_hbm.at[srcv2.at[j + 1]], rows_b, sem_b)
            pltpu.make_async_copy(tab_hbm.at[srcv2.at[j]], rows_a, sem_a).wait()
            process(j, rows_a)

            @pl.when(jj + 1 < G // 2)
            def _prefetch():
                pltpu.async_copy(tab_hbm.at[srcv2.at[j + 2]], rows_a, sem_a)

            pltpu.make_async_copy(tab_hbm.at[srcv2.at[j + 1]], rows_b, sem_b).wait()
            process(j + 1, rows_b)
            return carry2

        lax.fori_loop(0, G // 2, pair_body, 0)
        return carry

    lax.fori_loop(0, my_cpw // G, group_body, 0)
    plsc.subcore_barrier()
    pltpu.sync_copy(acc.at[pl.ds(s * NPS, NPS)],
                    s_out.at[c, pl.ds(s * NPS, NPS)])


_BLK = NPS


def _dis_body(degp_ref, dis_ref):
    deg = degp_ref[0:1, :] + degp_ref[1:2, :]
    dis_ref[...] = jnp.where(deg > 0, lax.rsqrt(deg), 0.0)


_dis_tc = pl.pallas_call(
    _dis_body,
    out_shape=jax.ShapeDtypeStruct((1, NP), jnp.float32),
)


def _mid_body(s1_ref, tx1_ref):
    tx1_ref[...] = s1_ref[0] + s1_ref[1]


_mid = pl.pallas_call(
    _mid_body,
    grid=(NP // _BLK,),
    in_specs=[pl.BlockSpec((2, _BLK, F), lambda i: (0, i, 0))],
    out_specs=pl.BlockSpec((_BLK, F), lambda i: (i, 0)),
    out_shape=jax.ShapeDtypeStruct((NP, F), jnp.float32),
)


def _final_body(x_ref, tx1_ref, s2_ref, wz_ref, wh_ref, bz_ref,
                bh_ref, w1_ref, b1_ref, w2_ref, b2_ref, w3_ref, b3_ref,
                out_ref):
    x = x_ref[...]
    tx1 = tx1_ref[...]
    tx2 = 2.0 * (s2_ref[0] + s2_ref[1]) - x
    xcat = jnp.concatenate([x, tx1, tx2], axis=1)
    cz = jnp.dot(xcat, wz_ref[...], preferred_element_type=jnp.float32) + bz_ref[...]
    ch = jnp.dot(xcat, wh_ref[...], preferred_element_type=jnp.float32) + bh_ref[...]
    z = jax.nn.sigmoid(cz)
    h = (1.0 - z) * jnp.tanh(ch)
    h = jnp.maximum(h, 0.0)
    h = jnp.maximum(jnp.dot(h, w1_ref[...], preferred_element_type=jnp.float32) + b1_ref[...], 0.0)
    h = jnp.maximum(jnp.dot(h, w2_ref[...], preferred_element_type=jnp.float32) + b2_ref[...], 0.0)
    lg = jnp.dot(h, w3_ref[...], preferred_element_type=jnp.float32) + b3_ref[...]
    col = lax.broadcasted_iota(jnp.int32, lg.shape, 1)
    valid = col < NUM_CLASSES
    m = jnp.max(jnp.where(valid, lg, -1e30), axis=1, keepdims=True)
    ssum = jnp.sum(jnp.where(valid, jnp.exp(lg - m), 0.0), axis=1, keepdims=True)
    res = lg - m - jnp.log(ssum)
    out_ref[...] = res[:, :NUM_CLASSES]


def _full(shape):
    return pl.BlockSpec(shape, lambda i: (0,) * len(shape))


_final = pl.pallas_call(
    _final_body,
    grid=(NP // _BLK,),
    in_specs=[
        pl.BlockSpec((_BLK, F), lambda i: (i, 0)),
        pl.BlockSpec((_BLK, F), lambda i: (i, 0)),
        pl.BlockSpec((2, _BLK, F), lambda i: (0, i, 0)),
        _full((3 * F, F)),
        _full((3 * F, F)),
        _full((1, F)),
        _full((1, F)),
        _full((F, 32)),
        _full((1, 32)),
        _full((32, 16)),
        _full((1, 16)),
        _full((16, F)),
        _full((1, F)),
    ],
    out_specs=pl.BlockSpec((_BLK, NUM_CLASSES), lambda i: (i, 0)),
    out_shape=jax.ShapeDtypeStruct((NP, NUM_CLASSES), jnp.float32),
)


def kernel(x, edge_index, edge_weight, Wxz, bxz, Whz, bhz, Wxr, bxr, Whr, bhr,
           Wxh, bxh, Whh, bhh, W1, b1, W2, b2, W3, b3):
    pad = E_PAD - E
    src1 = jnp.concatenate([edge_index[0], jnp.zeros((pad,), jnp.int32)])
    dst1 = jnp.concatenate([edge_index[1], jnp.zeros((pad,), jnp.int32)])
    ew1 = jnp.concatenate([edge_weight, jnp.zeros((pad,), jnp.float32)])
    src2 = src1.reshape(RE, CHUNK)
    dst2 = dst1.reshape(RE, CHUNK)
    z1 = jnp.zeros((NP,), jnp.float32)
    znf = jnp.zeros((NP, F), jnp.float32)
    xp = jnp.concatenate([x, jnp.zeros((NP - N, F), jnp.float32)])

    degp = _deg(src1, dst1, ew1, src2, z1)
    dis = _dis_tc(degp.reshape(2, NP)).reshape(NP)
    s1p = _row_pass(xp, src1, dst1, ew1, src2, dst2, dis, znf)
    tx1 = _mid(s1p)
    s2p = _row_pass(tx1, src1, dst1, ew1, src2, dst2, dis, znf)

    bz = (bxz + bhz).reshape(1, F)
    bh = (bxh + bhh).reshape(1, F)
    wz = Wxz.reshape(3 * F, F)
    wh = Wxh.reshape(3 * F, F)
    w3p = jnp.zeros((16, F), jnp.float32).at[:, :NUM_CLASSES].set(W3)
    b3p = jnp.zeros((1, F), jnp.float32).at[0, :NUM_CLASSES].set(b3)

    out = _final(xp, tx1, s2p, wz, wh, bz, bh,
                 W1, b1.reshape(1, 32), W2, b2.reshape(1, 16), w3p, b3p)
    return out[:N]

# --- scband reference (transcript-rebuilt; emitter-appended) ---
"""Pipeline reference for scband-recurrent-gcn-52063593562565 (READ-ONLY COPY).

The authoritative reference and input builder live on the scoring server;
editing this copy changes nothing except your own understanding.
"""

import jax, jax.numpy as jnp
import numpy as np

N = 10000
E = 320000
F = 128
K = 3
NUM_CLASSES = 5


def setup_inputs(seed: int = 0) -> dict:
    key = jax.random.key(seed)
    ks = jax.random.split(key, 24)
    x = jax.random.normal(ks[0], (N, F), dtype=jnp.float32)
    edge_index = jax.random.randint(ks[1], (2, E), 0, N, dtype=jnp.int32)
    edge_weight = jax.random.uniform(ks[2], (E,), dtype=jnp.float32)

    def conv_params(k1, k2):
        W = jax.random.normal(k1, (K, F, F), dtype=jnp.float32) * (1.0 / np.sqrt(F))
        b = jax.random.normal(k2, (F,), dtype=jnp.float32) * 0.01
        return W, b

    Wxz, bxz = conv_params(ks[3], ks[4])
    Whz, bhz = conv_params(ks[5], ks[6])
    Wxr, bxr = conv_params(ks[7], ks[8])
    Whr, bhr = conv_params(ks[9], ks[10])
    Wxh, bxh = conv_params(ks[11], ks[12])
    Whh, bhh = conv_params(ks[13], ks[14])

    W1 = jax.random.normal(ks[15], (F, 32), dtype=jnp.float32) * (1.0 / np.sqrt(F))
    b1 = jnp.zeros((32,), dtype=jnp.float32)
    W2 = jax.random.normal(ks[16], (32, 16), dtype=jnp.float32) * (1.0 / np.sqrt(32))
    b2 = jnp.zeros((16,), dtype=jnp.float32)
    W3 = jax.random.normal(ks[17], (16, NUM_CLASSES), dtype=jnp.float32) * (1.0 / np.sqrt(16))
    b3 = jnp.zeros((NUM_CLASSES,), dtype=jnp.float32)

    return {"x": x, "edge_index": edge_index, "edge_weight": edge_weight,
            "Wxz": Wxz, "bxz": bxz, "Whz": Whz, "bhz": bhz,
            "Wxr": Wxr, "bxr": bxr, "Whr": Whr, "bhr": bhr,
            "Wxh": Wxh, "bxh": bxh, "Whh": Whh, "bhh": bhh,
            "W1": W1, "b1": b1, "W2": W2, "b2": b2, "W3": W3, "b3": b3}


def reference(x, edge_index, edge_weight, Wxz, bxz, Whz, bhz, Wxr, bxr, Whr, bhr,
              Wxh, bxh, Whh, bhh, W1, b1, W2, b2, W3, b3):
    src = edge_index[0]
    dst = edge_index[1]
    # ChebConv normalization (PyG): remove self-loops, sym-normalized Laplacian,
    # scale by 2/lambda_max with lambda_max=2 -> L_hat = -D^{-1/2} A D^{-1/2} (diag = 0)
    mask = (src != dst).astype(edge_weight.dtype)
    ew = edge_weight * mask
    deg = jax.ops.segment_sum(ew, src, num_segments=N)
    deg_inv_sqrt = jnp.where(deg > 0, deg ** -0.5, 0.0)
    lhat_w = -(deg_inv_sqrt[src] * ew * deg_inv_sqrt[dst])

    def lhat(z):
        return jax.ops.segment_sum(lhat_w[:, None] * z[src], dst, num_segments=N)

    def cheb(z, W, b):
        Tx0 = z
        out = Tx0 @ W[0]
        Tx1 = lhat(Tx0)
        out = out + Tx1 @ W[1]
        Tx2 = 2.0 * lhat(Tx1) - Tx0
        out = out + Tx2 @ W[2]
        return out + b

    H = jnp.zeros_like(x)
    Z = jax.nn.sigmoid(cheb(x, Wxz, bxz) + cheb(H, Whz, bhz))
    R = jax.nn.sigmoid(cheb(x, Wxr, bxr) + cheb(H, Whr, bhr))
    H_tilde = jnp.tanh(cheb(x, Wxh, bxh) + cheb(H * R, Whh, bhh))
    H = Z * H + (1.0 - Z) * H_tilde

    h = jax.nn.relu(H)
    h = jax.nn.relu(h @ W1 + b1)
    h = jax.nn.relu(h @ W2 + b2)
    h = h @ W3 + b3
    return jax.nn.log_softmax(h, axis=-1)

if __name__ == "__main__":
    import jax
    _d = setup_inputs()
    print(jax.jit(kernel)(*tuple(_d.values())))

</pallas_src>

<mosaic_0001>
#map = affine_map<(d0, d1) -> (0)>
#map1 = affine_map<(d0, d1) -> (0, 0)>
module attributes {stable_mosaic.version = 14 : i64} {
  func.func @_deg(%arg0: i32, %arg1: i32, %arg2: memref<327680xi32, #tpu.memory_space<hbm>>, %arg3: memref<327680xi32, #tpu.memory_space<hbm>>, %arg4: memref<327680xf32, #tpu.memory_space<hbm>>, %arg5: memref<2560x128xi32, #tpu.memory_space<hbm>>, %arg6: memref<10112xf32, #tpu.memory_space<hbm>>, %arg7: memref<20224xf32, #tpu.memory_space<hbm>>, %arg8: memref<10240xi32, #tpu.memory_space<vmem>>, %arg9: memref<10240xi32, #tpu.memory_space<vmem>>, %arg10: memref<10240xf32, #tpu.memory_space<vmem>>, %arg11: memref<80x128xi32, #tpu.memory_space<vmem>>, %arg12: memref<632xf32, #tpu.memory_space<vmem>>, %arg13: memref<10112xf32, #tpu.memory_space<vmem_shared>>, %arg14: memref<!tpu.dma_semaphore, #tpu.memory_space<semaphore_mem>>) attributes {dimension_semantics = [#tpu.dimension_semantics<core_parallel>, #tpu.dimension_semantics<subcore_parallel>], iteration_bounds = array<i64: 2, 16>, scalar_prefetch = 0 : i64, scratch_operands = 7 : i64, tpu.core_type = #tpu.core_type<sc_vector_subcore>, window_params = [{transform_indices = #map}, {transform_indices = #map}, {transform_indices = #map}, {transform_indices = #map1}, {transform_indices = #map}, {transform_indices = #map}]} {
    %mul3A = arith.constant 2 : i32
    %mul3A_0 = arith.muli %arg1, %mul3A : i32
    %add3A = arith.addi %mul3A_0, %arg0 : i32
    %mul3A_1 = arith.constant 10240 : i32
    %mul3A_2 = arith.muli %add3A, %mul3A_1 : i32
    "tpu.region"() ({
      %run_scoped3A = tpu.sem_alloc : memref<!tpu.dma_semaphore, #tpu.memory_space<semaphore_mem>>
      %dma_start3A = tpu.memref_slice %arg2[%mul3A_2] : memref<327680xi32, #tpu.memory_space<hbm>> -> memref<10240xi32, #tpu.memory_space<hbm>>
      %dma_start3A_28 = tpu.memref_slice %arg2[%mul3A_2] : memref<327680xi32, #tpu.memory_space<hbm>> -> memref<10240xi32, #tpu.memory_space<hbm>>
      tpu.enqueue_dma source(%dma_start3A_28 : memref<10240xi32, #tpu.memory_space<hbm>>) target(%arg8 : memref<10240xi32, #tpu.memory_space<vmem>>) target_semaphore(%run_scoped3A : memref<!tpu.dma_semaphore, #tpu.memory_space<semaphore_mem>>)
      %dma_wait3A = tpu.memref_slice %arg2[%mul3A_2] : memref<327680xi32, #tpu.memory_space<hbm>> -> memref<10240xi32, #tpu.memory_space<hbm>>
      %dma_wait3A_29 = tpu.memref_slice %arg2[%mul3A_2] : memref<327680xi32, #tpu.memory_space<hbm>> -> memref<10240xi32, #tpu.memory_space<hbm>>
      tpu.wait_dma2 semaphore(%run_scoped3A : memref<!tpu.dma_semaphore, #tpu.memory_space<semaphore_mem>>) src(%dma_wait3A_29 : memref<10240xi32, #tpu.memory_space<hbm>>) dst(%arg8 : memref<10240xi32, #tpu.memory_space<vmem>>)
      tpu.yield
    }) : () -> ()
    "tpu.region"() ({
      %run_scoped3A = tpu.sem_alloc : memref<!tpu.dma_semaphore, #tpu.memory_space<semaphore_mem>>
      %dma_start3A = tpu.memref_slice %arg3[%mul3A_2] : memref<327680xi32, #tpu.memory_space<hbm>> -> memref<10240xi32, #tpu.memory_space<hbm>>
      %dma_start3A_28 = tpu.memref_slice %arg3[%mul3A_2] : memref<327680xi32, #tpu.memory_space<hbm>> -> memref<10240xi32, #tpu.memory_space<hbm>>
      tpu.enqueue_dma source(%dma_start3A_28 : memref<10240xi32, #tpu.memory_space<hbm>>) target(%arg9 : memref<10240xi32, #tpu.memory_space<vmem>>) target_semaphore(%run_scoped3A : memref<!tpu.dma_semaphore, #tpu.memory_space<semaphore_mem>>)
      %dma_wait3A = tpu.memref_slice %arg3[%mul3A_2] : memref<327680xi32, #tpu.memory_space<hbm>> -> memref<10240xi32, #tpu.memory_space<hbm>>
      %dma_wait3A_29 = tpu.memref_slice %arg3[%mul3A_2] : memref<327680xi32, #tpu.memory_space<hbm>> -> memref<10240xi32, #tpu.memory_space<hbm>>
      tpu.wait_dma2 semaphore(%run_scoped3A : memref<!tpu.dma_semaphore, #tpu.memory_space<semaphore_mem>>) src(%dma_wait3A_29 : memref<10240xi32, #tpu.memory_space<hbm>>) dst(%arg9 : memref<10240xi32, #tpu.memory_space<vmem>>)
      tpu.yield
    }) : () -> ()
    "tpu.region"() ({
      %run_scoped3A = tpu.sem_alloc : memref<!tpu.dma_semaphore, #tpu.memory_space<semaphore_mem>>
      %dma_start3A = tpu.memref_slice %arg4[%mul3A_2] : memref<327680xf32, #tpu.memory_space<hbm>> -> memref<10240xf32, #tpu.memory_space<hbm>>
      %dma_start3A_28 = tpu.memref_slice %arg4[%mul3A_2] : memref<327680xf32, #tpu.memory_space<hbm>> -> memref<10240xf32, #tpu.memory_space<hbm>>
      tpu.enqueue_dma source(%dma_start3A_28 : memref<10240xf32, #tpu.memory_space<hbm>>) target(%arg10 : memref<10240xf32, #tpu.memory_space<vmem>>) target_semaphore(%run_scoped3A : memref<!tpu.dma_semaphore, #tpu.memory_space<semaphore_mem>>)
      %dma_wait3A = tpu.memref_slice %arg4[%mul3A_2] : memref<327680xf32, #tpu.memory_space<hbm>> -> memref<10240xf32, #tpu.memory_space<hbm>>
      %dma_wait3A_29 = tpu.memref_slice %arg4[%mul3A_2] : memref<327680xf32, #tpu.memory_space<hbm>> -> memref<10240xf32, #tpu.memory_space<hbm>>
      tpu.wait_dma2 semaphore(%run_scoped3A : memref<!tpu.dma_semaphore, #tpu.memory_space<semaphore_mem>>) src(%dma_wait3A_29 : memref<10240xf32, #tpu.memory_space<hbm>>) dst(%arg10 : memref<10240xf32, #tpu.memory_space<vmem>>)
      tpu.yield
    }) : () -> ()
    %mul3A_3 = arith.constant 80 : i32
    %mul3A_4 = arith.muli %add3A, %mul3A_3 : i32
    "tpu.region"() ({
      %run_scoped3A = tpu.sem_alloc : memref<!tpu.dma_semaphore, #tpu.memory_space<semaphore_mem>>
      %dma_start3A = arith.constant 0 : i32
      %dma_start3A_28 = tpu.memref_slice %arg5[%mul3A_4, %dma_start3A] : memref<2560x128xi32, #tpu.memory_space<hbm>> -> memref<80x128xi32, #tpu.memory_space<hbm>>
      %dma_start3A_29 = arith.constant 0 : i32
      %dma_start3A_30 = tpu.memref_slice %arg5[%mul3A_4, %dma_start3A_29] : memref<2560x128xi32, #tpu.memory_space<hbm>> -> memref<80x128xi32, #tpu.memory_space<hbm>>
      tpu.enqueue_dma source(%dma_start3A_30 : memref<80x128xi32, #tpu.memory_space<hbm>>) target(%arg11 : memref<80x128xi32, #tpu.memory_space<vmem>>) target_semaphore(%run_scoped3A : memref<!tpu.dma_semaphore, #tpu.memory_space<semaphore_mem>>)
      %dma_wait3A = arith.constant 0 : i32
      %dma_wait3A_31 = tpu.memref_slice %arg5[%mul3A_4, %dma_wait3A] : memref<2560x128xi32, #tpu.memory_space<hbm>> -> memref<80x128xi32, #tpu.memory_space<hbm>>
      %dma_wait3A_32 = arith.constant 0 : i32
      %dma_wait3A_33 = tpu.memref_slice %arg5[%mul3A_4, %dma_wait3A_32] : memref<2560x128xi32, #tpu.memory_space<hbm>> -> memref<80x128xi32, #tpu.memory_space<hbm>>
      tpu.wait_dma2 semaphore(%run_scoped3A : memref<!tpu.dma_semaphore, #tpu.memory_space<semaphore_mem>>) src(%dma_wait3A_33 : memref<80x128xi32, #tpu.memory_space<hbm>>) dst(%arg11 : memref<80x128xi32, #tpu.memory_space<vmem>>)
      tpu.yield
    }) : () -> ()
    %mul3A_5 = arith.constant 632 : i32
    %mul3A_6 = arith.muli %arg1, %mul3A_5 : i32
    "tpu.region"() ({
      %run_scoped3A = tpu.sem_alloc : memref<!tpu.dma_semaphore, #tpu.memory_space<semaphore_mem>>
      %dma_start3A = tpu.memref_slice %arg6[%mul3A_6] : memref<10112xf32, #tpu.memory_space<hbm>> -> memref<632xf32, #tpu.memory_space<hbm>>
      %dma_start3A_28 = tpu.memref_slice %arg6[%mul3A_6] : memref<10112xf32, #tpu.memory_space<hbm>> -> memref<632xf32, #tpu.memory_space<hbm>>
      tpu.enqueue_dma source(%dma_start3A_28 : memref<632xf32, #tpu.memory_space<hbm>>) target(%arg12 : memref<632xf32, #tpu.memory_space<vmem>>) target_semaphore(%run_scoped3A : memref<!tpu.dma_semaphore, #tpu.memory_space<semaphore_mem>>)
      %dma_wait3A = tpu.memref_slice %arg6[%mul3A_6] : memref<10112xf32, #tpu.memory_space<hbm>> -> memref<632xf32, #tpu.memory_space<hbm>>
      %dma_wait3A_29 = tpu.memref_slice %arg6[%mul3A_6] : memref<10112xf32, #tpu.memory_space<hbm>> -> memref<632xf32, #tpu.memory_space<hbm>>
      tpu.wait_dma2 semaphore(%run_scoped3A : memref<!tpu.dma_semaphore, #tpu.memory_space<semaphore_mem>>) src(%dma_wait3A_29 : memref<632xf32, #tpu.memory_space<hbm>>) dst(%arg12 : memref<632xf32, #tpu.memory_space<vmem>>)
      tpu.yield
    }) : () -> ()
    %mul3A_7 = arith.constant 632 : i32
    %mul3A_8 = arith.muli %arg1, %mul3A_7 : i32
    "tpu.region"() ({
      %run_scoped3A = tpu.sem_alloc : memref<!tpu.dma_semaphore, #tpu.memory_space<semaphore_mem>>
      %dma_start3A = tpu.memref_slice %arg13[%mul3A_8] : memref<10112xf32, #tpu.memory_space<vmem_shared>> -> memref<632xf32, #tpu.memory_space<vmem_shared>>
      %dma_start3A_28 = tpu.memref_slice %arg13[%mul3A_8] : memref<10112xf32, #tpu.memory_space<vmem_shared>> -> memref<632xf32, #tpu.memory_space<vmem_shared>>
      tpu.enqueue_dma source(%arg12 : memref<632xf32, #tpu.memory_space<vmem>>) target(%dma_start3A_28 : memref<632xf32, #tpu.memory_space<vmem_shared>>) target_semaphore(%run_scoped3A : memref<!tpu.dma_semaphore, #tpu.memory_space<semaphore_mem>>)
      %dma_wait3A = tpu.memref_slice %arg13[%mul3A_8] : memref<10112xf32, #tpu.memory_space<vmem_shared>> -> memref<632xf32, #tpu.memory_space<vmem_shared>>
      %dma_wait3A_29 = tpu.memref_slice %arg13[%mul3A_8] : memref<10112xf32, #tpu.memory_space<vmem_shared>> -> memref<632xf32, #tpu.memory_space<vmem_shared>>
      tpu.wait_dma2 semaphore(%run_scoped3A : memref<!tpu.dma_semaphore, #tpu.memory_space<semaphore_mem>>) src(%arg12 : memref<632xf32, #tpu.memory_space<vmem>>) dst(%dma_wait3A_29 : memref<632xf32, #tpu.memory_space<vmem_shared>>)
      tpu.yield
    }) : () -> ()
    %scan3A = arith.constant 0 : i32
    %scan3A_9 = arith.constant 0 : i32
    %scan3A_10 = arith.constant 640 : i32
    %scan3A_11 = arith.addi %scan3A_9, %scan3A_10 : i32
    %scan3A_12 = arith.constant 1 : i32
    scf.for %scan3A_28 = %scan3A_9 to %scan3A_11 step %scan3A_12  : i32 {
      %mul3A_29 = arith.constant 16 : i32
      %mul3A_30 = arith.muli %scan3A_28, %mul3A_29 : i32
      %get3A = arith.index_cast %mul3A_30 : i32 to index
      %get3A_31 = tpu.vector_load %arg8[%get3A] {strides = array<i32>} : memref<10240xi32, #tpu.memory_space<vmem>>, vector<16xi32>,
      %get3A_32 = arith.index_cast %mul3A_30 : i32 to index
      %get3A_33 = tpu.vector_load %arg9[%get3A_32] {strides = array<i32>} : memref<10240xi32, #tpu.memory_space<vmem>>, vector<16xi32>,
      %ne3A = arith.cmpi ne, %get3A_31, %get3A_33 : vector<16xi32>
      %get3A_34 = arith.index_cast %mul3A_30 : i32 to index
      %get3A_35 = tpu.vector_load %arg10[%get3A_34] {strides = array<i32>} : memref<10240xf32, #tpu.memory_space<vmem>>, vector<16xf32>,
      %jit3A = arith.constant 0.000000e+00 : f32
      %broadcast_in_dim3A = vector.broadcast %jit3A : f32 to vector<16xf32>
      %select_n3A = arith.select %ne3A, %get3A_35, %broadcast_in_dim3A : vector<16xi1>, vector<16xf32>
      %swap3A = arith.index_cast %mul3A_30 : i32 to index
      %swap3A_36 = tpu.vector_load %arg10[%swap3A] {strides = array<i32>} : memref<10240xf32, #tpu.memory_space<vmem>>, vector<16xf32>,
      tpu.vector_store %arg10[%swap3A], %select_n3A {strides = array<i32>} : memref<10240xf32, #tpu.memory_space<vmem>>, vector<16xf32>,
    }
    %scan3A_13 = arith.constant 640 : i32
    %barrier3A = arith.constant 0 : index
    tpu.barrier barrier_id(%barrier3A)
    %scan3A_14 = arith.constant 0 : i32
    %scan3A_15 = arith.constant 0 : i32
    %scan3A_16 = arith.constant 80 : i32
    %scan3A_17 = arith.addi %scan3A_15, %scan3A_16 : i32
    %scan3A_18 = arith.constant 1 : i32
    scf.for %scan3A_28 = %scan3A_15 to %scan3A_17 step %scan3A_18  : i32 {
      %mul3A_29 = arith.constant 128 : i32
      %mul3A_30 = arith.muli %scan3A_28, %mul3A_29 : i32
      "tpu.region"() ({
        %run_scoped3A = tpu.sem_alloc : memref<!tpu.dma_semaphore, #tpu.memory_space<semaphore_mem>>
        %dma_start3A = tpu.memref_slice %arg10[%mul3A_30] : memref<10240xf32, #tpu.memory_space<vmem>> -> memref<128xf32, #tpu.memory_space<vmem>>
        %dma_start3A_31 = arith.constant 0 : i32
        %dma_start3A_32 = tpu.memref_slice %arg11[%scan3A_28, %dma_start3A_31] : memref<80x128xi32, #tpu.memory_space<vmem>> -> memref<1x128xi32, #tpu.memory_space<vmem>>
        %dma_start3A_33 = tpu.memref_squeeze %dma_start3A_32 : memref<1x128xi32, #tpu.memory_space<vmem>> -> memref<128xi32, #tpu.memory_space<vmem>>
        %dma_start3A_34 = arith.constant 0 : i32
        %dma_start3A_35 = tpu.memref_slice %arg13[%dma_start3A_34] : memref<10112xf32, #tpu.memory_space<vmem_shared>> -> memref<10112xf32, #tpu.memory_space<vmem_shared>>
        tpu.enqueue_indirect_dma source(%dma_start3A : memref<128xf32, #tpu.memory_space<vmem>>) target(%dma_start3A_35 : memref<10112xf32, #tpu.memory_space<vmem_shared>>) offsets(%dma_start3A_33 : memref<128xi32, #tpu.memory_space<vmem>>) semaphore(%run_scoped3A : memref<!tpu.dma_semaphore, #tpu.memory_space<semaphore_mem>>) {add = true}
        %dma_wait3A = tpu.memref_slice %arg10[%mul3A_30] : memref<10240xf32, #tpu.memory_space<vmem>> -> memref<128xf32, #tpu.memory_space<vmem>>
        %dma_wait3A_36 = arith.constant 0 : i32
        %dma_wait3A_37 = tpu.memref_slice %arg11[%scan3A_28, %dma_wait3A_36] : memref<80x128xi32, #tpu.memory_space<vmem>> -> memref<1x128xi32, #tpu.memory_space<vmem>>
        %dma_wait3A_38 = tpu.memref_squeeze %dma_wait3A_37 : memref<1x128xi32, #tpu.memory_space<vmem>> -> memref<128xi32, #tpu.memory_space<vmem>>
        %dma_wait3A_39 = arith.constant 0 : i32
        %dma_wait3A_40 = tpu.memref_slice %arg13[%dma_wait3A_39] : memref<10112xf32, #tpu.memory_space<vmem_shared>> -> memref<10112xf32, #tpu.memory_space<vmem_shared>>
        tpu.wait_indirect_dma semaphore(%run_scoped3A : memref<!tpu.dma_semaphore, #tpu.memory_space<semaphore_mem>>) src(%dma_wait3A : memref<128xf32, #tpu.memory_space<vmem>>) dst(%dma_wait3A_40 : memref<10112xf32, #tpu.memory_space<vmem_shared>>)
        tpu.yield
      }) : () -> ()
    }
    %scan3A_19 = arith.constant 80 : i32
    %barrier3A_20 = arith.constant 0 : index
    tpu.barrier barrier_id(%barrier3A_20)
    %mul3A_21 = arith.constant 632 : i32
    %mul3A_22 = arith.muli %arg1, %mul3A_21 : i32
    "tpu.region"() ({
      %run_scoped3A = tpu.sem_alloc : memref<!tpu.dma_semaphore, #tpu.memory_space<semaphore_mem>>
      %dma_start3A = tpu.memref_slice %arg13[%mul3A_22] : memref<10112xf32, #tpu.memory_space<vmem_shared>> -> memref<632xf32, #tpu.memory_space<vmem_shared>>
      %dma_start3A_28 = tpu.memref_slice %arg13[%mul3A_22] : memref<10112xf32, #tpu.memory_space<vmem_shared>> -> memref<632xf32, #tpu.memory_space<vmem_shared>>
      tpu.enqueue_dma source(%dma_start3A_28 : memref<632xf32, #tpu.memory_space<vmem_shared>>) target(%arg12 : memref<632xf32, #tpu.memory_space<vmem>>) target_semaphore(%run_scoped3A : memref<!tpu.dma_semaphore, #tpu.memory_space<semaphore_mem>>)
      %dma_wait3A = tpu.memref_slice %arg13[%mul3A_22] : memref<10112xf32, #tpu.memory_space<vmem_shared>> -> memref<632xf32, #tpu.memory_space<vmem_shared>>
      %dma_wait3A_29 = tpu.memref_slice %arg13[%mul3A_22] : memref<10112xf32, #tpu.memory_space<vmem_shared>> -> memref<632xf32, #tpu.memory_space<vmem_shared>>
      tpu.wait_dma2 semaphore(%run_scoped3A : memref<!tpu.dma_semaphore, #tpu.memory_space<semaphore_mem>>) src(%dma_wait3A_29 : memref<632xf32, #tpu.memory_space<vmem_shared>>) dst(%arg12 : memref<632xf32, #tpu.memory_space<vmem>>)
      tpu.yield
    }) : () -> ()
    %mul3A_23 = arith.constant 10112 : i32
    %mul3A_24 = arith.muli %arg0, %mul3A_23 : i32
    %mul3A_25 = arith.constant 632 : i32
    %mul3A_26 = arith.muli %arg1, %mul3A_25 : i32
    %add3A_27 = arith.addi %mul3A_24, %mul3A_26 : i32
    "tpu.region"() ({
      %run_scoped3A = tpu.sem_alloc : memref<!tpu.dma_semaphore, #tpu.memory_space<semaphore_mem>>
      %dma_start3A = tpu.memref_slice %arg7[%add3A_27] : memref<20224xf32, #tpu.memory_space<hbm>> -> memref<632xf32, #tpu.memory_space<hbm>>
      %dma_start3A_28 = tpu.memref_slice %arg7[%add3A_27] : memref<20224xf32, #tpu.memory_space<hbm>> -> memref<632xf32, #tpu.memory_space<hbm>>
      tpu.enqueue_dma source(%arg12 : memref<632xf32, #tpu.memory_space<vmem>>) target(%dma_start3A_28 : memref<632xf32, #tpu.memory_space<hbm>>) target_semaphore(%run_scoped3A : memref<!tpu.dma_semaphore, #tpu.memory_space<semaphore_mem>>)
      %dma_wait3A = tpu.memref_slice %arg7[%add3A_27] : memref<20224xf32, #tpu.memory_space<hbm>> -> memref<632xf32, #tpu.memory_space<hbm>>
      %dma_wait3A_29 = tpu.memref_slice %arg7[%add3A_27] : memref<20224xf32, #tpu.memory_space<hbm>> -> memref<632xf32, #tpu.memory_space<hbm>>
      tpu.wait_dma2 semaphore(%run_scoped3A : memref<!tpu.dma_semaphore, #tpu.memory_space<semaphore_mem>>) src(%arg12 : memref<632xf32, #tpu.memory_space<vmem>>) dst(%dma_wait3A_29 : memref<632xf32, #tpu.memory_space<hbm>>)
      tpu.yield
    }) : () -> ()
    return
  }
}

#map = affine_map<(d0, d1) -> (0, 0)>
#map1 = affine_map<(d0, d1) -> (0)>
#map2 = affine_map<(d0, d1) -> (0, 0, 0)>
module attributes {stable_mosaic.version = 14 : i64} {
  func.func @_row_pass(%arg0: i32, %arg1: i32, %arg2: memref<10112x128xf32, #tpu.memory_space<hbm>>, %arg3: memref<327680xi32, #tpu.memory_space<hbm>>, %arg4: memref<327680xi32, #tpu.memory_space<hbm>>, %arg5: memref<327680xf32, #tpu.memory_space<hbm>>, %arg6: memref<2560x128xi32, #tpu.memory_space<hbm>>, %arg7: memref<2560x128xi32, #tpu.memory_space<hbm>>, %arg8: memref<10112xf32, #tpu.memory_space<hbm>>, %arg9: memref<10112x128xf32, #tpu.memory_space<hbm>>, %arg10: memref<2x10112x128xf32, #tpu.memory_space<hbm>>, %arg11: memref<1024xi32, #tpu.memory_space<vmem>>, %arg12: memref<1024xi32, #tpu.memory_space<vmem>>, %arg13: memref<1024xf32, #tpu.memory_space<vmem>>, %arg14: memref<10112xf32, #tpu.memory_space<vmem>>, %arg15: memref<8x128xi32, #tpu.memory_space<vmem>>, %arg16: memref<8x128xi32, #tpu.memory_space<vmem>>, %arg17: memref<128x128xf32, #tpu.memory_space<vmem>>, %arg18: memref<128x128xf32, #tpu.memory_space<vmem>>, %arg19: memref<10112x128xf32, #tpu.memory_space<vmem_shared>>, %arg20: memref<!tpu.dma_semaphore, #tpu.memory_space<semaphore_mem>>, %arg21: memref<!tpu.dma_semaphore, #tpu.memory_space<semaphore_mem>>) attributes {dimension_semantics = [#tpu.dimension_semantics<core_parallel>, #tpu.dimension_semantics<subcore_parallel>], iteration_bounds = array<i64: 2, 16>, scalar_prefetch = 0 : i64, scratch_operands = 11 : i64, tpu.core_type = #tpu.core_type<sc_vector_subcore>, window_params = [{transform_indices = #map}, {transform_indices = #map1}, {transform_indices = #map1}, {transform_indices = #map1}, {transform_indices = #map}, {transform_indices = #map}, {transform_indices = #map1}, {transform_indices = #map}, {transform_indices = #map2}]} {
    %eq3A = arith.constant 0 : i32
    %eq3A_0 = arith.cmpi eq, %arg0, %eq3A : i32
    %jit3A = arith.constant 120 : i32
    %jit3A_1 = arith.constant 40 : i32
    %select_n3A = arith.select %eq3A_0, %jit3A, %jit3A_1 : i32
    %mul3A = arith.constant 160 : i32
    %mul3A_2 = arith.muli %arg1, %mul3A : i32
    %mul3A_3 = arith.constant 120 : i32
    %mul3A_4 = arith.muli %arg0, %mul3A_3 : i32
    %add3A = arith.addi %mul3A_2, %mul3A_4 : i32
    "tpu.region"() ({
      %run_scoped3A = tpu.sem_alloc : memref<!tpu.dma_semaphore, #tpu.memory_space<semaphore_mem>>
      %dma_start3A = arith.constant 0 : i32
      %dma_start3A_41 = tpu.memref_slice %arg8[%dma_start3A] : memref<10112xf32, #tpu.memory_space<hbm>> -> memref<10112xf32, #tpu.memory_space<hbm>>
      %dma_start3A_42 = arith.constant 0 : i32
      %dma_start3A_43 = tpu.memref_slice %arg8[%dma_start3A_42] : memref<10112xf32, #tpu.memory_space<hbm>> -> memref<10112xf32, #tpu.memory_space<hbm>>
      tpu.enqueue_dma source(%dma_start3A_43 : memref<10112xf32, #tpu.memory_space<hbm>>) target(%arg14 : memref<10112xf32, #tpu.memory_space<vmem>>) target_semaphore(%run_scoped3A : memref<!tpu.dma_semaphore, #tpu.memory_space<semaphore_mem>>)
      %dma_wait3A = arith.constant 0 : i32
      %dma_wait3A_44 = tpu.memref_slice %arg8[%dma_wait3A] : memref<10112xf32, #tpu.memory_space<hbm>> -> memref<10112xf32, #tpu.memory_space<hbm>>
      %dma_wait3A_45 = arith.constant 0 : i32
      %dma_wait3A_46 = tpu.memref_slice %arg8[%dma_wait3A_45] : memref<10112xf32, #tpu.memory_space<hbm>> -> memref<10112xf32, #tpu.memory_space<hbm>>
      tpu.wait_dma2 semaphore(%run_scoped3A : memref<!tpu.dma_semaphore, #tpu.memory_space<semaphore_mem>>) src(%dma_wait3A_46 : memref<10112xf32, #tpu.memory_space<hbm>>) dst(%arg14 : memref<10112xf32, #tpu.memory_space<vmem>>)
      tpu.yield
    }) : () -> ()
    %mul3A_5 = arith.constant 632 : i32
    %mul3A_6 = arith.muli %arg1, %mul3A_5 : i32
    %mul3A_7 = arith.constant 632 : i32
    %mul3A_8 = arith.muli %arg1, %mul3A_7 : i32
    "tpu.region"() ({
      %run_scoped3A = tpu.sem_alloc : memref<!tpu.dma_semaphore, #tpu.memory_space<semaphore_mem>>
      %dma_start3A = arith.constant 0 : i32
      %dma_start3A_41 = tpu.memref_slice %arg19[%mul3A_8, %dma_start3A] : memref<10112x128xf32, #tpu.memory_space<vmem_shared>> -> memref<632x128xf32, #tpu.memory_space<vmem_shared>>
      %dma_start3A_42 = arith.constant 0 : i32
      %dma_start3A_43 = tpu.memref_slice %arg9[%mul3A_6, %dma_start3A_42] : memref<10112x128xf32, #tpu.memory_space<hbm>> -> memref<632x128xf32, #tpu.memory_space<hbm>>
      tpu.enqueue_dma source(%dma_start3A_43 : memref<632x128xf32, #tpu.memory_space<hbm>>) target(%dma_start3A_41 : memref<632x128xf32, #tpu.memory_space<vmem_shared>>) target_semaphore(%run_scoped3A : memref<!tpu.dma_semaphore, #tpu.memory_space<semaphore_mem>>)
      %dma_wait3A = arith.constant 0 : i32
      %dma_wait3A_44 = tpu.memref_slice %arg19[%mul3A_8, %dma_wait3A] : memref<10112x128xf32, #tpu.memory_space<vmem_shared>> -> memref<632x128xf32, #tpu.memory_space<vmem_shared>>
      %dma_wait3A_45 = arith.constant 0 : i32
      %dma_wait3A_46 = tpu.memref_slice %arg9[%mul3A_6, %dma_wait3A_45] : memref<10112x128xf32, #tpu.memory_space<hbm>> -> memref<632x128xf32, #tpu.memory_space<hbm>>
      tpu.wait_dma2 semaphore(%run_scoped3A : memref<!tpu.dma_semaphore, #tpu.memory_space<semaphore_mem>>) src(%dma_wait3A_46 : memref<632x128xf32, #tpu.memory_space<hbm>>) dst(%dma_wait3A_44 : memref<632x128xf32, #tpu.memory_space<vmem_shared>>)
      tpu.yield
    }) : () -> ()
    %barrier3A = arith.constant 0 : index
    tpu.barrier barrier_id(%barrier3A)
    %jit3A_9 = arith.constant 8 : i32
    %div3A = arith.divsi %select_n3A, %jit3A_9 : i32
    %sign3A = arith.constant 0 : i32
    %sign3A_10 = arith.cmpi sgt, %select_n3A, %sign3A : i32
    %sign3A_11 = arith.extui %sign3A_10 : i1 to i32
    %sign3A_12 = arith.constant 0 : i32
    %sign3A_13 = arith.cmpi slt, %select_n3A, %sign3A_12 : i32
    %sign3A_14 = arith.extui %sign3A_13 : i1 to i32
    %sign3A_15 = arith.subi %sign3A_11, %sign3A_14 : i32
    %sign3A_16 = arith.constant 0 : i32
    %sign3A_17 = arith.cmpi sgt, %jit3A_9, %sign3A_16 : i32
    %sign3A_18 = arith.extui %sign3A_17 : i1 to i32
    %sign3A_19 = arith.constant 0 : i32
    %sign3A_20 = arith.cmpi slt, %jit3A_9, %sign3A_19 : i32
    %sign3A_21 = arith.extui %sign3A_20 : i1 to i32
    %sign3A_22 = arith.subi %sign3A_18, %sign3A_21 : i32
    %ne3A = arith.cmpi ne, %sign3A_15, %sign3A_22 : i32
    %rem3A = arith.remsi %select_n3A, %jit3A_9 : i32
    %ne3A_23 = arith.constant 0 : i32
    %ne3A_24 = arith.cmpi ne, %rem3A, %ne3A_23 : i32
    %and3A = arith.andi %ne3A, %ne3A_24 : i1
    %sub3A = arith.constant 1 : i32
    %sub3A_25 = arith.subi %div3A, %sub3A : i32
    %select_n3A_26 = arith.select %and3A, %sub3A_25, %div3A : i32
    %while3A = arith.constant 0 : i32
    %while3A_27 = arith.constant 0 : i32
    %while3A_28 = arith.subi %select_n3A_26, %while3A_27 : i32
    %while3A_29 = arith.addi %while3A_27, %while3A_28 : i32
    %while3A_30 = arith.constant 1 : i32
    %while3A_31 = arith.divsi %while3A_28, %while3A_30 : i32
    %while3A_32 = arith.muli %while3A_31, %while3A_30 : i32
    %while3A_33 = arith.addi %while3A_27, %while3A_32 : i32
    %while3A_34 = arith.constant 1 : i32
    scf.for %while3A_41 = %while3A_27 to %while3A_33 step %while3A_34  : i32 {
      %mul3A_42 = arith.constant 8 : i32
      %mul3A_43 = arith.muli %while3A_41, %mul3A_42 : i32
      %add3A_44 = arith.addi %add3A, %mul3A_43 : i32
      %mul3A_45 = arith.constant 128 : i32
      %mul3A_46 = arith.muli %add3A_44, %mul3A_45 : i32
      "tpu.region"() ({
        %run_scoped3A = tpu.sem_alloc : memref<!tpu.dma_semaphore, #tpu.memory_space<semaphore_mem>>
        %dma_start3A_64 = tpu.memref_slice %arg3[%mul3A_46] : memref<327680xi32, #tpu.memory_space<hbm>> -> memref<1024xi32, #tpu.memory_space<hbm>>
        %dma_start3A_65 = tpu.memref_slice %arg3[%mul3A_46] : memref<327680xi32, #tpu.memory_space<hbm>> -> memref<1024xi32, #tpu.memory_space<hbm>>
        tpu.enqueue_dma source(%dma_start3A_65 : memref<1024xi32, #tpu.memory_space<hbm>>) target(%arg11 : memref<1024xi32, #tpu.memory_space<vmem>>) target_semaphore(%run_scoped3A : memref<!tpu.dma_semaphore, #tpu.memory_space<semaphore_mem>>)
        %dma_wait3A = tpu.memref_slice %arg3[%mul3A_46] : memref<327680xi32, #tpu.memory_space<hbm>> -> memref<1024xi32, #tpu.memory_space<hbm>>
        %dma_wait3A_66 = tpu.memref_slice %arg3[%mul3A_46] : memref<327680xi32, #tpu.memory_space<hbm>> -> memref<1024xi32, #tpu.memory_space<hbm>>
        tpu.wait_dma2 semaphore(%run_scoped3A : memref<!tpu.dma_semaphore, #tpu.memory_space<semaphore_mem>>) src(%dma_wait3A_66 : memref<1024xi32, #tpu.memory_space<hbm>>) dst(%arg11 : memref<1024xi32, #tpu.memory_space<vmem>>)
        tpu.yield
      }) : () -> ()
      "tpu.region"() ({
        %run_scoped3A = tpu.sem_alloc : memref<!tpu.dma_semaphore, #tpu.memory_space<semaphore_mem>>
        %dma_start3A_64 = tpu.memref_slice %arg4[%mul3A_46] : memref<327680xi32, #tpu.memory_space<hbm>> -> memref<1024xi32, #tpu.memory_space<hbm>>
        %dma_start3A_65 = tpu.memref_slice %arg4[%mul3A_46] : memref<327680xi32, #tpu.memory_space<hbm>> -> memref<1024xi32, #tpu.memory_space<hbm>>
        tpu.enqueue_dma source(%dma_start3A_65 : memref<1024xi32, #tpu.memory_space<hbm>>) target(%arg12 : memref<1024xi32, #tpu.memory_space<vmem>>) target_semaphore(%run_scoped3A : memref<!tpu.dma_semaphore, #tpu.memory_space<semaphore_mem>>)
        %dma_wait3A = tpu.memref_slice %arg4[%mul3A_46] : memref<327680xi32, #tpu.memory_space<hbm>> -> memref<1024xi32, #tpu.memory_space<hbm>>
        %dma_wait3A_66 = tpu.memref_slice %arg4[%mul3A_46] : memref<327680xi32, #tpu.memory_space<hbm>> -> memref<1024xi32, #tpu.memory_space<hbm>>
        tpu.wait_dma2 semaphore(%run_scoped3A : memref<!tpu.dma_semaphore, #tpu.memory_space<semaphore_mem>>) src(%dma_wait3A_66 : memref<1024xi32, #tpu.memory_space<hbm>>) dst(%arg12 : memref<1024xi32, #tpu.memory_space<vmem>>)
        tpu.yield
      }) : () -> ()
      "tpu.region"() ({
        %run_scoped3A = tpu.sem_alloc : memref<!tpu.dma_semaphore, #tpu.memory_space<semaphore_mem>>
        %dma_start3A_64 = tpu.memref_slice %arg5[%mul3A_46] : memref<327680xf32, #tpu.memory_space<hbm>> -> memref<1024xf32, #tpu.memory_space<hbm>>
        %dma_start3A_65 = tpu.memref_slice %arg5[%mul3A_46] : memref<327680xf32, #tpu.memory_space<hbm>> -> memref<1024xf32, #tpu.memory_space<hbm>>
        tpu.enqueue_dma source(%dma_start3A_65 : memref<1024xf32, #tpu.memory_space<hbm>>) target(%arg13 : memref<1024xf32, #tpu.memory_space<vmem>>) target_semaphore(%run_scoped3A : memref<!tpu.dma_semaphore, #tpu.memory_space<semaphore_mem>>)
        %dma_wait3A = tpu.memref_slice %arg5[%mul3A_46] : memref<327680xf32, #tpu.memory_space<hbm>> -> memref<1024xf32, #tpu.memory_space<hbm>>
        %dma_wait3A_66 = tpu.memref_slice %arg5[%mul3A_46] : memref<327680xf32, #tpu.memory_space<hbm>> -> memref<1024xf32, #tpu.memory_space<hbm>>
        tpu.wait_dma2 semaphore(%run_scoped3A : memref<!tpu.dma_semaphore, #tpu.memory_space<semaphore_mem>>) src(%dma_wait3A_66 : memref<1024xf32, #tpu.memory_space<hbm>>) dst(%arg13 : memref<1024xf32, #tpu.memory_space<vmem>>)
        tpu.yield
      }) : () -> ()
      "tpu.region"() ({
        %run_scoped3A = tpu.sem_alloc : memref<!tpu.dma_semaphore, #tpu.memory_space<semaphore_mem>>
        %dma_start3A_64 = arith.constant 0 : i32
        %dma_start3A_65 = tpu.memref_slice %arg6[%add3A_44, %dma_start3A_64] : memref<2560x128xi32, #tpu.memory_space<hbm>> -> memref<8x128xi32, #tpu.memory_space<hbm>>
        %dma_start3A_66 = arith.constant 0 : i32
        %dma_start3A_67 = tpu.memref_slice %arg6[%add3A_44, %dma_start3A_66] : memref<2560x128xi32, #tpu.memory_space<hbm>> -> memref<8x128xi32, #tpu.memory_space<hbm>>
        tpu.enqueue_dma source(%dma_start3A_67 : memref<8x128xi32, #tpu.memory_space<hbm>>) target(%arg15 : memref<8x128xi32, #tpu.memory_space<vmem>>) target_semaphore(%run_scoped3A : memref<!tpu.dma_semaphore, #tpu.memory_space<semaphore_mem>>)
        %dma_wait3A = arith.constant 0 : i32
        %dma_wait3A_68 = tpu.memref_slice %arg6[%add3A_44, %dma_wait3A] : memref<2560x128xi32, #tpu.memory_space<hbm>> -> memref<8x128xi32, #tpu.memory_space<hbm>>
        %dma_wait3A_69 = arith.constant 0 : i32
        %dma_wait3A_70 = tpu.memref_slice %arg6[%add3A_44, %dma_wait3A_69] : memref<2560x128xi32, #tpu.memory_space<hbm>> -> memref<8x128xi32, #tpu.memory_space<hbm>>
        tpu.wait_dma2 semaphore(%run_scoped3A : memref<!tpu.dma_semaphore, #tpu.memory_space<semaphore_mem>>) src(%dma_wait3A_70 : memref<8x128xi32, #tpu.memory_space<hbm>>) dst(%arg15 : memref<8x128xi32, #tpu.memory_space<vmem>>)
        tpu.yield
      }) : () -> ()
      "tpu.region"() ({
        %run_scoped3A = tpu.sem_alloc : memref<!tpu.dma_semaphore, #tpu.memory_space<semaphore_mem>>
        %dma_start3A_64 = arith.constant 0 : i32
        %dma_start3A_65 = tpu.memref_slice %arg7[%add3A_44, %dma_start3A_64] : memref<2560x128xi32, #tpu.memory_space<hbm>> -> memref<8x128xi32, #tpu.memory_space<hbm>>
        %dma_start3A_66 = arith.constant 0 : i32
        %dma_start3A_67 = tpu.memref_slice %arg7[%add3A_44, %dma_start3A_66] : memref<2560x128xi32, #tpu.memory_space<hbm>> -> memref<8x128xi32, #tpu.memory_space<hbm>>
        tpu.enqueue_dma source(%dma_start3A_67 : memref<8x128xi32, #tpu.memory_space<hbm>>) target(%arg16 : memref<8x128xi32, #tpu.memory_space<vmem>>) target_semaphore(%run_scoped3A : memref<!tpu.dma_semaphore, #tpu.memory_space<semaphore_mem>>)
        %dma_wait3A = arith.constant 0 : i32
        %dma_wait3A_68 = tpu.memref_slice %arg7[%add3A_44, %dma_wait3A] : memref<2560x128xi32, #tpu.memory_space<hbm>> -> memref<8x128xi32, #tpu.memory_space<hbm>>
        %dma_wait3A_69 = arith.constant 0 : i32
        %dma_wait3A_70 = tpu.memref_slice %arg7[%add3A_44, %dma_wait3A_69] : memref<2560x128xi32, #tpu.memory_space<hbm>> -> memref<8x128xi32, #tpu.memory_space<hbm>>
        tpu.wait_dma2 semaphore(%run_scoped3A : memref<!tpu.dma_semaphore, #tpu.memory_space<semaphore_mem>>) src(%dma_wait3A_70 : memref<8x128xi32, #tpu.memory_space<hbm>>) dst(%arg16 : memref<8x128xi32, #tpu.memory_space<vmem>>)
        tpu.yield
      }) : () -> ()
      %scan3A = arith.constant 0 : i32
      %scan3A_47 = arith.constant 0 : i32
      %scan3A_48 = arith.constant 64 : i32
      %scan3A_49 = arith.addi %scan3A_47, %scan3A_48 : i32
      %scan3A_50 = arith.constant 1 : i32
      scf.for %scan3A_64 = %scan3A_47 to %scan3A_49 step %scan3A_50  : i32 {
        %mul3A_65 = arith.constant 16 : i32
        %mul3A_66 = arith.muli %scan3A_64, %mul3A_65 : i32
        %get3A = arith.index_cast %mul3A_66 : i32 to index
        %get3A_67 = tpu.vector_load %arg11[%get3A] {strides = array<i32>} : memref<1024xi32, #tpu.memory_space<vmem>>, vector<16xi32>,
        %get3A_68 = arith.index_cast %mul3A_66 : i32 to index
        %get3A_69 = tpu.vector_load %arg12[%get3A_68] {strides = array<i32>} : memref<1024xi32, #tpu.memory_space<vmem>>, vector<16xi32>,
        %gather3A = tpu.vector_load_idx %arg14[%get3A_67] : memref<10112xf32, #tpu.memory_space<vmem>>[vector<16xi32>], vector<16xf32>,
        %get3A_70 = arith.index_cast %mul3A_66 : i32 to index
        %get3A_71 = tpu.vector_load %arg13[%get3A_70] {strides = array<i32>} : memref<1024xf32, #tpu.memory_space<vmem>>, vector<16xf32>,
        %mul3A_72 = arith.mulf %gather3A, %get3A_71 : vector<16xf32>
        %gather3A_73 = tpu.vector_load_idx %arg14[%get3A_69] : memref<10112xf32, #tpu.memory_space<vmem>>[vector<16xi32>], vector<16xf32>,
        %mul3A_74 = arith.mulf %mul3A_72, %gather3A_73 : vector<16xf32>
        %ne3A_75 = arith.cmpi ne, %get3A_67, %get3A_69 : vector<16xi32>
        %neg3A = arith.constant 0.000000e+00 : f32
        %neg3A_76 = vector.broadcast %neg3A : f32 to vector<16xf32>
        %neg3A_77 = arith.subf %neg3A_76, %mul3A_74 : vector<16xf32>
        %jit3A_78 = arith.constant 0.000000e+00 : f32
        %broadcast_in_dim3A = vector.broadcast %jit3A_78 : f32 to vector<16xf32>
        %select_n3A_79 = arith.select %ne3A_75, %neg3A_77, %broadcast_in_dim3A : vector<16xi1>, vector<16xf32>
        %swap3A = arith.index_cast %mul3A_66 : i32 to index
        %swap3A_80 = tpu.vector_load %arg13[%swap3A] {strides = array<i32>} : memref<1024xf32, #tpu.memory_space<vmem>>, vector<16xf32>,
        tpu.vector_store %arg13[%swap3A], %select_n3A_79 {strides = array<i32>} : memref<1024xf32, #tpu.memory_space<vmem>>, vector<16xf32>,
      }
      %scan3A_51 = arith.constant 64 : i32
      %dma_start3A = arith.constant 0 : i32
      %dma_start3A_52 = arith.constant 0 : i32
      %dma_start3A_53 = tpu.memref_slice %arg15[%dma_start3A, %dma_start3A_52] : memref<8x128xi32, #tpu.memory_space<vmem>> -> memref<1x128xi32, #tpu.memory_space<vmem>>
      %dma_start3A_54 = tpu.memref_squeeze %dma_start3A_53 : memref<1x128xi32, #tpu.memory_space<vmem>> -> memref<128xi32, #tpu.memory_space<vmem>>
      %dma_start3A_55 = arith.constant 0 : i32
      %dma_start3A_56 = arith.constant 0 : i32
      %dma_start3A_57 = tpu.memref_slice %arg2[%dma_start3A_55, %dma_start3A_56] : memref<10112x128xf32, #tpu.memory_space<hbm>> -> memref<10112x128xf32, #tpu.memory_space<hbm>>
      tpu.enqueue_indirect_dma source(%dma_start3A_57 : memref<10112x128xf32, #tpu.memory_space<hbm>>) target(%arg17 : memref<128x128xf32, #tpu.memory_space<vmem>>) offsets(%dma_start3A_54 : memref<128xi32, #tpu.memory_space<vmem>>) semaphore(%arg20 : memref<!tpu.dma_semaphore, #tpu.memory_space<semaphore_mem>>)
      %scan3A_58 = arith.constant 0 : i32
      %scan3A_59 = arith.constant 0 : i32
      %scan3A_60 = arith.constant 4 : i32
      %scan3A_61 = arith.addi %scan3A_59, %scan3A_60 : i32
      %scan3A_62 = arith.constant 1 : i32
      scf.for %scan3A_64 = %scan3A_59 to %scan3A_61 step %scan3A_62  : i32 {
        %mul3A_65 = arith.constant 2 : i32
        %mul3A_66 = arith.muli %scan3A_64, %mul3A_65 : i32
        %add3A_67 = arith.constant 1 : i32
        %add3A_68 = arith.addi %mul3A_66, %add3A_67 : i32
        %dma_start3A_69 = arith.constant 0 : i32
        %dma_start3A_70 = tpu.memref_slice %arg15[%add3A_68, %dma_start3A_69] : memref<8x128xi32, #tpu.memory_space<vmem>> -> memref<1x128xi32, #tpu.memory_space<vmem>>
        %dma_start3A_71 = tpu.memref_squeeze %dma_start3A_70 : memref<1x128xi32, #tpu.memory_space<vmem>> -> memref<128xi32, #tpu.memory_space<vmem>>
        %dma_start3A_72 = arith.constant 0 : i32
        %dma_start3A_73 = arith.constant 0 : i32
        %dma_start3A_74 = tpu.memref_slice %arg2[%dma_start3A_72, %dma_start3A_73] : memref<10112x128xf32, #tpu.memory_space<hbm>> -> memref<10112x128xf32, #tpu.memory_space<hbm>>
        tpu.enqueue_indirect_dma source(%dma_start3A_74 : memref<10112x128xf32, #tpu.memory_space<hbm>>) target(%arg18 : memref<128x128xf32, #tpu.memory_space<vmem>>) offsets(%dma_start3A_71 : memref<128xi32, #tpu.memory_space<vmem>>) semaphore(%arg21 : memref<!tpu.dma_semaphore, #tpu.memory_space<semaphore_mem>>)
        %dma_wait3A = arith.constant 0 : i32
        %dma_wait3A_75 = tpu.memref_slice %arg15[%mul3A_66, %dma_wait3A] : memref<8x128xi32, #tpu.memory_space<vmem>> -> memref<1x128xi32, #tpu.memory_space<vmem>>
        %dma_wait3A_76 = tpu.memref_squeeze %dma_wait3A_75 : memref<1x128xi32, #tpu.memory_space<vmem>> -> memref<128xi32, #tpu.memory_space<vmem>>
        %dma_wait3A_77 = arith.constant 0 : i32
        %dma_wait3A_78 = arith.constant 0 : i32
        %dma_wait3A_79 = tpu.memref_slice %arg2[%dma_wait3A_77, %dma_wait3A_78] : memref<10112x128xf32, #tpu.memory_space<hbm>> -> memref<10112x128xf32, #tpu.memory_space<hbm>>
        tpu.wait_indirect_dma semaphore(%arg20 : memref<!tpu.dma_semaphore, #tpu.memory_space<semaphore_mem>>) src(%dma_wait3A_79 : memref<10112x128xf32, #tpu.memory_space<hbm>>) dst(%arg17 : memref<128x128xf32, #tpu.memory_space<vmem>>)
        %scan3A_80 = arith.constant 0 : i32
        %scan3A_81 = arith.constant 0 : i32
        %scan3A_82 = arith.constant 32 : i32
        %scan3A_83 = arith.addi %scan3A_81, %scan3A_82 : i32
        %scan3A_84 = arith.constant 1 : i32
        scf.for %scan3A_106 = %scan3A_81 to %scan3A_83 step %scan3A_84  : i32 {
          %mul3A_107 = arith.constant 4 : i32
          %mul3A_108 = arith.muli %scan3A_106, %mul3A_107 : i32
          %add3A_109 = arith.constant 0 : i32
          %add3A_110 = arith.addi %mul3A_108, %add3A_109 : i32
          %mul3A_111 = arith.constant 128 : i32
          %mul3A_112 = arith.muli %mul3A_66, %mul3A_111 : i32
          %add3A_113 = arith.addi %mul3A_112, %add3A_110 : i32
          %broadcast_in_dim3A = vector.broadcast %add3A_113 : i32 to vector<16xi32>
          %gather3A = tpu.vector_load_idx %arg13[%broadcast_in_dim3A] : memref<1024xf32, #tpu.memory_space<vmem>>[vector<16xi32>], vector<16xf32>,
          %get3A = arith.index_cast %add3A_110 : i32 to index
          %get3A_114 = arith.constant 0 : index
          %get3A_115 = tpu.vector_load %arg17[%get3A, %get3A_114] {strides = array<i32>} : memref<128x128xf32, #tpu.memory_space<vmem>>, vector<16xf32>,
          %mul3A_116 = arith.mulf %get3A_115, %gather3A : vector<16xf32>
          %swap3A = arith.index_cast %add3A_110 : i32 to index
          %swap3A_117 = arith.constant 0 : index
          %swap3A_118 = tpu.vector_load %arg17[%swap3A, %swap3A_117] {strides = array<i32>} : memref<128x128xf32, #tpu.memory_space<vmem>>, vector<16xf32>,
          tpu.vector_store %arg17[%swap3A, %swap3A_117], %mul3A_116 {strides = array<i32>} : memref<128x128xf32, #tpu.memory_space<vmem>>, vector<16xf32>,
          %get3A_119 = arith.index_cast %add3A_110 : i32 to index
          %get3A_120 = arith.constant 16 : index
          %get3A_121 = tpu.vector_load %arg17[%get3A_119, %get3A_120] {strides = array<i32>} : memref<128x128xf32, #tpu.memory_space<vmem>>, vector<16xf32>,
          %mul3A_122 = arith.mulf %get3A_121, %gather3A : vector<16xf32>
          %swap3A_123 = arith.index_cast %add3A_110 : i32 to index
          %swap3A_124 = arith.constant 16 : index
          %swap3A_125 = tpu.vector_load %arg17[%swap3A_123, %swap3A_124] {strides = array<i32>} : memref<128x128xf32, #tpu.memory_space<vmem>>, vector<16xf32>,
          tpu.vector_store %arg17[%swap3A_123, %swap3A_124], %mul3A_122 {strides = array<i32>} : memref<128x128xf32, #tpu.memory_space<vmem>>, vector<16xf32>,
          %get3A_126 = arith.index_cast %add3A_110 : i32 to index
          %get3A_127 = arith.constant 32 : index
          %get3A_128 = tpu.vector_load %arg17[%get3A_126, %get3A_127] {strides = array<i32>} : memref<128x128xf32, #tpu.memory_space<vmem>>, vector<16xf32>,
          %mul3A_129 = arith.mulf %get3A_128, %gather3A : vector<16xf32>
          %swap3A_130 = arith.index_cast %add3A_110 : i32 to index
          %swap3A_131 = arith.constant 32 : index
          %swap3A_132 = tpu.vector_load %arg17[%swap3A_130, %swap3A_131] {strides = array<i32>} : memref<128x128xf32, #tpu.memory_space<vmem>>, vector<16xf32>,
          tpu.vector_store %arg17[%swap3A_130, %swap3A_131], %mul3A_129 {strides = array<i32>} : memref<128x128xf32, #tpu.memory_space<vmem>>, vector<16xf32>,
          %get3A_133 = arith.index_cast %add3A_110 : i32 to index
          %get3A_134 = arith.constant 48 : index
          %get3A_135 = tpu.vector_load %arg17[%get3A_133, %get3A_134] {strides = array<i32>} : memref<128x128xf32, #tpu.memory_space<vmem>>, vector<16xf32>,
          %mul3A_136 = arith.mulf %get3A_135, %gather3A : vector<16xf32>
          %swap3A_137 = arith.index_cast %add3A_110 : i32 to index
          %swap3A_138 = arith.constant 48 : index
          %swap3A_139 = tpu.vector_load %arg17[%swap3A_137, %swap3A_138] {strides = array<i32>} : memref<128x128xf32, #tpu.memory_space<vmem>>, vector<16xf32>,
          tpu.vector_store %arg17[%swap3A_137, %swap3A_138], %mul3A_136 {strides = array<i32>} : memref<128x128xf32, #tpu.memory_space<vmem>>, vector<16xf32>,
          %get3A_140 = arith.index_cast %add3A_110 : i32 to index
          %get3A_141 = arith.constant 64 : index
          %get3A_142 = tpu.vector_load %arg17[%get3A_140, %get3A_141] {strides = array<i32>} : memref<128x128xf32, #tpu.memory_space<vmem>>, vector<16xf32>,
          %mul3A_143 = arith.mulf %get3A_142, %gather3A : vector<16xf32>
          %swap3A_144 = arith.index_cast %add3A_110 : i32 to index
          %swap3A_145 = arith.constant 64 : index
          %swap3A_146 = tpu.vector_load %arg17[%swap3A_144, %swap3A_145] {strides = array<i32>} : memref<128x128xf32, #tpu.memory_space<vmem>>, vector<16xf32>,
          tpu.vector_store %arg17[%swap3A_144, %swap3A_145], %mul3A_143 {strides = array<i32>} : memref<128x128xf32, #tpu.memory_space<vmem>>, vector<16xf32>,
          %get3A_147 = arith.index_cast %add3A_110 : i32 to index
          %get3A_148 = arith.constant 80 : index
          %get3A_149 = tpu.vector_load %arg17[%get3A_147, %get3A_148] {strides = array<i32>} : memref<128x128xf32, #tpu.memory_space<vmem>>, vector<16xf32>,
          %mul3A_150 = arith.mulf %get3A_149, %gather3A : vector<16xf32>
          %swap3A_151 = arith.index_cast %add3A_110 : i32 to index
          %swap3A_152 = arith.constant 80 : index
          %swap3A_153 = tpu.vector_load %arg17[%swap3A_151, %swap3A_152] {strides = array<i32>} : memref<128x128xf32, #tpu.memory_space<vmem>>, vector<16xf32>,
          tpu.vector_store %arg17[%swap3A_151, %swap3A_152], %mul3A_150 {strides = array<i32>} : memref<128x128xf32, #tpu.memory_space<vmem>>, vector<16xf32>,
          %get3A_154 = arith.index_cast %add3A_110 : i32 to index
          %get3A_155 = arith.constant 96 : index
          %get3A_156 = tpu.vector_load %arg17[%get3A_154, %get3A_155] {strides = array<i32>} : memref<128x128xf32, #tpu.memory_space<vmem>>, vector<16xf32>,
          %mul3A_157 = arith.mulf %get3A_156, %gather3A : vector<16xf32>
          %swap3A_158 = arith.index_cast %add3A_110 : i32 to index
          %swap3A_159 = arith.constant 96 : index
          %swap3A_160 = tpu.vector_load %arg17[%swap3A_158, %swap3A_159] {strides = array<i32>} : memref<128x128xf32, #tpu.memory_space<vmem>>, vector<16xf32>,
          tpu.vector_store %arg17[%swap3A_158, %swap3A_159], %mul3A_157 {strides = array<i32>} : memref<128x128xf32, #tpu.memory_space<vmem>>, vector<16xf32>,
          %get3A_161 = arith.index_cast %add3A_110 : i32 to index
          %get3A_162 = arith.constant 112 : index
          %get3A_163 = tpu.vector_load %arg17[%get3A_161, %get3A_162] {strides = array<i32>} : memref<128x128xf32, #tpu.memory_space<vmem>>, vector<16xf32>,
          %mul3A_164 = arith.mulf %get3A_163, %gather3A : vector<16xf32>
          %swap3A_165 = arith.index_cast %add3A_110 : i32 to index
          %swap3A_166 = arith.constant 112 : index
          %swap3A_167 = tpu.vector_load %arg17[%swap3A_165, %swap3A_166] {strides = array<i32>} : memref<128x128xf32, #tpu.memory_space<vmem>>, vector<16xf32>,
          tpu.vector_store %arg17[%swap3A_165, %swap3A_166], %mul3A_164 {strides = array<i32>} : memref<128x128xf32, #tpu.memory_space<vmem>>, vector<16xf32>,
          %mul3A_168 = arith.constant 4 : i32
          %mul3A_169 = arith.muli %scan3A_106, %mul3A_168 : i32
          %add3A_170 = arith.constant 1 : i32
          %add3A_171 = arith.addi %mul3A_169, %add3A_170 : i32
          %mul3A_172 = arith.constant 128 : i32
          %mul3A_173 = arith.muli %mul3A_66, %mul3A_172 : i32
          %add3A_174 = arith.addi %mul3A_173, %add3A_171 : i32
          %broadcast_in_dim3A_175 = vector.broadcast %add3A_174 : i32 to vector<16xi32>
          %gather3A_176 = tpu.vector_load_idx %arg13[%broadcast_in_dim3A_175] : memref<1024xf32, #tpu.memory_space<vmem>>[vector<16xi32>], vector<16xf32>,
          %get3A_177 = arith.index_cast %add3A_171 : i32 to index
          %get3A_178 = arith.constant 0 : index
          %get3A_179 = tpu.vector_load %arg17[%get3A_177, %get3A_178] {strides = array<i32>} : memref<128x128xf32, #tpu.memory_space<vmem>>, vector<16xf32>,
          %mul3A_180 = arith.mulf %get3A_179, %gather3A_176 : vector<16xf32>
          %swap3A_181 = arith.index_cast %add3A_171 : i32 to index
          %swap3A_182 = arith.constant 0 : index
          %swap3A_183 = tpu.vector_load %arg17[%swap3A_181, %swap3A_182] {strides = array<i32>} : memref<128x128xf32, #tpu.memory_space<vmem>>, vector<16xf32>,
          tpu.vector_store %arg17[%swap3A_181, %swap3A_182], %mul3A_180 {strides = array<i32>} : memref<128x128xf32, #tpu.memory_space<vmem>>, vector<16xf32>,
          %get3A_184 = arith.index_cast %add3A_171 : i32 to index
          %get3A_185 = arith.constant 16 : index
          %get3A_186 = tpu.vector_load %arg17[%get3A_184, %get3A_185] {strides = array<i32>} : memref<128x128xf32, #tpu.memory_space<vmem>>, vector<16xf32>,
          %mul3A_187 = arith.mulf %get3A_186, %gather3A_176 : vector<16xf32>
          %swap3A_188 = arith.index_cast %add3A_171 : i32 to index
          %swap3A_189 = arith.constant 16 : index
          %swap3A_190 = tpu.vector_load %arg17[%swap3A_188, %swap3A_189] {strides = array<i32>} : memref<128x128xf32, #tpu.memory_space<vmem>>, vector<16xf32>,
          tpu.vector_store %arg17[%swap3A_188, %swap3A_189], %mul3A_187 {strides = array<i32>} : memref<128x128xf32, #tpu.memory_space<vmem>>, vector<16xf32>,
          %get3A_191 = arith.index_cast %add3A_171 : i32 to index
          %get3A_192 = arith.constant 32 : index
          %get3A_193 = tpu.vector_load %arg17[%get3A_191, %get3A_192] {strides = array<i32>} : memref<128x128xf32, #tpu.memory_space<vmem>>, vector<16xf32>,
          %mul3A_194 = arith.mulf %get3A_193, %gather3A_176 : vector<16xf32>
          %swap3A_195 = arith.index_cast %add3A_171 : i32 to index
          %swap3A_196 = arith.constant 32 : index
          %swap3A_197 = tpu.vector_load %arg17[%swap3A_195, %swap3A_196] {strides = array<i32>} : memref<128x128xf32, #tpu.memory_space<vmem>>, vector<16xf32>,
          tpu.vector_store %arg17[%swap3A_195, %swap3A_196], %mul3A_194 {strides = array<i32>} : memref<128x128xf32, #tpu.memory_space<vmem>>, vector<16xf32>,
          %get3A_198 = arith.index_cast %add3A_171 : i32 to index
          %get3A_199 = arith.constant 48 : index
          %get3A_200 = tpu.vector_load %arg17[%get3A_198, %get3A_199] {strides = array<i32>} : memref<128x128xf32, #tpu.memory_space<vmem>>, vector<16xf32>,
          %mul3A_201 = arith.mulf %get3A_200, %gather3A_176 : vector<16xf32>
          %swap3A_202 = arith.index_cast %add3A_171 : i32 to index
          %swap3A_203 = arith.constant 48 : index
          %swap3A_204 = tpu.vector_load %arg17[%swap3A_202, %swap3A_203] {strides = array<i32>} : memref<128x128xf32, #tpu.memory_space<vmem>>, vector<16xf32>,
          tpu.vector_store %arg17[%swap3A_202, %swap3A_203], %mul3A_201 {strides = array<i32>} : memref<128x128xf32, #tpu.memory_space<vmem>>, vector<16xf32>,
          %get3A_205 = arith.index_cast %add3A_171 : i32 to index
          %get3A_206 = arith.constant 64 : index
          %get3A_207 = tpu.vector_load %arg17[%get3A_205, %get3A_206] {strides = array<i32>} : memref<128x128xf32, #tpu.memory_space<vmem>>, vector<16xf32>,
          %mul3A_208 = arith.mulf %get3A_207, %gather3A_176 : vector<16xf32>
          %swap3A_209 = arith.index_cast %add3A_171 : i32 to index
          %swap3A_210 = arith.constant 64 : index
          %swap3A_211 = tpu.vector_load %arg17[%swap3A_209, %swap3A_210] {strides = array<i32>} : memref<128x128xf32, #tpu.memory_space<vmem>>, vector<16xf32>,
          tpu.vector_store %arg17[%swap3A_209, %swap3A_210], %mul3A_208 {strides = array<i32>} : memref<128x128xf32, #tpu.memory_space<vmem>>, vector<16xf32>,
          %get3A_212 = arith.index_cast %add3A_171 : i32 to index
          %get3A_213 = arith.constant 80 : index
          %get3A_214 = tpu.vector_load %arg17[%get3A_212, %get3A_213] {strides = array<i32>} : memref<128x128xf32, #tpu.memory_space<vmem>>, vector<16xf32>,
          %mul3A_215 = arith.mulf %get3A_214, %gather3A_176 : vector<16xf32>
          %swap3A_216 = arith.index_cast %add3A_171 : i32 to index
          %swap3A_217 = arith.constant 80 : index
          %swap3A_218 = tpu.vector_load %arg17[%swap3A_216, %swap3A_217] {strides = array<i32>} : memref<128x128xf32, #tpu.memory_space<vmem>>, vector<16xf32>,
          tpu.vector_store %arg17[%swap3A_216, %swap3A_217], %mul3A_215 {strides = array<i32>} : memref<128x128xf32, #tpu.memory_space<vmem>>, vector<16xf32>,
          %get3A_219 = arith.index_cast %add3A_171 : i32 to index
          %get3A_220 = arith.constant 96 : index
          %get3A_221 = tpu.vector_load %arg17[%get3A_219, %get3A_220] {strides = array<i32>} : memref<128x128xf32, #tpu.memory_space<vmem>>, vector<16xf32>,
          %mul3A_222 = arith.mulf %get3A_221, %gather3A_176 : vector<16xf32>
          %swap3A_223 = arith.index_cast %add3A_171 : i32 to index
          %swap3A_224 = arith.constant 96 : index
          %swap3A_225 = tpu.vector_load %arg17[%swap3A_223, %swap3A_224] {strides = array<i32>} : memref<128x128xf32, #tpu.memory_space<vmem>>, vector<16xf32>,
          tpu.vector_store %arg17[%swap3A_223, %swap3A_224], %mul3A_222 {strides = array<i32>} : memref<128x128xf32, #tpu.memory_space<vmem>>, vector<16xf32>,
          %get3A_226 = arith.index_cast %add3A_171 : i32 to index
          %get3A_227 = arith.constant 112 : index
          %get3A_228 = tpu.vector_load %arg17[%get3A_226, %get3A_227] {strides = array<i32>} : memref<128x128xf32, #tpu.memory_space<vmem>>, vector<16xf32>,
          %mul3A_229 = arith.mulf %get3A_228, %gather3A_176 : vector<16xf32>
          %swap3A_230 = arith.index_cast %add3A_171 : i32 to index
          %swap3A_231 = arith.constant 112 : index
          %swap3A_232 = tpu.vector_load %arg17[%swap3A_230, %swap3A_231] {strides = array<i32>} : memref<128x128xf32, #tpu.memory_space<vmem>>, vector<16xf32>,
          tpu.vector_store %arg17[%swap3A_230, %swap3A_231], %mul3A_229 {strides = array<i32>} : memref<128x128xf32, #tpu.memory_space<vmem>>, vector<16xf32>,
          %mul3A_233 = arith.constant 4 : i32
          %mul3A_234 = arith.muli %scan3A_106, %mul3A_233 : i32
          %add3A_235 = arith.constant 2 : i32
          %add3A_236 = arith.addi %mul3A_234, %add3A_235 : i32
          %mul3A_237 = arith.constant 128 : i32
          %mul3A_238 = arith.muli %mul3A_66, %mul3A_237 : i32
          %add3A_239 = arith.addi %mul3A_238, %add3A_236 : i32
          %broadcast_in_dim3A_240 = vector.broadcast %add3A_239 : i32 to vector<16xi32>
          %gather3A_241 = tpu.vector_load_idx %arg13[%broadcast_in_dim3A_240] : memref<1024xf32, #tpu.memory_space<vmem>>[vector<16xi32>], vector<16xf32>,
          %get3A_242 = arith.index_cast %add3A_236 : i32 to index
          %get3A_243 = arith.constant 0 : index
          %get3A_244 = tpu.vector_load %arg17[%get3A_242, %get3A_243] {strides = array<i32>} : memref<128x128xf32, #tpu.memory_space<vmem>>, vector<16xf32>,
          %mul3A_245 = arith.mulf %get3A_244, %gather3A_241 : vector<16xf32>
          %swap3A_246 = arith.index_cast %add3A_236 : i32 to index
          %swap3A_247 = arith.constant 0 : index
          %swap3A_248 = tpu.vector_load %arg17[%swap3A_246, %swap3A_247] {strides = array<i32>} : memref<128x128xf32, #tpu.memory_space<vmem>>, vector<16xf32>,
          tpu.vector_store %arg17[%swap3A_246, %swap3A_247], %mul3A_245 {strides = array<i32>} : memref<128x128xf32, #tpu.memory_space<vmem>>, vector<16xf32>,
          %get3A_249 = arith.index_cast %add3A_236 : i32 to index
          %get3A_250 = arith.constant 16 : index
          %get3A_251 = tpu.vector_load %arg17[%get3A_249, %get3A_250] {strides = array<i32>} : memref<128x128xf32, #tpu.memory_space<vmem>>, vector<16xf32>,
          %mul3A_252 = arith.mulf %get3A_251, %gather3A_241 : vector<16xf32>
          %swap3A_253 = arith.index_cast %add3A_236 : i32 to index
          %swap3A_254 = arith.constant 16 : index
          %swap3A_255 = tpu.vector_load %arg17[%swap3A_253, %swap3A_254] {strides = array<i32>} : memref<128x128xf32, #tpu.memory_space<vmem>>, vector<16xf32>,
          tpu.vector_store %arg17[%swap3A_253, %swap3A_254], %mul3A_252 {strides = array<i32>} : memref<128x128xf32, #tpu.memory_space<vmem>>, vector<16xf32>,
          %get3A_256 = arith.index_cast %add3A_236 : i32 to index
          %get3A_257 = arith.constant 32 : index
          %get3A_258 = tpu.vector_load %arg17[%get3A_256, %get3A_257] {strides = array<i32>} : memref<128x128xf32, #tpu.memory_space<vmem>>, vector<16xf32>,
          %mul3A_259 = arith.mulf %get3A_258, %gather3A_241 : vector<16xf32>
          %swap3A_260 = arith.index_cast %add3A_236 : i32 to index
          %swap3A_261 = arith.constant 32 : index
          %swap3A_262 = tpu.vector_load %arg17[%swap3A_260, %swap3A_261] {strides = array<i32>} : memref<128x128xf32, #tpu.memory_space<vmem>>, vector<16xf32>,
          tpu.vector_store %arg17[%swap3A_260, %swap3A_261], %mul3A_259 {strides = array<i32>} : memref<128x128xf32, #tpu.memory_space<vmem>>, vector<16xf32>,
          %get3A_263 = arith.index_cast %add3A_236 : i32 to index
          %get3A_264 = arith.constant 48 : index
          %get3A_265 = tpu.vector_load %arg17[%get3A_263, %get3A_264] {strides = array<i32>} : memref<128x128xf32, #tpu.memory_space<vmem>>, vector<16xf32>,
          %mul3A_266 = arith.mulf %get3A_265, %gather3A_241 : vector<16xf32>
          %swap3A_267 = arith.index_cast %add3A_236 : i32 to index
          %swap3A_268 = arith.constant 48 : index
          %swap3A_269 = tpu.vector_load %arg17[%swap3A_267, %swap3A_268] {strides = array<i32>} : memref<128x128xf32, #tpu.memory_space<vmem>>, vector<16xf32>,
          tpu.vector_store %arg17[%swap3A_267, %swap3A_268], %mul3A_266 {strides = array<i32>} : memref<128x128xf32, #tpu.memory_space<vmem>>, vector<16xf32>,
          %get3A_270 = arith.index_cast %add3A_236 : i32 to index
          %get3A_271 = arith.constant 64 : index
          %get3A_272 = tpu.vector_load %arg17[%get3A_270, %get3A_271] {strides = array<i32>} : memref<128x128xf32, #tpu.memory_space<vmem>>, vector<16xf32>,
          %mul3A_273 = arith.mulf %get3A_272, %gather3A_241 : vector<16xf32>
          %swap3A_274 = arith.index_cast %add3A_236 : i32 to index
          %swap3A_275 = arith.constant 64 : index
          %swap3A_276 = tpu.vector_load %arg17[%swap3A_274, %swap3A_275] {strides = array<i32>} : memref<128x128xf32, #tpu.memory_space<vmem>>, vector<16xf32>,
          tpu.vector_store %arg17[%swap3A_274, %swap3A_275], %mul3A_273 {strides = array<i32>} : memref<128x128xf32, #tpu.memory_space<vmem>>, vector<16xf32>,
          %get3A_277 = arith.index_cast %add3A_236 : i32 to index
          %get3A_278 = arith.constant 80 : index
          %get3A_279 = tpu.vector_load %arg17[%get3A_277, %get3A_278] {strides = array<i32>} : memref<128x128xf32, #tpu.memory_space<vmem>>, vector<16xf32>,
          %mul3A_280 = arith.mulf %get3A_279, %gather3A_241 : vector<16xf32>
          %swap3A_281 = arith.index_cast %add3A_236 : i32 to index
          %swap3A_282 = arith.constant 80 : index
          %swap3A_283 = tpu.vector_load %arg17[%swap3A_281, %swap3A_282] {strides = array<i32>} : memref<128x128xf32, #tpu.memory_space<vmem>>, vector<16xf32>,
          tpu.vector_store %arg17[%swap3A_281, %swap3A_282], %mul3A_280 {strides = array<i32>} : memref<128x128xf32, #tpu.memory_space<vmem>>, vector<16xf32>,
          %get3A_284 = arith.index_cast %add3A_236 : i32 to index
          %get3A_285 = arith.constant 96 : index
          %get3A_286 = tpu.vector_load %arg17[%get3A_284, %get3A_285] {strides = array<i32>} : memref<128x128xf32, #tpu.memory_space<vmem>>, vector<16xf32>,
          %mul3A_287 = arith.mulf %get3A_286, %gather3A_241 : vector<16xf32>
          %swap3A_288 = arith.index_cast %add3A_236 : i32 to index
          %swap3A_289 = arith.constant 96 : index
          %swap3A_290 = tpu.vector_load %arg17[%swap3A_288, %swap3A_289] {strides = array<i32>} : memref<128x128xf32, #tpu.memory_space<vmem>>, vector<16xf32>,
          tpu.vector_store %arg17[%swap3A_288, %swap3A_289], %mul3A_287 {strides = array<i32>} : memref<128x128xf32, #tpu.memory_space<vmem>>, vector<16xf32>,
          %get3A_291 = arith.index_cast %add3A_236 : i32 to index
          %get3A_292 = arith.constant 112 : index
          %get3A_293 = tpu.vector_load %arg17[%get3A_291, %get3A_292] {strides = array<i32>} : memref<128x128xf32, #tpu.memory_space<vmem>>, vector<16xf32>,
          %mul3A_294 = arith.mulf %get3A_293, %gather3A_241 : vector<16xf32>
          %swap3A_295 = arith.index_cast %add3A_236 : i32 to index
          %swap3A_296 = arith.constant 112 : index
          %swap3A_297 = tpu.vector_load %arg17[%swap3A_295, %swap3A_296] {strides = array<i32>} : memref<128x128xf32, #tpu.memory_space<vmem>>, vector<16xf32>,
          tpu.vector_store %arg17[%swap3A_295, %swap3A_296], %mul3A_294 {strides = array<i32>} : memref<128x128xf32, #tpu.memory_space<vmem>>, vector<16xf32>,
          %mul3A_298 = arith.constant 4 : i32
          %mul3A_299 = arith.muli %scan3A_106, %mul3A_298 : i32
          %add3A_300 = arith.constant 3 : i32
          %add3A_301 = arith.addi %mul3A_299, %add3A_300 : i32
          %mul3A_302 = arith.constant 128 : i32
          %mul3A_303 = arith.muli %mul3A_66, %mul3A_302 : i32
          %add3A_304 = arith.addi %mul3A_303, %add3A_301 : i32
          %broadcast_in_dim3A_305 = vector.broadcast %add3A_304 : i32 to vector<16xi32>
          %gather3A_306 = tpu.vector_load_idx %arg13[%broadcast_in_dim3A_305] : memref<1024xf32, #tpu.memory_space<vmem>>[vector<16xi32>], vector<16xf32>,
          %get3A_307 = arith.index_cast %add3A_301 : i32 to index
          %get3A_308 = arith.constant 0 : index
          %get3A_309 = tpu.vector_load %arg17[%get3A_307, %get3A_308] {strides = array<i32>} : memref<128x128xf32, #tpu.memory_space<vmem>>, vector<16xf32>,
          %mul3A_310 = arith.mulf %get3A_309, %gather3A_306 : vector<16xf32>
          %swap3A_311 = arith.index_cast %add3A_301 : i32 to index
          %swap3A_312 = arith.constant 0 : index
          %swap3A_313 = tpu.vector_load %arg17[%swap3A_311, %swap3A_312] {strides = array<i32>} : memref<128x128xf32, #tpu.memory_space<vmem>>, vector<16xf32>,
          tpu.vector_store %arg17[%swap3A_311, %swap3A_312], %mul3A_310 {strides = array<i32>} : memref<128x128xf32, #tpu.memory_space<vmem>>, vector<16xf32>,
          %get3A_314 = arith.index_cast %add3A_301 : i32 to index
          %get3A_315 = arith.constant 16 : index
          %get3A_316 = tpu.vector_load %arg17[%get3A_314, %get3A_315] {strides = array<i32>} : memref<128x128xf32, #tpu.memory_space<vmem>>, vector<16xf32>,
          %mul3A_317 = arith.mulf %get3A_316, %gather3A_306 : vector<16xf32>
          %swap3A_318 = arith.index_cast %add3A_301 : i32 to index
          %swap3A_319 = arith.constant 16 : index
          %swap3A_320 = tpu.vector_load %arg17[%swap3A_318, %swap3A_319] {strides = array<i32>} : memref<128x128xf32, #tpu.memory_space<vmem>>, vector<16xf32>,
          tpu.vector_store %arg17[%swap3A_318, %swap3A_319], %mul3A_317 {strides = array<i32>} : memref<128x128xf32, #tpu.memory_space<vmem>>, vector<16xf32>,
          %get3A_321 = arith.index_cast %add3A_301 : i32 to index
          %get3A_322 = arith.constant 32 : index
          %get3A_323 = tpu.vector_load %arg17[%get3A_321, %get3A_322] {strides = array<i32>} : memref<128x128xf32, #tpu.memory_space<vmem>>, vector<16xf32>,
          %mul3A_324 = arith.mulf %get3A_323, %gather3A_306 : vector<16xf32>
          %swap3A_325 = arith.index_cast %add3A_301 : i32 to index
          %swap3A_326 = arith.constant 32 : index
          %swap3A_327 = tpu.vector_load %arg17[%swap3A_325, %swap3A_326] {strides = array<i32>} : memref<128x128xf32, #tpu.memory_space<vmem>>, vector<16xf32>,
          tpu.vector_store %arg17[%swap3A_325, %swap3A_326], %mul3A_324 {strides = array<i32>} : memref<128x128xf32, #tpu.memory_space<vmem>>, vector<16xf32>,
          %get3A_328 = arith.index_cast %add3A_301 : i32 to index
          %get3A_329 = arith.constant 48 : index
          %get3A_330 = tpu.vector_load %arg17[%get3A_328, %get3A_329] {strides = array<i32>} : memref<128x128xf32, #tpu.memory_space<vmem>>, vector<16xf32>,
          %mul3A_331 = arith.mulf %get3A_330, %gather3A_306 : vector<16xf32>
          %swap3A_332 = arith.index_cast %add3A_301 : i32 to index
          %swap3A_333 = arith.constant 48 : index
          %swap3A_334 = tpu.vector_load %arg17[%swap3A_332, %swap3A_333] {strides = array<i32>} : memref<128x128xf32, #tpu.memory_space<vmem>>, vector<16xf32>,
          tpu.vector_store %arg17[%swap3A_332, %swap3A_333], %mul3A_331 {strides = array<i32>} : memref<128x128xf32, #tpu.memory_space<vmem>>, vector<16xf32>,
          %get3A_335 = arith.index_cast %add3A_301 : i32 to index
          %get3A_336 = arith.constant 64 : index
          %get3A_337 = tpu.vector_load %arg17[%get3A_335, %get3A_336] {strides = array<i32>} : memref<128x128xf32, #tpu.memory_space<vmem>>, vector<16xf32>,
          %mul3A_338 = arith.mulf %get3A_337, %gather3A_306 : vector<16xf32>
          %swap3A_339 = arith.index_cast %add3A_301 : i32 to index
          %swap3A_340 = arith.constant 64 : index
          %swap3A_341 = tpu.vector_load %arg17[%swap3A_339, %swap3A_340] {strides = array<i32>} : memref<128x128xf32, #tpu.memory_space<vmem>>, vector<16xf32>,
          tpu.vector_store %arg17[%swap3A_339, %swap3A_340], %mul3A_338 {strides = array<i32>} : memref<128x128xf32, #tpu.memory_space<vmem>>, vector<16xf32>,
          %get3A_342 = arith.index_cast %add3A_301 : i32 to index
          %get3A_343 = arith.constant 80 : index
          %get3A_344 = tpu.vector_load %arg17[%get3A_342, %get3A_343] {strides = array<i32>} : memref<128x128xf32, #tpu.memory_space<vmem>>, vector<16xf32>,
          %mul3A_345 = arith.mulf %get3A_344, %gather3A_306 : vector<16xf32>
          %swap3A_346 = arith.index_cast %add3A_301 : i32 to index
          %swap3A_347 = arith.constant 80 : index
          %swap3A_348 = tpu.vector_load %arg17[%swap3A_346, %swap3A_347] {strides = array<i32>} : memref<128x128xf32, #tpu.memory_space<vmem>>, vector<16xf32>,
          tpu.vector_store %arg17[%swap3A_346, %swap3A_347], %mul3A_345 {strides = array<i32>} : memref<128x128xf32, #tpu.memory_space<vmem>>, vector<16xf32>,
          %get3A_349 = arith.index_cast %add3A_301 : i32 to index
          %get3A_350 = arith.constant 96 : index
          %get3A_351 = tpu.vector_load %arg17[%get3A_349, %get3A_350] {strides = array<i32>} : memref<128x128xf32, #tpu.memory_space<vmem>>, vector<16xf32>,
          %mul3A_352 = arith.mulf %get3A_351, %gather3A_306 : vector<16xf32>
          %swap3A_353 = arith.index_cast %add3A_301 : i32 to index
          %swap3A_354 = arith.constant 96 : index
          %swap3A_355 = tpu.vector_load %arg17[%swap3A_353, %swap3A_354] {strides = array<i32>} : memref<128x128xf32, #tpu.memory_space<vmem>>, vector<16xf32>,
          tpu.vector_store %arg17[%swap3A_353, %swap3A_354], %mul3A_352 {strides = array<i32>} : memref<128x128xf32, #tpu.memory_space<vmem>>, vector<16xf32>,
          %get3A_356 = arith.index_cast %add3A_301 : i32 to index
          %get3A_357 = arith.constant 112 : index
          %get3A_358 = tpu.vector_load %arg17[%get3A_356, %get3A_357] {strides = array<i32>} : memref<128x128xf32, #tpu.memory_space<vmem>>, vector<16xf32>,
          %mul3A_359 = arith.mulf %get3A_358, %gather3A_306 : vector<16xf32>
          %swap3A_360 = arith.index_cast %add3A_301 : i32 to index
          %swap3A_361 = arith.constant 112 : index
          %swap3A_362 = tpu.vector_load %arg17[%swap3A_360, %swap3A_361] {strides = array<i32>} : memref<128x128xf32, #tpu.memory_space<vmem>>, vector<16xf32>,
          tpu.vector_store %arg17[%swap3A_360, %swap3A_361], %mul3A_359 {strides = array<i32>} : memref<128x128xf32, #tpu.memory_space<vmem>>, vector<16xf32>,
        }
        %scan3A_85 = arith.constant 32 : i32
        "tpu.region"() ({
          %run_scoped3A = tpu.sem_alloc : memref<!tpu.dma_semaphore, #tpu.memory_space<semaphore_mem>>
          %dma_start3A_106 = arith.constant 0 : i32
          %dma_start3A_107 = tpu.memref_slice %arg16[%mul3A_66, %dma_start3A_106] : memref<8x128xi32, #tpu.memory_space<vmem>> -> memref<1x128xi32, #tpu.memory_space<vmem>>
          %dma_start3A_108 = tpu.memref_squeeze %dma_start3A_107 : memref<1x128xi32, #tpu.memory_space<vmem>> -> memref<128xi32, #tpu.memory_space<vmem>>
          %dma_start3A_109 = arith.constant 0 : i32
          %dma_start3A_110 = arith.constant 0 : i32
          %dma_start3A_111 = tpu.memref_slice %arg19[%dma_start3A_109, %dma_start3A_110] : memref<10112x128xf32, #tpu.memory_space<vmem_shared>> -> memref<10112x128xf32, #tpu.memory_space<vmem_shared>>
          tpu.enqueue_indirect_dma source(%arg17 : memref<128x128xf32, #tpu.memory_space<vmem>>) target(%dma_start3A_111 : memref<10112x128xf32, #tpu.memory_space<vmem_shared>>) offsets(%dma_start3A_108 : memref<128xi32, #tpu.memory_space<vmem>>) semaphore(%run_scoped3A : memref<!tpu.dma_semaphore, #tpu.memory_space<semaphore_mem>>) {add = true}
          %dma_wait3A_112 = arith.constant 0 : i32
          %dma_wait3A_113 = tpu.memref_slice %arg16[%mul3A_66, %dma_wait3A_112] : memref<8x128xi32, #tpu.memory_space<vmem>> -> memref<1x128xi32, #tpu.memory_space<vmem>>
          %dma_wait3A_114 = tpu.memref_squeeze %dma_wait3A_113 : memref<1x128xi32, #tpu.memory_space<vmem>> -> memref<128xi32, #tpu.memory_space<vmem>>
          %dma_wait3A_115 = arith.constant 0 : i32
          %dma_wait3A_116 = arith.constant 0 : i32
          %dma_wait3A_117 = tpu.memref_slice %arg19[%dma_wait3A_115, %dma_wait3A_116] : memref<10112x128xf32, #tpu.memory_space<vmem_shared>> -> memref<10112x128xf32, #tpu.memory_space<vmem_shared>>
          tpu.wait_indirect_dma semaphore(%run_scoped3A : memref<!tpu.dma_semaphore, #tpu.memory_space<semaphore_mem>>) src(%arg17 : memref<128x128xf32, #tpu.memory_space<vmem>>) dst(%dma_wait3A_117 : memref<10112x128xf32, #tpu.memory_space<vmem_shared>>)
          tpu.yield
        }) : () -> ()
        %add3A_86 = arith.constant 1 : i32
        %add3A_87 = arith.addi %scan3A_64, %add3A_86 : i32
        %lt3A = arith.constant 4 : i32
        %lt3A_88 = arith.cmpi slt, %add3A_87, %lt3A : i32
        %convert_element_type3A = arith.extui %lt3A_88 : i1 to i32
        %cond3A = arith.constant 0 : i32
        %cond3A_89 = arith.cmpi ne, %convert_element_type3A, %cond3A : i32
        scf.if %cond3A_89 {
          %add3A_106 = arith.constant 2 : i32
          %add3A_107 = arith.addi %mul3A_66, %add3A_106 : i32
          %dma_start3A_108 = arith.constant 0 : i32
          %dma_start3A_109 = tpu.memref_slice %arg15[%add3A_107, %dma_start3A_108] : memref<8x128xi32, #tpu.memory_space<vmem>> -> memref<1x128xi32, #tpu.memory_space<vmem>>
          %dma_start3A_110 = tpu.memref_squeeze %dma_start3A_109 : memref<1x128xi32, #tpu.memory_space<vmem>> -> memref<128xi32, #tpu.memory_space<vmem>>
          %dma_start3A_111 = arith.constant 0 : i32
          %dma_start3A_112 = arith.constant 0 : i32
          %dma_start3A_113 = tpu.memref_slice %arg2[%dma_start3A_111, %dma_start3A_112] : memref<10112x128xf32, #tpu.memory_space<hbm>> -> memref<10112x128xf32, #tpu.memory_space<hbm>>
          tpu.enqueue_indirect_dma source(%dma_start3A_113 : memref<10112x128xf32, #tpu.memory_space<hbm>>) target(%arg17 : memref<128x128xf32, #tpu.memory_space<vmem>>) offsets(%dma_start3A_110 : memref<128xi32, #tpu.memory_space<vmem>>) semaphore(%arg20 : memref<!tpu.dma_semaphore, #tpu.memory_space<semaphore_mem>>)
        } else {
        }
        %add3A_90 = arith.constant 1 : i32
        %add3A_91 = arith.addi %mul3A_66, %add3A_90 : i32
        %dma_wait3A_92 = arith.constant 0 : i32
        %dma_wait3A_93 = tpu.memref_slice %arg15[%add3A_91, %dma_wait3A_92] : memref<8x128xi32, #tpu.memory_space<vmem>> -> memref<1x128xi32, #tpu.memory_space<vmem>>
        %dma_wait3A_94 = tpu.memref_squeeze %dma_wait3A_93 : memref<1x128xi32, #tpu.memory_space<vmem>> -> memref<128xi32, #tpu.memory_space<vmem>>
        %dma_wait3A_95 = arith.constant 0 : i32
        %dma_wait3A_96 = arith.constant 0 : i32
        %dma_wait3A_97 = tpu.memref_slice %arg2[%dma_wait3A_95, %dma_wait3A_96] : memref<10112x128xf32, #tpu.memory_space<hbm>> -> memref<10112x128xf32, #tpu.memory_space<hbm>>
        tpu.wait_indirect_dma semaphore(%arg21 : memref<!tpu.dma_semaphore, #tpu.memory_space<semaphore_mem>>) src(%dma_wait3A_97 : memref<10112x128xf32, #tpu.memory_space<hbm>>) dst(%arg18 : memref<128x128xf32, #tpu.memory_space<vmem>>)
        %add3A_98 = arith.constant 1 : i32
        %add3A_99 = arith.addi %mul3A_66, %add3A_98 : i32
        %scan3A_100 = arith.constant 0 : i32
        %scan3A_101 = arith.constant 0 : i32
        %scan3A_102 = arith.constant 32 : i32
        %scan3A_103 = arith.addi %scan3A_101, %scan3A_102 : i32
        %scan3A_104 = arith.constant 1 : i32
        scf.for %scan3A_106 = %scan3A_101 to %scan3A_103 step %scan3A_104  : i32 {
          %mul3A_107 = arith.constant 4 : i32
          %mul3A_108 = arith.muli %scan3A_106, %mul3A_107 : i32
          %add3A_109 = arith.constant 0 : i32
          %add3A_110 = arith.addi %mul3A_108, %add3A_109 : i32
          %mul3A_111 = arith.constant 128 : i32
          %mul3A_112 = arith.muli %add3A_99, %mul3A_111 : i32
          %add3A_113 = arith.addi %mul3A_112, %add3A_110 : i32
          %broadcast_in_dim3A = vector.broadcast %add3A_113 : i32 to vector<16xi32>
          %gather3A = tpu.vector_load_idx %arg13[%broadcast_in_dim3A] : memref<1024xf32, #tpu.memory_space<vmem>>[vector<16xi32>], vector<16xf32>,
          %get3A = arith.index_cast %add3A_110 : i32 to index
          %get3A_114 = arith.constant 0 : index
          %get3A_115 = tpu.vector_load %arg18[%get3A, %get3A_114] {strides = array<i32>} : memref<128x128xf32, #tpu.memory_space<vmem>>, vector<16xf32>,
          %mul3A_116 = arith.mulf %get3A_115, %gather3A : vector<16xf32>
          %swap3A = arith.index_cast %add3A_110 : i32 to index
          %swap3A_117 = arith.constant 0 : index
          %swap3A_118 = tpu.vector_load %arg18[%swap3A, %swap3A_117] {strides = array<i32>} : memref<128x128xf32, #tpu.memory_space<vmem>>, vector<16xf32>,
          tpu.vector_store %arg18[%swap3A, %swap3A_117], %mul3A_116 {strides = array<i32>} : memref<128x128xf32, #tpu.memory_space<vmem>>, vector<16xf32>,
          %get3A_119 = arith.index_cast %add3A_110 : i32 to index
          %get3A_120 = arith.constant 16 : index
          %get3A_121 = tpu.vector_load %arg18[%get3A_119, %get3A_120] {strides = array<i32>} : memref<128x128xf32, #tpu.memory_space<vmem>>, vector<16xf32>,
          %mul3A_122 = arith.mulf %get3A_121, %gather3A : vector<16xf32>
          %swap3A_123 = arith.index_cast %add3A_110 : i32 to index
          %swap3A_124 = arith.constant 16 : index
          %swap3A_125 = tpu.vector_load %arg18[%swap3A_123, %swap3A_124] {strides = array<i32>} : memref<128x128xf32, #tpu.memory_space<vmem>>, vector<16xf32>,
          tpu.vector_store %arg18[%swap3A_123, %swap3A_124], %mul3A_122 {strides = array<i32>} : memref<128x128xf32, #tpu.memory_space<vmem>>, vector<16xf32>,
          %get3A_126 = arith.index_cast %add3A_110 : i32 to index
          %get3A_127 = arith.constant 32 : index
          %get3A_128 = tpu.vector_load %arg18[%get3A_126, %get3A_127] {strides = array<i32>} : memref<128x128xf32, #tpu.memory_space<vmem>>, vector<16xf32>,
          %mul3A_129 = arith.mulf %get3A_128, %gather3A : vector<16xf32>
          %swap3A_130 = arith.index_cast %add3A_110 : i32 to index
          %swap3A_131 = arith.constant 32 : index
          %swap3A_132 = tpu.vector_load %arg18[%swap3A_130, %swap3A_131] {strides = array<i32>} : memref<128x128xf32, #tpu.memory_space<vmem>>, vector<16xf32>,
          tpu.vector_store %arg18[%swap3A_130, %swap3A_131], %mul3A_129 {strides = array<i32>} : memref<128x128xf32, #tpu.memory_space<vmem>>, vector<16xf32>,
          %get3A_133 = arith.index_cast %add3A_110 : i32 to index
          %get3A_134 = arith.constant 48 : index
          %get3A_135 = tpu.vector_load %arg18[%get3A_133, %get3A_134] {strides = array<i32>} : memref<128x128xf32, #tpu.memory_space<vmem>>, vector<16xf32>,
          %mul3A_136 = arith.mulf %get3A_135, %gather3A : vector<16xf32>
          %swap3A_137 = arith.index_cast %add3A_110 : i32 to index
          %swap3A_138 = arith.constant 48 : index
          %swap3A_139 = tpu.vector_load %arg18[%swap3A_137, %swap3A_138] {strides = array<i32>} : memref<128x128xf32, #tpu.memory_space<vmem>>, vector<16xf32>,
          tpu.vector_store %arg18[%swap3A_137, %swap3A_138], %mul3A_136 {strides = array<i32>} : memref<128x128xf32, #tpu.memory_space<vmem>>, vector<16xf32>,
          %get3A_140 = arith.index_cast %add3A_110 : i32 to index
          %get3A_141 = arith.constant 64 : index
          %get3A_142 = tpu.vector_load %arg18[%get3A_140, %get3A_141] {strides = array<i32>} : memref<128x128xf32, #tpu.memory_space<vmem>>, vector<16xf32>,
          %mul3A_143 = arith.mulf %get3A_142, %gather3A : vector<16xf32>
          %swap3A_144 = arith.index_cast %add3A_110 : i32 to index
          %swap3A_145 = arith.constant 64 : index
          %swap3A_146 = tpu.vector_load %arg18[%swap3A_144, %swap3A_145] {strides = array<i32>} : memref<128x128xf32, #tpu.memory_space<vmem>>, vector<16xf32>,
          tpu.vector_store %arg18[%swap3A_144, %swap3A_145], %mul3A_143 {strides = array<i32>} : memref<128x128xf32, #tpu.memory_space<vmem>>, vector<16xf32>,
          %get3A_147 = arith.index_cast %add3A_110 : i32 to index
          %get3A_148 = arith.constant 80 : index
          %get3A_149 = tpu.vector_load %arg18[%get3A_147, %get3A_148] {strides = array<i32>} : memref<128x128xf32, #tpu.memory_space<vmem>>, vector<16xf32>,
          %mul3A_150 = arith.mulf %get3A_149, %gather3A : vector<16xf32>
          %swap3A_151 = arith.index_cast %add3A_110 : i32 to index
          %swap3A_152 = arith.constant 80 : index
          %swap3A_153 = tpu.vector_load %arg18[%swap3A_151, %swap3A_152] {strides = array<i32>} : memref<128x128xf32, #tpu.memory_space<vmem>>, vector<16xf32>,
          tpu.vector_store %arg18[%swap3A_151, %swap3A_152], %mul3A_150 {strides = array<i32>} : memref<128x128xf32, #tpu.memory_space<vmem>>, vector<16xf32>,
          %get3A_154 = arith.index_cast %add3A_110 : i32 to index
          %get3A_155 = arith.constant 96 : index
          %get3A_156 = tpu.vector_load %arg18[%get3A_154, %get3A_155] {strides = array<i32>} : memref<128x128xf32, #tpu.memory_space<vmem>>, vector<16xf32>,
          %mul3A_157 = arith.mulf %get3A_156, %gather3A : vector<16xf32>
          %swap3A_158 = arith.index_cast %add3A_110 : i32 to index
          %swap3A_159 = arith.constant 96 : index
          %swap3A_160 = tpu.vector_load %arg18[%swap3A_158, %swap3A_159] {strides = array<i32>} : memref<128x128xf32, #tpu.memory_space<vmem>>, vector<16xf32>,
          tpu.vector_store %arg18[%swap3A_158, %swap3A_159], %mul3A_157 {strides = array<i32>} : memref<128x128xf32, #tpu.memory_space<vmem>>, vector<16xf32>,
          %get3A_161 = arith.index_cast %add3A_110 : i32 to index
          %get3A_162 = arith.constant 112 : index
          %get3A_163 = tpu.vector_load %arg18[%get3A_161, %get3A_162] {strides = array<i32>} : memref<128x128xf32, #tpu.memory_space<vmem>>, vector<16xf32>,
          %mul3A_164 = arith.mulf %get3A_163, %gather3A : vector<16xf32>
          %swap3A_165 = arith.index_cast %add3A_110 : i32 to index
          %swap3A_166 = arith.constant 112 : index
          %swap3A_167 = tpu.vector_load %arg18[%swap3A_165, %swap3A_166] {strides = array<i32>} : memref<128x128xf32, #tpu.memory_space<vmem>>, vector<16xf32>,
          tpu.vector_store %arg18[%swap3A_165, %swap3A_166], %mul3A_164 {strides = array<i32>} : memref<128x128xf32, #tpu.memory_space<vmem>>, vector<16xf32>,
          %mul3A_168 = arith.constant 4 : i32
          %mul3A_169 = arith.muli %scan3A_106, %mul3A_168 : i32
          %add3A_170 = arith.constant 1 : i32
          %add3A_171 = arith.addi %mul3A_169, %add3A_170 : i32
          %mul3A_172 = arith.constant 128 : i32
          %mul3A_173 = arith.muli %add3A_99, %mul3A_172 : i32
          %add3A_174 = arith.addi %mul3A_173, %add3A_171 : i32
          %broadcast_in_dim3A_175 = vector.broadcast %add3A_174 : i32 to vector<16xi32>
          %gather3A_176 = tpu.vector_load_idx %arg13[%broadcast_in_dim3A_175] : memref<1024xf32, #tpu.memory_space<vmem>>[vector<16xi32>], vector<16xf32>,
          %get3A_177 = arith.index_cast %add3A_171 : i32 to index
          %get3A_178 = arith.constant 0 : index
          %get3A_179 = tpu.vector_load %arg18[%get3A_177, %get3A_178] {strides = array<i32>} : memref<128x128xf32, #tpu.memory_space<vmem>>, vector<16xf32>,
          %mul3A_180 = arith.mulf %get3A_179, %gather3A_176 : vector<16xf32>
          %swap3A_181 = arith.index_cast %add3A_171 : i32 to index
          %swap3A_182 = arith.constant 0 : index
          %swap3A_183 = tpu.vector_load %arg18[%swap3A_181, %swap3A_182] {strides = array<i32>} : memref<128x128xf32, #tpu.memory_space<vmem>>, vector<16xf32>,
          tpu.vector_store %arg18[%swap3A_181, %swap3A_182], %mul3A_180 {strides = array<i32>} : memref<128x128xf32, #tpu.memory_space<vmem>>, vector<16xf32>,
          %get3A_184 = arith.index_cast %add3A_171 : i32 to index
          %get3A_185 = arith.constant 16 : index
          %get3A_186 = tpu.vector_load %arg18[%get3A_184, %get3A_185] {strides = array<i32>} : memref<128x128xf32, #tpu.memory_space<vmem>>, vector<16xf32>,
          %mul3A_187 = arith.mulf %get3A_186, %gather3A_176 : vector<16xf32>
          %swap3A_188 = arith.index_cast %add3A_171 : i32 to index
          %swap3A_189 = arith.constant 16 : index
          %swap3A_190 = tpu.vector_load %arg18[%swap3A_188, %swap3A_189] {strides = array<i32>} : memref<128x128xf32, #tpu.memory_space<vmem>>, vector<16xf32>,
          tpu.vector_store %arg18[%swap3A_188, %swap3A_189], %mul3A_187 {strides = array<i32>} : memref<128x128xf32, #tpu.memory_space<vmem>>, vector<16xf32>,
          %get3A_191 = arith.index_cast %add3A_171 : i32 to index
          %get3A_192 = arith.constant 32 : index
          %get3A_193 = tpu.vector_load %arg18[%get3A_191, %get3A_192] {strides = array<i32>} : memref<128x128xf32, #tpu.memory_space<vmem>>, vector<16xf32>,
          %mul3A_194 = arith.mulf %get3A_193, %gather3A_176 : vector<16xf32>
          %swap3A_195 = arith.index_cast %add3A_171 : i32 to index
          %swap3A_196 = arith.constant 32 : index
          %swap3A_197 = tpu.vector_load %arg18[%swap3A_195, %swap3A_196] {strides = array<i32>} : memref<128x128xf32, #tpu.memory_space<vmem>>, vector<16xf32>,
          tpu.vector_store %arg18[%swap3A_195, %swap3A_196], %mul3A_194 {strides = array<i32>} : memref<128x128xf32, #tpu.memory_space<vmem>>, vector<16xf32>,
          %get3A_198 = arith.index_cast %add3A_171 : i32 to index
          %get3A_199 = arith.constant 48 : index
          %get3A_200 = tpu.vector_load %arg18[%get3A_198, %get3A_199] {strides = array<i32>} : memref<128x128xf32, #tpu.memory_space<vmem>>, vector<16xf32>,
          %mul3A_201 = arith.mulf %get3A_200, %gather3A_176 : vector<16xf32>
          %swap3A_202 = arith.index_cast %add3A_171 : i32 to index
          %swap3A_203 = arith.constant 48 : index
          %swap3A_204 = tpu.vector_load %arg18[%swap3A_202, %swap3A_203] {strides = array<i32>} : memref<128x128xf32, #tpu.memory_space<vmem>>, vector<16xf32>,
          tpu.vector_store %arg18[%swap3A_202, %swap3A_203], %mul3A_201 {strides = array<i32>} : memref<128x128xf32, #tpu.memory_space<vmem>>, vector<16xf32>,
          %get3A_205 = arith.index_cast %add3A_171 : i32 to index
          %get3A_206 = arith.constant 64 : index
          %get3A_207 = tpu.vector_load %arg18[%get3A_205, %get3A_206] {strides = array<i32>} : memref<128x128xf32, #tpu.memory_space<vmem>>, vector<16xf32>,
          %mul3A_208 = arith.mulf %get3A_207, %gather3A_176 : vector<16xf32>
          %swap3A_209 = arith.index_cast %add3A_171 : i32 to index
          %swap3A_210 = arith.constant 64 : index
          %swap3A_211 = tpu.vector_load %arg18[%swap3A_209, %swap3A_210] {strides = array<i32>} : memref<128x128xf32, #tpu.memory_space<vmem>>, vector<16xf32>,
          tpu.vector_store %arg18[%swap3A_209, %swap3A_210], %mul3A_208 {strides = array<i32>} : memref<128x128xf32, #tpu.memory_space<vmem>>, vector<16xf32>,
          %get3A_212 = arith.index_cast %add3A_171 : i32 to index
          %get3A_213 = arith.constant 80 : index
          %get3A_214 = tpu.vector_load %arg18[%get3A_212, %get3A_213] {strides = array<i32>} : memref<128x128xf32, #tpu.memory_space<vmem>>, vector<16xf32>,
          %mul3A_215 = arith.mulf %get3A_214, %gather3A_176 : vector<16xf32>
          %swap3A_216 = arith.index_cast %add3A_171 : i32 to index
          %swap3A_217 = arith.constant 80 : index
          %swap3A_218 = tpu.vector_load %arg18[%swap3A_216, %swap3A_217] {strides = array<i32>} : memref<128x128xf32, #tpu.memory_space<vmem>>, vector<16xf32>,
          tpu.vector_store %arg18[%swap3A_216, %swap3A_217], %mul3A_215 {strides = array<i32>} : memref<128x128xf32, #tpu.memory_space<vmem>>, vector<16xf32>,
          %get3A_219 = arith.index_cast %add3A_171 : i32 to index
          %get3A_220 = arith.constant 96 : index
          %get3A_221 = tpu.vector_load %arg18[%get3A_219, %get3A_220] {strides = array<i32>} : memref<128x128xf32, #tpu.memory_space<vmem>>, vector<16xf32>,
          %mul3A_222 = arith.mulf %get3A_221, %gather3A_176 : vector<16xf32>
          %swap3A_223 = arith.index_cast %add3A_171 : i32 to index
          %swap3A_224 = arith.constant 96 : index
          %swap3A_225 = tpu.vector_load %arg18[%swap3A_223, %swap3A_224] {strides = array<i32>} : memref<128x128xf32, #tpu.memory_space<vmem>>, vector<16xf32>,
          tpu.vector_store %arg18[%swap3A_223, %swap3A_224], %mul3A_222 {strides = array<i32>} : memref<128x128xf32, #tpu.memory_space<vmem>>, vector<16xf32>,
          %get3A_226 = arith.index_cast %add3A_171 : i32 to index
          %get3A_227 = arith.constant 112 : index
          %get3A_228 = tpu.vector_load %arg18[%get3A_226, %get3A_227] {strides = array<i32>} : memref<128x128xf32, #tpu.memory_space<vmem>>, vector<16xf32>,
          %mul3A_229 = arith.mulf %get3A_228, %gather3A_176 : vector<16xf32>
          %swap3A_230 = arith.index_cast %add3A_171 : i32 to index
          %swap3A_231 = arith.constant 112 : index
          %swap3A_232 = tpu.vector_load %arg18[%swap3A_230, %swap3A_231] {strides = array<i32>} : memref<128x128xf32, #tpu.memory_space<vmem>>, vector<16xf32>,
          tpu.vector_store %arg18[%swap3A_230, %swap3A_231], %mul3A_229 {strides = array<i32>} : memref<128x128xf32, #tpu.memory_space<vmem>>, vector<16xf32>,
          %mul3A_233 = arith.constant 4 : i32
          %mul3A_234 = arith.muli %scan3A_106, %mul3A_233 : i32
          %add3A_235 = arith.constant 2 : i32
          %add3A_236 = arith.addi %mul3A_234, %add3A_235 : i32
          %mul3A_237 = arith.constant 128 : i32
          %mul3A_238 = arith.muli %add3A_99, %mul3A_237 : i32
          %add3A_239 = arith.addi %mul3A_238, %add3A_236 : i32
          %broadcast_in_dim3A_240 = vector.broadcast %add3A_239 : i32 to vector<16xi32>
          %gather3A_241 = tpu.vector_load_idx %arg13[%broadcast_in_dim3A_240] : memref<1024xf32, #tpu.memory_space<vmem>>[vector<16xi32>], vector<16xf32>,
          %get3A_242 = arith.index_cast %add3A_236 : i32 to index
          %get3A_243 = arith.constant 0 : index
          %get3A_244 = tpu.vector_load %arg18[%get3A_242, %get3A_243] {strides = array<i32>} : memref<128x128xf32, #tpu.memory_space<vmem>>, vector<16xf32>,
          %mul3A_245 = arith.mulf %get3A_244, %gather3A_241 : vector<16xf32>
          %swap3A_246 = arith.index_cast %add3A_236 : i32 to index
          %swap3A_247 = arith.constant 0 : index
          %swap3A_248 = tpu.vector_load %arg18[%swap3A_246, %swap3A_247] {strides = array<i32>} : memref<128x128xf32, #tpu.memory_space<vmem>>, vector<16xf32>,
          tpu.vector_store %arg18[%swap3A_246, %swap3A_247], %mul3A_245 {strides = array<i32>} : memref<128x128xf32, #tpu.memory_space<vmem>>, vector<16xf32>,
          %get3A_249 = arith.index_cast %add3A_236 : i32 to index
          %get3A_250 = arith.constant 16 : index
          %get3A_251 = tpu.vector_load %arg18[%get3A_249, %get3A_250] {strides = array<i32>} : memref<128x128xf32, #tpu.memory_space<vmem>>, vector<16xf32>,
          %mul3A_252 = arith.mulf %get3A_251, %gather3A_241 : vector<16xf32>
          %swap3A_253 = arith.index_cast %add3A_236 : i32 to index
          %swap3A_254 = arith.constant 16 : index
          %swap3A_255 = tpu.vector_load %arg18[%swap3A_253, %swap3A_254] {strides = array<i32>} : memref<128x128xf32, #tpu.memory_space<vmem>>, vector<16xf32>,
          tpu.vector_store %arg18[%swap3A_253, %swap3A_254], %mul3A_252 {strides = array<i32>} : memref<128x128xf32, #tpu.memory_space<vmem>>, vector<16xf32>,
          %get3A_256 = arith.index_cast %add3A_236 : i32 to index
          %get3A_257 = arith.constant 32 : index
          %get3A_258 = tpu.vector_load %arg18[%get3A_256, %get3A_257] {strides = array<i32>} : memref<128x128xf32, #tpu.memory_space<vmem>>, vector<16xf32>,
          %mul3A_259 = arith.mulf %get3A_258, %gather3A_241 : vector<16xf32>
          %swap3A_260 = arith.index_cast %add3A_236 : i32 to index
          %swap3A_261 = arith.constant 32 : index
          %swap3A_262 = tpu.vector_load %arg18[%swap3A_260, %swap3A_261] {strides = array<i32>} : memref<128x128xf32, #tpu.memory_space<vmem>>, vector<16xf32>,
          tpu.vector_store %arg18[%swap3A_260, %swap3A_261], %mul3A_259 {strides = array<i32>} : memref<128x128xf32, #tpu.memory_space<vmem>>, vector<16xf32>,
          %get3A_263 = arith.index_cast %add3A_236 : i32 to index
          %get3A_264 = arith.constant 48 : index
          %get3A_265 = tpu.vector_load %arg18[%get3A_263, %get3A_264] {strides = array<i32>} : memref<128x128xf32, #tpu.memory_space<vmem>>, vector<16xf32>,
          %mul3A_266 = arith.mulf %get3A_265, %gather3A_241 : vector<16xf32>
          %swap3A_267 = arith.index_cast %add3A_236 : i32 to index
          %swap3A_268 = arith.constant 48 : index
          %swap3A_269 = tpu.vector_load %arg18[%swap3A_267, %swap3A_268] {strides = array<i32>} : memref<128x128xf32, #tpu.memory_space<vmem>>, vector<16xf32>,
          tpu.vector_store %arg18[%swap3A_267, %swap3A_268], %mul3A_266 {strides = array<i32>} : memref<128x128xf32, #tpu.memory_space<vmem>>, vector<16xf32>,
          %get3A_270 = arith.index_cast %add3A_236 : i32 to index
          %get3A_271 = arith.constant 64 : index
          %get3A_272 = tpu.vector_load %arg18[%get3A_270, %get3A_271] {strides = array<i32>} : memref<128x128xf32, #tpu.memory_space<vmem>>, vector<16xf32>,
          %mul3A_273 = arith.mulf %get3A_272, %gather3A_241 : vector<16xf32>
          %swap3A_274 = arith.index_cast %add3A_236 : i32 to index
          %swap3A_275 = arith.constant 64 : index
          %swap3A_276 = tpu.vector_load %arg18[%swap3A_274, %swap3A_275] {strides = array<i32>} : memref<128x128xf32, #tpu.memory_space<vmem>>, vector<16xf32>,
          tpu.vector_store %arg18[%swap3A_274, %swap3A_275], %mul3A_273 {strides = array<i32>} : memref<128x128xf32, #tpu.memory_space<vmem>>, vector<16xf32>,
          %get3A_277 = arith.index_cast %add3A_236 : i32 to index
          %get3A_278 = arith.constant 80 : index
          %get3A_279 = tpu.vector_load %arg18[%get3A_277, %get3A_278] {strides = array<i32>} : memref<128x128xf32, #tpu.memory_space<vmem>>, vector<16xf32>,
          %mul3A_280 = arith.mulf %get3A_279, %gather3A_241 : vector<16xf32>
          %swap3A_281 = arith.index_cast %add3A_236 : i32 to index
          %swap3A_282 = arith.constant 80 : index
          %swap3A_283 = tpu.vector_load %arg18[%swap3A_281, %swap3A_282] {strides = array<i32>} : memref<128x128xf32, #tpu.memory_space<vmem>>, vector<16xf32>,
          tpu.vector_store %arg18[%swap3A_281, %swap3A_282], %mul3A_280 {strides = array<i32>} : memref<128x128xf32, #tpu.memory_space<vmem>>, vector<16xf32>,
          %get3A_284 = arith.index_cast %add3A_236 : i32 to index
          %get3A_285 = arith.constant 96 : index
          %get3A_286 = tpu.vector_load %arg18[%get3A_284, %get3A_285] {strides = array<i32>} : memref<128x128xf32, #tpu.memory_space<vmem>>, vector<16xf32>,
          %mul3A_287 = arith.mulf %get3A_286, %gather3A_241 : vector<16xf32>
          %swap3A_288 = arith.index_cast %add3A_236 : i32 to index
          %swap3A_289 = arith.constant 96 : index
          %swap3A_290 = tpu.vector_load %arg18[%swap3A_288, %swap3A_289] {strides = array<i32>} : memref<128x128xf32, #tpu.memory_space<vmem>>, vector<16xf32>,
          tpu.vector_store %arg18[%swap3A_288, %swap3A_289], %mul3A_287 {strides = array<i32>} : memref<128x128xf32, #tpu.memory_space<vmem>>, vector<16xf32>,
          %get3A_291 = arith.index_cast %add3A_236 : i32 to index
          %get3A_292 = arith.constant 112 : index
          %get3A_293 = tpu.vector_load %arg18[%get3A_291, %get3A_292] {strides = array<i32>} : memref<128x128xf32, #tpu.memory_space<vmem>>, vector<16xf32>,
          %mul3A_294 = arith.mulf %get3A_293, %gather3A_241 : vector<16xf32>
          %swap3A_295 = arith.index_cast %add3A_236 : i32 to index
          %swap3A_296 = arith.constant 112 : index
          %swap3A_297 = tpu.vector_load %arg18[%swap3A_295, %swap3A_296] {strides = array<i32>} : memref<128x128xf32, #tpu.memory_space<vmem>>, vector<16xf32>,
          tpu.vector_store %arg18[%swap3A_295, %swap3A_296], %mul3A_294 {strides = array<i32>} : memref<128x128xf32, #tpu.memory_space<vmem>>, vector<16xf32>,
          %mul3A_298 = arith.constant 4 : i32
          %mul3A_299 = arith.muli %scan3A_106, %mul3A_298 : i32
          %add3A_300 = arith.constant 3 : i32
          %add3A_301 = arith.addi %mul3A_299, %add3A_300 : i32
          %mul3A_302 = arith.constant 128 : i32
          %mul3A_303 = arith.muli %add3A_99, %mul3A_302 : i32
          %add3A_304 = arith.addi %mul3A_303, %add3A_301 : i32
          %broadcast_in_dim3A_305 = vector.broadcast %add3A_304 : i32 to vector<16xi32>
          %gather3A_306 = tpu.vector_load_idx %arg13[%broadcast_in_dim3A_305] : memref<1024xf32, #tpu.memory_space<vmem>>[vector<16xi32>], vector<16xf32>,
          %get3A_307 = arith.index_cast %add3A_301 : i32 to index
          %get3A_308 = arith.constant 0 : index
          %get3A_309 = tpu.vector_load %arg18[%get3A_307, %get3A_308] {strides = array<i32>} : memref<128x128xf32, #tpu.memory_space<vmem>>, vector<16xf32>,
          %mul3A_310 = arith.mulf %get3A_309, %gather3A_306 : vector<16xf32>
          %swap3A_311 = arith.index_cast %add3A_301 : i32 to index
          %swap3A_312 = arith.constant 0 : index
          %swap3A_313 = tpu.vector_load %arg18[%swap3A_311, %swap3A_312] {strides = array<i32>} : memref<128x128xf32, #tpu.memory_space<vmem>>, vector<16xf32>,
          tpu.vector_store %arg18[%swap3A_311, %swap3A_312], %mul3A_310 {strides = array<i32>} : memref<128x128xf32, #tpu.memory_space<vmem>>, vector<16xf32>,
          %get3A_314 = arith.index_cast %add3A_301 : i32 to index
          %get3A_315 = arith.constant 16 : index
          %get3A_316 = tpu.vector_load %arg18[%get3A_314, %get3A_315] {strides = array<i32>} : memref<128x128xf32, #tpu.memory_space<vmem>>, vector<16xf32>,
          %mul3A_317 = arith.mulf %get3A_316, %gather3A_306 : vector<16xf32>
          %swap3A_318 = arith.index_cast %add3A_301 : i32 to index
          %swap3A_319 = arith.constant 16 : index
          %swap3A_320 = tpu.vector_load %arg18[%swap3A_318, %swap3A_319] {strides = array<i32>} : memref<128x128xf32, #tpu.memory_space<vmem>>, vector<16xf32>,
          tpu.vector_store %arg18[%swap3A_318, %swap3A_319], %mul3A_317 {strides = array<i32>} : memref<128x128xf32, #tpu.memory_space<vmem>>, vector<16xf32>,
          %get3A_321 = arith.index_cast %add3A_301 : i32 to index
          %get3A_322 = arith.constant 32 : index
          %get3A_323 = tpu.vector_load %arg18[%get3A_321, %get3A_322] {strides = array<i32>} : memref<128x128xf32, #tpu.memory_space<vmem>>, vector<16xf32>,
          %mul3A_324 = arith.mulf %get3A_323, %gather3A_306 : vector<16xf32>
          %swap3A_325 = arith.index_cast %add3A_301 : i32 to index
          %swap3A_326 = arith.constant 32 : index
          %swap3A_327 = tpu.vector_load %arg18[%swap3A_325, %swap3A_326] {strides = array<i32>} : memref<128x128xf32, #tpu.memory_space<vmem>>, vector<16xf32>,
          tpu.vector_store %arg18[%swap3A_325, %swap3A_326], %mul3A_324 {strides = array<i32>} : memref<128x128xf32, #tpu.memory_space<vmem>>, vector<16xf32>,
          %get3A_328 = arith.index_cast %add3A_301 : i32 to index
          %get3A_329 = arith.constant 48 : index
          %get3A_330 = tpu.vector_load %arg18[%get3A_328, %get3A_329] {strides = array<i32>} : memref<128x128xf32, #tpu.memory_space<vmem>>, vector<16xf32>,
          %mul3A_331 = arith.mulf %get3A_330, %gather3A_306 : vector<16xf32>
          %swap3A_332 = arith.index_cast %add3A_301 : i32 to index
          %swap3A_333 = arith.constant 48 : index
          %swap3A_334 = tpu.vector_load %arg18[%swap3A_332, %swap3A_333] {strides = array<i32>} : memref<128x128xf32, #tpu.memory_space<vmem>>, vector<16xf32>,
          tpu.vector_store %arg18[%swap3A_332, %swap3A_333], %mul3A_331 {strides = array<i32>} : memref<128x128xf32, #tpu.memory_space<vmem>>, vector<16xf32>,
          %get3A_335 = arith.index_cast %add3A_301 : i32 to index
          %get3A_336 = arith.constant 64 : index
          %get3A_337 = tpu.vector_load %arg18[%get3A_335, %get3A_336] {strides = array<i32>} : memref<128x128xf32, #tpu.memory_space<vmem>>, vector<16xf32>,
          %mul3A_338 = arith.mulf %get3A_337, %gather3A_306 : vector<16xf32>
          %swap3A_339 = arith.index_cast %add3A_301 : i32 to index
          %swap3A_340 = arith.constant 64 : index
          %swap3A_341 = tpu.vector_load %arg18[%swap3A_339, %swap3A_340] {strides = array<i32>} : memref<128x128xf32, #tpu.memory_space<vmem>>, vector<16xf32>,
          tpu.vector_store %arg18[%swap3A_339, %swap3A_340], %mul3A_338 {strides = array<i32>} : memref<128x128xf32, #tpu.memory_space<vmem>>, vector<16xf32>,
          %get3A_342 = arith.index_cast %add3A_301 : i32 to index
          %get3A_343 = arith.constant 80 : index
          %get3A_344 = tpu.vector_load %arg18[%get3A_342, %get3A_343] {strides = array<i32>} : memref<128x128xf32, #tpu.memory_space<vmem>>, vector<16xf32>,
          %mul3A_345 = arith.mulf %get3A_344, %gather3A_306 : vector<16xf32>
          %swap3A_346 = arith.index_cast %add3A_301 : i32 to index
          %swap3A_347 = arith.constant 80 : index
          %swap3A_348 = tpu.vector_load %arg18[%swap3A_346, %swap3A_347] {strides = array<i32>} : memref<128x128xf32, #tpu.memory_space<vmem>>, vector<16xf32>,
          tpu.vector_store %arg18[%swap3A_346, %swap3A_347], %mul3A_345 {strides = array<i32>} : memref<128x128xf32, #tpu.memory_space<vmem>>, vector<16xf32>,
          %get3A_349 = arith.index_cast %add3A_301 : i32 to index
          %get3A_350 = arith.constant 96 : index
          %get3A_351 = tpu.vector_load %arg18[%get3A_349, %get3A_350] {strides = array<i32>} : memref<128x128xf32, #tpu.memory_space<vmem>>, vector<16xf32>,
          %mul3A_352 = arith.mulf %get3A_351, %gather3A_306 : vector<16xf32>
          %swap3A_353 = arith.index_cast %add3A_301 : i32 to index
          %swap3A_354 = arith.constant 96 : index
          %swap3A_355 = tpu.vector_load %arg18[%swap3A_353, %swap3A_354] {strides = array<i32>} : memref<128x128xf32, #tpu.memory_space<vmem>>, vector<16xf32>,
          tpu.vector_store %arg18[%swap3A_353, %swap3A_354], %mul3A_352 {strides = array<i32>} : memref<128x128xf32, #tpu.memory_space<vmem>>, vector<16xf32>,
          %get3A_356 = arith.index_cast %add3A_301 : i32 to index
          %get3A_357 = arith.constant 112 : index
          %get3A_358 = tpu.vector_load %arg18[%get3A_356, %get3A_357] {strides = array<i32>} : memref<128x128xf32, #tpu.memory_space<vmem>>, vector<16xf32>,
          %mul3A_359 = arith.mulf %get3A_358, %gather3A_306 : vector<16xf32>
          %swap3A_360 = arith.index_cast %add3A_301 : i32 to index
          %swap3A_361 = arith.constant 112 : index
          %swap3A_362 = tpu.vector_load %arg18[%swap3A_360, %swap3A_361] {strides = array<i32>} : memref<128x128xf32, #tpu.memory_space<vmem>>, vector<16xf32>,
          tpu.vector_store %arg18[%swap3A_360, %swap3A_361], %mul3A_359 {strides = array<i32>} : memref<128x128xf32, #tpu.memory_space<vmem>>, vector<16xf32>,
        }
        %scan3A_105 = arith.constant 32 : i32
        "tpu.region"() ({
          %run_scoped3A = tpu.sem_alloc : memref<!tpu.dma_semaphore, #tpu.memory_space<semaphore_mem>>
          %dma_start3A_106 = arith.constant 0 : i32
          %dma_start3A_107 = tpu.memref_slice %arg16[%add3A_99, %dma_start3A_106] : memref<8x128xi32, #tpu.memory_space<vmem>> -> memref<1x128xi32, #tpu.memory_space<vmem>>
          %dma_start3A_108 = tpu.memref_squeeze %dma_start3A_107 : memref<1x128xi32, #tpu.memory_space<vmem>> -> memref<128xi32, #tpu.memory_space<vmem>>
          %dma_start3A_109 = arith.constant 0 : i32
          %dma_start3A_110 = arith.constant 0 : i32
          %dma_start3A_111 = tpu.memref_slice %arg19[%dma_start3A_109, %dma_start3A_110] : memref<10112x128xf32, #tpu.memory_space<vmem_shared>> -> memref<10112x128xf32, #tpu.memory_space<vmem_shared>>
          tpu.enqueue_indirect_dma source(%arg18 : memref<128x128xf32, #tpu.memory_space<vmem>>) target(%dma_start3A_111 : memref<10112x128xf32, #tpu.memory_space<vmem_shared>>) offsets(%dma_start3A_108 : memref<128xi32, #tpu.memory_space<vmem>>) semaphore(%run_scoped3A : memref<!tpu.dma_semaphore, #tpu.memory_space<semaphore_mem>>) {add = true}
          %dma_wait3A_112 = arith.constant 0 : i32
          %dma_wait3A_113 = tpu.memref_slice %arg16[%add3A_99, %dma_wait3A_112] : memref<8x128xi32, #tpu.memory_space<vmem>> -> memref<1x128xi32, #tpu.memory_space<vmem>>
          %dma_wait3A_114 = tpu.memref_squeeze %dma_wait3A_113 : memref<1x128xi32, #tpu.memory_space<vmem>> -> memref<128xi32, #tpu.memory_space<vmem>>
          %dma_wait3A_115 = arith.constant 0 : i32
          %dma_wait3A_116 = arith.constant 0 : i32
          %dma_wait3A_117 = tpu.memref_slice %arg19[%dma_wait3A_115, %dma_wait3A_116] : memref<10112x128xf32, #tpu.memory_space<vmem_shared>> -> memref<10112x128xf32, #tpu.memory_space<vmem_shared>>
          tpu.wait_indirect_dma semaphore(%run_scoped3A : memref<!tpu.dma_semaphore, #tpu.memory_space<semaphore_mem>>) src(%arg18 : memref<128x128xf32, #tpu.memory_space<vmem>>) dst(%dma_wait3A_117 : memref<10112x128xf32, #tpu.memory_space<vmem_shared>>)
          tpu.yield
        }) : () -> ()
      }
      %scan3A_63 = arith.constant 4 : i32
    }
    %while3A_35 = arith.constant 1 : i32
    scf.for %while3A_41 = %while3A_33 to %while3A_29 step %while3A_35  : i32 {
      %mul3A_42 = arith.constant 8 : i32
      %mul3A_43 = arith.muli %while3A_41, %mul3A_42 : i32
      %add3A_44 = arith.addi %add3A, %mul3A_43 : i32
      %mul3A_45 = arith.constant 128 : i32
      %mul3A_46 = arith.muli %add3A_44, %mul3A_45 : i32
      "tpu.region"() ({
        %run_scoped3A = tpu.sem_alloc : memref<!tpu.dma_semaphore, #tpu.memory_space<semaphore_mem>>
        %dma_start3A_64 = tpu.memref_slice %arg3[%mul3A_46] : memref<327680xi32, #tpu.memory_space<hbm>> -> memref<1024xi32, #tpu.memory_space<hbm>>
        %dma_start3A_65 = tpu.memref_slice %arg3[%mul3A_46] : memref<327680xi32, #tpu.memory_space<hbm>> -> memref<1024xi32, #tpu.memory_space<hbm>>
        tpu.enqueue_dma source(%dma_start3A_65 : memref<1024xi32, #tpu.memory_space<hbm>>) target(%arg11 : memref<1024xi32, #tpu.memory_space<vmem>>) target_semaphore(%run_scoped3A : memref<!tpu.dma_semaphore, #tpu.memory_space<semaphore_mem>>)
        %dma_wait3A = tpu.memref_slice %arg3[%mul3A_46] : memref<327680xi32, #tpu.memory_space<hbm>> -> memref<1024xi32, #tpu.memory_space<hbm>>
        %dma_wait3A_66 = tpu.memref_slice %arg3[%mul3A_46] : memref<327680xi32, #tpu.memory_space<hbm>> -> memref<1024xi32, #tpu.memory_space<hbm>>
        tpu.wait_dma2 semaphore(%run_scoped3A : memref<!tpu.dma_semaphore, #tpu.memory_space<semaphore_mem>>) src(%dma_wait3A_66 : memref<1024xi32, #tpu.memory_space<hbm>>) dst(%arg11 : memref<1024xi32, #tpu.memory_space<vmem>>)
        tpu.yield
      }) : () -> ()
      "tpu.region"() ({
        %run_scoped3A = tpu.sem_alloc : memref<!tpu.dma_semaphore, #tpu.memory_space<semaphore_mem>>
        %dma_start3A_64 = tpu.memref_slice %arg4[%mul3A_46] : memref<327680xi32, #tpu.memory_space<hbm>> -> memref<1024xi32, #tpu.memory_space<hbm>>
        %dma_start3A_65 = tpu.memref_slice %arg4[%mul3A_46] : memref<327680xi32, #tpu.memory_space<hbm>> -> memref<1024xi32, #tpu.memory_space<hbm>>
        tpu.enqueue_dma source(%dma_start3A_65 : memref<1024xi32, #tpu.memory_space<hbm>>) target(%arg12 : memref<1024xi32, #tpu.memory_space<vmem>>) target_semaphore(%run_scoped3A : memref<!tpu.dma_semaphore, #tpu.memory_space<semaphore_mem>>)
        %dma_wait3A = tpu.memref_slice %arg4[%mul3A_46] : memref<327680xi32, #tpu.memory_space<hbm>> -> memref<1024xi32, #tpu.memory_space<hbm>>
        %dma_wait3A_66 = tpu.memref_slice %arg4[%mul3A_46] : memref<327680xi32, #tpu.memory_space<hbm>> -> memref<1024xi32, #tpu.memory_space<hbm>>
        tpu.wait_dma2 semaphore(%run_scoped3A : memref<!tpu.dma_semaphore, #tpu.memory_space<semaphore_mem>>) src(%dma_wait3A_66 : memref<1024xi32, #tpu.memory_space<hbm>>) dst(%arg12 : memref<1024xi32, #tpu.memory_space<vmem>>)
        tpu.yield
      }) : () -> ()
      "tpu.region"() ({
        %run_scoped3A = tpu.sem_alloc : memref<!tpu.dma_semaphore, #tpu.memory_space<semaphore_mem>>
        %dma_start3A_64 = tpu.memref_slice %arg5[%mul3A_46] : memref<327680xf32, #tpu.memory_space<hbm>> -> memref<1024xf32, #tpu.memory_space<hbm>>
        %dma_start3A_65 = tpu.memref_slice %arg5[%mul3A_46] : memref<327680xf32, #tpu.memory_space<hbm>> -> memref<1024xf32, #tpu.memory_space<hbm>>
        tpu.enqueue_dma source(%dma_start3A_65 : memref<1024xf32, #tpu.memory_space<hbm>>) target(%arg13 : memref<1024xf32, #tpu.memory_space<vmem>>) target_semaphore(%run_scoped3A : memref<!tpu.dma_semaphore, #tpu.memory_space<semaphore_mem>>)
        %dma_wait3A = tpu.memref_slice %arg5[%mul3A_46] : memref<327680xf32, #tpu.memory_space<hbm>> -> memref<1024xf32, #tpu.memory_space<hbm>>
        %dma_wait3A_66 = tpu.memref_slice %arg5[%mul3A_46] : memref<327680xf32, #tpu.memory_space<hbm>> -> memref<1024xf32, #tpu.memory_space<hbm>>
        tpu.wait_dma2 semaphore(%run_scoped3A : memref<!tpu.dma_semaphore, #tpu.memory_space<semaphore_mem>>) src(%dma_wait3A_66 : memref<1024xf32, #tpu.memory_space<hbm>>) dst(%arg13 : memref<1024xf32, #tpu.memory_space<vmem>>)
        tpu.yield
      }) : () -> ()
      "tpu.region"() ({
        %run_scoped3A = tpu.sem_alloc : memref<!tpu.dma_semaphore, #tpu.memory_space<semaphore_mem>>
        %dma_start3A_64 = arith.constant 0 : i32
        %dma_start3A_65 = tpu.memref_slice %arg6[%add3A_44, %dma_start3A_64] : memref<2560x128xi32, #tpu.memory_space<hbm>> -> memref<8x128xi32, #tpu.memory_space<hbm>>
        %dma_start3A_66 = arith.constant 0 : i32
        %dma_start3A_67 = tpu.memref_slice %arg6[%add3A_44, %dma_start3A_66] : memref<2560x128xi32, #tpu.memory_space<hbm>> -> memref<8x128xi32, #tpu.memory_space<hbm>>
        tpu.enqueue_dma source(%dma_start3A_67 : memref<8x128xi32, #tpu.memory_space<hbm>>) target(%arg15 : memref<8x128xi32, #tpu.memory_space<vmem>>) target_semaphore(%run_scoped3A : memref<!tpu.dma_semaphore, #tpu.memory_space<semaphore_mem>>)
        %dma_wait3A = arith.constant 0 : i32
        %dma_wait3A_68 = tpu.memref_slice %arg6[%add3A_44, %dma_wait3A] : memref<2560x128xi32, #tpu.memory_space<hbm>> -> memref<8x128xi32, #tpu.memory_space<hbm>>
        %dma_wait3A_69 = arith.constant 0 : i32
        %dma_wait3A_70 = tpu.memref_slice %arg6[%add3A_44, %dma_wait3A_69] : memref<2560x128xi32, #tpu.memory_space<hbm>> -> memref<8x128xi32, #tpu.memory_space<hbm>>
        tpu.wait_dma2 semaphore(%run_scoped3A : memref<!tpu.dma_semaphore, #tpu.memory_space<semaphore_mem>>) src(%dma_wait3A_70 : memref<8x128xi32, #tpu.memory_space<hbm>>) dst(%arg15 : memref<8x128xi32, #tpu.memory_space<vmem>>)
        tpu.yield
      }) : () -> ()
      "tpu.region"() ({
        %run_scoped3A = tpu.sem_alloc : memref<!tpu.dma_semaphore, #tpu.memory_space<semaphore_mem>>
        %dma_start3A_64 = arith.constant 0 : i32
        %dma_start3A_65 = tpu.memref_slice %arg7[%add3A_44, %dma_start3A_64] : memref<2560x128xi32, #tpu.memory_space<hbm>> -> memref<8x128xi32, #tpu.memory_space<hbm>>
        %dma_start3A_66 = arith.constant 0 : i32
        %dma_start3A_67 = tpu.memref_slice %arg7[%add3A_44, %dma_start3A_66] : memref<2560x128xi32, #tpu.memory_space<hbm>> -> memref<8x128xi32, #tpu.memory_space<hbm>>
        tpu.enqueue_dma source(%dma_start3A_67 : memref<8x128xi32, #tpu.memory_space<hbm>>) target(%arg16 : memref<8x128xi32, #tpu.memory_space<vmem>>) target_semaphore(%run_scoped3A : memref<!tpu.dma_semaphore, #tpu.memory_space<semaphore_mem>>)
        %dma_wait3A = arith.constant 0 : i32
        %dma_wait3A_68 = tpu.memref_slice %arg7[%add3A_44, %dma_wait3A] : memref<2560x128xi32, #tpu.memory_space<hbm>> -> memref<8x128xi32, #tpu.memory_space<hbm>>
        %dma_wait3A_69 = arith.constant 0 : i32
        %dma_wait3A_70 = tpu.memref_slice %arg7[%add3A_44, %dma_wait3A_69] : memref<2560x128xi32, #tpu.memory_space<hbm>> -> memref<8x128xi32, #tpu.memory_space<hbm>>
        tpu.wait_dma2 semaphore(%run_scoped3A : memref<!tpu.dma_semaphore, #tpu.memory_space<semaphore_mem>>) src(%dma_wait3A_70 : memref<8x128xi32, #tpu.memory_space<hbm>>) dst(%arg16 : memref<8x128xi32, #tpu.memory_space<vmem>>)
        tpu.yield
      }) : () -> ()
      %scan3A = arith.constant 0 : i32
      %scan3A_47 = arith.constant 0 : i32
      %scan3A_48 = arith.constant 64 : i32
      %scan3A_49 = arith.addi %scan3A_47, %scan3A_48 : i32
      %scan3A_50 = arith.constant 1 : i32
      scf.for %scan3A_64 = %scan3A_47 to %scan3A_49 step %scan3A_50  : i32 {
        %mul3A_65 = arith.constant 16 : i32
        %mul3A_66 = arith.muli %scan3A_64, %mul3A_65 : i32
        %get3A = arith.index_cast %mul3A_66 : i32 to index
        %get3A_67 = tpu.vector_load %arg11[%get3A] {strides = array<i32>} : memref<1024xi32, #tpu.memory_space<vmem>>, vector<16xi32>,
        %get3A_68 = arith.index_cast %mul3A_66 : i32 to index
        %get3A_69 = tpu.vector_load %arg12[%get3A_68] {strides = array<i32>} : memref<1024xi32, #tpu.memory_space<vmem>>, vector<16xi32>,
        %gather3A = tpu.vector_load_idx %arg14[%get3A_67] : memref<10112xf32, #tpu.memory_space<vmem>>[vector<16xi32>], vector<16xf32>,
        %get3A_70 = arith.index_cast %mul3A_66 : i32 to index
        %get3A_71 = tpu.vector_load %arg13[%get3A_70] {strides = array<i32>} : memref<1024xf32, #tpu.memory_space<vmem>>, vector<16xf32>,
        %mul3A_72 = arith.mulf %gather3A, %get3A_71 : vector<16xf32>
        %gather3A_73 = tpu.vector_load_idx %arg14[%get3A_69] : memref<10112xf32, #tpu.memory_space<vmem>>[vector<16xi32>], vector<16xf32>,
        %mul3A_74 = arith.mulf %mul3A_72, %gather3A_73 : vector<16xf32>
        %ne3A_75 = arith.cmpi ne, %get3A_67, %get3A_69 : vector<16xi32>
        %neg3A = arith.constant 0.000000e+00 : f32
        %neg3A_76 = vector.broadcast %neg3A : f32 to vector<16xf32>
        %neg3A_77 = arith.subf %neg3A_76, %mul3A_74 : vector<16xf32>
        %jit3A_78 = arith.constant 0.000000e+00 : f32
        %broadcast_in_dim3A = vector.broadcast %jit3A_78 : f32 to vector<16xf32>
        %select_n3A_79 = arith.select %ne3A_75, %neg3A_77, %broadcast_in_dim3A : vector<16xi1>, vector<16xf32>
        %swap3A = arith.index_cast %mul3A_66 : i32 to index
        %swap3A_80 = tpu.vector_load %arg13[%swap3A] {strides = array<i32>} : memref<1024xf32, #tpu.memory_space<vmem>>, vector<16xf32>,
        tpu.vector_store %arg13[%swap3A], %select_n3A_79 {strides = array<i32>} : memref<1024xf32, #tpu.memory_space<vmem>>, vector<16xf32>,
      }
      %scan3A_51 = arith.constant 64 : i32
      %dma_start3A = arith.constant 0 : i32
      %dma_start3A_52 = arith.constant 0 : i32
      %dma_start3A_53 = tpu.memref_slice %arg15[%dma_start3A, %dma_start3A_52] : memref<8x128xi32, #tpu.memory_space<vmem>> -> memref<1x128xi32, #tpu.memory_space<vmem>>
      %dma_start3A_54 = tpu.memref_squeeze %dma_start3A_53 : memref<1x128xi32, #tpu.memory_space<vmem>> -> memref<128xi32, #tpu.memory_space<vmem>>
      %dma_start3A_55 = arith.constant 0 : i32
      %dma_start3A_56 = arith.constant 0 : i32
      %dma_start3A_57 = tpu.memref_slice %arg2[%dma_start3A_55, %dma_start3A_56] : memref<10112x128xf32, #tpu.memory_space<hbm>> -> memref<10112x128xf32, #tpu.memory_space<hbm>>
      tpu.enqueue_indirect_dma source(%dma_start3A_57 : memref<10112x128xf32, #tpu.memory_space<hbm>>) target(%arg17 : memref<128x128xf32, #tpu.memory_space<vmem>>) offsets(%dma_start3A_54 : memref<128xi32, #tpu.memory_space<vmem>>) semaphore(%arg20 : memref<!tpu.dma_semaphore, #tpu.memory_space<semaphore_mem>>)
      %scan3A_58 = arith.constant 0 : i32
      %scan3A_59 = arith.constant 0 : i32
      %scan3A_60 = arith.constant 4 : i32
      %scan3A_61 = arith.addi %scan3A_59, %scan3A_60 : i32
      %scan3A_62 = arith.constant 1 : i32
      scf.for %scan3A_64 = %scan3A_59 to %scan3A_61 step %scan3A_62  : i32 {
        %mul3A_65 = arith.constant 2 : i32
        %mul3A_66 = arith.muli %scan3A_64, %mul3A_65 : i32
        %add3A_67 = arith.constant 1 : i32
        %add3A_68 = arith.addi %mul3A_66, %add3A_67 : i32
        %dma_start3A_69 = arith.constant 0 : i32
        %dma_start3A_70 = tpu.memref_slice %arg15[%add3A_68, %dma_start3A_69] : memref<8x128xi32, #tpu.memory_space<vmem>> -> memref<1x128xi32, #tpu.memory_space<vmem>>
        %dma_start3A_71 = tpu.memref_squeeze %dma_start3A_70 : memref<1x128xi32, #tpu.memory_space<vmem>> -> memref<128xi32, #tpu.memory_space<vmem>>
        %dma_start3A_72 = arith.constant 0 : i32
        %dma_start3A_73 = arith.constant 0 : i32
        %dma_start3A_74 = tpu.memref_slice %arg2[%dma_start3A_72, %dma_start3A_73] : memref<10112x128xf32, #tpu.memory_space<hbm>> -> memref<10112x128xf32, #tpu.memory_space<hbm>>
        tpu.enqueue_indirect_dma source(%dma_start3A_74 : memref<10112x128xf32, #tpu.memory_space<hbm>>) target(%arg18 : memref<128x128xf32, #tpu.memory_space<vmem>>) offsets(%dma_start3A_71 : memref<128xi32, #tpu.memory_space<vmem>>) semaphore(%arg21 : memref<!tpu.dma_semaphore, #tpu.memory_space<semaphore_mem>>)
        %dma_wait3A = arith.constant 0 : i32
        %dma_wait3A_75 = tpu.memref_slice %arg15[%mul3A_66, %dma_wait3A] : memref<8x128xi32, #tpu.memory_space<vmem>> -> memref<1x128xi32, #tpu.memory_space<vmem>>
        %dma_wait3A_76 = tpu.memref_squeeze %dma_wait3A_75 : memref<1x128xi32, #tpu.memory_space<vmem>> -> memref<128xi32, #tpu.memory_space<vmem>>
        %dma_wait3A_77 = arith.constant 0 : i32
        %dma_wait3A_78 = arith.constant 0 : i32
        %dma_wait3A_79 = tpu.memref_slice %arg2[%dma_wait3A_77, %dma_wait3A_78] : memref<10112x128xf32, #tpu.memory_space<hbm>> -> memref<10112x128xf32, #tpu.memory_space<hbm>>
        tpu.wait_indirect_dma semaphore(%arg20 : memref<!tpu.dma_semaphore, #tpu.memory_space<semaphore_mem>>) src(%dma_wait3A_79 : memref<10112x128xf32, #tpu.memory_space<hbm>>) dst(%arg17 : memref<128x128xf32, #tpu.memory_space<vmem>>)
        %scan3A_80 = arith.constant 0 : i32
        %scan3A_81 = arith.constant 0 : i32
        %scan3A_82 = arith.constant 32 : i32
        %scan3A_83 = arith.addi %scan3A_81, %scan3A_82 : i32
        %scan3A_84 = arith.constant 1 : i32
        scf.for %scan3A_106 = %scan3A_81 to %scan3A_83 step %scan3A_84  : i32 {
          %mul3A_107 = arith.constant 4 : i32
          %mul3A_108 = arith.muli %scan3A_106, %mul3A_107 : i32
          %add3A_109 = arith.constant 0 : i32
          %add3A_110 = arith.addi %mul3A_108, %add3A_109 : i32
          %mul3A_111 = arith.constant 128 : i32
          %mul3A_112 = arith.muli %mul3A_66, %mul3A_111 : i32
          %add3A_113 = arith.addi %mul3A_112, %add3A_110 : i32
          %broadcast_in_dim3A = vector.broadcast %add3A_113 : i32 to vector<16xi32>
          %gather3A = tpu.vector_load_idx %arg13[%broadcast_in_dim3A] : memref<1024xf32, #tpu.memory_space<vmem>>[vector<16xi32>], vector<16xf32>,
          %get3A = arith.index_cast %add3A_110 : i32 to index
          %get3A_114 = arith.constant 0 : index
          %get3A_115 = tpu.vector_load %arg17[%get3A, %get3A_114] {strides = array<i32>} : memref<128x128xf32, #tpu.memory_space<vmem>>, vector<16xf32>,
          %mul3A_116 = arith.mulf %get3A_115, %gather3A : vector<16xf32>
          %swap3A = arith.index_cast %add3A_110 : i32 to index
          %swap3A_117 = arith.constant 0 : index
          %swap3A_118 = tpu.vector_load %arg17[%swap3A, %swap3A_117] {strides = array<i32>} : memref<128x128xf32, #tpu.memory_space<vmem>>, vector<16xf32>,
          tpu.vector_store %arg17[%swap3A, %swap3A_117], %mul3A_116 {strides = array<i32>} : memref<128x128xf32, #tpu.memory_space<vmem>>, vector<16xf32>,
          %get3A_119 = arith.index_cast %add3A_110 : i32 to index
          %get3A_120 = arith.constant 16 : index
          %get3A_121 = tpu.vector_load %arg17[%get3A_119, %get3A_120] {strides = array<i32>} : memref<128x128xf32, #tpu.memory_space<vmem>>, vector<16xf32>,
          %mul3A_122 = arith.mulf %get3A_121, %gather3A : vector<16xf32>
          %swap3A_123 = arith.index_cast %add3A_110 : i32 to index
          %swap3A_124 = arith.constant 16 : index
          %swap3A_125 = tpu.vector_load %arg17[%swap3A_123, %swap3A_124] {strides = array<i32>} : memref<128x128xf32, #tpu.memory_space<vmem>>, vector<16xf32>,
          tpu.vector_store %arg17[%swap3A_123, %swap3A_124], %mul3A_122 {strides = array<i32>} : memref<128x128xf32, #tpu.memory_space<vmem>>, vector<16xf32>,
          %get3A_126 = arith.index_cast %add3A_110 : i32 to index
          %get3A_127 = arith.constant 32 : index
          %get3A_128 = tpu.vector_load %arg17[%get3A_126, %get3A_127] {strides = array<i32>} : memref<128x128xf32, #tpu.memory_space<vmem>>, vector<16xf32>,
          %mul3A_129 = arith.mulf %get3A_128, %gather3A : vector<16xf32>
          %swap3A_130 = arith.index_cast %add3A_110 : i32 to index
          %swap3A_131 = arith.constant 32 : index
          %swap3A_132 = tpu.vector_load %arg17[%swap3A_130, %swap3A_131] {strides = array<i32>} : memref<128x128xf32, #tpu.memory_space<vmem>>, vector<16xf32>,
          tpu.vector_store %arg17[%swap3A_130, %swap3A_131], %mul3A_129 {strides = array<i32>} : memref<128x128xf32, #tpu.memory_space<vmem>>, vector<16xf32>,
          %get3A_133 = arith.index_cast %add3A_110 : i32 to index
          %get3A_134 = arith.constant 48 : index
          %get3A_135 = tpu.vector_load %arg17[%get3A_133, %get3A_134] {strides = array<i32>} : memref<128x128xf32, #tpu.memory_space<vmem>>, vector<16xf32>,
          %mul3A_136 = arith.mulf %get3A_135, %gather3A : vector<16xf32>
          %swap3A_137 = arith.index_cast %add3A_110 : i32 to index
          %swap3A_138 = arith.constant 48 : index
          %swap3A_139 = tpu.vector_load %arg17[%swap3A_137, %swap3A_138] {strides = array<i32>} : memref<128x128xf32, #tpu.memory_space<vmem>>, vector<16xf32>,
          tpu.vector_store %arg17[%swap3A_137, %swap3A_138], %mul3A_136 {strides = array<i32>} : memref<128x128xf32, #tpu.memory_space<vmem>>, vector<16xf32>,
          %get3A_140 = arith.index_cast %add3A_110 : i32 to index
          %get3A_141 = arith.constant 64 : index
          %get3A_142 = tpu.vector_load %arg17[%get3A_140, %get3A_141] {strides = array<i32>} : memref<128x128xf32, #tpu.memory_space<vmem>>, vector<16xf32>,
          %mul3A_143 = arith.mulf %get3A_142, %gather3A : vector<16xf32>
          %swap3A_144 = arith.index_cast %add3A_110 : i32 to index
          %swap3A_145 = arith.constant 64 : index
          %swap3A_146 = tpu.vector_load %arg17[%swap3A_144, %swap3A_145] {strides = array<i32>} : memref<128x128xf32, #tpu.memory_space<vmem>>, vector<16xf32>,
          tpu.vector_store %arg17[%swap3A_144, %swap3A_145], %mul3A_143 {strides = array<i32>} : memref<128x128xf32, #tpu.memory_space<vmem>>, vector<16xf32>,
          %get3A_147 = arith.index_cast %add3A_110 : i32 to index
          %get3A_148 = arith.constant 80 : index
          %get3A_149 = tpu.vector_load %arg17[%get3A_147, %get3A_148] {strides = array<i32>} : memref<128x128xf32, #tpu.memory_space<vmem>>, vector<16xf32>,
          %mul3A_150 = arith.mulf %get3A_149, %gather3A : vector<16xf32>
          %swap3A_151 = arith.index_cast %add3A_110 : i32 to index
          %swap3A_152 = arith.constant 80 : index
          %swap3A_153 = tpu.vector_load %arg17[%swap3A_151, %swap3A_152] {strides = array<i32>} : memref<128x128xf32, #tpu.memory_space<vmem>>, vector<16xf32>,
          tpu.vector_store %arg17[%swap3A_151, %swap3A_152], %mul3A_150 {strides = array<i32>} : memref<128x128xf32, #tpu.memory_space<vmem>>, vector<16xf32>,
          %get3A_154 = arith.index_cast %add3A_110 : i32 to index
          %get3A_155 = arith.constant 96 : index
          %get3A_156 = tpu.vector_load %arg17[%get3A_154, %get3A_155] {strides = array<i32>} : memref<128x128xf32, #tpu.memory_space<vmem>>, vector<16xf32>,
          %mul3A_157 = arith.mulf %get3A_156, %gather3A : vector<16xf32>
          %swap3A_158 = arith.index_cast %add3A_110 : i32 to index
          %swap3A_159 = arith.constant 96 : index
          %swap3A_160 = tpu.vector_load %arg17[%swap3A_158, %swap3A_159] {strides = array<i32>} : memref<128x128xf32, #tpu.memory_space<vmem>>, vector<16xf32>,
          tpu.vector_store %arg17[%swap3A_158, %swap3A_159], %mul3A_157 {strides = array<i32>} : memref<128x128xf32, #tpu.memory_space<vmem>>, vector<16xf32>,
          %get3A_161 = arith.index_cast %add3A_110 : i32 to index
          %get3A_162 = arith.constant 112 : index
          %get3A_163 = tpu.vector_load %arg17[%get3A_161, %get3A_162] {strides = array<i32>} : memref<128x128xf32, #tpu.memory_space<vmem>>, vector<16xf32>,
          %mul3A_164 = arith.mulf %get3A_163, %gather3A : vector<16xf32>
          %swap3A_165 = arith.index_cast %add3A_110 : i32 to index
          %swap3A_166 = arith.constant 112 : index
          %swap3A_167 = tpu.vector_load %arg17[%swap3A_165, %swap3A_166] {strides = array<i32>} : memref<128x128xf32, #tpu.memory_space<vmem>>, vector<16xf32>,
          tpu.vector_store %arg17[%swap3A_165, %swap3A_166], %mul3A_164 {strides = array<i32>} : memref<128x128xf32, #tpu.memory_space<vmem>>, vector<16xf32>,
          %mul3A_168 = arith.constant 4 : i32
          %mul3A_169 = arith.muli %scan3A_106, %mul3A_168 : i32
          %add3A_170 = arith.constant 1 : i32
          %add3A_171 = arith.addi %mul3A_169, %add3A_170 : i32
          %mul3A_172 = arith.constant 128 : i32
          %mul3A_173 = arith.muli %mul3A_66, %mul3A_172 : i32
          %add3A_174 = arith.addi %mul3A_173, %add3A_171 : i32
          %broadcast_in_dim3A_175 = vector.broadcast %add3A_174 : i32 to vector<16xi32>
          %gather3A_176 = tpu.vector_load_idx %arg13[%broadcast_in_dim3A_175] : memref<1024xf32, #tpu.memory_space<vmem>>[vector<16xi32>], vector<16xf32>,
          %get3A_177 = arith.index_cast %add3A_171 : i32 to index
          %get3A_178 = arith.constant 0 : index
          %get3A_179 = tpu.vector_load %arg17[%get3A_177, %get3A_178] {strides = array<i32>} : memref<128x128xf32, #tpu.memory_space<vmem>>, vector<16xf32>,
          %mul3A_180 = arith.mulf %get3A_179, %gather3A_176 : vector<16xf32>
          %swap3A_181 = arith.index_cast %add3A_171 : i32 to index
          %swap3A_182 = arith.constant 0 : index
          %swap3A_183 = tpu.vector_load %arg17[%swap3A_181, %swap3A_182] {strides = array<i32>} : memref<128x128xf32, #tpu.memory_space<vmem>>, vector<16xf32>,
          tpu.vector_store %arg17[%swap3A_181, %swap3A_182], %mul3A_180 {strides = array<i32>} : memref<128x128xf32, #tpu.memory_space<vmem>>, vector<16xf32>,
          %get3A_184 = arith.index_cast %add3A_171 : i32 to index
          %get3A_185 = arith.constant 16 : index
          %get3A_186 = tpu.vector_load %arg17[%get3A_184, %get3A_185] {strides = array<i32>} : memref<128x128xf32, #tpu.memory_space<vmem>>, vector<16xf32>,
          %mul3A_187 = arith.mulf %get3A_186, %gather3A_176 : vector<16xf32>
          %swap3A_188 = arith.index_cast %add3A_171 : i32 to index
          %swap3A_189 = arith.constant 16 : index
          %swap3A_190 = tpu.vector_load %arg17[%swap3A_188, %swap3A_189] {strides = array<i32>} : memref<128x128xf32, #tpu.memory_space<vmem>>, vector<16xf32>,
          tpu.vector_store %arg17[%swap3A_188, %swap3A_189], %mul3A_187 {strides = array<i32>} : memref<128x128xf32, #tpu.memory_space<vmem>>, vector<16xf32>,
          %get3A_191 = arith.index_cast %add3A_171 : i32 to index
          %get3A_192 = arith.constant 32 : index
          %get3A_193 = tpu.vector_load %arg17[%get3A_191, %get3A_192] {strides = array<i32>} : memref<128x128xf32, #tpu.memory_space<vmem>>, vector<16xf32>,
          %mul3A_194 = arith.mulf %get3A_193, %gather3A_176 : vector<16xf32>
          %swap3A_195 = arith.index_cast %add3A_171 : i32 to index
          %swap3A_196 = arith.constant 32 : index
          %swap3A_197 = tpu.vector_load %arg17[%swap3A_195, %swap3A_196] {strides = array<i32>} : memref<128x128xf32, #tpu.memory_space<vmem>>, vector<16xf32>,
          tpu.vector_store %arg17[%swap3A_195, %swap3A_196], %mul3A_194 {strides = array<i32>} : memref<128x128xf32, #tpu.memory_space<vmem>>, vector<16xf32>,
          %get3A_198 = arith.index_cast %add3A_171 : i32 to index
          %get3A_199 = arith.constant 48 : index
          %get3A_200 = tpu.vector_load %arg17[%get3A_198, %get3A_199] {strides = array<i32>} : memref<128x128xf32, #tpu.memory_space<vmem>>, vector<16xf32>,
          %mul3A_201 = arith.mulf %get3A_200, %gather3A_176 : vector<16xf32>
          %swap3A_202 = arith.index_cast %add3A_171 : i32 to index
          %swap3A_203 = arith.constant 48 : index
          %swap3A_204 = tpu.vector_load %arg17[%swap3A_202, %swap3A_203] {strides = array<i32>} : memref<128x128xf32, #tpu.memory_space<vmem>>, vector<16xf32>,
          tpu.vector_store %arg17[%swap3A_202, %swap3A_203], %mul3A_201 {strides = array<i32>} : memref<128x128xf32, #tpu.memory_space<vmem>>, vector<16xf32>,
          %get3A_205 = arith.index_cast %add3A_171 : i32 to index
          %get3A_206 = arith.constant 64 : index
          %get3A_207 = tpu.vector_load %arg17[%get3A_205, %get3A_206] {strides = array<i32>} : memref<128x128xf32, #tpu.memory_space<vmem>>, vector<16xf32>,
          %mul3A_208 = arith.mulf %get3A_207, %gather3A_176 : vector<16xf32>
          %swap3A_209 = arith.index_cast %add3A_171 : i32 to index
          %swap3A_210 = arith.constant 64 : index
          %swap3A_211 = tpu.vector_load %arg17[%swap3A_209, %swap3A_210] {strides = array<i32>} : memref<128x128xf32, #tpu.memory_space<vmem>>, vector<16xf32>,
          tpu.vector_store %arg17[%swap3A_209, %swap3A_210], %mul3A_208 {strides = array<i32>} : memref<128x128xf32, #tpu.memory_space<vmem>>, vector<16xf32>,
          %get3A_212 = arith.index_cast %add3A_171 : i32 to index
          %get3A_213 = arith.constant 80 : index
          %get3A_214 = tpu.vector_load %arg17[%get3A_212, %get3A_213] {strides = array<i32>} : memref<128x128xf32, #tpu.memory_space<vmem>>, vector<16xf32>,
          %mul3A_215 = arith.mulf %get3A_214, %gather3A_176 : vector<16xf32>
          %swap3A_216 = arith.index_cast %add3A_171 : i32 to index
          %swap3A_217 = arith.constant 80 : index
          %swap3A_218 = tpu.vector_load %arg17[%swap3A_216, %swap3A_217] {strides = array<i32>} : memref<128x128xf32, #tpu.memory_space<vmem>>, vector<16xf32>,
          tpu.vector_store %arg17[%swap3A_216, %swap3A_217], %mul3A_215 {strides = array<i32>} : memref<128x128xf32, #tpu.memory_space<vmem>>, vector<16xf32>,
          %get3A_219 = arith.index_cast %add3A_171 : i32 to index
          %get3A_220 = arith.constant 96 : index
          %get3A_221 = tpu.vector_load %arg17[%get3A_219, %get3A_220] {strides = array<i32>} : memref<128x128xf32, #tpu.memory_space<vmem>>, vector<16xf32>,
          %mul3A_222 = arith.mulf %get3A_221, %gather3A_176 : vector<16xf32>
          %swap3A_223 = arith.index_cast %add3A_171 : i32 to index
          %swap3A_224 = arith.constant 96 : index
          %swap3A_225 = tpu.vector_load %arg17[%swap3A_223, %swap3A_224] {strides = array<i32>} : memref<128x128xf32, #tpu.memory_space<vmem>>, vector<16xf32>,
          tpu.vector_store %arg17[%swap3A_223, %swap3A_224], %mul3A_222 {strides = array<i32>} : memref<128x128xf32, #tpu.memory_space<vmem>>, vector<16xf32>,
          %get3A_226 = arith.index_cast %add3A_171 : i32 to index
          %get3A_227 = arith.constant 112 : index
          %get3A_228 = tpu.vector_load %arg17[%get3A_226, %get3A_227] {strides = array<i32>} : memref<128x128xf32, #tpu.memory_space<vmem>>, vector<16xf32>,
          %mul3A_229 = arith.mulf %get3A_228, %gather3A_176 : vector<16xf32>
          %swap3A_230 = arith.index_cast %add3A_171 : i32 to index
          %swap3A_231 = arith.constant 112 : index
          %swap3A_232 = tpu.vector_load %arg17[%swap3A_230, %swap3A_231] {strides = array<i32>} : memref<128x128xf32, #tpu.memory_space<vmem>>, vector<16xf32>,
          tpu.vector_store %arg17[%swap3A_230, %swap3A_231], %mul3A_229 {strides = array<i32>} : memref<128x128xf32, #tpu.memory_space<vmem>>, vector<16xf32>,
          %mul3A_233 = arith.constant 4 : i32
          %mul3A_234 = arith.muli %scan3A_106, %mul3A_233 : i32
          %add3A_235 = arith.constant 2 : i32
          %add3A_236 = arith.addi %mul3A_234, %add3A_235 : i32
          %mul3A_237 = arith.constant 128 : i32
          %mul3A_238 = arith.muli %mul3A_66, %mul3A_237 : i32
          %add3A_239 = arith.addi %mul3A_238, %add3A_236 : i32
          %broadcast_in_dim3A_240 = vector.broadcast %add3A_239 : i32 to vector<16xi32>
          %gather3A_241 = tpu.vector_load_idx %arg13[%broadcast_in_dim3A_240] : memref<1024xf32, #tpu.memory_space<vmem>>[vector<16xi32>], vector<16xf32>,
          %get3A_242 = arith.index_cast %add3A_236 : i32 to index
          %get3A_243 = arith.constant 0 : index
          %get3A_244 = tpu.vector_load %arg17[%get3A_242, %get3A_243] {strides = array<i32>} : memref<128x128xf32, #tpu.memory_space<vmem>>, vector<16xf32>,
          %mul3A_245 = arith.mulf %get3A_244, %gather3A_241 : vector<16xf32>
          %swap3A_246 = arith.index_cast %add3A_236 : i32 to index
          %swap3A_247 = arith.constant 0 : index
          %swap3A_248 = tpu.vector_load %arg17[%swap3A_246, %swap3A_247] {strides = array<i32>} : memref<128x128xf32, #tpu.memory_space<vmem>>, vector<16xf32>,
          tpu.vector_store %arg17[%swap3A_246, %swap3A_247], %mul3A_245 {strides = array<i32>} : memref<128x128xf32, #tpu.memory_space<vmem>>, vector<16xf32>,
          %get3A_249 = arith.index_cast %add3A_236 : i32 to index
          %get3A_250 = arith.constant 16 : index
          %get3A_251 = tpu.vector_load %arg17[%get3A_249, %get3A_250] {strides = array<i32>} : memref<128x128xf32, #tpu.memory_space<vmem>>, vector<16xf32>,
          %mul3A_252 = arith.mulf %get3A_251, %gather3A_241 : vector<16xf32>
          %swap3A_253 = arith.index_cast %add3A_236 : i32 to index
          %swap3A_254 = arith.constant 16 : index
          %swap3A_255 = tpu.vector_load %arg17[%swap3A_253, %swap3A_254] {strides = array<i32>} : memref<128x128xf32, #tpu.memory_space<vmem>>, vector<16xf32>,
          tpu.vector_store %arg17[%swap3A_253, %swap3A_254], %mul3A_252 {strides = array<i32>} : memref<128x128xf32, #tpu.memory_space<vmem>>, vector<16xf32>,
          %get3A_256 = arith.index_cast %add3A_236 : i32 to index
          %get3A_257 = arith.constant 32 : index
          %get3A_258 = tpu.vector_load %arg17[%get3A_256, %get3A_257] {strides = array<i32>} : memref<128x128xf32, #tpu.memory_space<vmem>>, vector<16xf32>,
          %mul3A_259 = arith.mulf %get3A_258, %gather3A_241 : vector<16xf32>
          %swap3A_260 = arith.index_cast %add3A_236 : i32 to index
          %swap3A_261 = arith.constant 32 : index
          %swap3A_262 = tpu.vector_load %arg17[%swap3A_260, %swap3A_261] {strides = array<i32>} : memref<128x128xf32, #tpu.memory_space<vmem>>, vector<16xf32>,
          tpu.vector_store %arg17[%swap3A_260, %swap3A_261], %mul3A_259 {strides = array<i32>} : memref<128x128xf32, #tpu.memory_space<vmem>>, vector<16xf32>,
          %get3A_263 = arith.index_cast %add3A_236 : i32 to index
          %get3A_264 = arith.constant 48 : index
          %get3A_265 = tpu.vector_load %arg17[%get3A_263, %get3A_264] {strides = array<i32>} : memref<128x128xf32, #tpu.memory_space<vmem>>, vector<16xf32>,
          %mul3A_266 = arith.mulf %get3A_265, %gather3A_241 : vector<16xf32>
          %swap3A_267 = arith.index_cast %add3A_236 : i32 to index
          %swap3A_268 = arith.constant 48 : index
          %swap3A_269 = tpu.vector_load %arg17[%swap3A_267, %swap3A_268] {strides = array<i32>} : memref<128x128xf32, #tpu.memory_space<vmem>>, vector<16xf32>,
          tpu.vector_store %arg17[%swap3A_267, %swap3A_268], %mul3A_266 {strides = array<i32>} : memref<128x128xf32, #tpu.memory_space<vmem>>, vector<16xf32>,
          %get3A_270 = arith.index_cast %add3A_236 : i32 to index
          %get3A_271 = arith.constant 64 : index
          %get3A_272 = tpu.vector_load %arg17[%get3A_270, %get3A_271] {strides = array<i32>} : memref<128x128xf32, #tpu.memory_space<vmem>>, vector<16xf32>,
          %mul3A_273 = arith.mulf %get3A_272, %gather3A_241 : vector<16xf32>
          %swap3A_274 = arith.index_cast %add3A_236 : i32 to index
          %swap3A_275 = arith.constant 64 : index
          %swap3A_276 = tpu.vector_load %arg17[%swap3A_274, %swap3A_275] {strides = array<i32>} : memref<128x128xf32, #tpu.memory_space<vmem>>, vector<16xf32>,
          tpu.vector_store %arg17[%swap3A_274, %swap3A_275], %mul3A_273 {strides = array<i32>} : memref<128x128xf32, #tpu.memory_space<vmem>>, vector<16xf32>,
          %get3A_277 = arith.index_cast %add3A_236 : i32 to index
          %get3A_278 = arith.constant 80 : index
          %get3A_279 = tpu.vector_load %arg17[%get3A_277, %get3A_278] {strides = array<i32>} : memref<128x128xf32, #tpu.memory_space<vmem>>, vector<16xf32>,
          %mul3A_280 = arith.mulf %get3A_279, %gather3A_241 : vector<16xf32>
          %swap3A_281 = arith.index_cast %add3A_236 : i32 to index
          %swap3A_282 = arith.constant 80 : index
          %swap3A_283 = tpu.vector_load %arg17[%swap3A_281, %swap3A_282] {strides = array<i32>} : memref<128x128xf32, #tpu.memory_space<vmem>>, vector<16xf32>,
          tpu.vector_store %arg17[%swap3A_281, %swap3A_282], %mul3A_280 {strides = array<i32>} : memref<128x128xf32, #tpu.memory_space<vmem>>, vector<16xf32>,
          %get3A_284 = arith.index_cast %add3A_236 : i32 to index
          %get3A_285 = arith.constant 96 : index
          %get3A_286 = tpu.vector_load %arg17[%get3A_284, %get3A_285] {strides = array<i32>} : memref<128x128xf32, #tpu.memory_space<vmem>>, vector<16xf32>,
          %mul3A_287 = arith.mulf %get3A_286, %gather3A_241 : vector<16xf32>
          %swap3A_288 = arith.index_cast %add3A_236 : i32 to index
          %swap3A_289 = arith.constant 96 : index
          %swap3A_290 = tpu.vector_load %arg17[%swap3A_288, %swap3A_289] {strides = array<i32>} : memref<128x128xf32, #tpu.memory_space<vmem>>, vector<16xf32>,
          tpu.vector_store %arg17[%swap3A_288, %swap3A_289], %mul3A_287 {strides = array<i32>} : memref<128x128xf32, #tpu.memory_space<vmem>>, vector<16xf32>,
          %get3A_291 = arith.index_cast %add3A_236 : i32 to index
          %get3A_292 = arith.constant 112 : index
          %get3A_293 = tpu.vector_load %arg17[%get3A_291, %get3A_292] {strides = array<i32>} : memref<128x128xf32, #tpu.memory_space<vmem>>, vector<16xf32>,
          %mul3A_294 = arith.mulf %get3A_293, %gather3A_241 : vector<16xf32>
          %swap3A_295 = arith.index_cast %add3A_236 : i32 to index
          %swap3A_296 = arith.constant 112 : index
          %swap3A_297 = tpu.vector_load %arg17[%swap3A_295, %swap3A_296] {strides = array<i32>} : memref<128x128xf32, #tpu.memory_space<vmem>>, vector<16xf32>,
          tpu.vector_store %arg17[%swap3A_295, %swap3A_296], %mul3A_294 {strides = array<i32>} : memref<128x128xf32, #tpu.memory_space<vmem>>, vector<16xf32>,
          %mul3A_298 = arith.constant 4 : i32
          %mul3A_299 = arith.muli %scan3A_106, %mul3A_298 : i32
          %add3A_300 = arith.constant 3 : i32
          %add3A_301 = arith.addi %mul3A_299, %add3A_300 : i32
          %mul3A_302 = arith.constant 128 : i32
          %mul3A_303 = arith.muli %mul3A_66, %mul3A_302 : i32
          %add3A_304 = arith.addi %mul3A_303, %add3A_301 : i32
          %broadcast_in_dim3A_305 = vector.broadcast %add3A_304 : i32 to vector<16xi32>
          %gather3A_306 = tpu.vector_load_idx %arg13[%broadcast_in_dim3A_305] : memref<1024xf32, #tpu.memory_space<vmem>>[vector<16xi32>], vector<16xf32>,
          %get3A_307 = arith.index_cast %add3A_301 : i32 to index
          %get3A_308 = arith.constant 0 : index
          %get3A_309 = tpu.vector_load %arg17[%get3A_307, %get3A_308] {strides = array<i32>} : memref<128x128xf32, #tpu.memory_space<vmem>>, vector<16xf32>,
          %mul3A_310 = arith.mulf %get3A_309, %gather3A_306 : vector<16xf32>
          %swap3A_311 = arith.index_cast %add3A_301 : i32 to index
          %swap3A_312 = arith.constant 0 : index
          %swap3A_313 = tpu.vector_load %arg17[%swap3A_311, %swap3A_312] {strides = array<i32>} : memref<128x128xf32, #tpu.memory_space<vmem>>, vector<16xf32>,
          tpu.vector_store %arg17[%swap3A_311, %swap3A_312], %mul3A_310 {strides = array<i32>} : memref<128x128xf32, #tpu.memory_space<vmem>>, vector<16xf32>,
          %get3A_314 = arith.index_cast %add3A_301 : i32 to index
          %get3A_315 = arith.constant 16 : index
          %get3A_316 = tpu.vector_load %arg17[%get3A_314, %get3A_315] {strides = array<i32>} : memref<128x128xf32, #tpu.memory_space<vmem>>, vector<16xf32>,
          %mul3A_317 = arith.mulf %get3A_316, %gather3A_306 : vector<16xf32>
          %swap3A_318 = arith.index_cast %add3A_301 : i32 to index
          %swap3A_319 = arith.constant 16 : index
          %swap3A_320 = tpu.vector_load %arg17[%swap3A_318, %swap3A_319] {strides = array<i32>} : memref<128x128xf32, #tpu.memory_space<vmem>>, vector<16xf32>,
          tpu.vector_store %arg17[%swap3A_318, %swap3A_319], %mul3A_317 {strides = array<i32>} : memref<128x128xf32, #tpu.memory_space<vmem>>, vector<16xf32>,
          %get3A_321 = arith.index_cast %add3A_301 : i32 to index
          %get3A_322 = arith.constant 32 : index
          %get3A_323 = tpu.vector_load %arg17[%get3A_321, %get3A_322] {strides = array<i32>} : memref<128x128xf32, #tpu.memory_space<vmem>>, vector<16xf32>,
          %mul3A_324 = arith.mulf %get3A_323, %gather3A_306 : vector<16xf32>
          %swap3A_325 = arith.index_cast %add3A_301 : i32 to index
          %swap3A_326 = arith.constant 32 : index
          %swap3A_327 = tpu.vector_load %arg17[%swap3A_325, %swap3A_326] {strides = array<i32>} : memref<128x128xf32, #tpu.memory_space<vmem>>, vector<16xf32>,
          tpu.vector_store %arg17[%swap3A_325, %swap3A_326], %mul3A_324 {strides = array<i32>} : memref<128x128xf32, #tpu.memory_space<vmem>>, vector<16xf32>,
          %get3A_328 = arith.index_cast %add3A_301 : i32 to index
          %get3A_329 = arith.constant 48 : index
          %get3A_330 = tpu.vector_load %arg17[%get3A_328, %get3A_329] {strides = array<i32>} : memref<128x128xf32, #tpu.memory_space<vmem>>, vector<16xf32>,
          %mul3A_331 = arith.mulf %get3A_330, %gather3A_306 : vector<16xf32>
          %swap3A_332 = arith.index_cast %add3A_301 : i32 to index
          %swap3A_333 = arith.constant 48 : index
          %swap3A_334 = tpu.vector_load %arg17[%swap3A_332, %swap3A_333] {strides = array<i32>} : memref<128x128xf32, #tpu.memory_space<vmem>>, vector<16xf32>,
          tpu.vector_store %arg17[%swap3A_332, %swap3A_333], %mul3A_331 {strides = array<i32>} : memref<128x128xf32, #tpu.memory_space<vmem>>, vector<16xf32>,
          %get3A_335 = arith.index_cast %add3A_301 : i32 to index
          %get3A_336 = arith.constant 64 : index
          %get3A_337 = tpu.vector_load %arg17[%get3A_335, %get3A_336] {strides = array<i32>} : memref<128x128xf32, #tpu.memory_space<vmem>>, vector<16xf32>,
          %mul3A_338 = arith.mulf %get3A_337, %gather3A_306 : vector<16xf32>
          %swap3A_339 = arith.index_cast %add3A_301 : i32 to index
          %swap3A_340 = arith.constant 64 : index
          %swap3A_341 = tpu.vector_load %arg17[%swap3A_339, %swap3A_340] {strides = array<i32>} : memref<128x128xf32, #tpu.memory_space<vmem>>, vector<16xf32>,
          tpu.vector_store %arg17[%swap3A_339, %swap3A_340], %mul3A_338 {strides = array<i32>} : memref<128x128xf32, #tpu.memory_space<vmem>>, vector<16xf32>,
          %get3A_342 = arith.index_cast %add3A_301 : i32 to index
          %get3A_343 = arith.constant 80 : index
          %get3A_344 = tpu.vector_load %arg17[%get3A_342, %get3A_343] {strides = array<i32>} : memref<128x128xf32, #tpu.memory_space<vmem>>, vector<16xf32>,
          %mul3A_345 = arith.mulf %get3A_344, %gather3A_306 : vector<16xf32>
          %swap3A_346 = arith.index_cast %add3A_301 : i32 to index
          %swap3A_347 = arith.constant 80 : index
          %swap3A_348 = tpu.vector_load %arg17[%swap3A_346, %swap3A_347] {strides = array<i32>} : memref<128x128xf32, #tpu.memory_space<vmem>>, vector<16xf32>,
          tpu.vector_store %arg17[%swap3A_346, %swap3A_347], %mul3A_345 {strides = array<i32>} : memref<128x128xf32, #tpu.memory_space<vmem>>, vector<16xf32>,
          %get3A_349 = arith.index_cast %add3A_301 : i32 to index
          %get3A_350 = arith.constant 96 : index
          %get3A_351 = tpu.vector_load %arg17[%get3A_349, %get3A_350] {strides = array<i32>} : memref<128x128xf32, #tpu.memory_space<vmem>>, vector<16xf32>,
          %mul3A_352 = arith.mulf %get3A_351, %gather3A_306 : vector<16xf32>
          %swap3A_353 = arith.index_cast %add3A_301 : i32 to index
          %swap3A_354 = arith.constant 96 : index
          %swap3A_355 = tpu.vector_load %arg17[%swap3A_353, %swap3A_354] {strides = array<i32>} : memref<128x128xf32, #tpu.memory_space<vmem>>, vector<16xf32>,
          tpu.vector_store %arg17[%swap3A_353, %swap3A_354], %mul3A_352 {strides = array<i32>} : memref<128x128xf32, #tpu.memory_space<vmem>>, vector<16xf32>,
          %get3A_356 = arith.index_cast %add3A_301 : i32 to index
          %get3A_357 = arith.constant 112 : index
          %get3A_358 = tpu.vector_load %arg17[%get3A_356, %get3A_357] {strides = array<i32>} : memref<128x128xf32, #tpu.memory_space<vmem>>, vector<16xf32>,
          %mul3A_359 = arith.mulf %get3A_358, %gather3A_306 : vector<16xf32>
          %swap3A_360 = arith.index_cast %add3A_301 : i32 to index
          %swap3A_361 = arith.constant 112 : index
          %swap3A_362 = tpu.vector_load %arg17[%swap3A_360, %swap3A_361] {strides = array<i32>} : memref<128x128xf32, #tpu.memory_space<vmem>>, vector<16xf32>,
          tpu.vector_store %arg17[%swap3A_360, %swap3A_361], %mul3A_359 {strides = array<i32>} : memref<128x128xf32, #tpu.memory_space<vmem>>, vector<16xf32>,
        }
        %scan3A_85 = arith.constant 32 : i32
        "tpu.region"() ({
          %run_scoped3A = tpu.sem_alloc : memref<!tpu.dma_semaphore, #tpu.memory_space<semaphore_mem>>
          %dma_start3A_106 = arith.constant 0 : i32
          %dma_start3A_107 = tpu.memref_slice %arg16[%mul3A_66, %dma_start3A_106] : memref<8x128xi32, #tpu.memory_space<vmem>> -> memref<1x128xi32, #tpu.memory_space<vmem>>
          %dma_start3A_108 = tpu.memref_squeeze %dma_start3A_107 : memref<1x128xi32, #tpu.memory_space<vmem>> -> memref<128xi32, #tpu.memory_space<vmem>>
          %dma_start3A_109 = arith.constant 0 : i32
          %dma_start3A_110 = arith.constant 0 : i32
          %dma_start3A_111 = tpu.memref_slice %arg19[%dma_start3A_109, %dma_start3A_110] : memref<10112x128xf32, #tpu.memory_space<vmem_shared>> -> memref<10112x128xf32, #tpu.memory_space<vmem_shared>>
          tpu.enqueue_indirect_dma source(%arg17 : memref<128x128xf32, #tpu.memory_space<vmem>>) target(%dma_start3A_111 : memref<10112x128xf32, #tpu.memory_space<vmem_shared>>) offsets(%dma_start3A_108 : memref<128xi32, #tpu.memory_space<vmem>>) semaphore(%run_scoped3A : memref<!tpu.dma_semaphore, #tpu.memory_space<semaphore_mem>>) {add = true}
          %dma_wait3A_112 = arith.constant 0 : i32
          %dma_wait3A_113 = tpu.memref_slice %arg16[%mul3A_66, %dma_wait3A_112] : memref<8x128xi32, #tpu.memory_space<vmem>> -> memref<1x128xi32, #tpu.memory_space<vmem>>
          %dma_wait3A_114 = tpu.memref_squeeze %dma_wait3A_113 : memref<1x128xi32, #tpu.memory_space<vmem>> -> memref<128xi32, #tpu.memory_space<vmem>>
          %dma_wait3A_115 = arith.constant 0 : i32
          %dma_wait3A_116 = arith.constant 0 : i32
          %dma_wait3A_117 = tpu.memref_slice %arg19[%dma_wait3A_115, %dma_wait3A_116] : memref<10112x128xf32, #tpu.memory_space<vmem_shared>> -> memref<10112x128xf32, #tpu.memory_space<vmem_shared>>
          tpu.wait_indirect_dma semaphore(%run_scoped3A : memref<!tpu.dma_semaphore, #tpu.memory_space<semaphore_mem>>) src(%arg17 : memref<128x128xf32, #tpu.memory_space<vmem>>) dst(%dma_wait3A_117 : memref<10112x128xf32, #tpu.memory_space<vmem_shared>>)
          tpu.yield
        }) : () -> ()
        %add3A_86 = arith.constant 1 : i32
        %add3A_87 = arith.addi %scan3A_64, %add3A_86 : i32
        %lt3A = arith.constant 4 : i32
        %lt3A_88 = arith.cmpi slt, %add3A_87, %lt3A : i32
        %convert_element_type3A = arith.extui %lt3A_88 : i1 to i32
        %cond3A = arith.constant 0 : i32
        %cond3A_89 = arith.cmpi ne, %convert_element_type3A, %cond3A : i32
        scf.if %cond3A_89 {
          %add3A_106 = arith.constant 2 : i32
          %add3A_107 = arith.addi %mul3A_66, %add3A_106 : i32
          %dma_start3A_108 = arith.constant 0 : i32
          %dma_start3A_109 = tpu.memref_slice %arg15[%add3A_107, %dma_start3A_108] : memref<8x128xi32, #tpu.memory_space<vmem>> -> memref<1x128xi32, #tpu.memory_space<vmem>>
          %dma_start3A_110 = tpu.memref_squeeze %dma_start3A_109 : memref<1x128xi32, #tpu.memory_space<vmem>> -> memref<128xi32, #tpu.memory_space<vmem>>
          %dma_start3A_111 = arith.constant 0 : i32
          %dma_start3A_112 = arith.constant 0 : i32
          %dma_start3A_113 = tpu.memref_slice %arg2[%dma_start3A_111, %dma_start3A_112] : memref<10112x128xf32, #tpu.memory_space<hbm>> -> memref<10112x128xf32, #tpu.memory_space<hbm>>
          tpu.enqueue_indirect_dma source(%dma_start3A_113 : memref<10112x128xf32, #tpu.memory_space<hbm>>) target(%arg17 : memref<128x128xf32, #tpu.memory_space<vmem>>) offsets(%dma_start3A_110 : memref<128xi32, #tpu.memory_space<vmem>>) semaphore(%arg20 : memref<!tpu.dma_semaphore, #tpu.memory_space<semaphore_mem>>)
        } else {
        }
        %add3A_90 = arith.constant 1 : i32
        %add3A_91 = arith.addi %mul3A_66, %add3A_90 : i32
        %dma_wait3A_92 = arith.constant 0 : i32
        %dma_wait3A_93 = tpu.memref_slice %arg15[%add3A_91, %dma_wait3A_92] : memref<8x128xi32, #tpu.memory_space<vmem>> -> memref<1x128xi32, #tpu.memory_space<vmem>>
        %dma_wait3A_94 = tpu.memref_squeeze %dma_wait3A_93 : memref<1x128xi32, #tpu.memory_space<vmem>> -> memref<128xi32, #tpu.memory_space<vmem>>
        %dma_wait3A_95 = arith.constant 0 : i32
        %dma_wait3A_96 = arith.constant 0 : i32
        %dma_wait3A_97 = tpu.memref_slice %arg2[%dma_wait3A_95, %dma_wait3A_96] : memref<10112x128xf32, #tpu.memory_space<hbm>> -> memref<10112x128xf32, #tpu.memory_space<hbm>>
        tpu.wait_indirect_dma semaphore(%arg21 : memref<!tpu.dma_semaphore, #tpu.memory_space<semaphore_mem>>) src(%dma_wait3A_97 : memref<10112x128xf32, #tpu.memory_space<hbm>>) dst(%arg18 : memref<128x128xf32, #tpu.memory_space<vmem>>)
        %add3A_98 = arith.constant 1 : i32
        %add3A_99 = arith.addi %mul3A_66, %add3A_98 : i32
        %scan3A_100 = arith.constant 0 : i32
        %scan3A_101 = arith.constant 0 : i32
        %scan3A_102 = arith.constant 32 : i32
        %scan3A_103 = arith.addi %scan3A_101, %scan3A_102 : i32
        %scan3A_104 = arith.constant 1 : i32
        scf.for %scan3A_106 = %scan3A_101 to %scan3A_103 step %scan3A_104  : i32 {
          %mul3A_107 = arith.constant 4 : i32
          %mul3A_108 = arith.muli %scan3A_106, %mul3A_107 : i32
          %add3A_109 = arith.constant 0 : i32
          %add3A_110 = arith.addi %mul3A_108, %add3A_109 : i32
          %mul3A_111 = arith.constant 128 : i32
          %mul3A_112 = arith.muli %add3A_99, %mul3A_111 : i32
          %add3A_113 = arith.addi %mul3A_112, %add3A_110 : i32
          %broadcast_in_dim3A = vector.broadcast %add3A_113 : i32 to vector<16xi32>
          %gather3A = tpu.vector_load_idx %arg13[%broadcast_in_dim3A] : memref<1024xf32, #tpu.memory_space<vmem>>[vector<16xi32>], vector<16xf32>,
          %get3A = arith.index_cast %add3A_110 : i32 to index
          %get3A_114 = arith.constant 0 : index
          %get3A_115 = tpu.vector_load %arg18[%get3A, %get3A_114] {strides = array<i32>} : memref<128x128xf32, #tpu.memory_space<vmem>>, vector<16xf32>,
          %mul3A_116 = arith.mulf %get3A_115, %gather3A : vector<16xf32>
          %swap3A = arith.index_cast %add3A_110 : i32 to index
          %swap3A_117 = arith.constant 0 : index
          %swap3A_118 = tpu.vector_load %arg18[%swap3A, %swap3A_117] {strides = array<i32>} : memref<128x128xf32, #tpu.memory_space<vmem>>, vector<16xf32>,
          tpu.vector_store %arg18[%swap3A, %swap3A_117], %mul3A_116 {strides = array<i32>} : memref<128x128xf32, #tpu.memory_space<vmem>>, vector<16xf32>,
          %get3A_119 = arith.index_cast %add3A_110 : i32 to index
          %get3A_120 = arith.constant 16 : index
          %get3A_121 = tpu.vector_load %arg18[%get3A_119, %get3A_120] {strides = array<i32>} : memref<128x128xf32, #tpu.memory_space<vmem>>, vector<16xf32>,
          %mul3A_122 = arith.mulf %get3A_121, %gather3A : vector<16xf32>
          %swap3A_123 = arith.index_cast %add3A_110 : i32 to index
          %swap3A_124 = arith.constant 16 : index
          %swap3A_125 = tpu.vector_load %arg18[%swap3A_123, %swap3A_124] {strides = array<i32>} : memref<128x128xf32, #tpu.memory_space<vmem>>, vector<16xf32>,
          tpu.vector_store %arg18[%swap3A_123, %swap3A_124], %mul3A_122 {strides = array<i32>} : memref<128x128xf32, #tpu.memory_space<vmem>>, vector<16xf32>,
          %get3A_126 = arith.index_cast %add3A_110 : i32 to index
          %get3A_127 = arith.constant 32 : index
          %get3A_128 = tpu.vector_load %arg18[%get3A_126, %get3A_127] {strides = array<i32>} : memref<128x128xf32, #tpu.memory_space<vmem>>, vector<16xf32>,
          %mul3A_129 = arith.mulf %get3A_128, %gather3A : vector<16xf32>
          %swap3A_130 = arith.index_cast %add3A_110 : i32 to index
          %swap3A_131 = arith.constant 32 : index
          %swap3A_132 = tpu.vector_load %arg18[%swap3A_130, %swap3A_131] {strides = array<i32>} : memref<128x128xf32, #tpu.memory_space<vmem>>, vector<16xf32>,
          tpu.vector_store %arg18[%swap3A_130, %swap3A_131], %mul3A_129 {strides = array<i32>} : memref<128x128xf32, #tpu.memory_space<vmem>>, vector<16xf32>,
          %get3A_133 = arith.index_cast %add3A_110 : i32 to index
          %get3A_134 = arith.constant 48 : index
          %get3A_135 = tpu.vector_load %arg18[%get3A_133, %get3A_134] {strides = array<i32>} : memref<128x128xf32, #tpu.memory_space<vmem>>, vector<16xf32>,
          %mul3A_136 = arith.mulf %get3A_135, %gather3A : vector<16xf32>
          %swap3A_137 = arith.index_cast %add3A_110 : i32 to index
          %swap3A_138 = arith.constant 48 : index
          %swap3A_139 = tpu.vector_load %arg18[%swap3A_137, %swap3A_138] {strides = array<i32>} : memref<128x128xf32, #tpu.memory_space<vmem>>, vector<16xf32>,
          tpu.vector_store %arg18[%swap3A_137, %swap3A_138], %mul3A_136 {strides = array<i32>} : memref<128x128xf32, #tpu.memory_space<vmem>>, vector<16xf32>,
          %get3A_140 = arith.index_cast %add3A_110 : i32 to index
          %get3A_141 = arith.constant 64 : index
          %get3A_142 = tpu.vector_load %arg18[%get3A_140, %get3A_141] {strides = array<i32>} : memref<128x128xf32, #tpu.memory_space<vmem>>, vector<16xf32>,
          %mul3A_143 = arith.mulf %get3A_142, %gather3A : vector<16xf32>
          %swap3A_144 = arith.index_cast %add3A_110 : i32 to index
          %swap3A_145 = arith.constant 64 : index
          %swap3A_146 = tpu.vector_load %arg18[%swap3A_144, %swap3A_145] {strides = array<i32>} : memref<128x128xf32, #tpu.memory_space<vmem>>, vector<16xf32>,
          tpu.vector_store %arg18[%swap3A_144, %swap3A_145], %mul3A_143 {strides = array<i32>} : memref<128x128xf32, #tpu.memory_space<vmem>>, vector<16xf32>,
          %get3A_147 = arith.index_cast %add3A_110 : i32 to index
          %get3A_148 = arith.constant 80 : index
          %get3A_149 = tpu.vector_load %arg18[%get3A_147, %get3A_148] {strides = array<i32>} : memref<128x128xf32, #tpu.memory_space<vmem>>, vector<16xf32>,
          %mul3A_150 = arith.mulf %get3A_149, %gather3A : vector<16xf32>
          %swap3A_151 = arith.index_cast %add3A_110 : i32 to index
          %swap3A_152 = arith.constant 80 : index
          %swap3A_153 = tpu.vector_load %arg18[%swap3A_151, %swap3A_152] {strides = array<i32>} : memref<128x128xf32, #tpu.memory_space<vmem>>, vector<16xf32>,
          tpu.vector_store %arg18[%swap3A_151, %swap3A_152], %mul3A_150 {strides = array<i32>} : memref<128x128xf32, #tpu.memory_space<vmem>>, vector<16xf32>,
          %get3A_154 = arith.index_cast %add3A_110 : i32 to index
          %get3A_155 = arith.constant 96 : index
          %get3A_156 = tpu.vector_load %arg18[%get3A_154, %get3A_155] {strides = array<i32>} : memref<128x128xf32, #tpu.memory_space<vmem>>, vector<16xf32>,
          %mul3A_157 = arith.mulf %get3A_156, %gather3A : vector<16xf32>
          %swap3A_158 = arith.index_cast %add3A_110 : i32 to index
          %swap3A_159 = arith.constant 96 : index
          %swap3A_160 = tpu.vector_load %arg18[%swap3A_158, %swap3A_159] {strides = array<i32>} : memref<128x128xf32, #tpu.memory_space<vmem>>, vector<16xf32>,
          tpu.vector_store %arg18[%swap3A_158, %swap3A_159], %mul3A_157 {strides = array<i32>} : memref<128x128xf32, #tpu.memory_space<vmem>>, vector<16xf32>,
          %get3A_161 = arith.index_cast %add3A_110 : i32 to index
          %get3A_162 = arith.constant 112 : index
          %get3A_163 = tpu.vector_load %arg18[%get3A_161, %get3A_162] {strides = array<i32>} : memref<128x128xf32, #tpu.memory_space<vmem>>, vector<16xf32>,
          %mul3A_164 = arith.mulf %get3A_163, %gather3A : vector<16xf32>
          %swap3A_165 = arith.index_cast %add3A_110 : i32 to index
          %swap3A_166 = arith.constant 112 : index
          %swap3A_167 = tpu.vector_load %arg18[%swap3A_165, %swap3A_166] {strides = array<i32>} : memref<128x128xf32, #tpu.memory_space<vmem>>, vector<16xf32>,
          tpu.vector_store %arg18[%swap3A_165, %swap3A_166], %mul3A_164 {strides = array<i32>} : memref<128x128xf32, #tpu.memory_space<vmem>>, vector<16xf32>,
          %mul3A_168 = arith.constant 4 : i32
          %mul3A_169 = arith.muli %scan3A_106, %mul3A_168 : i32
          %add3A_170 = arith.constant 1 : i32
          %add3A_171 = arith.addi %mul3A_169, %add3A_170 : i32
          %mul3A_172 = arith.constant 128 : i32
          %mul3A_173 = arith.muli %add3A_99, %mul3A_172 : i32
          %add3A_174 = arith.addi %mul3A_173, %add3A_171 : i32
          %broadcast_in_dim3A_175 = vector.broadcast %add3A_174 : i32 to vector<16xi32>
          %gather3A_176 = tpu.vector_load_idx %arg13[%broadcast_in_dim3A_175] : memref<1024xf32, #tpu.memory_space<vmem>>[vector<16xi32>], vector<16xf32>,
          %get3A_177 = arith.index_cast %add3A_171 : i32 to index
          %get3A_178 = arith.constant 0 : index
          %get3A_179 = tpu.vector_load %arg18[%get3A_177, %get3A_178] {strides = array<i32>} : memref<128x128xf32, #tpu.memory_space<vmem>>, vector<16xf32>,
          %mul3A_180 = arith.mulf %get3A_179, %gather3A_176 : vector<16xf32>
          %swap3A_181 = arith.index_cast %add3A_171 : i32 to index
          %swap3A_182 = arith.constant 0 : index
          %swap3A_183 = tpu.vector_load %arg18[%swap3A_181, %swap3A_182] {strides = array<i32>} : memref<128x128xf32, #tpu.memory_space<vmem>>, vector<16xf32>,
          tpu.vector_store %arg18[%swap3A_181, %swap3A_182], %mul3A_180 {strides = array<i32>} : memref<128x128xf32, #tpu.memory_space<vmem>>, vector<16xf32>,
          %get3A_184 = arith.index_cast %add3A_171 : i32 to index
          %get3A_185 = arith.constant 16 : index
          %get3A_186 = tpu.vector_load %arg18[%get3A_184, %get3A_185] {strides = array<i32>} : memref<128x128xf32, #tpu.memory_space<vmem>>, vector<16xf32>,
          %mul3A_187 = arith.mulf %get3A_186, %gather3A_176 : vector<16xf32>
          %swap3A_188 = arith.index_cast %add3A_171 : i32 to index
          %swap3A_189 = arith.constant 16 : index
          %swap3A_190 = tpu.vector_load %arg18[%swap3A_188, %swap3A_189] {strides = array<i32>} : memref<128x128xf32, #tpu.memory_space<vmem>>, vector<16xf32>,
          tpu.vector_store %arg18[%swap3A_188, %swap3A_189], %mul3A_187 {strides = array<i32>} : memref<128x128xf32, #tpu.memory_space<vmem>>, vector<16xf32>,
          %get3A_191 = arith.index_cast %add3A_171 : i32 to index
          %get3A_192 = arith.constant 32 : index
          %get3A_193 = tpu.vector_load %arg18[%get3A_191, %get3A_192] {strides = array<i32>} : memref<128x128xf32, #tpu.memory_space<vmem>>, vector<16xf32>,
          %mul3A_194 = arith.mulf %get3A_193, %gather3A_176 : vector<16xf32>
          %swap3A_195 = arith.index_cast %add3A_171 : i32 to index
          %swap3A_196 = arith.constant 32 : index
          %swap3A_197 = tpu.vector_load %arg18[%swap3A_195, %swap3A_196] {strides = array<i32>} : memref<128x128xf32, #tpu.memory_space<vmem>>, vector<16xf32>,
          tpu.vector_store %arg18[%swap3A_195, %swap3A_196], %mul3A_194 {strides = array<i32>} : memref<128x128xf32, #tpu.memory_space<vmem>>, vector<16xf32>,
          %get3A_198 = arith.index_cast %add3A_171 : i32 to index
          %get3A_199 = arith.constant 48 : index
          %get3A_200 = tpu.vector_load %arg18[%get3A_198, %get3A_199] {strides = array<i32>} : memref<128x128xf32, #tpu.memory_space<vmem>>, vector<16xf32>,
          %mul3A_201 = arith.mulf %get3A_200, %gather3A_176 : vector<16xf32>
          %swap3A_202 = arith.index_cast %add3A_171 : i32 to index
          %swap3A_203 = arith.constant 48 : index
          %swap3A_204 = tpu.vector_load %arg18[%swap3A_202, %swap3A_203] {strides = array<i32>} : memref<128x128xf32, #tpu.memory_space<vmem>>, vector<16xf32>,
          tpu.vector_store %arg18[%swap3A_202, %swap3A_203], %mul3A_201 {strides = array<i32>} : memref<128x128xf32, #tpu.memory_space<vmem>>, vector<16xf32>,
          %get3A_205 = arith.index_cast %add3A_171 : i32 to index
          %get3A_206 = arith.constant 64 : index
          %get3A_207 = tpu.vector_load %arg18[%get3A_205, %get3A_206] {strides = array<i32>} : memref<128x128xf32, #tpu.memory_space<vmem>>, vector<16xf32>,
          %mul3A_208 = arith.mulf %get3A_207, %gather3A_176 : vector<16xf32>
          %swap3A_209 = arith.index_cast %add3A_171 : i32 to index
          %swap3A_210 = arith.constant 64 : index
          %swap3A_211 = tpu.vector_load %arg18[%swap3A_209, %swap3A_210] {strides = array<i32>} : memref<128x128xf32, #tpu.memory_space<vmem>>, vector<16xf32>,
          tpu.vector_store %arg18[%swap3A_209, %swap3A_210], %mul3A_208 {strides = array<i32>} : memref<128x128xf32, #tpu.memory_space<vmem>>, vector<16xf32>,
          %get3A_212 = arith.index_cast %add3A_171 : i32 to index
          %get3A_213 = arith.constant 80 : index
          %get3A_214 = tpu.vector_load %arg18[%get3A_212, %get3A_213] {strides = array<i32>} : memref<128x128xf32, #tpu.memory_space<vmem>>, vector<16xf32>,
          %mul3A_215 = arith.mulf %get3A_214, %gather3A_176 : vector<16xf32>
          %swap3A_216 = arith.index_cast %add3A_171 : i32 to index
          %swap3A_217 = arith.constant 80 : index
          %swap3A_218 = tpu.vector_load %arg18[%swap3A_216, %swap3A_217] {strides = array<i32>} : memref<128x128xf32, #tpu.memory_space<vmem>>, vector<16xf32>,
          tpu.vector_store %arg18[%swap3A_216, %swap3A_217], %mul3A_215 {strides = array<i32>} : memref<128x128xf32, #tpu.memory_space<vmem>>, vector<16xf32>,
          %get3A_219 = arith.index_cast %add3A_171 : i32 to index
          %get3A_220 = arith.constant 96 : index
          %get3A_221 = tpu.vector_load %arg18[%get3A_219, %get3A_220] {strides = array<i32>} : memref<128x128xf32, #tpu.memory_space<vmem>>, vector<16xf32>,
          %mul3A_222 = arith.mulf %get3A_221, %gather3A_176 : vector<16xf32>
          %swap3A_223 = arith.index_cast %add3A_171 : i32 to index
          %swap3A_224 = arith.constant 96 : index
          %swap3A_225 = tpu.vector_load %arg18[%swap3A_223, %swap3A_224] {strides = array<i32>} : memref<128x128xf32, #tpu.memory_space<vmem>>, vector<16xf32>,
          tpu.vector_store %arg18[%swap3A_223, %swap3A_224], %mul3A_222 {strides = array<i32>} : memref<128x128xf32, #tpu.memory_space<vmem>>, vector<16xf32>,
          %get3A_226 = arith.index_cast %add3A_171 : i32 to index
          %get3A_227 = arith.constant 112 : index
          %get3A_228 = tpu.vector_load %arg18[%get3A_226, %get3A_227] {strides = array<i32>} : memref<128x128xf32, #tpu.memory_space<vmem>>, vector<16xf32>,
          %mul3A_229 = arith.mulf %get3A_228, %gather3A_176 : vector<16xf32>
          %swap3A_230 = arith.index_cast %add3A_171 : i32 to index
          %swap3A_231 = arith.constant 112 : index
          %swap3A_232 = tpu.vector_load %arg18[%swap3A_230, %swap3A_231] {strides = array<i32>} : memref<128x128xf32, #tpu.memory_space<vmem>>, vector<16xf32>,
          tpu.vector_store %arg18[%swap3A_230, %swap3A_231], %mul3A_229 {strides = array<i32>} : memref<128x128xf32, #tpu.memory_space<vmem>>, vector<16xf32>,
          %mul3A_233 = arith.constant 4 : i32
          %mul3A_234 = arith.muli %scan3A_106, %mul3A_233 : i32
          %add3A_235 = arith.constant 2 : i32
          %add3A_236 = arith.addi %mul3A_234, %add3A_235 : i32
          %mul3A_237 = arith.constant 128 : i32
          %mul3A_238 = arith.muli %add3A_99, %mul3A_237 : i32
          %add3A_239 = arith.addi %mul3A_238, %add3A_236 : i32
          %broadcast_in_dim3A_240 = vector.broadcast %add3A_239 : i32 to vector<16xi32>
          %gather3A_241 = tpu.vector_load_idx %arg13[%broadcast_in_dim3A_240] : memref<1024xf32, #tpu.memory_space<vmem>>[vector<16xi32>], vector<16xf32>,
          %get3A_242 = arith.index_cast %add3A_236 : i32 to index
          %get3A_243 = arith.constant 0 : index
          %get3A_244 = tpu.vector_load %arg18[%get3A_242, %get3A_243] {strides = array<i32>} : memref<128x128xf32, #tpu.memory_space<vmem>>, vector<16xf32>,
          %mul3A_245 = arith.mulf %get3A_244, %gather3A_241 : vector<16xf32>
          %swap3A_246 = arith.index_cast %add3A_236 : i32 to index
          %swap3A_247 = arith.constant 0 : index
          %swap3A_248 = tpu.vector_load %arg18[%swap3A_246, %swap3A_247] {strides = array<i32>} : memref<128x128xf32, #tpu.memory_space<vmem>>, vector<16xf32>,
          tpu.vector_store %arg18[%swap3A_246, %swap3A_247], %mul3A_245 {strides = array<i32>} : memref<128x128xf32, #tpu.memory_space<vmem>>, vector<16xf32>,
          %get3A_249 = arith.index_cast %add3A_236 : i32 to index
          %get3A_250 = arith.constant 16 : index
          %get3A_251 = tpu.vector_load %arg18[%get3A_249, %get3A_250] {strides = array<i32>} : memref<128x128xf32, #tpu.memory_space<vmem>>, vector<16xf32>,
          %mul3A_252 = arith.mulf %get3A_251, %gather3A_241 : vector<16xf32>
          %swap3A_253 = arith.index_cast %add3A_236 : i32 to index
          %swap3A_254 = arith.constant 16 : index
          %swap3A_255 = tpu.vector_load %arg18[%swap3A_253, %swap3A_254] {strides = array<i32>} : memref<128x128xf32, #tpu.memory_space<vmem>>, vector<16xf32>,
          tpu.vector_store %arg18[%swap3A_253, %swap3A_254], %mul3A_252 {strides = array<i32>} : memref<128x128xf32, #tpu.memory_space<vmem>>, vector<16xf32>,
          %get3A_256 = arith.index_cast %add3A_236 : i32 to index
          %get3A_257 = arith.constant 32 : index
          %get3A_258 = tpu.vector_load %arg18[%get3A_256, %get3A_257] {strides = array<i32>} : memref<128x128xf32, #tpu.memory_space<vmem>>, vector<16xf32>,
          %mul3A_259 = arith.mulf %get3A_258, %gather3A_241 : vector<16xf32>
          %swap3A_260 = arith.index_cast %add3A_236 : i32 to index
          %swap3A_261 = arith.constant 32 : index
          %swap3A_262 = tpu.vector_load %arg18[%swap3A_260, %swap3A_261] {strides = array<i32>} : memref<128x128xf32, #tpu.memory_space<vmem>>, vector<16xf32>,
          tpu.vector_store %arg18[%swap3A_260, %swap3A_261], %mul3A_259 {strides = array<i32>} : memref<128x128xf32, #tpu.memory_space<vmem>>, vector<16xf32>,
          %get3A_263 = arith.index_cast %add3A_236 : i32 to index
          %get3A_264 = arith.constant 48 : index
          %get3A_265 = tpu.vector_load %arg18[%get3A_263, %get3A_264] {strides = array<i32>} : memref<128x128xf32, #tpu.memory_space<vmem>>, vector<16xf32>,
          %mul3A_266 = arith.mulf %get3A_265, %gather3A_241 : vector<16xf32>
          %swap3A_267 = arith.index_cast %add3A_236 : i32 to index
          %swap3A_268 = arith.constant 48 : index
          %swap3A_269 = tpu.vector_load %arg18[%swap3A_267, %swap3A_268] {strides = array<i32>} : memref<128x128xf32, #tpu.memory_space<vmem>>, vector<16xf32>,
          tpu.vector_store %arg18[%swap3A_267, %swap3A_268], %mul3A_266 {strides = array<i32>} : memref<128x128xf32, #tpu.memory_space<vmem>>, vector<16xf32>,
          %get3A_270 = arith.index_cast %add3A_236 : i32 to index
          %get3A_271 = arith.constant 64 : index
          %get3A_272 = tpu.vector_load %arg18[%get3A_270, %get3A_271] {strides = array<i32>} : memref<128x128xf32, #tpu.memory_space<vmem>>, vector<16xf32>,
          %mul3A_273 = arith.mulf %get3A_272, %gather3A_241 : vector<16xf32>
          %swap3A_274 = arith.index_cast %add3A_236 : i32 to index
          %swap3A_275 = arith.constant 64 : index
          %swap3A_276 = tpu.vector_load %arg18[%swap3A_274, %swap3A_275] {strides = array<i32>} : memref<128x128xf32, #tpu.memory_space<vmem>>, vector<16xf32>,
          tpu.vector_store %arg18[%swap3A_274, %swap3A_275], %mul3A_273 {strides = array<i32>} : memref<128x128xf32, #tpu.memory_space<vmem>>, vector<16xf32>,
          %get3A_277 = arith.index_cast %add3A_236 : i32 to index
          %get3A_278 = arith.constant 80 : index
          %get3A_279 = tpu.vector_load %arg18[%get3A_277, %get3A_278] {strides = array<i32>} : memref<128x128xf32, #tpu.memory_space<vmem>>, vector<16xf32>,
          %mul3A_280 = arith.mulf %get3A_279, %gather3A_241 : vector<16xf32>
          %swap3A_281 = arith.index_cast %add3A_236 : i32 to index
          %swap3A_282 = arith.constant 80 : index
          %swap3A_283 = tpu.vector_load %arg18[%swap3A_281, %swap3A_282] {strides = array<i32>} : memref<128x128xf32, #tpu.memory_space<vmem>>, vector<16xf32>,
          tpu.vector_store %arg18[%swap3A_281, %swap3A_282], %mul3A_280 {strides = array<i32>} : memref<128x128xf32, #tpu.memory_space<vmem>>, vector<16xf32>,
          %get3A_284 = arith.index_cast %add3A_236 : i32 to index
          %get3A_285 = arith.constant 96 : index
          %get3A_286 = tpu.vector_load %arg18[%get3A_284, %get3A_285] {strides = array<i32>} : memref<128x128xf32, #tpu.memory_space<vmem>>, vector<16xf32>,
          %mul3A_287 = arith.mulf %get3A_286, %gather3A_241 : vector<16xf32>
          %swap3A_288 = arith.index_cast %add3A_236 : i32 to index
          %swap3A_289 = arith.constant 96 : index
          %swap3A_290 = tpu.vector_load %arg18[%swap3A_288, %swap3A_289] {strides = array<i32>} : memref<128x128xf32, #tpu.memory_space<vmem>>, vector<16xf32>,
          tpu.vector_store %arg18[%swap3A_288, %swap3A_289], %mul3A_287 {strides = array<i32>} : memref<128x128xf32, #tpu.memory_space<vmem>>, vector<16xf32>,
          %get3A_291 = arith.index_cast %add3A_236 : i32 to index
          %get3A_292 = arith.constant 112 : index
          %get3A_293 = tpu.vector_load %arg18[%get3A_291, %get3A_292] {strides = array<i32>} : memref<128x128xf32, #tpu.memory_space<vmem>>, vector<16xf32>,
          %mul3A_294 = arith.mulf %get3A_293, %gather3A_241 : vector<16xf32>
          %swap3A_295 = arith.index_cast %add3A_236 : i32 to index
          %swap3A_296 = arith.constant 112 : index
          %swap3A_297 = tpu.vector_load %arg18[%swap3A_295, %swap3A_296] {strides = array<i32>} : memref<128x128xf32, #tpu.memory_space<vmem>>, vector<16xf32>,
          tpu.vector_store %arg18[%swap3A_295, %swap3A_296], %mul3A_294 {strides = array<i32>} : memref<128x128xf32, #tpu.memory_space<vmem>>, vector<16xf32>,
          %mul3A_298 = arith.constant 4 : i32
          %mul3A_299 = arith.muli %scan3A_106, %mul3A_298 : i32
          %add3A_300 = arith.constant 3 : i32
          %add3A_301 = arith.addi %mul3A_299, %add3A_300 : i32
          %mul3A_302 = arith.constant 128 : i32
          %mul3A_303 = arith.muli %add3A_99, %mul3A_302 : i32
          %add3A_304 = arith.addi %mul3A_303, %add3A_301 : i32
          %broadcast_in_dim3A_305 = vector.broadcast %add3A_304 : i32 to vector<16xi32>
          %gather3A_306 = tpu.vector_load_idx %arg13[%broadcast_in_dim3A_305] : memref<1024xf32, #tpu.memory_space<vmem>>[vector<16xi32>], vector<16xf32>,
          %get3A_307 = arith.index_cast %add3A_301 : i32 to index
          %get3A_308 = arith.constant 0 : index
          %get3A_309 = tpu.vector_load %arg18[%get3A_307, %get3A_308] {strides = array<i32>} : memref<128x128xf32, #tpu.memory_space<vmem>>, vector<16xf32>,
          %mul3A_310 = arith.mulf %get3A_309, %gather3A_306 : vector<16xf32>
          %swap3A_311 = arith.index_cast %add3A_301 : i32 to index
          %swap3A_312 = arith.constant 0 : index
          %swap3A_313 = tpu.vector_load %arg18[%swap3A_311, %swap3A_312] {strides = array<i32>} : memref<128x128xf32, #tpu.memory_space<vmem>>, vector<16xf32>,
          tpu.vector_store %arg18[%swap3A_311, %swap3A_312], %mul3A_310 {strides = array<i32>} : memref<128x128xf32, #tpu.memory_space<vmem>>, vector<16xf32>,
          %get3A_314 = arith.index_cast %add3A_301 : i32 to index
          %get3A_315 = arith.constant 16 : index
          %get3A_316 = tpu.vector_load %arg18[%get3A_314, %get3A_315] {strides = array<i32>} : memref<128x128xf32, #tpu.memory_space<vmem>>, vector<16xf32>,
          %mul3A_317 = arith.mulf %get3A_316, %gather3A_306 : vector<16xf32>
          %swap3A_318 = arith.index_cast %add3A_301 : i32 to index
          %swap3A_319 = arith.constant 16 : index
          %swap3A_320 = tpu.vector_load %arg18[%swap3A_318, %swap3A_319] {strides = array<i32>} : memref<128x128xf32, #tpu.memory_space<vmem>>, vector<16xf32>,
          tpu.vector_store %arg18[%swap3A_318, %swap3A_319], %mul3A_317 {strides = array<i32>} : memref<128x128xf32, #tpu.memory_space<vmem>>, vector<16xf32>,
          %get3A_321 = arith.index_cast %add3A_301 : i32 to index
          %get3A_322 = arith.constant 32 : index
          %get3A_323 = tpu.vector_load %arg18[%get3A_321, %get3A_322] {strides = array<i32>} : memref<128x128xf32, #tpu.memory_space<vmem>>, vector<16xf32>,
          %mul3A_324 = arith.mulf %get3A_323, %gather3A_306 : vector<16xf32>
          %swap3A_325 = arith.index_cast %add3A_301 : i32 to index
          %swap3A_326 = arith.constant 32 : index
          %swap3A_327 = tpu.vector_load %arg18[%swap3A_325, %swap3A_326] {strides = array<i32>} : memref<128x128xf32, #tpu.memory_space<vmem>>, vector<16xf32>,
          tpu.vector_store %arg18[%swap3A_325, %swap3A_326], %mul3A_324 {strides = array<i32>} : memref<128x128xf32, #tpu.memory_space<vmem>>, vector<16xf32>,
          %get3A_328 = arith.index_cast %add3A_301 : i32 to index
          %get3A_329 = arith.constant 48 : index
          %get3A_330 = tpu.vector_load %arg18[%get3A_328, %get3A_329] {strides = array<i32>} : memref<128x128xf32, #tpu.memory_space<vmem>>, vector<16xf32>,
          %mul3A_331 = arith.mulf %get3A_330, %gather3A_306 : vector<16xf32>
          %swap3A_332 = arith.index_cast %add3A_301 : i32 to index
          %swap3A_333 = arith.constant 48 : index
          %swap3A_334 = tpu.vector_load %arg18[%swap3A_332, %swap3A_333] {strides = array<i32>} : memref<128x128xf32, #tpu.memory_space<vmem>>, vector<16xf32>,
          tpu.vector_store %arg18[%swap3A_332, %swap3A_333], %mul3A_331 {strides = array<i32>} : memref<128x128xf32, #tpu.memory_space<vmem>>, vector<16xf32>,
          %get3A_335 = arith.index_cast %add3A_301 : i32 to index
          %get3A_336 = arith.constant 64 : index
          %get3A_337 = tpu.vector_load %arg18[%get3A_335, %get3A_336] {strides = array<i32>} : memref<128x128xf32, #tpu.memory_space<vmem>>, vector<16xf32>,
          %mul3A_338 = arith.mulf %get3A_337, %gather3A_306 : vector<16xf32>
          %swap3A_339 = arith.index_cast %add3A_301 : i32 to index
          %swap3A_340 = arith.constant 64 : index
          %swap3A_341 = tpu.vector_load %arg18[%swap3A_339, %swap3A_340] {strides = array<i32>} : memref<128x128xf32, #tpu.memory_space<vmem>>, vector<16xf32>,
          tpu.vector_store %arg18[%swap3A_339, %swap3A_340], %mul3A_338 {strides = array<i32>} : memref<128x128xf32, #tpu.memory_space<vmem>>, vector<16xf32>,
          %get3A_342 = arith.index_cast %add3A_301 : i32 to index
          %get3A_343 = arith.constant 80 : index
          %get3A_344 = tpu.vector_load %arg18[%get3A_342, %get3A_343] {strides = array<i32>} : memref<128x128xf32, #tpu.memory_space<vmem>>, vector<16xf32>,
          %mul3A_345 = arith.mulf %get3A_344, %gather3A_306 : vector<16xf32>
          %swap3A_346 = arith.index_cast %add3A_301 : i32 to index
          %swap3A_347 = arith.constant 80 : index
          %swap3A_348 = tpu.vector_load %arg18[%swap3A_346, %swap3A_347] {strides = array<i32>} : memref<128x128xf32, #tpu.memory_space<vmem>>, vector<16xf32>,
          tpu.vector_store %arg18[%swap3A_346, %swap3A_347], %mul3A_345 {strides = array<i32>} : memref<128x128xf32, #tpu.memory_space<vmem>>, vector<16xf32>,
          %get3A_349 = arith.index_cast %add3A_301 : i32 to index
          %get3A_350 = arith.constant 96 : index
          %get3A_351 = tpu.vector_load %arg18[%get3A_349, %get3A_350] {strides = array<i32>} : memref<128x128xf32, #tpu.memory_space<vmem>>, vector<16xf32>,
          %mul3A_352 = arith.mulf %get3A_351, %gather3A_306 : vector<16xf32>
          %swap3A_353 = arith.index_cast %add3A_301 : i32 to index
          %swap3A_354 = arith.constant 96 : index
          %swap3A_355 = tpu.vector_load %arg18[%swap3A_353, %swap3A_354] {strides = array<i32>} : memref<128x128xf32, #tpu.memory_space<vmem>>, vector<16xf32>,
          tpu.vector_store %arg18[%swap3A_353, %swap3A_354], %mul3A_352 {strides = array<i32>} : memref<128x128xf32, #tpu.memory_space<vmem>>, vector<16xf32>,
          %get3A_356 = arith.index_cast %add3A_301 : i32 to index
          %get3A_357 = arith.constant 112 : index
          %get3A_358 = tpu.vector_load %arg18[%get3A_356, %get3A_357] {strides = array<i32>} : memref<128x128xf32, #tpu.memory_space<vmem>>, vector<16xf32>,
          %mul3A_359 = arith.mulf %get3A_358, %gather3A_306 : vector<16xf32>
          %swap3A_360 = arith.index_cast %add3A_301 : i32 to index
          %swap3A_361 = arith.constant 112 : index
          %swap3A_362 = tpu.vector_load %arg18[%swap3A_360, %swap3A_361] {strides = array<i32>} : memref<128x128xf32, #tpu.memory_space<vmem>>, vector<16xf32>,
          tpu.vector_store %arg18[%swap3A_360, %swap3A_361], %mul3A_359 {strides = array<i32>} : memref<128x128xf32, #tpu.memory_space<vmem>>, vector<16xf32>,
        }
        %scan3A_105 = arith.constant 32 : i32
        "tpu.region"() ({
          %run_scoped3A = tpu.sem_alloc : memref<!tpu.dma_semaphore, #tpu.memory_space<semaphore_mem>>
          %dma_start3A_106 = arith.constant 0 : i32
          %dma_start3A_107 = tpu.memref_slice %arg16[%add3A_99, %dma_start3A_106] : memref<8x128xi32, #tpu.memory_space<vmem>> -> memref<1x128xi32, #tpu.memory_space<vmem>>
          %dma_start3A_108 = tpu.memref_squeeze %dma_start3A_107 : memref<1x128xi32, #tpu.memory_space<vmem>> -> memref<128xi32, #tpu.memory_space<vmem>>
          %dma_start3A_109 = arith.constant 0 : i32
          %dma_start3A_110 = arith.constant 0 : i32
          %dma_start3A_111 = tpu.memref_slice %arg19[%dma_start3A_109, %dma_start3A_110] : memref<10112x128xf32, #tpu.memory_space<vmem_shared>> -> memref<10112x128xf32, #tpu.memory_space<vmem_shared>>
          tpu.enqueue_indirect_dma source(%arg18 : memref<128x128xf32, #tpu.memory_space<vmem>>) target(%dma_start3A_111 : memref<10112x128xf32, #tpu.memory_space<vmem_shared>>) offsets(%dma_start3A_108 : memref<128xi32, #tpu.memory_space<vmem>>) semaphore(%run_scoped3A : memref<!tpu.dma_semaphore, #tpu.memory_space<semaphore_mem>>) {add = true}
          %dma_wait3A_112 = arith.constant 0 : i32
          %dma_wait3A_113 = tpu.memref_slice %arg16[%add3A_99, %dma_wait3A_112] : memref<8x128xi32, #tpu.memory_space<vmem>> -> memref<1x128xi32, #tpu.memory_space<vmem>>
          %dma_wait3A_114 = tpu.memref_squeeze %dma_wait3A_113 : memref<1x128xi32, #tpu.memory_space<vmem>> -> memref<128xi32, #tpu.memory_space<vmem>>
          %dma_wait3A_115 = arith.constant 0 : i32
          %dma_wait3A_116 = arith.constant 0 : i32
          %dma_wait3A_117 = tpu.memref_slice %arg19[%dma_wait3A_115, %dma_wait3A_116] : memref<10112x128xf32, #tpu.memory_space<vmem_shared>> -> memref<10112x128xf32, #tpu.memory_space<vmem_shared>>
          tpu.wait_indirect_dma semaphore(%run_scoped3A : memref<!tpu.dma_semaphore, #tpu.memory_space<semaphore_mem>>) src(%arg18 : memref<128x128xf32, #tpu.memory_space<vmem>>) dst(%dma_wait3A_117 : memref<10112x128xf32, #tpu.memory_space<vmem_shared>>)
          tpu.yield
        }) : () -> ()
      }
      %scan3A_63 = arith.constant 4 : i32
    }
    %barrier3A_36 = arith.constant 0 : index
    tpu.barrier barrier_id(%barrier3A_36)
    %mul3A_37 = arith.constant 632 : i32
    %mul3A_38 = arith.muli %arg1, %mul3A_37 : i32
    %mul3A_39 = arith.constant 632 : i32
    %mul3A_40 = arith.muli %arg1, %mul3A_39 : i32
    "tpu.region"() ({
      %run_scoped3A = tpu.sem_alloc : memref<!tpu.dma_semaphore, #tpu.memory_space<semaphore_mem>>
      %dma_start3A = arith.constant 0 : i32
      %dma_start3A_41 = tpu.memref_slice %arg10[%arg0, %mul3A_40, %dma_start3A] : memref<2x10112x128xf32, #tpu.memory_space<hbm>> -> memref<1x632x128xf32, #tpu.memory_space<hbm>>
      %dma_start3A_42 = tpu.memref_squeeze %dma_start3A_41 : memref<1x632x128xf32, #tpu.memory_space<hbm>> -> memref<632x128xf32, #tpu.memory_space<hbm>>
      %dma_start3A_43 = arith.constant 0 : i32
      %dma_start3A_44 = tpu.memref_slice %arg19[%mul3A_38, %dma_start3A_43] : memref<10112x128xf32, #tpu.memory_space<vmem_shared>> -> memref<632x128xf32, #tpu.memory_space<vmem_shared>>
      tpu.enqueue_dma source(%dma_start3A_44 : memref<632x128xf32, #tpu.memory_space<vmem_shared>>) target(%dma_start3A_42 : memref<632x128xf32, #tpu.memory_space<hbm>>) target_semaphore(%run_scoped3A : memref<!tpu.dma_semaphore, #tpu.memory_space<semaphore_mem>>)
      %dma_wait3A = arith.constant 0 : i32
      %dma_wait3A_45 = tpu.memref_slice %arg10[%arg0, %mul3A_40, %dma_wait3A] : memref<2x10112x128xf32, #tpu.memory_space<hbm>> -> memref<1x632x128xf32, #tpu.memory_space<hbm>>
      %dma_wait3A_46 = tpu.memref_squeeze %dma_wait3A_45 : memref<1x632x128xf32, #tpu.memory_space<hbm>> -> memref<632x128xf32, #tpu.memory_space<hbm>>
      %dma_wait3A_47 = arith.constant 0 : i32
      %dma_wait3A_48 = tpu.memref_slice %arg19[%mul3A_38, %dma_wait3A_47] : memref<10112x128xf32, #tpu.memory_space<vmem_shared>> -> memref<632x128xf32, #tpu.memory_space<vmem_shared>>
      tpu.wait_dma2 semaphore(%run_scoped3A : memref<!tpu.dma_semaphore, #tpu.memory_space<semaphore_mem>>) src(%dma_wait3A_48 : memref<632x128xf32, #tpu.memory_space<vmem_shared>>) dst(%dma_wait3A_46 : memref<632x128xf32, #tpu.memory_space<hbm>>)
      tpu.yield
    }) : () -> ()
    return
  }
}

#map = affine_map<(d0, d1) -> (0, 0)>
#map1 = affine_map<(d0, d1) -> (0)>
#map2 = affine_map<(d0, d1) -> (0, 0, 0)>
module attributes {stable_mosaic.version = 14 : i64} {
  func.func @_row_pass(%arg0: i32, %arg1: i32, %arg2: memref<10112x128xf32, #tpu.memory_space<hbm>>, %arg3: memref<327680xi32, #tpu.memory_space<hbm>>, %arg4: memref<327680xi32, #tpu.memory_space<hbm>>, %arg5: memref<327680xf32, #tpu.memory_space<hbm>>, %arg6: memref<2560x128xi32, #tpu.memory_space<hbm>>, %arg7: memref<2560x128xi32, #tpu.memory_space<hbm>>, %arg8: memref<10112xf32, #tpu.memory_space<hbm>>, %arg9: memref<10112x128xf32, #tpu.memory_space<hbm>>, %arg10: memref<2x10112x128xf32, #tpu.memory_space<hbm>>, %arg11: memref<1024xi32, #tpu.memory_space<vmem>>, %arg12: memref<1024xi32, #tpu.memory_space<vmem>>, %arg13: memref<1024xf32, #tpu.memory_space<vmem>>, %arg14: memref<10112xf32, #tpu.memory_space<vmem>>, %arg15: memref<8x128xi32, #tpu.memory_space<vmem>>, %arg16: memref<8x128xi32, #tpu.memory_space<vmem>>, %arg17: memref<128x128xf32, #tpu.memory_space<vmem>>, %arg18: memref<128x128xf32, #tpu.memory_space<vmem>>, %arg19: memref<10112x128xf32, #tpu.memory_space<vmem_shared>>, %arg20: memref<!tpu.dma_semaphore, #tpu.memory_space<semaphore_mem>>, %arg21: memref<!tpu.dma_semaphore, #tpu.memory_space<semaphore_mem>>) attributes {dimension_semantics = [#tpu.dimension_semantics<core_parallel>, #tpu.dimension_semantics<subcore_parallel>], iteration_bounds = array<i64: 2, 16>, scalar_prefetch = 0 : i64, scratch_operands = 11 : i64, tpu.core_type = #tpu.core_type<sc_vector_subcore>, window_params = [{transform_indices = #map}, {transform_indices = #map1}, {transform_indices = #map1}, {transform_indices = #map1}, {transform_indices = #map}, {transform_indices = #map}, {transform_indices = #map1}, {transform_indices = #map}, {transform_indices = #map2}]} {
    %eq3A = arith.constant 0 : i32
    %eq3A_0 = arith.cmpi eq, %arg0, %eq3A : i32
    %jit3A = arith.constant 120 : i32
    %jit3A_1 = arith.constant 40 : i32
    %select_n3A = arith.select %eq3A_0, %jit3A, %jit3A_1 : i32
    %mul3A = arith.constant 160 : i32
    %mul3A_2 = arith.muli %arg1, %mul3A : i32
    %mul3A_3 = arith.constant 120 : i32
    %mul3A_4 = arith.muli %arg0, %mul3A_3 : i32
    %add3A = arith.addi %mul3A_2, %mul3A_4 : i32
    "tpu.region"() ({
      %run_scoped3A = tpu.sem_alloc : memref<!tpu.dma_semaphore, #tpu.memory_space<semaphore_mem>>
      %dma_start3A = arith.constant 0 : i32
      %dma_start3A_41 = tpu.memref_slice %arg8[%dma_start3A] : memref<10112xf32, #tpu.memory_space<hbm>> -> memref<10112xf32, #tpu.memory_space<hbm>>
      %dma_start3A_42 = arith.constant 0 : i32
      %dma_start3A_43 = tpu.memref_slice %arg8[%dma_start3A_42] : memref<10112xf32, #tpu.memory_space<hbm>> -> memref<10112xf32, #tpu.memory_space<hbm>>
      tpu.enqueue_dma source(%dma_start3A_43 : memref<10112xf32, #tpu.memory_space<hbm>>) target(%arg14 : memref<10112xf32, #tpu.memory_space<vmem>>) target_semaphore(%run_scoped3A : memref<!tpu.dma_semaphore, #tpu.memory_space<semaphore_mem>>)
      %dma_wait3A = arith.constant 0 : i32
      %dma_wait3A_44 = tpu.memref_slice %arg8[%dma_wait3A] : memref<10112xf32, #tpu.memory_space<hbm>> -> memref<10112xf32, #tpu.memory_space<hbm>>
      %dma_wait3A_45 = arith.constant 0 : i32
      %dma_wait3A_46 = tpu.memref_slice %arg8[%dma_wait3A_45] : memref<10112xf32, #tpu.memory_space<hbm>> -> memref<10112xf32, #tpu.memory_space<hbm>>
      tpu.wait_dma2 semaphore(%run_scoped3A : memref<!tpu.dma_semaphore, #tpu.memory_space<semaphore_mem>>) src(%dma_wait3A_46 : memref<10112xf32, #tpu.memory_space<hbm>>) dst(%arg14 : memref<10112xf32, #tpu.memory_space<vmem>>)
      tpu.yield
    }) : () -> ()
    %mul3A_5 = arith.constant 632 : i32
    %mul3A_6 = arith.muli %arg1, %mul3A_5 : i32
    %mul3A_7 = arith.constant 632 : i32
    %mul3A_8 = arith.muli %arg1, %mul3A_7 : i32
    "tpu.region"() ({
      %run_scoped3A = tpu.sem_alloc : memref<!tpu.dma_semaphore, #tpu.memory_space<semaphore_mem>>
      %dma_start3A = arith.constant 0 : i32
      %dma_start3A_41 = tpu.memref_slice %arg19[%mul3A_8, %dma_start3A] : memref<10112x128xf32, #tpu.memory_space<vmem_shared>> -> memref<632x128xf32, #tpu.memory_space<vmem_shared>>
      %dma_start3A_42 = arith.constant 0 : i32
      %dma_start3A_43 = tpu.memref_slice %arg9[%mul3A_6, %dma_start3A_42] : memref<10112x128xf32, #tpu.memory_space<hbm>> -> memref<632x128xf32, #tpu.memory_space<hbm>>
      tpu.enqueue_dma source(%dma_start3A_43 : memref<632x128xf32, #tpu.memory_space<hbm>>) target(%dma_start3A_41 : memref<632x128xf32, #tpu.memory_space<vmem_shared>>) target_semaphore(%run_scoped3A : memref<!tpu.dma_semaphore, #tpu.memory_space<semaphore_mem>>)
      %dma_wait3A = arith.constant 0 : i32
      %dma_wait3A_44 = tpu.memref_slice %arg19[%mul3A_8, %dma_wait3A] : memref<10112x128xf32, #tpu.memory_space<vmem_shared>> -> memref<632x128xf32, #tpu.memory_space<vmem_shared>>
      %dma_wait3A_45 = arith.constant 0 : i32
      %dma_wait3A_46 = tpu.memref_slice %arg9[%mul3A_6, %dma_wait3A_45] : memref<10112x128xf32, #tpu.memory_space<hbm>> -> memref<632x128xf32, #tpu.memory_space<hbm>>
      tpu.wait_dma2 semaphore(%run_scoped3A : memref<!tpu.dma_semaphore, #tpu.memory_space<semaphore_mem>>) src(%dma_wait3A_46 : memref<632x128xf32, #tpu.memory_space<hbm>>) dst(%dma_wait3A_44 : memref<632x128xf32, #tpu.memory_space<vmem_shared>>)
      tpu.yield
    }) : () -> ()
    %barrier3A = arith.constant 0 : index
    tpu.barrier barrier_id(%barrier3A)
    %jit3A_9 = arith.constant 8 : i32
    %div3A = arith.divsi %select_n3A, %jit3A_9 : i32
    %sign3A = arith.constant 0 : i32
    %sign3A_10 = arith.cmpi sgt, %select_n3A, %sign3A : i32
    %sign3A_11 = arith.extui %sign3A_10 : i1 to i32
    %sign3A_12 = arith.constant 0 : i32
    %sign3A_13 = arith.cmpi slt, %select_n3A, %sign3A_12 : i32
    %sign3A_14 = arith.extui %sign3A_13 : i1 to i32
    %sign3A_15 = arith.subi %sign3A_11, %sign3A_14 : i32
    %sign3A_16 = arith.constant 0 : i32
    %sign3A_17 = arith.cmpi sgt, %jit3A_9, %sign3A_16 : i32
    %sign3A_18 = arith.extui %sign3A_17 : i1 to i32
    %sign3A_19 = arith.constant 0 : i32
    %sign3A_20 = arith.cmpi slt, %jit3A_9, %sign3A_19 : i32
    %sign3A_21 = arith.extui %sign3A_20 : i1 to i32
    %sign3A_22 = arith.subi %sign3A_18, %sign3A_21 : i32
    %ne3A = arith.cmpi ne, %sign3A_15, %sign3A_22 : i32
    %rem3A = arith.remsi %select_n3A, %jit3A_9 : i32
    %ne3A_23 = arith.constant 0 : i32
    %ne3A_24 = arith.cmpi ne, %rem3A, %ne3A_23 : i32
    %and3A = arith.andi %ne3A, %ne3A_24 : i1
    %sub3A = arith.constant 1 : i32
    %sub3A_25 = arith.subi %div3A, %sub3A : i32
    %select_n3A_26 = arith.select %and3A, %sub3A_25, %div3A : i32
    %while3A = arith.constant 0 : i32
    %while3A_27 = arith.constant 0 : i32
    %while3A_28 = arith.subi %select_n3A_26, %while3A_27 : i32
    %while3A_29 = arith.addi %while3A_27, %while3A_28 : i32
    %while3A_30 = arith.constant 1 : i32
    %while3A_31 = arith.divsi %while3A_28, %while3A_30 : i32
    %while3A_32 = arith.muli %while3A_31, %while3A_30 : i32
    %while3A_33 = arith.addi %while3A_27, %while3A_32 : i32
    %while3A_34 = arith.constant 1 : i32
    scf.for %while3A_41 = %while3A_27 to %while3A_33 step %while3A_34  : i32 {
      %mul3A_42 = arith.constant 8 : i32
      %mul3A_43 = arith.muli %while3A_41, %mul3A_42 : i32
      %add3A_44 = arith.addi %add3A, %mul3A_43 : i32
      %mul3A_45 = arith.constant 128 : i32
      %mul3A_46 = arith.muli %add3A_44, %mul3A_45 : i32
      "tpu.region"() ({
        %run_scoped3A = tpu.sem_alloc : memref<!tpu.dma_semaphore, #tpu.memory_space<semaphore_mem>>
        %dma_start3A_64 = tpu.memref_slice %arg3[%mul3A_46] : memref<327680xi32, #tpu.memory_space<hbm>> -> memref<1024xi32, #tpu.memory_space<hbm>>
        %dma_start3A_65 = tpu.memref_slice %arg3[%mul3A_46] : memref<327680xi32, #tpu.memory_space<hbm>> -> memref<1024xi32, #tpu.memory_space<hbm>>
        tpu.enqueue_dma source(%dma_start3A_65 : memref<1024xi32, #tpu.memory_space<hbm>>) target(%arg11 : memref<1024xi32, #tpu.memory_space<vmem>>) target_semaphore(%run_scoped3A : memref<!tpu.dma_semaphore, #tpu.memory_space<semaphore_mem>>)
        %dma_wait3A = tpu.memref_slice %arg3[%mul3A_46] : memref<327680xi32, #tpu.memory_space<hbm>> -> memref<1024xi32, #tpu.memory_space<hbm>>
        %dma_wait3A_66 = tpu.memref_slice %arg3[%mul3A_46] : memref<327680xi32, #tpu.memory_space<hbm>> -> memref<1024xi32, #tpu.memory_space<hbm>>
        tpu.wait_dma2 semaphore(%run_scoped3A : memref<!tpu.dma_semaphore, #tpu.memory_space<semaphore_mem>>) src(%dma_wait3A_66 : memref<1024xi32, #tpu.memory_space<hbm>>) dst(%arg11 : memref<1024xi32, #tpu.memory_space<vmem>>)
        tpu.yield
      }) : () -> ()
      "tpu.region"() ({
        %run_scoped3A = tpu.sem_alloc : memref<!tpu.dma_semaphore, #tpu.memory_space<semaphore_mem>>
        %dma_start3A_64 = tpu.memref_slice %arg4[%mul3A_46] : memref<327680xi32, #tpu.memory_space<hbm>> -> memref<1024xi32, #tpu.memory_space<hbm>>
        %dma_start3A_65 = tpu.memref_slice %arg4[%mul3A_46] : memref<327680xi32, #tpu.memory_space<hbm>> -> memref<1024xi32, #tpu.memory_space<hbm>>
        tpu.enqueue_dma source(%dma_start3A_65 : memref<1024xi32, #tpu.memory_space<hbm>>) target(%arg12 : memref<1024xi32, #tpu.memory_space<vmem>>) target_semaphore(%run_scoped3A : memref<!tpu.dma_semaphore, #tpu.memory_space<semaphore_mem>>)
        %dma_wait3A = tpu.memref_slice %arg4[%mul3A_46] : memref<327680xi32, #tpu.memory_space<hbm>> -> memref<1024xi32, #tpu.memory_space<hbm>>
        %dma_wait3A_66 = tpu.memref_slice %arg4[%mul3A_46] : memref<327680xi32, #tpu.memory_space<hbm>> -> memref<1024xi32, #tpu.memory_space<hbm>>
        tpu.wait_dma2 semaphore(%run_scoped3A : memref<!tpu.dma_semaphore, #tpu.memory_space<semaphore_mem>>) src(%dma_wait3A_66 : memref<1024xi32, #tpu.memory_space<hbm>>) dst(%arg12 : memref<1024xi32, #tpu.memory_space<vmem>>)
        tpu.yield
      }) : () -> ()
      "tpu.region"() ({
        %run_scoped3A = tpu.sem_alloc : memref<!tpu.dma_semaphore, #tpu.memory_space<semaphore_mem>>
        %dma_start3A_64 = tpu.memref_slice %arg5[%mul3A_46] : memref<327680xf32, #tpu.memory_space<hbm>> -> memref<1024xf32, #tpu.memory_space<hbm>>
        %dma_start3A_65 = tpu.memref_slice %arg5[%mul3A_46] : memref<327680xf32, #tpu.memory_space<hbm>> -> memref<1024xf32, #tpu.memory_space<hbm>>
        tpu.enqueue_dma source(%dma_start3A_65 : memref<1024xf32, #tpu.memory_space<hbm>>) target(%arg13 : memref<1024xf32, #tpu.memory_space<vmem>>) target_semaphore(%run_scoped3A : memref<!tpu.dma_semaphore, #tpu.memory_space<semaphore_mem>>)
        %dma_wait3A = tpu.memref_slice %arg5[%mul3A_46] : memref<327680xf32, #tpu.memory_space<hbm>> -> memref<1024xf32, #tpu.memory_space<hbm>>
        %dma_wait3A_66 = tpu.memref_slice %arg5[%mul3A_46] : memref<327680xf32, #tpu.memory_space<hbm>> -> memref<1024xf32, #tpu.memory_space<hbm>>
        tpu.wait_dma2 semaphore(%run_scoped3A : memref<!tpu.dma_semaphore, #tpu.memory_space<semaphore_mem>>) src(%dma_wait3A_66 : memref<1024xf32, #tpu.memory_space<hbm>>) dst(%arg13 : memref<1024xf32, #tpu.memory_space<vmem>>)
        tpu.yield
      }) : () -> ()
      "tpu.region"() ({
        %run_scoped3A = tpu.sem_alloc : memref<!tpu.dma_semaphore, #tpu.memory_space<semaphore_mem>>
        %dma_start3A_64 = arith.constant 0 : i32
        %dma_start3A_65 = tpu.memref_slice %arg6[%add3A_44, %dma_start3A_64] : memref<2560x128xi32, #tpu.memory_space<hbm>> -> memref<8x128xi32, #tpu.memory_space<hbm>>
        %dma_start3A_66 = arith.constant 0 : i32
        %dma_start3A_67 = tpu.memref_slice %arg6[%add3A_44, %dma_start3A_66] : memref<2560x128xi32, #tpu.memory_space<hbm>> -> memref<8x128xi32, #tpu.memory_space<hbm>>
        tpu.enqueue_dma source(%dma_start3A_67 : memref<8x128xi32, #tpu.memory_space<hbm>>) target(%arg15 : memref<8x128xi32, #tpu.memory_space<vmem>>) target_semaphore(%run_scoped3A : memref<!tpu.dma_semaphore, #tpu.memory_space<semaphore_mem>>)
        %dma_wait3A = arith.constant 0 : i32
        %dma_wait3A_68 = tpu.memref_slice %arg6[%add3A_44, %dma_wait3A] : memref<2560x128xi32, #tpu.memory_space<hbm>> -> memref<8x128xi32, #tpu.memory_space<hbm>>
        %dma_wait3A_69 = arith.constant 0 : i32
        %dma_wait3A_70 = tpu.memref_slice %arg6[%add3A_44, %dma_wait3A_69] : memref<2560x128xi32, #tpu.memory_space<hbm>> -> memref<8x128xi32, #tpu.memory_space<hbm>>
        tpu.wait_dma2 semaphore(%run_scoped3A : memref<!tpu.dma_semaphore, #tpu.memory_space<semaphore_mem>>) src(%dma_wait3A_70 : memref<8x128xi32, #tpu.memory_space<hbm>>) dst(%arg15 : memref<8x128xi32, #tpu.memory_space<vmem>>)
        tpu.yield
      }) : () -> ()
      "tpu.region"() ({
        %run_scoped3A = tpu.sem_alloc : memref<!tpu.dma_semaphore, #tpu.memory_space<semaphore_mem>>
        %dma_start3A_64 = arith.constant 0 : i32
        %dma_start3A_65 = tpu.memref_slice %arg7[%add3A_44, %dma_start3A_64] : memref<2560x128xi32, #tpu.memory_space<hbm>> -> memref<8x128xi32, #tpu.memory_space<hbm>>
        %dma_start3A_66 = arith.constant 0 : i32
        %dma_start3A_67 = tpu.memref_slice %arg7[%add3A_44, %dma_start3A_66] : memref<2560x128xi32, #tpu.memory_space<hbm>> -> memref<8x128xi32, #tpu.memory_space<hbm>>
        tpu.enqueue_dma source(%dma_start3A_67 : memref<8x128xi32, #tpu.memory_space<hbm>>) target(%arg16 : memref<8x128xi32, #tpu.memory_space<vmem>>) target_semaphore(%run_scoped3A : memref<!tpu.dma_semaphore, #tpu.memory_space<semaphore_mem>>)
        %dma_wait3A = arith.constant 0 : i32
        %dma_wait3A_68 = tpu.memref_slice %arg7[%add3A_44, %dma_wait3A] : memref<2560x128xi32, #tpu.memory_space<hbm>> -> memref<8x128xi32, #tpu.memory_space<hbm>>
        %dma_wait3A_69 = arith.constant 0 : i32
        %dma_wait3A_70 = tpu.memref_slice %arg7[%add3A_44, %dma_wait3A_69] : memref<2560x128xi32, #tpu.memory_space<hbm>> -> memref<8x128xi32, #tpu.memory_space<hbm>>
        tpu.wait_dma2 semaphore(%run_scoped3A : memref<!tpu.dma_semaphore, #tpu.memory_space<semaphore_mem>>) src(%dma_wait3A_70 : memref<8x128xi32, #tpu.memory_space<hbm>>) dst(%arg16 : memref<8x128xi32, #tpu.memory_space<vmem>>)
        tpu.yield
      }) : () -> ()
      %scan3A = arith.constant 0 : i32
      %scan3A_47 = arith.constant 0 : i32
      %scan3A_48 = arith.constant 64 : i32
      %scan3A_49 = arith.addi %scan3A_47, %scan3A_48 : i32
      %scan3A_50 = arith.constant 1 : i32
      scf.for %scan3A_64 = %scan3A_47 to %scan3A_49 step %scan3A_50  : i32 {
        %mul3A_65 = arith.constant 16 : i32
        %mul3A_66 = arith.muli %scan3A_64, %mul3A_65 : i32
        %get3A = arith.index_cast %mul3A_66 : i32 to index
        %get3A_67 = tpu.vector_load %arg11[%get3A] {strides = array<i32>} : memref<1024xi32, #tpu.memory_space<vmem>>, vector<16xi32>,
        %get3A_68 = arith.index_cast %mul3A_66 : i32 to index
        %get3A_69 = tpu.vector_load %arg12[%get3A_68] {strides = array<i32>} : memref<1024xi32, #tpu.memory_space<vmem>>, vector<16xi32>,
        %gather3A = tpu.vector_load_idx %arg14[%get3A_67] : memref<10112xf32, #tpu.memory_space<vmem>>[vector<16xi32>], vector<16xf32>,
        %get3A_70 = arith.index_cast %mul3A_66 : i32 to index
        %get3A_71 = tpu.vector_load %arg13[%get3A_70] {strides = array<i32>} : memref<1024xf32, #tpu.memory_space<vmem>>, vector<16xf32>,
        %mul3A_72 = arith.mulf %gather3A, %get3A_71 : vector<16xf32>
        %gather3A_73 = tpu.vector_load_idx %arg14[%get3A_69] : memref<10112xf32, #tpu.memory_space<vmem>>[vector<16xi32>], vector<16xf32>,
        %mul3A_74 = arith.mulf %mul3A_72, %gather3A_73 : vector<16xf32>
        %ne3A_75 = arith.cmpi ne, %get3A_67, %get3A_69 : vector<16xi32>
        %neg3A = arith.constant 0.000000e+00 : f32
        %neg3A_76 = vector.broadcast %neg3A : f32 to vector<16xf32>
        %neg3A_77 = arith.subf %neg3A_76, %mul3A_74 : vector<16xf32>
        %jit3A_78 = arith.constant 0.000000e+00 : f32
        %broadcast_in_dim3A = vector.broadcast %jit3A_78 : f32 to vector<16xf32>
        %select_n3A_79 = arith.select %ne3A_75, %neg3A_77, %broadcast_in_dim3A : vector<16xi1>, vector<16xf32>
        %swap3A = arith.index_cast %mul3A_66 : i32 to index
        %swap3A_80 = tpu.vector_load %arg13[%swap3A] {strides = array<i32>} : memref<1024xf32, #tpu.memory_space<vmem>>, vector<16xf32>,
        tpu.vector_store %arg13[%swap3A], %select_n3A_79 {strides = array<i32>} : memref<1024xf32, #tpu.memory_space<vmem>>, vector<16xf32>,
      }
      %scan3A_51 = arith.constant 64 : i32
      %dma_start3A = arith.constant 0 : i32
      %dma_start3A_52 = arith.constant 0 : i32
      %dma_start3A_53 = tpu.memref_slice %arg15[%dma_start3A, %dma_start3A_52] : memref<8x128xi32, #tpu.memory_space<vmem>> -> memref<1x128xi32, #tpu.memory_space<vmem>>
      %dma_start3A_54 = tpu.memref_squeeze %dma_start3A_53 : memref<1x128xi32, #tpu.memory_space<vmem>> -> memref<128xi32, #tpu.memory_space<vmem>>
      %dma_start3A_55 = arith.constant 0 : i32
      %dma_start3A_56 = arith.constant 0 : i32
      %dma_start3A_57 = tpu.memref_slice %arg2[%dma_start3A_55, %dma_start3A_56] : memref<10112x128xf32, #tpu.memory_space<hbm>> -> memref<10112x128xf32, #tpu.memory_space<hbm>>
      tpu.enqueue_indirect_dma source(%dma_start3A_57 : memref<10112x128xf32, #tpu.memory_space<hbm>>) target(%arg17 : memref<128x128xf32, #tpu.memory_space<vmem>>) offsets(%dma_start3A_54 : memref<128xi32, #tpu.memory_space<vmem>>) semaphore(%arg20 : memref<!tpu.dma_semaphore, #tpu.memory_space<semaphore_mem>>)
      %scan3A_58 = arith.constant 0 : i32
      %scan3A_59 = arith.constant 0 : i32
      %scan3A_60 = arith.constant 4 : i32
      %scan3A_61 = arith.addi %scan3A_59, %scan3A_60 : i32
      %scan3A_62 = arith.constant 1 : i32
      scf.for %scan3A_64 = %scan3A_59 to %scan3A_61 step %scan3A_62  : i32 {
        %mul3A_65 = arith.constant 2 : i32
        %mul3A_66 = arith.muli %scan3A_64, %mul3A_65 : i32
        %add3A_67 = arith.constant 1 : i32
        %add3A_68 = arith.addi %mul3A_66, %add3A_67 : i32
        %dma_start3A_69 = arith.constant 0 : i32
        %dma_start3A_70 = tpu.memref_slice %arg15[%add3A_68, %dma_start3A_69] : memref<8x128xi32, #tpu.memory_space<vmem>> -> memref<1x128xi32, #tpu.memory_space<vmem>>
        %dma_start3A_71 = tpu.memref_squeeze %dma_start3A_70 : memref<1x128xi32, #tpu.memory_space<vmem>> -> memref<128xi32, #tpu.memory_space<vmem>>
        %dma_start3A_72 = arith.constant 0 : i32
        %dma_start3A_73 = arith.constant 0 : i32
        %dma_start3A_74 = tpu.memref_slice %arg2[%dma_start3A_72, %dma_start3A_73] : memref<10112x128xf32, #tpu.memory_space<hbm>> -> memref<10112x128xf32, #tpu.memory_space<hbm>>
        tpu.enqueue_indirect_dma source(%dma_start3A_74 : memref<10112x128xf32, #tpu.memory_space<hbm>>) target(%arg18 : memref<128x128xf32, #tpu.memory_space<vmem>>) offsets(%dma_start3A_71 : memref<128xi32, #tpu.memory_space<vmem>>) semaphore(%arg21 : memref<!tpu.dma_semaphore, #tpu.memory_space<semaphore_mem>>)
        %dma_wait3A = arith.constant 0 : i32
        %dma_wait3A_75 = tpu.memref_slice %arg15[%mul3A_66, %dma_wait3A] : memref<8x128xi32, #tpu.memory_space<vmem>> -> memref<1x128xi32, #tpu.memory_space<vmem>>
        %dma_wait3A_76 = tpu.memref_squeeze %dma_wait3A_75 : memref<1x128xi32, #tpu.memory_space<vmem>> -> memref<128xi32, #tpu.memory_space<vmem>>
        %dma_wait3A_77 = arith.constant 0 : i32
        %dma_wait3A_78 = arith.constant 0 : i32
        %dma_wait3A_79 = tpu.memref_slice %arg2[%dma_wait3A_77, %dma_wait3A_78] : memref<10112x128xf32, #tpu.memory_space<hbm>> -> memref<10112x128xf32, #tpu.memory_space<hbm>>
        tpu.wait_indirect_dma semaphore(%arg20 : memref<!tpu.dma_semaphore, #tpu.memory_space<semaphore_mem>>) src(%dma_wait3A_79 : memref<10112x128xf32, #tpu.memory_space<hbm>>) dst(%arg17 : memref<128x128xf32, #tpu.memory_space<vmem>>)
        %scan3A_80 = arith.constant 0 : i32
        %scan3A_81 = arith.constant 0 : i32
        %scan3A_82 = arith.constant 32 : i32
        %scan3A_83 = arith.addi %scan3A_81, %scan3A_82 : i32
        %scan3A_84 = arith.constant 1 : i32
        scf.for %scan3A_106 = %scan3A_81 to %scan3A_83 step %scan3A_84  : i32 {
          %mul3A_107 = arith.constant 4 : i32
          %mul3A_108 = arith.muli %scan3A_106, %mul3A_107 : i32
          %add3A_109 = arith.constant 0 : i32
          %add3A_110 = arith.addi %mul3A_108, %add3A_109 : i32
          %mul3A_111 = arith.constant 128 : i32
          %mul3A_112 = arith.muli %mul3A_66, %mul3A_111 : i32
          %add3A_113 = arith.addi %mul3A_112, %add3A_110 : i32
          %broadcast_in_dim3A = vector.broadcast %add3A_113 : i32 to vector<16xi32>
          %gather3A = tpu.vector_load_idx %arg13[%broadcast_in_dim3A] : memref<1024xf32, #tpu.memory_space<vmem>>[vector<16xi32>], vector<16xf32>,
          %get3A = arith.index_cast %add3A_110 : i32 to index
          %get3A_114 = arith.constant 0 : index
          %get3A_115 = tpu.vector_load %arg17[%get3A, %get3A_114] {strides = array<i32>} : memref<128x128xf32, #tpu.memory_space<vmem>>, vector<16xf32>,
          %mul3A_116 = arith.mulf %get3A_115, %gather3A : vector<16xf32>
          %swap3A = arith.index_cast %add3A_110 : i32 to index
          %swap3A_117 = arith.constant 0 : index
          %swap3A_118 = tpu.vector_load %arg17[%swap3A, %swap3A_117] {strides = array<i32>} : memref<128x128xf32, #tpu.memory_space<vmem>>, vector<16xf32>,
          tpu.vector_store %arg17[%swap3A, %swap3A_117], %mul3A_116 {strides = array<i32>} : memref<128x128xf32, #tpu.memory_space<vmem>>, vector<16xf32>,
          %get3A_119 = arith.index_cast %add3A_110 : i32 to index
          %get3A_120 = arith.constant 16 : index
          %get3A_121 = tpu.vector_load %arg17[%get3A_119, %get3A_120] {strides = array<i32>} : memref<128x128xf32, #tpu.memory_space<vmem>>, vector<16xf32>,
          %mul3A_122 = arith.mulf %get3A_121, %gather3A : vector<16xf32>
          %swap3A_123 = arith.index_cast %add3A_110 : i32 to index
          %swap3A_124 = arith.constant 16 : index
          %swap3A_125 = tpu.vector_load %arg17[%swap3A_123, %swap3A_124] {strides = array<i32>} : memref<128x128xf32, #tpu.memory_space<vmem>>, vector<16xf32>,
          tpu.vector_store %arg17[%swap3A_123, %swap3A_124], %mul3A_122 {strides = array<i32>} : memref<128x128xf32, #tpu.memory_space<vmem>>, vector<16xf32>,
          %get3A_126 = arith.index_cast %add3A_110 : i32 to index
          %get3A_127 = arith.constant 32 : index
          %get3A_128 = tpu.vector_load %arg17[%get3A_126, %get3A_127] {strides = array<i32>} : memref<128x128xf32, #tpu.memory_space<vmem>>, vector<16xf32>,
          %mul3A_129 = arith.mulf %get3A_128, %gather3A : vector<16xf32>
          %swap3A_130 = arith.index_cast %add3A_110 : i32 to index
          %swap3A_131 = arith.constant 32 : index
          %swap3A_132 = tpu.vector_load %arg17[%swap3A_130, %swap3A_131] {strides = array<i32>} : memref<128x128xf32, #tpu.memory_space<vmem>>, vector<16xf32>,
          tpu.vector_store %arg17[%swap3A_130, %swap3A_131], %mul3A_129 {strides = array<i32>} : memref<128x128xf32, #tpu.memory_space<vmem>>, vector<16xf32>,
          %get3A_133 = arith.index_cast %add3A_110 : i32 to index
          %get3A_134 = arith.constant 48 : index
          %get3A_135 = tpu.vector_load %arg17[%get3A_133, %get3A_134] {strides = array<i32>} : memref<128x128xf32, #tpu.memory_space<vmem>>, vector<16xf32>,
          %mul3A_136 = arith.mulf %get3A_135, %gather3A : vector<16xf32>
          %swap3A_137 = arith.index_cast %add3A_110 : i32 to index
          %swap3A_138 = arith.constant 48 : index
          %swap3A_139 = tpu.vector_load %arg17[%swap3A_137, %swap3A_138] {strides = array<i32>} : memref<128x128xf32, #tpu.memory_space<vmem>>, vector<16xf32>,
          tpu.vector_store %arg17[%swap3A_137, %swap3A_138], %mul3A_136 {strides = array<i32>} : memref<128x128xf32, #tpu.memory_space<vmem>>, vector<16xf32>,
          %get3A_140 = arith.index_cast %add3A_110 : i32 to index
          %get3A_141 = arith.constant 64 : index
          %get3A_142 = tpu.vector_load %arg17[%get3A_140, %get3A_141] {strides = array<i32>} : memref<128x128xf32, #tpu.memory_space<vmem>>, vector<16xf32>,
          %mul3A_143 = arith.mulf %get3A_142, %gather3A : vector<16xf32>
          %swap3A_144 = arith.index_cast %add3A_110 : i32 to index
          %swap3A_145 = arith.constant 64 : index
          %swap3A_146 = tpu.vector_load %arg17[%swap3A_144, %swap3A_145] {strides = array<i32>} : memref<128x128xf32, #tpu.memory_space<vmem>>, vector<16xf32>,
          tpu.vector_store %arg17[%swap3A_144, %swap3A_145], %mul3A_143 {strides = array<i32>} : memref<128x128xf32, #tpu.memory_space<vmem>>, vector<16xf32>,
          %get3A_147 = arith.index_cast %add3A_110 : i32 to index
          %get3A_148 = arith.constant 80 : index
          %get3A_149 = tpu.vector_load %arg17[%get3A_147, %get3A_148] {strides = array<i32>} : memref<128x128xf32, #tpu.memory_space<vmem>>, vector<16xf32>,
          %mul3A_150 = arith.mulf %get3A_149, %gather3A : vector<16xf32>
          %swap3A_151 = arith.index_cast %add3A_110 : i32 to index
          %swap3A_152 = arith.constant 80 : index
          %swap3A_153 = tpu.vector_load %arg17[%swap3A_151, %swap3A_152] {strides = array<i32>} : memref<128x128xf32, #tpu.memory_space<vmem>>, vector<16xf32>,
          tpu.vector_store %arg17[%swap3A_151, %swap3A_152], %mul3A_150 {strides = array<i32>} : memref<128x128xf32, #tpu.memory_space<vmem>>, vector<16xf32>,
          %get3A_154 = arith.index_cast %add3A_110 : i32 to index
          %get3A_155 = arith.constant 96 : index
          %get3A_156 = tpu.vector_load %arg17[%get3A_154, %get3A_155] {strides = array<i32>} : memref<128x128xf32, #tpu.memory_space<vmem>>, vector<16xf32>,
          %mul3A_157 = arith.mulf %get3A_156, %gather3A : vector<16xf32>
          %swap3A_158 = arith.index_cast %add3A_110 : i32 to index
          %swap3A_159 = arith.constant 96 : index
          %swap3A_160 = tpu.vector_load %arg17[%swap3A_158, %swap3A_159] {strides = array<i32>} : memref<128x128xf32, #tpu.memory_space<vmem>>, vector<16xf32>,
          tpu.vector_store %arg17[%swap3A_158, %swap3A_159], %mul3A_157 {strides = array<i32>} : memref<128x128xf32, #tpu.memory_space<vmem>>, vector<16xf32>,
          %get3A_161 = arith.index_cast %add3A_110 : i32 to index
          %get3A_162 = arith.constant 112 : index
          %get3A_163 = tpu.vector_load %arg17[%get3A_161, %get3A_162] {strides = array<i32>} : memref<128x128xf32, #tpu.memory_space<vmem>>, vector<16xf32>,
          %mul3A_164 = arith.mulf %get3A_163, %gather3A : vector<16xf32>
          %swap3A_165 = arith.index_cast %add3A_110 : i32 to index
          %swap3A_166 = arith.constant 112 : index
          %swap3A_167 = tpu.vector_load %arg17[%swap3A_165, %swap3A_166] {strides = array<i32>} : memref<128x128xf32, #tpu.memory_space<vmem>>, vector<16xf32>,
          tpu.vector_store %arg17[%swap3A_165, %swap3A_166], %mul3A_164 {strides = array<i32>} : memref<128x128xf32, #tpu.memory_space<vmem>>, vector<16xf32>,
          %mul3A_168 = arith.constant 4 : i32
          %mul3A_169 = arith.muli %scan3A_106, %mul3A_168 : i32
          %add3A_170 = arith.constant 1 : i32
          %add3A_171 = arith.addi %mul3A_169, %add3A_170 : i32
          %mul3A_172 = arith.constant 128 : i32
          %mul3A_173 = arith.muli %mul3A_66, %mul3A_172 : i32
          %add3A_174 = arith.addi %mul3A_173, %add3A_171 : i32
          %broadcast_in_dim3A_175 = vector.broadcast %add3A_174 : i32 to vector<16xi32>
          %gather3A_176 = tpu.vector_load_idx %arg13[%broadcast_in_dim3A_175] : memref<1024xf32, #tpu.memory_space<vmem>>[vector<16xi32>], vector<16xf32>,
          %get3A_177 = arith.index_cast %add3A_171 : i32 to index
          %get3A_178 = arith.constant 0 : index
          %get3A_179 = tpu.vector_load %arg17[%get3A_177, %get3A_178] {strides = array<i32>} : memref<128x128xf32, #tpu.memory_space<vmem>>, vector<16xf32>,
          %mul3A_180 = arith.mulf %get3A_179, %gather3A_176 : vector<16xf32>
          %swap3A_181 = arith.index_cast %add3A_171 : i32 to index
          %swap3A_182 = arith.constant 0 : index
          %swap3A_183 = tpu.vector_load %arg17[%swap3A_181, %swap3A_182] {strides = array<i32>} : memref<128x128xf32, #tpu.memory_space<vmem>>, vector<16xf32>,
          tpu.vector_store %arg17[%swap3A_181, %swap3A_182], %mul3A_180 {strides = array<i32>} : memref<128x128xf32, #tpu.memory_space<vmem>>, vector<16xf32>,
          %get3A_184 = arith.index_cast %add3A_171 : i32 to index
          %get3A_185 = arith.constant 16 : index
          %get3A_186 = tpu.vector_load %arg17[%get3A_184, %get3A_185] {strides = array<i32>} : memref<128x128xf32, #tpu.memory_space<vmem>>, vector<16xf32>,
          %mul3A_187 = arith.mulf %get3A_186, %gather3A_176 : vector<16xf32>
          %swap3A_188 = arith.index_cast %add3A_171 : i32 to index
          %swap3A_189 = arith.constant 16 : index
          %swap3A_190 = tpu.vector_load %arg17[%swap3A_188, %swap3A_189] {strides = array<i32>} : memref<128x128xf32, #tpu.memory_space<vmem>>, vector<16xf32>,
          tpu.vector_store %arg17[%swap3A_188, %swap3A_189], %mul3A_187 {strides = array<i32>} : memref<128x128xf32, #tpu.memory_space<vmem>>, vector<16xf32>,
          %get3A_191 = arith.index_cast %add3A_171 : i32 to index
          %get3A_192 = arith.constant 32 : index
          %get3A_193 = tpu.vector_load %arg17[%get3A_191, %get3A_192] {strides = array<i32>} : memref<128x128xf32, #tpu.memory_space<vmem>>, vector<16xf32>,
          %mul3A_194 = arith.mulf %get3A_193, %gather3A_176 : vector<16xf32>
          %swap3A_195 = arith.index_cast %add3A_171 : i32 to index
          %swap3A_196 = arith.constant 32 : index
          %swap3A_197 = tpu.vector_load %arg17[%swap3A_195, %swap3A_196] {strides = array<i32>} : memref<128x128xf32, #tpu.memory_space<vmem>>, vector<16xf32>,
          tpu.vector_store %arg17[%swap3A_195, %swap3A_196], %mul3A_194 {strides = array<i32>} : memref<128x128xf32, #tpu.memory_space<vmem>>, vector<16xf32>,
          %get3A_198 = arith.index_cast %add3A_171 : i32 to index
          %get3A_199 = arith.constant 48 : index
          %get3A_200 = tpu.vector_load %arg17[%get3A_198, %get3A_199] {strides = array<i32>} : memref<128x128xf32, #tpu.memory_space<vmem>>, vector<16xf32>,
          %mul3A_201 = arith.mulf %get3A_200, %gather3A_176 : vector<16xf32>
          %swap3A_202 = arith.index_cast %add3A_171 : i32 to index
          %swap3A_203 = arith.constant 48 : index
          %swap3A_204 = tpu.vector_load %arg17[%swap3A_202, %swap3A_203] {strides = array<i32>} : memref<128x128xf32, #tpu.memory_space<vmem>>, vector<16xf32>,
          tpu.vector_store %arg17[%swap3A_202, %swap3A_203], %mul3A_201 {strides = array<i32>} : memref<128x128xf32, #tpu.memory_space<vmem>>, vector<16xf32>,
          %get3A_205 = arith.index_cast %add3A_171 : i32 to index
          %get3A_206 = arith.constant 64 : index
          %get3A_207 = tpu.vector_load %arg17[%get3A_205, %get3A_206] {strides = array<i32>} : memref<128x128xf32, #tpu.memory_space<vmem>>, vector<16xf32>,
          %mul3A_208 = arith.mulf %get3A_207, %gather3A_176 : vector<16xf32>
          %swap3A_209 = arith.index_cast %add3A_171 : i32 to index
          %swap3A_210 = arith.constant 64 : index
          %swap3A_211 = tpu.vector_load %arg17[%swap3A_209, %swap3A_210] {strides = array<i32>} : memref<128x128xf32, #tpu.memory_space<vmem>>, vector<16xf32>,
          tpu.vector_store %arg17[%swap3A_209, %swap3A_210], %mul3A_208 {strides = array<i32>} : memref<128x128xf32, #tpu.memory_space<vmem>>, vector<16xf32>,
          %get3A_212 = arith.index_cast %add3A_171 : i32 to index
          %get3A_213 = arith.constant 80 : index
          %get3A_214 = tpu.vector_load %arg17[%get3A_212, %get3A_213] {strides = array<i32>} : memref<128x128xf32, #tpu.memory_space<vmem>>, vector<16xf32>,
          %mul3A_215 = arith.mulf %get3A_214, %gather3A_176 : vector<16xf32>
          %swap3A_216 = arith.index_cast %add3A_171 : i32 to index
          %swap3A_217 = arith.constant 80 : index
          %swap3A_218 = tpu.vector_load %arg17[%swap3A_216, %swap3A_217] {strides = array<i32>} : memref<128x128xf32, #tpu.memory_space<vmem>>, vector<16xf32>,
          tpu.vector_store %arg17[%swap3A_216, %swap3A_217], %mul3A_215 {strides = array<i32>} : memref<128x128xf32, #tpu.memory_space<vmem>>, vector<16xf32>,
          %get3A_219 = arith.index_cast %add3A_171 : i32 to index
          %get3A_220 = arith.constant 96 : index
          %get3A_221 = tpu.vector_load %arg17[%get3A_219, %get3A_220] {strides = array<i32>} : memref<128x128xf32, #tpu.memory_space<vmem>>, vector<16xf32>,
          %mul3A_222 = arith.mulf %get3A_221, %gather3A_176 : vector<16xf32>
          %swap3A_223 = arith.index_cast %add3A_171 : i32 to index
          %swap3A_224 = arith.constant 96 : index
          %swap3A_225 = tpu.vector_load %arg17[%swap3A_223, %swap3A_224] {strides = array<i32>} : memref<128x128xf32, #tpu.memory_space<vmem>>, vector<16xf32>,
          tpu.vector_store %arg17[%swap3A_223, %swap3A_224], %mul3A_222 {strides = array<i32>} : memref<128x128xf32, #tpu.memory_space<vmem>>, vector<16xf32>,
          %get3A_226 = arith.index_cast %add3A_171 : i32 to index
          %get3A_227 = arith.constant 112 : index
          %get3A_228 = tpu.vector_load %arg17[%get3A_226, %get3A_227] {strides = array<i32>} : memref<128x128xf32, #tpu.memory_space<vmem>>, vector<16xf32>,
          %mul3A_229 = arith.mulf %get3A_228, %gather3A_176 : vector<16xf32>
          %swap3A_230 = arith.index_cast %add3A_171 : i32 to index
          %swap3A_231 = arith.constant 112 : index
          %swap3A_232 = tpu.vector_load %arg17[%swap3A_230, %swap3A_231] {strides = array<i32>} : memref<128x128xf32, #tpu.memory_space<vmem>>, vector<16xf32>,
          tpu.vector_store %arg17[%swap3A_230, %swap3A_231], %mul3A_229 {strides = array<i32>} : memref<128x128xf32, #tpu.memory_space<vmem>>, vector<16xf32>,
          %mul3A_233 = arith.constant 4 : i32
          %mul3A_234 = arith.muli %scan3A_106, %mul3A_233 : i32
          %add3A_235 = arith.constant 2 : i32
          %add3A_236 = arith.addi %mul3A_234, %add3A_235 : i32
          %mul3A_237 = arith.constant 128 : i32
          %mul3A_238 = arith.muli %mul3A_66, %mul3A_237 : i32
          %add3A_239 = arith.addi %mul3A_238, %add3A_236 : i32
          %broadcast_in_dim3A_240 = vector.broadcast %add3A_239 : i32 to vector<16xi32>
          %gather3A_241 = tpu.vector_load_idx %arg13[%broadcast_in_dim3A_240] : memref<1024xf32, #tpu.memory_space<vmem>>[vector<16xi32>], vector<16xf32>,
          %get3A_242 = arith.index_cast %add3A_236 : i32 to index
          %get3A_243 = arith.constant 0 : index
          %get3A_244 = tpu.vector_load %arg17[%get3A_242, %get3A_243] {strides = array<i32>} : memref<128x128xf32, #tpu.memory_space<vmem>>, vector<16xf32>,
          %mul3A_245 = arith.mulf %get3A_244, %gather3A_241 : vector<16xf32>
          %swap3A_246 = arith.index_cast %add3A_236 : i32 to index
          %swap3A_247 = arith.constant 0 : index
          %swap3A_248 = tpu.vector_load %arg17[%swap3A_246, %swap3A_247] {strides = array<i32>} : memref<128x128xf32, #tpu.memory_space<vmem>>, vector<16xf32>,
          tpu.vector_store %arg17[%swap3A_246, %swap3A_247], %mul3A_245 {strides = array<i32>} : memref<128x128xf32, #tpu.memory_space<vmem>>, vector<16xf32>,
          %get3A_249 = arith.index_cast %add3A_236 : i32 to index
          %get3A_250 = arith.constant 16 : index
          %get3A_251 = tpu.vector_load %arg17[%get3A_249, %get3A_250] {strides = array<i32>} : memref<128x128xf32, #tpu.memory_space<vmem>>, vector<16xf32>,
          %mul3A_252 = arith.mulf %get3A_251, %gather3A_241 : vector<16xf32>
          %swap3A_253 = arith.index_cast %add3A_236 : i32 to index
          %swap3A_254 = arith.constant 16 : index
          %swap3A_255 = tpu.vector_load %arg17[%swap3A_253, %swap3A_254] {strides = array<i32>} : memref<128x128xf32, #tpu.memory_space<vmem>>, vector<16xf32>,
          tpu.vector_store %arg17[%swap3A_253, %swap3A_254], %mul3A_252 {strides = array<i32>} : memref<128x128xf32, #tpu.memory_space<vmem>>, vector<16xf32>,
          %get3A_256 = arith.index_cast %add3A_236 : i32 to index
          %get3A_257 = arith.constant 32 : index
          %get3A_258 = tpu.vector_load %arg17[%get3A_256, %get3A_257] {strides = array<i32>} : memref<128x128xf32, #tpu.memory_space<vmem>>, vector<16xf32>,
          %mul3A_259 = arith.mulf %get3A_258, %gather3A_241 : vector<16xf32>
          %swap3A_260 = arith.index_cast %add3A_236 : i32 to index
          %swap3A_261 = arith.constant 32 : index
          %swap3A_262 = tpu.vector_load %arg17[%swap3A_260, %swap3A_261] {strides = array<i32>} : memref<128x128xf32, #tpu.memory_space<vmem>>, vector<16xf32>,
          tpu.vector_store %arg17[%swap3A_260, %swap3A_261], %mul3A_259 {strides = array<i32>} : memref<128x128xf32, #tpu.memory_space<vmem>>, vector<16xf32>,
          %get3A_263 = arith.index_cast %add3A_236 : i32 to index
          %get3A_264 = arith.constant 48 : index
          %get3A_265 = tpu.vector_load %arg17[%get3A_263, %get3A_264] {strides = array<i32>} : memref<128x128xf32, #tpu.memory_space<vmem>>, vector<16xf32>,
          %mul3A_266 = arith.mulf %get3A_265, %gather3A_241 : vector<16xf32>
          %swap3A_267 = arith.index_cast %add3A_236 : i32 to index
          %swap3A_268 = arith.constant 48 : index
          %swap3A_269 = tpu.vector_load %arg17[%swap3A_267, %swap3A_268] {strides = array<i32>} : memref<128x128xf32, #tpu.memory_space<vmem>>, vector<16xf32>,
          tpu.vector_store %arg17[%swap3A_267, %swap3A_268], %mul3A_266 {strides = array<i32>} : memref<128x128xf32, #tpu.memory_space<vmem>>, vector<16xf32>,
          %get3A_270 = arith.index_cast %add3A_236 : i32 to index
          %get3A_271 = arith.constant 64 : index
          %get3A_272 = tpu.vector_load %arg17[%get3A_270, %get3A_271] {strides = array<i32>} : memref<128x128xf32, #tpu.memory_space<vmem>>, vector<16xf32>,
          %mul3A_273 = arith.mulf %get3A_272, %gather3A_241 : vector<16xf32>
          %swap3A_274 = arith.index_cast %add3A_236 : i32 to index
          %swap3A_275 = arith.constant 64 : index
          %swap3A_276 = tpu.vector_load %arg17[%swap3A_274, %swap3A_275] {strides = array<i32>} : memref<128x128xf32, #tpu.memory_space<vmem>>, vector<16xf32>,
          tpu.vector_store %arg17[%swap3A_274, %swap3A_275], %mul3A_273 {strides = array<i32>} : memref<128x128xf32, #tpu.memory_space<vmem>>, vector<16xf32>,
          %get3A_277 = arith.index_cast %add3A_236 : i32 to index
          %get3A_278 = arith.constant 80 : index
          %get3A_279 = tpu.vector_load %arg17[%get3A_277, %get3A_278] {strides = array<i32>} : memref<128x128xf32, #tpu.memory_space<vmem>>, vector<16xf32>,
          %mul3A_280 = arith.mulf %get3A_279, %gather3A_241 : vector<16xf32>
          %swap3A_281 = arith.index_cast %add3A_236 : i32 to index
          %swap3A_282 = arith.constant 80 : index
          %swap3A_283 = tpu.vector_load %arg17[%swap3A_281, %swap3A_282] {strides = array<i32>} : memref<128x128xf32, #tpu.memory_space<vmem>>, vector<16xf32>,
          tpu.vector_store %arg17[%swap3A_281, %swap3A_282], %mul3A_280 {strides = array<i32>} : memref<128x128xf32, #tpu.memory_space<vmem>>, vector<16xf32>,
          %get3A_284 = arith.index_cast %add3A_236 : i32 to index
          %get3A_285 = arith.constant 96 : index
          %get3A_286 = tpu.vector_load %arg17[%get3A_284, %get3A_285] {strides = array<i32>} : memref<128x128xf32, #tpu.memory_space<vmem>>, vector<16xf32>,
          %mul3A_287 = arith.mulf %get3A_286, %gather3A_241 : vector<16xf32>
          %swap3A_288 = arith.index_cast %add3A_236 : i32 to index
          %swap3A_289 = arith.constant 96 : index
          %swap3A_290 = tpu.vector_load %arg17[%swap3A_288, %swap3A_289] {strides = array<i32>} : memref<128x128xf32, #tpu.memory_space<vmem>>, vector<16xf32>,
          tpu.vector_store %arg17[%swap3A_288, %swap3A_289], %mul3A_287 {strides = array<i32>} : memref<128x128xf32, #tpu.memory_space<vmem>>, vector<16xf32>,
          %get3A_291 = arith.index_cast %add3A_236 : i32 to index
          %get3A_292 = arith.constant 112 : index
          %get3A_293 = tpu.vector_load %arg17[%get3A_291, %get3A_292] {strides = array<i32>} : memref<128x128xf32, #tpu.memory_space<vmem>>, vector<16xf32>,
          %mul3A_294 = arith.mulf %get3A_293, %gather3A_241 : vector<16xf32>
          %swap3A_295 = arith.index_cast %add3A_236 : i32 to index
          %swap3A_296 = arith.constant 112 : index
          %swap3A_297 = tpu.vector_load %arg17[%swap3A_295, %swap3A_296] {strides = array<i32>} : memref<128x128xf32, #tpu.memory_space<vmem>>, vector<16xf32>,
          tpu.vector_store %arg17[%swap3A_295, %swap3A_296], %mul3A_294 {strides = array<i32>} : memref<128x128xf32, #tpu.memory_space<vmem>>, vector<16xf32>,
          %mul3A_298 = arith.constant 4 : i32
          %mul3A_299 = arith.muli %scan3A_106, %mul3A_298 : i32
          %add3A_300 = arith.constant 3 : i32
          %add3A_301 = arith.addi %mul3A_299, %add3A_300 : i32
          %mul3A_302 = arith.constant 128 : i32
          %mul3A_303 = arith.muli %mul3A_66, %mul3A_302 : i32
          %add3A_304 = arith.addi %mul3A_303, %add3A_301 : i32
          %broadcast_in_dim3A_305 = vector.broadcast %add3A_304 : i32 to vector<16xi32>
          %gather3A_306 = tpu.vector_load_idx %arg13[%broadcast_in_dim3A_305] : memref<1024xf32, #tpu.memory_space<vmem>>[vector<16xi32>], vector<16xf32>,
          %get3A_307 = arith.index_cast %add3A_301 : i32 to index
          %get3A_308 = arith.constant 0 : index
          %get3A_309 = tpu.vector_load %arg17[%get3A_307, %get3A_308] {strides = array<i32>} : memref<128x128xf32, #tpu.memory_space<vmem>>, vector<16xf32>,
          %mul3A_310 = arith.mulf %get3A_309, %gather3A_306 : vector<16xf32>
          %swap3A_311 = arith.index_cast %add3A_301 : i32 to index
          %swap3A_312 = arith.constant 0 : index
          %swap3A_313 = tpu.vector_load %arg17[%swap3A_311, %swap3A_312] {strides = array<i32>} : memref<128x128xf32, #tpu.memory_space<vmem>>, vector<16xf32>,
          tpu.vector_store %arg17[%swap3A_311, %swap3A_312], %mul3A_310 {strides = array<i32>} : memref<128x128xf32, #tpu.memory_space<vmem>>, vector<16xf32>,
          %get3A_314 = arith.index_cast %add3A_301 : i32 to index
          %get3A_315 = arith.constant 16 : index
          %get3A_316 = tpu.vector_load %arg17[%get3A_314, %get3A_315] {strides = array<i32>} : memref<128x128xf32, #tpu.memory_space<vmem>>, vector<16xf32>,
          %mul3A_317 = arith.mulf %get3A_316, %gather3A_306 : vector<16xf32>
          %swap3A_318 = arith.index_cast %add3A_301 : i32 to index
          %swap3A_319 = arith.constant 16 : index
          %swap3A_320 = tpu.vector_load %arg17[%swap3A_318, %swap3A_319] {strides = array<i32>} : memref<128x128xf32, #tpu.memory_space<vmem>>, vector<16xf32>,
          tpu.vector_store %arg17[%swap3A_318, %swap3A_319], %mul3A_317 {strides = array<i32>} : memref<128x128xf32, #tpu.memory_space<vmem>>, vector<16xf32>,
          %get3A_321 = arith.index_cast %add3A_301 : i32 to index
          %get3A_322 = arith.constant 32 : index
          %get3A_323 = tpu.vector_load %arg17[%get3A_321, %get3A_322] {strides = array<i32>} : memref<128x128xf32, #tpu.memory_space<vmem>>, vector<16xf32>,
          %mul3A_324 = arith.mulf %get3A_323, %gather3A_306 : vector<16xf32>
          %swap3A_325 = arith.index_cast %add3A_301 : i32 to index
          %swap3A_326 = arith.constant 32 : index
          %swap3A_327 = tpu.vector_load %arg17[%swap3A_325, %swap3A_326] {strides = array<i32>} : memref<128x128xf32, #tpu.memory_space<vmem>>, vector<16xf32>,
          tpu.vector_store %arg17[%swap3A_325, %swap3A_326], %mul3A_324 {strides = array<i32>} : memref<128x128xf32, #tpu.memory_space<vmem>>, vector<16xf32>,
          %get3A_328 = arith.index_cast %add3A_301 : i32 to index
          %get3A_329 = arith.constant 48 : index
          %get3A_330 = tpu.vector_load %arg17[%get3A_328, %get3A_329] {strides = array<i32>} : memref<128x128xf32, #tpu.memory_space<vmem>>, vector<16xf32>,
          %mul3A_331 = arith.mulf %get3A_330, %gather3A_306 : vector<16xf32>
          %swap3A_332 = arith.index_cast %add3A_301 : i32 to index
          %swap3A_333 = arith.constant 48 : index
          %swap3A_334 = tpu.vector_load %arg17[%swap3A_332, %swap3A_333] {strides = array<i32>} : memref<128x128xf32, #tpu.memory_space<vmem>>, vector<16xf32>,
          tpu.vector_store %arg17[%swap3A_332, %swap3A_333], %mul3A_331 {strides = array<i32>} : memref<128x128xf32, #tpu.memory_space<vmem>>, vector<16xf32>,
          %get3A_335 = arith.index_cast %add3A_301 : i32 to index
          %get3A_336 = arith.constant 64 : index
          %get3A_337 = tpu.vector_load %arg17[%get3A_335, %get3A_336] {strides = array<i32>} : memref<128x128xf32, #tpu.memory_space<vmem>>, vector<16xf32>,
          %mul3A_338 = arith.mulf %get3A_337, %gather3A_306 : vector<16xf32>
          %swap3A_339 = arith.index_cast %add3A_301 : i32 to index
          %swap3A_340 = arith.constant 64 : index
          %swap3A_341 = tpu.vector_load %arg17[%swap3A_339, %swap3A_340] {strides = array<i32>} : memref<128x128xf32, #tpu.memory_space<vmem>>, vector<16xf32>,
          tpu.vector_store %arg17[%swap3A_339, %swap3A_340], %mul3A_338 {strides = array<i32>} : memref<128x128xf32, #tpu.memory_space<vmem>>, vector<16xf32>,
          %get3A_342 = arith.index_cast %add3A_301 : i32 to index
          %get3A_343 = arith.constant 80 : index
          %get3A_344 = tpu.vector_load %arg17[%get3A_342, %get3A_343] {strides = array<i32>} : memref<128x128xf32, #tpu.memory_space<vmem>>, vector<16xf32>,
          %mul3A_345 = arith.mulf %get3A_344, %gather3A_306 : vector<16xf32>
          %swap3A_346 = arith.index_cast %add3A_301 : i32 to index
          %swap3A_347 = arith.constant 80 : index
          %swap3A_348 = tpu.vector_load %arg17[%swap3A_346, %swap3A_347] {strides = array<i32>} : memref<128x128xf32, #tpu.memory_space<vmem>>, vector<16xf32>,
          tpu.vector_store %arg17[%swap3A_346, %swap3A_347], %mul3A_345 {strides = array<i32>} : memref<128x128xf32, #tpu.memory_space<vmem>>, vector<16xf32>,
          %get3A_349 = arith.index_cast %add3A_301 : i32 to index
          %get3A_350 = arith.constant 96 : index
          %get3A_351 = tpu.vector_load %arg17[%get3A_349, %get3A_350] {strides = array<i32>} : memref<128x128xf32, #tpu.memory_space<vmem>>, vector<16xf32>,
          %mul3A_352 = arith.mulf %get3A_351, %gather3A_306 : vector<16xf32>
          %swap3A_353 = arith.index_cast %add3A_301 : i32 to index
          %swap3A_354 = arith.constant 96 : index
          %swap3A_355 = tpu.vector_load %arg17[%swap3A_353, %swap3A_354] {strides = array<i32>} : memref<128x128xf32, #tpu.memory_space<vmem>>, vector<16xf32>,
          tpu.vector_store %arg17[%swap3A_353, %swap3A_354], %mul3A_352 {strides = array<i32>} : memref<128x128xf32, #tpu.memory_space<vmem>>, vector<16xf32>,
          %get3A_356 = arith.index_cast %add3A_301 : i32 to index
          %get3A_357 = arith.constant 112 : index
          %get3A_358 = tpu.vector_load %arg17[%get3A_356, %get3A_357] {strides = array<i32>} : memref<128x128xf32, #tpu.memory_space<vmem>>, vector<16xf32>,
          %mul3A_359 = arith.mulf %get3A_358, %gather3A_306 : vector<16xf32>
          %swap3A_360 = arith.index_cast %add3A_301 : i32 to index
          %swap3A_361 = arith.constant 112 : index
          %swap3A_362 = tpu.vector_load %arg17[%swap3A_360, %swap3A_361] {strides = array<i32>} : memref<128x128xf32, #tpu.memory_space<vmem>>, vector<16xf32>,
          tpu.vector_store %arg17[%swap3A_360, %swap3A_361], %mul3A_359 {strides = array<i32>} : memref<128x128xf32, #tpu.memory_space<vmem>>, vector<16xf32>,
        }
        %scan3A_85 = arith.constant 32 : i32
        "tpu.region"() ({
          %run_scoped3A = tpu.sem_alloc : memref<!tpu.dma_semaphore, #tpu.memory_space<semaphore_mem>>
          %dma_start3A_106 = arith.constant 0 : i32
          %dma_start3A_107 = tpu.memref_slice %arg16[%mul3A_66, %dma_start3A_106] : memref<8x128xi32, #tpu.memory_space<vmem>> -> memref<1x128xi32, #tpu.memory_space<vmem>>
          %dma_start3A_108 = tpu.memref_squeeze %dma_start3A_107 : memref<1x128xi32, #tpu.memory_space<vmem>> -> memref<128xi32, #tpu.memory_space<vmem>>
          %dma_start3A_109 = arith.constant 0 : i32
          %dma_start3A_110 = arith.constant 0 : i32
          %dma_start3A_111 = tpu.memref_slice %arg19[%dma_start3A_109, %dma_start3A_110] : memref<10112x128xf32, #tpu.memory_space<vmem_shared>> -> memref<10112x128xf32, #tpu.memory_space<vmem_shared>>
          tpu.enqueue_indirect_dma source(%arg17 : memref<128x128xf32, #tpu.memory_space<vmem>>) target(%dma_start3A_111 : memref<10112x128xf32, #tpu.memory_space<vmem_shared>>) offsets(%dma_start3A_108 : memref<128xi32, #tpu.memory_space<vmem>>) semaphore(%run_scoped3A : memref<!tpu.dma_semaphore, #tpu.memory_space<semaphore_mem>>) {add = true}
          %dma_wait3A_112 = arith.constant 0 : i32
          %dma_wait3A_113 = tpu.memref_slice %arg16[%mul3A_66, %dma_wait3A_112] : memref<8x128xi32, #tpu.memory_space<vmem>> -> memref<1x128xi32, #tpu.memory_space<vmem>>
          %dma_wait3A_114 = tpu.memref_squeeze %dma_wait3A_113 : memref<1x128xi32, #tpu.memory_space<vmem>> -> memref<128xi32, #tpu.memory_space<vmem>>
          %dma_wait3A_115 = arith.constant 0 : i32
          %dma_wait3A_116 = arith.constant 0 : i32
          %dma_wait3A_117 = tpu.memref_slice %arg19[%dma_wait3A_115, %dma_wait3A_116] : memref<10112x128xf32, #tpu.memory_space<vmem_shared>> -> memref<10112x128xf32, #tpu.memory_space<vmem_shared>>
          tpu.wait_indirect_dma semaphore(%run_scoped3A : memref<!tpu.dma_semaphore, #tpu.memory_space<semaphore_mem>>) src(%arg17 : memref<128x128xf32, #tpu.memory_space<vmem>>) dst(%dma_wait3A_117 : memref<10112x128xf32, #tpu.memory_space<vmem_shared>>)
          tpu.yield
        }) : () -> ()
        %add3A_86 = arith.constant 1 : i32
        %add3A_87 = arith.addi %scan3A_64, %add3A_86 : i32
        %lt3A = arith.constant 4 : i32
        %lt3A_88 = arith.cmpi slt, %add3A_87, %lt3A : i32
        %convert_element_type3A = arith.extui %lt3A_88 : i1 to i32
        %cond3A = arith.constant 0 : i32
        %cond3A_89 = arith.cmpi ne, %convert_element_type3A, %cond3A : i32
        scf.if %cond3A_89 {
          %add3A_106 = arith.constant 2 : i32
          %add3A_107 = arith.addi %mul3A_66, %add3A_106 : i32
          %dma_start3A_108 = arith.constant 0 : i32
          %dma_start3A_109 = tpu.memref_slice %arg15[%add3A_107, %dma_start3A_108] : memref<8x128xi32, #tpu.memory_space<vmem>> -> memref<1x128xi32, #tpu.memory_space<vmem>>
          %dma_start3A_110 = tpu.memref_squeeze %dma_start3A_109 : memref<1x128xi32, #tpu.memory_space<vmem>> -> memref<128xi32, #tpu.memory_space<vmem>>
          %dma_start3A_111 = arith.constant 0 : i32
          %dma_start3A_112 = arith.constant 0 : i32
          %dma_start3A_113 = tpu.memref_slice %arg2[%dma_start3A_111, %dma_start3A_112] : memref<10112x128xf32, #tpu.memory_space<hbm>> -> memref<10112x128xf32, #tpu.memory_space<hbm>>
          tpu.enqueue_indirect_dma source(%dma_start3A_113 : memref<10112x128xf32, #tpu.memory_space<hbm>>) target(%arg17 : memref<128x128xf32, #tpu.memory_space<vmem>>) offsets(%dma_start3A_110 : memref<128xi32, #tpu.memory_space<vmem>>) semaphore(%arg20 : memref<!tpu.dma_semaphore, #tpu.memory_space<semaphore_mem>>)
        } else {
        }
        %add3A_90 = arith.constant 1 : i32
        %add3A_91 = arith.addi %mul3A_66, %add3A_90 : i32
        %dma_wait3A_92 = arith.constant 0 : i32
        %dma_wait3A_93 = tpu.memref_slice %arg15[%add3A_91, %dma_wait3A_92] : memref<8x128xi32, #tpu.memory_space<vmem>> -> memref<1x128xi32, #tpu.memory_space<vmem>>
        %dma_wait3A_94 = tpu.memref_squeeze %dma_wait3A_93 : memref<1x128xi32, #tpu.memory_space<vmem>> -> memref<128xi32, #tpu.memory_space<vmem>>
        %dma_wait3A_95 = arith.constant 0 : i32
        %dma_wait3A_96 = arith.constant 0 : i32
        %dma_wait3A_97 = tpu.memref_slice %arg2[%dma_wait3A_95, %dma_wait3A_96] : memref<10112x128xf32, #tpu.memory_space<hbm>> -> memref<10112x128xf32, #tpu.memory_space<hbm>>
        tpu.wait_indirect_dma semaphore(%arg21 : memref<!tpu.dma_semaphore, #tpu.memory_space<semaphore_mem>>) src(%dma_wait3A_97 : memref<10112x128xf32, #tpu.memory_space<hbm>>) dst(%arg18 : memref<128x128xf32, #tpu.memory_space<vmem>>)
        %add3A_98 = arith.constant 1 : i32
        %add3A_99 = arith.addi %mul3A_66, %add3A_98 : i32
        %scan3A_100 = arith.constant 0 : i32
        %scan3A_101 = arith.constant 0 : i32
        %scan3A_102 = arith.constant 32 : i32
        %scan3A_103 = arith.addi %scan3A_101, %scan3A_102 : i32
        %scan3A_104 = arith.constant 1 : i32
        scf.for %scan3A_106 = %scan3A_101 to %scan3A_103 step %scan3A_104  : i32 {
          %mul3A_107 = arith.constant 4 : i32
          %mul3A_108 = arith.muli %scan3A_106, %mul3A_107 : i32
          %add3A_109 = arith.constant 0 : i32
          %add3A_110 = arith.addi %mul3A_108, %add3A_109 : i32
          %mul3A_111 = arith.constant 128 : i32
          %mul3A_112 = arith.muli %add3A_99, %mul3A_111 : i32
          %add3A_113 = arith.addi %mul3A_112, %add3A_110 : i32
          %broadcast_in_dim3A = vector.broadcast %add3A_113 : i32 to vector<16xi32>
          %gather3A = tpu.vector_load_idx %arg13[%broadcast_in_dim3A] : memref<1024xf32, #tpu.memory_space<vmem>>[vector<16xi32>], vector<16xf32>,
          %get3A = arith.index_cast %add3A_110 : i32 to index
          %get3A_114 = arith.constant 0 : index
          %get3A_115 = tpu.vector_load %arg18[%get3A, %get3A_114] {strides = array<i32>} : memref<128x128xf32, #tpu.memory_space<vmem>>, vector<16xf32>,
          %mul3A_116 = arith.mulf %get3A_115, %gather3A : vector<16xf32>
          %swap3A = arith.index_cast %add3A_110 : i32 to index
          %swap3A_117 = arith.constant 0 : index
          %swap3A_118 = tpu.vector_load %arg18[%swap3A, %swap3A_117] {strides = array<i32>} : memref<128x128xf32, #tpu.memory_space<vmem>>, vector<16xf32>,
          tpu.vector_store %arg18[%swap3A, %swap3A_117], %mul3A_116 {strides = array<i32>} : memref<128x128xf32, #tpu.memory_space<vmem>>, vector<16xf32>,
          %get3A_119 = arith.index_cast %add3A_110 : i32 to index
          %get3A_120 = arith.constant 16 : index
          %get3A_121 = tpu.vector_load %arg18[%get3A_119, %get3A_120] {strides = array<i32>} : memref<128x128xf32, #tpu.memory_space<vmem>>, vector<16xf32>,
          %mul3A_122 = arith.mulf %get3A_121, %gather3A : vector<16xf32>
          %swap3A_123 = arith.index_cast %add3A_110 : i32 to index
          %swap3A_124 = arith.constant 16 : index
          %swap3A_125 = tpu.vector_load %arg18[%swap3A_123, %swap3A_124] {strides = array<i32>} : memref<128x128xf32, #tpu.memory_space<vmem>>, vector<16xf32>,
          tpu.vector_store %arg18[%swap3A_123, %swap3A_124], %mul3A_122 {strides = array<i32>} : memref<128x128xf32, #tpu.memory_space<vmem>>, vector<16xf32>,
          %get3A_126 = arith.index_cast %add3A_110 : i32 to index
          %get3A_127 = arith.constant 32 : index
          %get3A_128 = tpu.vector_load %arg18[%get3A_126, %get3A_127] {strides = array<i32>} : memref<128x128xf32, #tpu.memory_space<vmem>>, vector<16xf32>,
          %mul3A_129 = arith.mulf %get3A_128, %gather3A : vector<16xf32>
          %swap3A_130 = arith.index_cast %add3A_110 : i32 to index
          %swap3A_131 = arith.constant 32 : index
          %swap3A_132 = tpu.vector_load %arg18[%swap3A_130, %swap3A_131] {strides = array<i32>} : memref<128x128xf32, #tpu.memory_space<vmem>>, vector<16xf32>,
          tpu.vector_store %arg18[%swap3A_130, %swap3A_131], %mul3A_129 {strides = array<i32>} : memref<128x128xf32, #tpu.memory_space<vmem>>, vector<16xf32>,
          %get3A_133 = arith.index_cast %add3A_110 : i32 to index
          %get3A_134 = arith.constant 48 : index
          %get3A_135 = tpu.vector_load %arg18[%get3A_133, %get3A_134] {strides = array<i32>} : memref<128x128xf32, #tpu.memory_space<vmem>>, vector<16xf32>,
          %mul3A_136 = arith.mulf %get3A_135, %gather3A : vector<16xf32>
          %swap3A_137 = arith.index_cast %add3A_110 : i32 to index
          %swap3A_138 = arith.constant 48 : index
          %swap3A_139 = tpu.vector_load %arg18[%swap3A_137, %swap3A_138] {strides = array<i32>} : memref<128x128xf32, #tpu.memory_space<vmem>>, vector<16xf32>,
          tpu.vector_store %arg18[%swap3A_137, %swap3A_138], %mul3A_136 {strides = array<i32>} : memref<128x128xf32, #tpu.memory_space<vmem>>, vector<16xf32>,
          %get3A_140 = arith.index_cast %add3A_110 : i32 to index
          %get3A_141 = arith.constant 64 : index
          %get3A_142 = tpu.vector_load %arg18[%get3A_140, %get3A_141] {strides = array<i32>} : memref<128x128xf32, #tpu.memory_space<vmem>>, vector<16xf32>,
          %mul3A_143 = arith.mulf %get3A_142, %gather3A : vector<16xf32>
          %swap3A_144 = arith.index_cast %add3A_110 : i32 to index
          %swap3A_145 = arith.constant 64 : index
          %swap3A_146 = tpu.vector_load %arg18[%swap3A_144, %swap3A_145] {strides = array<i32>} : memref<128x128xf32, #tpu.memory_space<vmem>>, vector<16xf32>,
          tpu.vector_store %arg18[%swap3A_144, %swap3A_145], %mul3A_143 {strides = array<i32>} : memref<128x128xf32, #tpu.memory_space<vmem>>, vector<16xf32>,
          %get3A_147 = arith.index_cast %add3A_110 : i32 to index
          %get3A_148 = arith.constant 80 : index
          %get3A_149 = tpu.vector_load %arg18[%get3A_147, %get3A_148] {strides = array<i32>} : memref<128x128xf32, #tpu.memory_space<vmem>>, vector<16xf32>,
          %mul3A_150 = arith.mulf %get3A_149, %gather3A : vector<16xf32>
          %swap3A_151 = arith.index_cast %add3A_110 : i32 to index
          %swap3A_152 = arith.constant 80 : index
          %swap3A_153 = tpu.vector_load %arg18[%swap3A_151, %swap3A_152] {strides = array<i32>} : memref<128x128xf32, #tpu.memory_space<vmem>>, vector<16xf32>,
          tpu.vector_store %arg18[%swap3A_151, %swap3A_152], %mul3A_150 {strides = array<i32>} : memref<128x128xf32, #tpu.memory_space<vmem>>, vector<16xf32>,
          %get3A_154 = arith.index_cast %add3A_110 : i32 to index
          %get3A_155 = arith.constant 96 : index
          %get3A_156 = tpu.vector_load %arg18[%get3A_154, %get3A_155] {strides = array<i32>} : memref<128x128xf32, #tpu.memory_space<vmem>>, vector<16xf32>,
          %mul3A_157 = arith.mulf %get3A_156, %gather3A : vector<16xf32>
          %swap3A_158 = arith.index_cast %add3A_110 : i32 to index
          %swap3A_159 = arith.constant 96 : index
          %swap3A_160 = tpu.vector_load %arg18[%swap3A_158, %swap3A_159] {strides = array<i32>} : memref<128x128xf32, #tpu.memory_space<vmem>>, vector<16xf32>,
          tpu.vector_store %arg18[%swap3A_158, %swap3A_159], %mul3A_157 {strides = array<i32>} : memref<128x128xf32, #tpu.memory_space<vmem>>, vector<16xf32>,
          %get3A_161 = arith.index_cast %add3A_110 : i32 to index
          %get3A_162 = arith.constant 112 : index
          %get3A_163 = tpu.vector_load %arg18[%get3A_161, %get3A_162] {strides = array<i32>} : memref<128x128xf32, #tpu.memory_space<vmem>>, vector<16xf32>,
          %mul3A_164 = arith.mulf %get3A_163, %gather3A : vector<16xf32>
          %swap3A_165 = arith.index_cast %add3A_110 : i32 to index
          %swap3A_166 = arith.constant 112 : index
          %swap3A_167 = tpu.vector_load %arg18[%swap3A_165, %swap3A_166] {strides = array<i32>} : memref<128x128xf32, #tpu.memory_space<vmem>>, vector<16xf32>,
          tpu.vector_store %arg18[%swap3A_165, %swap3A_166], %mul3A_164 {strides = array<i32>} : memref<128x128xf32, #tpu.memory_space<vmem>>, vector<16xf32>,
          %mul3A_168 = arith.constant 4 : i32
          %mul3A_169 = arith.muli %scan3A_106, %mul3A_168 : i32
          %add3A_170 = arith.constant 1 : i32
          %add3A_171 = arith.addi %mul3A_169, %add3A_170 : i32
          %mul3A_172 = arith.constant 128 : i32
          %mul3A_173 = arith.muli %add3A_99, %mul3A_172 : i32
          %add3A_174 = arith.addi %mul3A_173, %add3A_171 : i32
          %broadcast_in_dim3A_175 = vector.broadcast %add3A_174 : i32 to vector<16xi32>
          %gather3A_176 = tpu.vector_load_idx %arg13[%broadcast_in_dim3A_175] : memref<1024xf32, #tpu.memory_space<vmem>>[vector<16xi32>], vector<16xf32>,
          %get3A_177 = arith.index_cast %add3A_171 : i32 to index
          %get3A_178 = arith.constant 0 : index
          %get3A_179 = tpu.vector_load %arg18[%get3A_177, %get3A_178] {strides = array<i32>} : memref<128x128xf32, #tpu.memory_space<vmem>>, vector<16xf32>,
          %mul3A_180 = arith.mulf %get3A_179, %gather3A_176 : vector<16xf32>
          %swap3A_181 = arith.index_cast %add3A_171 : i32 to index
          %swap3A_182 = arith.constant 0 : index
          %swap3A_183 = tpu.vector_load %arg18[%swap3A_181, %swap3A_182] {strides = array<i32>} : memref<128x128xf32, #tpu.memory_space<vmem>>, vector<16xf32>,
          tpu.vector_store %arg18[%swap3A_181, %swap3A_182], %mul3A_180 {strides = array<i32>} : memref<128x128xf32, #tpu.memory_space<vmem>>, vector<16xf32>,
          %get3A_184 = arith.index_cast %add3A_171 : i32 to index
          %get3A_185 = arith.constant 16 : index
          %get3A_186 = tpu.vector_load %arg18[%get3A_184, %get3A_185] {strides = array<i32>} : memref<128x128xf32, #tpu.memory_space<vmem>>, vector<16xf32>,
          %mul3A_187 = arith.mulf %get3A_186, %gather3A_176 : vector<16xf32>
          %swap3A_188 = arith.index_cast %add3A_171 : i32 to index
          %swap3A_189 = arith.constant 16 : index
          %swap3A_190 = tpu.vector_load %arg18[%swap3A_188, %swap3A_189] {strides = array<i32>} : memref<128x128xf32, #tpu.memory_space<vmem>>, vector<16xf32>,
          tpu.vector_store %arg18[%swap3A_188, %swap3A_189], %mul3A_187 {strides = array<i32>} : memref<128x128xf32, #tpu.memory_space<vmem>>, vector<16xf32>,
          %get3A_191 = arith.index_cast %add3A_171 : i32 to index
          %get3A_192 = arith.constant 32 : index
          %get3A_193 = tpu.vector_load %arg18[%get3A_191, %get3A_192] {strides = array<i32>} : memref<128x128xf32, #tpu.memory_space<vmem>>, vector<16xf32>,
          %mul3A_194 = arith.mulf %get3A_193, %gather3A_176 : vector<16xf32>
          %swap3A_195 = arith.index_cast %add3A_171 : i32 to index
          %swap3A_196 = arith.constant 32 : index
          %swap3A_197 = tpu.vector_load %arg18[%swap3A_195, %swap3A_196] {strides = array<i32>} : memref<128x128xf32, #tpu.memory_space<vmem>>, vector<16xf32>,
          tpu.vector_store %arg18[%swap3A_195, %swap3A_196], %mul3A_194 {strides = array<i32>} : memref<128x128xf32, #tpu.memory_space<vmem>>, vector<16xf32>,
          %get3A_198 = arith.index_cast %add3A_171 : i32 to index
          %get3A_199 = arith.constant 48 : index
          %get3A_200 = tpu.vector_load %arg18[%get3A_198, %get3A_199] {strides = array<i32>} : memref<128x128xf32, #tpu.memory_space<vmem>>, vector<16xf32>,
          %mul3A_201 = arith.mulf %get3A_200, %gather3A_176 : vector<16xf32>
          %swap3A_202 = arith.index_cast %add3A_171 : i32 to index
          %swap3A_203 = arith.constant 48 : index
          %swap3A_204 = tpu.vector_load %arg18[%swap3A_202, %swap3A_203] {strides = array<i32>} : memref<128x128xf32, #tpu.memory_space<vmem>>, vector<16xf32>,
          tpu.vector_store %arg18[%swap3A_202, %swap3A_203], %mul3A_201 {strides = array<i32>} : memref<128x128xf32, #tpu.memory_space<vmem>>, vector<16xf32>,
          %get3A_205 = arith.index_cast %add3A_171 : i32 to index
          %get3A_206 = arith.constant 64 : index
          %get3A_207 = tpu.vector_load %arg18[%get3A_205, %get3A_206] {strides = array<i32>} : memref<128x128xf32, #tpu.memory_space<vmem>>, vector<16xf32>,
          %mul3A_208 = arith.mulf %get3A_207, %gather3A_176 : vector<16xf32>
          %swap3A_209 = arith.index_cast %add3A_171 : i32 to index
          %swap3A_210 = arith.constant 64 : index
          %swap3A_211 = tpu.vector_load %arg18[%swap3A_209, %swap3A_210] {strides = array<i32>} : memref<128x128xf32, #tpu.memory_space<vmem>>, vector<16xf32>,
          tpu.vector_store %arg18[%swap3A_209, %swap3A_210], %mul3A_208 {strides = array<i32>} : memref<128x128xf32, #tpu.memory_space<vmem>>, vector<16xf32>,
          %get3A_212 = arith.index_cast %add3A_171 : i32 to index
          %get3A_213 = arith.constant 80 : index
          %get3A_214 = tpu.vector_load %arg18[%get3A_212, %get3A_213] {strides = array<i32>} : memref<128x128xf32, #tpu.memory_space<vmem>>, vector<16xf32>,
          %mul3A_215 = arith.mulf %get3A_214, %gather3A_176 : vector<16xf32>
          %swap3A_216 = arith.index_cast %add3A_171 : i32 to index
          %swap3A_217 = arith.constant 80 : index
          %swap3A_218 = tpu.vector_load %arg18[%swap3A_216, %swap3A_217] {strides = array<i32>} : memref<128x128xf32, #tpu.memory_space<vmem>>, vector<16xf32>,
          tpu.vector_store %arg18[%swap3A_216, %swap3A_217], %mul3A_215 {strides = array<i32>} : memref<128x128xf32, #tpu.memory_space<vmem>>, vector<16xf32>,
          %get3A_219 = arith.index_cast %add3A_171 : i32 to index
          %get3A_220 = arith.constant 96 : index
          %get3A_221 = tpu.vector_load %arg18[%get3A_219, %get3A_220] {strides = array<i32>} : memref<128x128xf32, #tpu.memory_space<vmem>>, vector<16xf32>,
          %mul3A_222 = arith.mulf %get3A_221, %gather3A_176 : vector<16xf32>
          %swap3A_223 = arith.index_cast %add3A_171 : i32 to index
          %swap3A_224 = arith.constant 96 : index
          %swap3A_225 = tpu.vector_load %arg18[%swap3A_223, %swap3A_224] {strides = array<i32>} : memref<128x128xf32, #tpu.memory_space<vmem>>, vector<16xf32>,
          tpu.vector_store %arg18[%swap3A_223, %swap3A_224], %mul3A_222 {strides = array<i32>} : memref<128x128xf32, #tpu.memory_space<vmem>>, vector<16xf32>,
          %get3A_226 = arith.index_cast %add3A_171 : i32 to index
          %get3A_227 = arith.constant 112 : index
          %get3A_228 = tpu.vector_load %arg18[%get3A_226, %get3A_227] {strides = array<i32>} : memref<128x128xf32, #tpu.memory_space<vmem>>, vector<16xf32>,
          %mul3A_229 = arith.mulf %get3A_228, %gather3A_176 : vector<16xf32>
          %swap3A_230 = arith.index_cast %add3A_171 : i32 to index
          %swap3A_231 = arith.constant 112 : index
          %swap3A_232 = tpu.vector_load %arg18[%swap3A_230, %swap3A_231] {strides = array<i32>} : memref<128x128xf32, #tpu.memory_space<vmem>>, vector<16xf32>,
          tpu.vector_store %arg18[%swap3A_230, %swap3A_231], %mul3A_229 {strides = array<i32>} : memref<128x128xf32, #tpu.memory_space<vmem>>, vector<16xf32>,
          %mul3A_233 = arith.constant 4 : i32
          %mul3A_234 = arith.muli %scan3A_106, %mul3A_233 : i32
          %add3A_235 = arith.constant 2 : i32
          %add3A_236 = arith.addi %mul3A_234, %add3A_235 : i32
          %mul3A_237 = arith.constant 128 : i32
          %mul3A_238 = arith.muli %add3A_99, %mul3A_237 : i32
          %add3A_239 = arith.addi %mul3A_238, %add3A_236 : i32
          %broadcast_in_dim3A_240 = vector.broadcast %add3A_239 : i32 to vector<16xi32>
          %gather3A_241 = tpu.vector_load_idx %arg13[%broadcast_in_dim3A_240] : memref<1024xf32, #tpu.memory_space<vmem>>[vector<16xi32>], vector<16xf32>,
          %get3A_242 = arith.index_cast %add3A_236 : i32 to index
          %get3A_243 = arith.constant 0 : index
          %get3A_244 = tpu.vector_load %arg18[%get3A_242, %get3A_243] {strides = array<i32>} : memref<128x128xf32, #tpu.memory_space<vmem>>, vector<16xf32>,
          %mul3A_245 = arith.mulf %get3A_244, %gather3A_241 : vector<16xf32>
          %swap3A_246 = arith.index_cast %add3A_236 : i32 to index
          %swap3A_247 = arith.constant 0 : index
          %swap3A_248 = tpu.vector_load %arg18[%swap3A_246, %swap3A_247] {strides = array<i32>} : memref<128x128xf32, #tpu.memory_space<vmem>>, vector<16xf32>,
          tpu.vector_store %arg18[%swap3A_246, %swap3A_247], %mul3A_245 {strides = array<i32>} : memref<128x128xf32, #tpu.memory_space<vmem>>, vector<16xf32>,
          %get3A_249 = arith.index_cast %add3A_236 : i32 to index
          %get3A_250 = arith.constant 16 : index
          %get3A_251 = tpu.vector_load %arg18[%get3A_249, %get3A_250] {strides = array<i32>} : memref<128x128xf32, #tpu.memory_space<vmem>>, vector<16xf32>,
          %mul3A_252 = arith.mulf %get3A_251, %gather3A_241 : vector<16xf32>
          %swap3A_253 = arith.index_cast %add3A_236 : i32 to index
          %swap3A_254 = arith.constant 16 : index
          %swap3A_255 = tpu.vector_load %arg18[%swap3A_253, %swap3A_254] {strides = array<i32>} : memref<128x128xf32, #tpu.memory_space<vmem>>, vector<16xf32>,
          tpu.vector_store %arg18[%swap3A_253, %swap3A_254], %mul3A_252 {strides = array<i32>} : memref<128x128xf32, #tpu.memory_space<vmem>>, vector<16xf32>,
          %get3A_256 = arith.index_cast %add3A_236 : i32 to index
          %get3A_257 = arith.constant 32 : index
          %get3A_258 = tpu.vector_load %arg18[%get3A_256, %get3A_257] {strides = array<i32>} : memref<128x128xf32, #tpu.memory_space<vmem>>, vector<16xf32>,
          %mul3A_259 = arith.mulf %get3A_258, %gather3A_241 : vector<16xf32>
          %swap3A_260 = arith.index_cast %add3A_236 : i32 to index
          %swap3A_261 = arith.constant 32 : index
          %swap3A_262 = tpu.vector_load %arg18[%swap3A_260, %swap3A_261] {strides = array<i32>} : memref<128x128xf32, #tpu.memory_space<vmem>>, vector<16xf32>,
          tpu.vector_store %arg18[%swap3A_260, %swap3A_261], %mul3A_259 {strides = array<i32>} : memref<128x128xf32, #tpu.memory_space<vmem>>, vector<16xf32>,
          %get3A_263 = arith.index_cast %add3A_236 : i32 to index
          %get3A_264 = arith.constant 48 : index
          %get3A_265 = tpu.vector_load %arg18[%get3A_263, %get3A_264] {strides = array<i32>} : memref<128x128xf32, #tpu.memory_space<vmem>>, vector<16xf32>,
          %mul3A_266 = arith.mulf %get3A_265, %gather3A_241 : vector<16xf32>
          %swap3A_267 = arith.index_cast %add3A_236 : i32 to index
          %swap3A_268 = arith.constant 48 : index
          %swap3A_269 = tpu.vector_load %arg18[%swap3A_267, %swap3A_268] {strides = array<i32>} : memref<128x128xf32, #tpu.memory_space<vmem>>, vector<16xf32>,
          tpu.vector_store %arg18[%swap3A_267, %swap3A_268], %mul3A_266 {strides = array<i32>} : memref<128x128xf32, #tpu.memory_space<vmem>>, vector<16xf32>,
          %get3A_270 = arith.index_cast %add3A_236 : i32 to index
          %get3A_271 = arith.constant 64 : index
          %get3A_272 = tpu.vector_load %arg18[%get3A_270, %get3A_271] {strides = array<i32>} : memref<128x128xf32, #tpu.memory_space<vmem>>, vector<16xf32>,
          %mul3A_273 = arith.mulf %get3A_272, %gather3A_241 : vector<16xf32>
          %swap3A_274 = arith.index_cast %add3A_236 : i32 to index
          %swap3A_275 = arith.constant 64 : index
          %swap3A_276 = tpu.vector_load %arg18[%swap3A_274, %swap3A_275] {strides = array<i32>} : memref<128x128xf32, #tpu.memory_space<vmem>>, vector<16xf32>,
          tpu.vector_store %arg18[%swap3A_274, %swap3A_275], %mul3A_273 {strides = array<i32>} : memref<128x128xf32, #tpu.memory_space<vmem>>, vector<16xf32>,
          %get3A_277 = arith.index_cast %add3A_236 : i32 to index
          %get3A_278 = arith.constant 80 : index
          %get3A_279 = tpu.vector_load %arg18[%get3A_277, %get3A_278] {strides = array<i32>} : memref<128x128xf32, #tpu.memory_space<vmem>>, vector<16xf32>,
          %mul3A_280 = arith.mulf %get3A_279, %gather3A_241 : vector<16xf32>
          %swap3A_281 = arith.index_cast %add3A_236 : i32 to index
          %swap3A_282 = arith.constant 80 : index
          %swap3A_283 = tpu.vector_load %arg18[%swap3A_281, %swap3A_282] {strides = array<i32>} : memref<128x128xf32, #tpu.memory_space<vmem>>, vector<16xf32>,
          tpu.vector_store %arg18[%swap3A_281, %swap3A_282], %mul3A_280 {strides = array<i32>} : memref<128x128xf32, #tpu.memory_space<vmem>>, vector<16xf32>,
          %get3A_284 = arith.index_cast %add3A_236 : i32 to index
          %get3A_285 = arith.constant 96 : index
          %get3A_286 = tpu.vector_load %arg18[%get3A_284, %get3A_285] {strides = array<i32>} : memref<128x128xf32, #tpu.memory_space<vmem>>, vector<16xf32>,
          %mul3A_287 = arith.mulf %get3A_286, %gather3A_241 : vector<16xf32>
          %swap3A_288 = arith.index_cast %add3A_236 : i32 to index
          %swap3A_289 = arith.constant 96 : index
          %swap3A_290 = tpu.vector_load %arg18[%swap3A_288, %swap3A_289] {strides = array<i32>} : memref<128x128xf32, #tpu.memory_space<vmem>>, vector<16xf32>,
          tpu.vector_store %arg18[%swap3A_288, %swap3A_289], %mul3A_287 {strides = array<i32>} : memref<128x128xf32, #tpu.memory_space<vmem>>, vector<16xf32>,
          %get3A_291 = arith.index_cast %add3A_236 : i32 to index
          %get3A_292 = arith.constant 112 : index
          %get3A_293 = tpu.vector_load %arg18[%get3A_291, %get3A_292] {strides = array<i32>} : memref<128x128xf32, #tpu.memory_space<vmem>>, vector<16xf32>,
          %mul3A_294 = arith.mulf %get3A_293, %gather3A_241 : vector<16xf32>
          %swap3A_295 = arith.index_cast %add3A_236 : i32 to index
          %swap3A_296 = arith.constant 112 : index
          %swap3A_297 = tpu.vector_load %arg18[%swap3A_295, %swap3A_296] {strides = array<i32>} : memref<128x128xf32, #tpu.memory_space<vmem>>, vector<16xf32>,
          tpu.vector_store %arg18[%swap3A_295, %swap3A_296], %mul3A_294 {strides = array<i32>} : memref<128x128xf32, #tpu.memory_space<vmem>>, vector<16xf32>,
          %mul3A_298 = arith.constant 4 : i32
          %mul3A_299 = arith.muli %scan3A_106, %mul3A_298 : i32
          %add3A_300 = arith.constant 3 : i32
          %add3A_301 = arith.addi %mul3A_299, %add3A_300 : i32
          %mul3A_302 = arith.constant 128 : i32
          %mul3A_303 = arith.muli %add3A_99, %mul3A_302 : i32
          %add3A_304 = arith.addi %mul3A_303, %add3A_301 : i32
          %broadcast_in_dim3A_305 = vector.broadcast %add3A_304 : i32 to vector<16xi32>
          %gather3A_306 = tpu.vector_load_idx %arg13[%broadcast_in_dim3A_305] : memref<1024xf32, #tpu.memory_space<vmem>>[vector<16xi32>], vector<16xf32>,
          %get3A_307 = arith.index_cast %add3A_301 : i32 to index
          %get3A_308 = arith.constant 0 : index
          %get3A_309 = tpu.vector_load %arg18[%get3A_307, %get3A_308] {strides = array<i32>} : memref<128x128xf32, #tpu.memory_space<vmem>>, vector<16xf32>,
          %mul3A_310 = arith.mulf %get3A_309, %gather3A_306 : vector<16xf32>
          %swap3A_311 = arith.index_cast %add3A_301 : i32 to index
          %swap3A_312 = arith.constant 0 : index
          %swap3A_313 = tpu.vector_load %arg18[%swap3A_311, %swap3A_312] {strides = array<i32>} : memref<128x128xf32, #tpu.memory_space<vmem>>, vector<16xf32>,
          tpu.vector_store %arg18[%swap3A_311, %swap3A_312], %mul3A_310 {strides = array<i32>} : memref<128x128xf32, #tpu.memory_space<vmem>>, vector<16xf32>,
          %get3A_314 = arith.index_cast %add3A_301 : i32 to index
          %get3A_315 = arith.constant 16 : index
          %get3A_316 = tpu.vector_load %arg18[%get3A_314, %get3A_315] {strides = array<i32>} : memref<128x128xf32, #tpu.memory_space<vmem>>, vector<16xf32>,
          %mul3A_317 = arith.mulf %get3A_316, %gather3A_306 : vector<16xf32>
          %swap3A_318 = arith.index_cast %add3A_301 : i32 to index
          %swap3A_319 = arith.constant 16 : index
          %swap3A_320 = tpu.vector_load %arg18[%swap3A_318, %swap3A_319] {strides = array<i32>} : memref<128x128xf32, #tpu.memory_space<vmem>>, vector<16xf32>,
          tpu.vector_store %arg18[%swap3A_318, %swap3A_319], %mul3A_317 {strides = array<i32>} : memref<128x128xf32, #tpu.memory_space<vmem>>, vector<16xf32>,
          %get3A_321 = arith.index_cast %add3A_301 : i32 to index
          %get3A_322 = arith.constant 32 : index
          %get3A_323 = tpu.vector_load %arg18[%get3A_321, %get3A_322] {strides = array<i32>} : memref<128x128xf32, #tpu.memory_space<vmem>>, vector<16xf32>,
          %mul3A_324 = arith.mulf %get3A_323, %gather3A_306 : vector<16xf32>
          %swap3A_325 = arith.index_cast %add3A_301 : i32 to index
          %swap3A_326 = arith.constant 32 : index
          %swap3A_327 = tpu.vector_load %arg18[%swap3A_325, %swap3A_326] {strides = array<i32>} : memref<128x128xf32, #tpu.memory_space<vmem>>, vector<16xf32>,
          tpu.vector_store %arg18[%swap3A_325, %swap3A_326], %mul3A_324 {strides = array<i32>} : memref<128x128xf32, #tpu.memory_space<vmem>>, vector<16xf32>,
          %get3A_328 = arith.index_cast %add3A_301 : i32 to index
          %get3A_329 = arith.constant 48 : index
          %get3A_330 = tpu.vector_load %arg18[%get3A_328, %get3A_329] {strides = array<i32>} : memref<128x128xf32, #tpu.memory_space<vmem>>, vector<16xf32>,
          %mul3A_331 = arith.mulf %get3A_330, %gather3A_306 : vector<16xf32>
          %swap3A_332 = arith.index_cast %add3A_301 : i32 to index
          %swap3A_333 = arith.constant 48 : index
          %swap3A_334 = tpu.vector_load %arg18[%swap3A_332, %swap3A_333] {strides = array<i32>} : memref<128x128xf32, #tpu.memory_space<vmem>>, vector<16xf32>,
          tpu.vector_store %arg18[%swap3A_332, %swap3A_333], %mul3A_331 {strides = array<i32>} : memref<128x128xf32, #tpu.memory_space<vmem>>, vector<16xf32>,
          %get3A_335 = arith.index_cast %add3A_301 : i32 to index
          %get3A_336 = arith.constant 64 : index
          %get3A_337 = tpu.vector_load %arg18[%get3A_335, %get3A_336] {strides = array<i32>} : memref<128x128xf32, #tpu.memory_space<vmem>>, vector<16xf32>,
          %mul3A_338 = arith.mulf %get3A_337, %gather3A_306 : vector<16xf32>
          %swap3A_339 = arith.index_cast %add3A_301 : i32 to index
          %swap3A_340 = arith.constant 64 : index
          %swap3A_341 = tpu.vector_load %arg18[%swap3A_339, %swap3A_340] {strides = array<i32>} : memref<128x128xf32, #tpu.memory_space<vmem>>, vector<16xf32>,
          tpu.vector_store %arg18[%swap3A_339, %swap3A_340], %mul3A_338 {strides = array<i32>} : memref<128x128xf32, #tpu.memory_space<vmem>>, vector<16xf32>,
          %get3A_342 = arith.index_cast %add3A_301 : i32 to index
          %get3A_343 = arith.constant 80 : index
          %get3A_344 = tpu.vector_load %arg18[%get3A_342, %get3A_343] {strides = array<i32>} : memref<128x128xf32, #tpu.memory_space<vmem>>, vector<16xf32>,
          %mul3A_345 = arith.mulf %get3A_344, %gather3A_306 : vector<16xf32>
          %swap3A_346 = arith.index_cast %add3A_301 : i32 to index
          %swap3A_347 = arith.constant 80 : index
          %swap3A_348 = tpu.vector_load %arg18[%swap3A_346, %swap3A_347] {strides = array<i32>} : memref<128x128xf32, #tpu.memory_space<vmem>>, vector<16xf32>,
          tpu.vector_store %arg18[%swap3A_346, %swap3A_347], %mul3A_345 {strides = array<i32>} : memref<128x128xf32, #tpu.memory_space<vmem>>, vector<16xf32>,
          %get3A_349 = arith.index_cast %add3A_301 : i32 to index
          %get3A_350 = arith.constant 96 : index
          %get3A_351 = tpu.vector_load %arg18[%get3A_349, %get3A_350] {strides = array<i32>} : memref<128x128xf32, #tpu.memory_space<vmem>>, vector<16xf32>,
          %mul3A_352 = arith.mulf %get3A_351, %gather3A_306 : vector<16xf32>
          %swap3A_353 = arith.index_cast %add3A_301 : i32 to index
          %swap3A_354 = arith.constant 96 : index
          %swap3A_355 = tpu.vector_load %arg18[%swap3A_353, %swap3A_354] {strides = array<i32>} : memref<128x128xf32, #tpu.memory_space<vmem>>, vector<16xf32>,
          tpu.vector_store %arg18[%swap3A_353, %swap3A_354], %mul3A_352 {strides = array<i32>} : memref<128x128xf32, #tpu.memory_space<vmem>>, vector<16xf32>,
          %get3A_356 = arith.index_cast %add3A_301 : i32 to index
          %get3A_357 = arith.constant 112 : index
          %get3A_358 = tpu.vector_load %arg18[%get3A_356, %get3A_357] {strides = array<i32>} : memref<128x128xf32, #tpu.memory_space<vmem>>, vector<16xf32>,
          %mul3A_359 = arith.mulf %get3A_358, %gather3A_306 : vector<16xf32>
          %swap3A_360 = arith.index_cast %add3A_301 : i32 to index
          %swap3A_361 = arith.constant 112 : index
          %swap3A_362 = tpu.vector_load %arg18[%swap3A_360, %swap3A_361] {strides = array<i32>} : memref<128x128xf32, #tpu.memory_space<vmem>>, vector<16xf32>,
          tpu.vector_store %arg18[%swap3A_360, %swap3A_361], %mul3A_359 {strides = array<i32>} : memref<128x128xf32, #tpu.memory_space<vmem>>, vector<16xf32>,
        }
        %scan3A_105 = arith.constant 32 : i32
        "tpu.region"() ({
          %run_scoped3A = tpu.sem_alloc : memref<!tpu.dma_semaphore, #tpu.memory_space<semaphore_mem>>
          %dma_start3A_106 = arith.constant 0 : i32
          %dma_start3A_107 = tpu.memref_slice %arg16[%add3A_99, %dma_start3A_106] : memref<8x128xi32, #tpu.memory_space<vmem>> -> memref<1x128xi32, #tpu.memory_space<vmem>>
          %dma_start3A_108 = tpu.memref_squeeze %dma_start3A_107 : memref<1x128xi32, #tpu.memory_space<vmem>> -> memref<128xi32, #tpu.memory_space<vmem>>
          %dma_start3A_109 = arith.constant 0 : i32
          %dma_start3A_110 = arith.constant 0 : i32
          %dma_start3A_111 = tpu.memref_slice %arg19[%dma_start3A_109, %dma_start3A_110] : memref<10112x128xf32, #tpu.memory_space<vmem_shared>> -> memref<10112x128xf32, #tpu.memory_space<vmem_shared>>
          tpu.enqueue_indirect_dma source(%arg18 : memref<128x128xf32, #tpu.memory_space<vmem>>) target(%dma_start3A_111 : memref<10112x128xf32, #tpu.memory_space<vmem_shared>>) offsets(%dma_start3A_108 : memref<128xi32, #tpu.memory_space<vmem>>) semaphore(%run_scoped3A : memref<!tpu.dma_semaphore, #tpu.memory_space<semaphore_mem>>) {add = true}
          %dma_wait3A_112 = arith.constant 0 : i32
          %dma_wait3A_113 = tpu.memref_slice %arg16[%add3A_99, %dma_wait3A_112] : memref<8x128xi32, #tpu.memory_space<vmem>> -> memref<1x128xi32, #tpu.memory_space<vmem>>
          %dma_wait3A_114 = tpu.memref_squeeze %dma_wait3A_113 : memref<1x128xi32, #tpu.memory_space<vmem>> -> memref<128xi32, #tpu.memory_space<vmem>>
          %dma_wait3A_115 = arith.constant 0 : i32
          %dma_wait3A_116 = arith.constant 0 : i32
          %dma_wait3A_117 = tpu.memref_slice %arg19[%dma_wait3A_115, %dma_wait3A_116] : memref<10112x128xf32, #tpu.memory_space<vmem_shared>> -> memref<10112x128xf32, #tpu.memory_space<vmem_shared>>
          tpu.wait_indirect_dma semaphore(%run_scoped3A : memref<!tpu.dma_semaphore, #tpu.memory_space<semaphore_mem>>) src(%arg18 : memref<128x128xf32, #tpu.memory_space<vmem>>) dst(%dma_wait3A_117 : memref<10112x128xf32, #tpu.memory_space<vmem_shared>>)
          tpu.yield
        }) : () -> ()
      }
      %scan3A_63 = arith.constant 4 : i32
    }
    %while3A_35 = arith.constant 1 : i32
    scf.for %while3A_41 = %while3A_33 to %while3A_29 step %while3A_35  : i32 {
      %mul3A_42 = arith.constant 8 : i32
      %mul3A_43 = arith.muli %while3A_41, %mul3A_42 : i32
      %add3A_44 = arith.addi %add3A, %mul3A_43 : i32
      %mul3A_45 = arith.constant 128 : i32
      %mul3A_46 = arith.muli %add3A_44, %mul3A_45 : i32
      "tpu.region"() ({
        %run_scoped3A = tpu.sem_alloc : memref<!tpu.dma_semaphore, #tpu.memory_space<semaphore_mem>>
        %dma_start3A_64 = tpu.memref_slice %arg3[%mul3A_46] : memref<327680xi32, #tpu.memory_space<hbm>> -> memref<1024xi32, #tpu.memory_space<hbm>>
        %dma_start3A_65 = tpu.memref_slice %arg3[%mul3A_46] : memref<327680xi32, #tpu.memory_space<hbm>> -> memref<1024xi32, #tpu.memory_space<hbm>>
        tpu.enqueue_dma source(%dma_start3A_65 : memref<1024xi32, #tpu.memory_space<hbm>>) target(%arg11 : memref<1024xi32, #tpu.memory_space<vmem>>) target_semaphore(%run_scoped3A : memref<!tpu.dma_semaphore, #tpu.memory_space<semaphore_mem>>)
        %dma_wait3A = tpu.memref_slice %arg3[%mul3A_46] : memref<327680xi32, #tpu.memory_space<hbm>> -> memref<1024xi32, #tpu.memory_space<hbm>>
        %dma_wait3A_66 = tpu.memref_slice %arg3[%mul3A_46] : memref<327680xi32, #tpu.memory_space<hbm>> -> memref<1024xi32, #tpu.memory_space<hbm>>
        tpu.wait_dma2 semaphore(%run_scoped3A : memref<!tpu.dma_semaphore, #tpu.memory_space<semaphore_mem>>) src(%dma_wait3A_66 : memref<1024xi32, #tpu.memory_space<hbm>>) dst(%arg11 : memref<1024xi32, #tpu.memory_space<vmem>>)
        tpu.yield
      }) : () -> ()
      "tpu.region"() ({
        %run_scoped3A = tpu.sem_alloc : memref<!tpu.dma_semaphore, #tpu.memory_space<semaphore_mem>>
        %dma_start3A_64 = tpu.memref_slice %arg4[%mul3A_46] : memref<327680xi32, #tpu.memory_space<hbm>> -> memref<1024xi32, #tpu.memory_space<hbm>>
        %dma_start3A_65 = tpu.memref_slice %arg4[%mul3A_46] : memref<327680xi32, #tpu.memory_space<hbm>> -> memref<1024xi32, #tpu.memory_space<hbm>>
        tpu.enqueue_dma source(%dma_start3A_65 : memref<1024xi32, #tpu.memory_space<hbm>>) target(%arg12 : memref<1024xi32, #tpu.memory_space<vmem>>) target_semaphore(%run_scoped3A : memref<!tpu.dma_semaphore, #tpu.memory_space<semaphore_mem>>)
        %dma_wait3A = tpu.memref_slice %arg4[%mul3A_46] : memref<327680xi32, #tpu.memory_space<hbm>> -> memref<1024xi32, #tpu.memory_space<hbm>>
        %dma_wait3A_66 = tpu.memref_slice %arg4[%mul3A_46] : memref<327680xi32, #tpu.memory_space<hbm>> -> memref<1024xi32, #tpu.memory_space<hbm>>
        tpu.wait_dma2 semaphore(%run_scoped3A : memref<!tpu.dma_semaphore, #tpu.memory_space<semaphore_mem>>) src(%dma_wait3A_66 : memref<1024xi32, #tpu.memory_space<hbm>>) dst(%arg12 : memref<1024xi32, #tpu.memory_space<vmem>>)
        tpu.yield
      }) : () -> ()
      "tpu.region"() ({
        %run_scoped3A = tpu.sem_alloc : memref<!tpu.dma_semaphore, #tpu.memory_space<semaphore_mem>>
        %dma_start3A_64 = tpu.memref_slice %arg5[%mul3A_46] : memref<327680xf32, #tpu.memory_space<hbm>> -> memref<1024xf32, #tpu.memory_space<hbm>>
        %dma_start3A_65 = tpu.memref_slice %arg5[%mul3A_46] : memref<327680xf32, #tpu.memory_space<hbm>> -> memref<1024xf32, #tpu.memory_space<hbm>>
        tpu.enqueue_dma source(%dma_start3A_65 : memref<1024xf32, #tpu.memory_space<hbm>>) target(%arg13 : memref<1024xf32, #tpu.memory_space<vmem>>) target_semaphore(%run_scoped3A : memref<!tpu.dma_semaphore, #tpu.memory_space<semaphore_mem>>)
        %dma_wait3A = tpu.memref_slice %arg5[%mul3A_46] : memref<327680xf32, #tpu.memory_space<hbm>> -> memref<1024xf32, #tpu.memory_space<hbm>>
        %dma_wait3A_66 = tpu.memref_slice %arg5[%mul3A_46] : memref<327680xf32, #tpu.memory_space<hbm>> -> memref<1024xf32, #tpu.memory_space<hbm>>
        tpu.wait_dma2 semaphore(%run_scoped3A : memref<!tpu.dma_semaphore, #tpu.memory_space<semaphore_mem>>) src(%dma_wait3A_66 : memref<1024xf32, #tpu.memory_space<hbm>>) dst(%arg13 : memref<1024xf32, #tpu.memory_space<vmem>>)
        tpu.yield
      }) : () -> ()
      "tpu.region"() ({
        %run_scoped3A = tpu.sem_alloc : memref<!tpu.dma_semaphore, #tpu.memory_space<semaphore_mem>>
        %dma_start3A_64 = arith.constant 0 : i32
        %dma_start3A_65 = tpu.memref_slice %arg6[%add3A_44, %dma_start3A_64] : memref<2560x128xi32, #tpu.memory_space<hbm>> -> memref<8x128xi32, #tpu.memory_space<hbm>>
        %dma_start3A_66 = arith.constant 0 : i32
        %dma_start3A_67 = tpu.memref_slice %arg6[%add3A_44, %dma_start3A_66] : memref<2560x128xi32, #tpu.memory_space<hbm>> -> memref<8x128xi32, #tpu.memory_space<hbm>>
        tpu.enqueue_dma source(%dma_start3A_67 : memref<8x128xi32, #tpu.memory_space<hbm>>) target(%arg15 : memref<8x128xi32, #tpu.memory_space<vmem>>) target_semaphore(%run_scoped3A : memref<!tpu.dma_semaphore, #tpu.memory_space<semaphore_mem>>)
        %dma_wait3A = arith.constant 0 : i32
        %dma_wait3A_68 = tpu.memref_slice %arg6[%add3A_44, %dma_wait3A] : memref<2560x128xi32, #tpu.memory_space<hbm>> -> memref<8x128xi32, #tpu.memory_space<hbm>>
        %dma_wait3A_69 = arith.constant 0 : i32
        %dma_wait3A_70 = tpu.memref_slice %arg6[%add3A_44, %dma_wait3A_69] : memref<2560x128xi32, #tpu.memory_space<hbm>> -> memref<8x128xi32, #tpu.memory_space<hbm>>
        tpu.wait_dma2 semaphore(%run_scoped3A : memref<!tpu.dma_semaphore, #tpu.memory_space<semaphore_mem>>) src(%dma_wait3A_70 : memref<8x128xi32, #tpu.memory_space<hbm>>) dst(%arg15 : memref<8x128xi32, #tpu.memory_space<vmem>>)
        tpu.yield
      }) : () -> ()
      "tpu.region"() ({
        %run_scoped3A = tpu.sem_alloc : memref<!tpu.dma_semaphore, #tpu.memory_space<semaphore_mem>>
        %dma_start3A_64 = arith.constant 0 : i32
        %dma_start3A_65 = tpu.memref_slice %arg7[%add3A_44, %dma_start3A_64] : memref<2560x128xi32, #tpu.memory_space<hbm>> -> memref<8x128xi32, #tpu.memory_space<hbm>>
        %dma_start3A_66 = arith.constant 0 : i32
        %dma_start3A_67 = tpu.memref_slice %arg7[%add3A_44, %dma_start3A_66] : memref<2560x128xi32, #tpu.memory_space<hbm>> -> memref<8x128xi32, #tpu.memory_space<hbm>>
        tpu.enqueue_dma source(%dma_start3A_67 : memref<8x128xi32, #tpu.memory_space<hbm>>) target(%arg16 : memref<8x128xi32, #tpu.memory_space<vmem>>) target_semaphore(%run_scoped3A : memref<!tpu.dma_semaphore, #tpu.memory_space<semaphore_mem>>)
        %dma_wait3A = arith.constant 0 : i32
        %dma_wait3A_68 = tpu.memref_slice %arg7[%add3A_44, %dma_wait3A] : memref<2560x128xi32, #tpu.memory_space<hbm>> -> memref<8x128xi32, #tpu.memory_space<hbm>>
        %dma_wait3A_69 = arith.constant 0 : i32
        %dma_wait3A_70 = tpu.memref_slice %arg7[%add3A_44, %dma_wait3A_69] : memref<2560x128xi32, #tpu.memory_space<hbm>> -> memref<8x128xi32, #tpu.memory_space<hbm>>
        tpu.wait_dma2 semaphore(%run_scoped3A : memref<!tpu.dma_semaphore, #tpu.memory_space<semaphore_mem>>) src(%dma_wait3A_70 : memref<8x128xi32, #tpu.memory_space<hbm>>) dst(%arg16 : memref<8x128xi32, #tpu.memory_space<vmem>>)
        tpu.yield
      }) : () -> ()
      %scan3A = arith.constant 0 : i32
      %scan3A_47 = arith.constant 0 : i32
      %scan3A_48 = arith.constant 64 : i32
      %scan3A_49 = arith.addi %scan3A_47, %scan3A_48 : i32
      %scan3A_50 = arith.constant 1 : i32
      scf.for %scan3A_64 = %scan3A_47 to %scan3A_49 step %scan3A_50  : i32 {
        %mul3A_65 = arith.constant 16 : i32
        %mul3A_66 = arith.muli %scan3A_64, %mul3A_65 : i32
        %get3A = arith.index_cast %mul3A_66 : i32 to index
        %get3A_67 = tpu.vector_load %arg11[%get3A] {strides = array<i32>} : memref<1024xi32, #tpu.memory_space<vmem>>, vector<16xi32>,
        %get3A_68 = arith.index_cast %mul3A_66 : i32 to index
        %get3A_69 = tpu.vector_load %arg12[%get3A_68] {strides = array<i32>} : memref<1024xi32, #tpu.memory_space<vmem>>, vector<16xi32>,
        %gather3A = tpu.vector_load_idx %arg14[%get3A_67] : memref<10112xf32, #tpu.memory_space<vmem>>[vector<16xi32>], vector<16xf32>,
        %get3A_70 = arith.index_cast %mul3A_66 : i32 to index
        %get3A_71 = tpu.vector_load %arg13[%get3A_70] {strides = array<i32>} : memref<1024xf32, #tpu.memory_space<vmem>>, vector<16xf32>,
        %mul3A_72 = arith.mulf %gather3A, %get3A_71 : vector<16xf32>
        %gather3A_73 = tpu.vector_load_idx %arg14[%get3A_69] : memref<10112xf32, #tpu.memory_space<vmem>>[vector<16xi32>], vector<16xf32>,
        %mul3A_74 = arith.mulf %mul3A_72, %gather3A_73 : vector<16xf32>
        %ne3A_75 = arith.cmpi ne, %get3A_67, %get3A_69 : vector<16xi32>
        %neg3A = arith.constant 0.000000e+00 : f32
        %neg3A_76 = vector.broadcast %neg3A : f32 to vector<16xf32>
        %neg3A_77 = arith.subf %neg3A_76, %mul3A_74 : vector<16xf32>
        %jit3A_78 = arith.constant 0.000000e+00 : f32
        %broadcast_in_dim3A = vector.broadcast %jit3A_78 : f32 to vector<16xf32>
        %select_n3A_79 = arith.select %ne3A_75, %neg3A_77, %broadcast_in_dim3A : vector<16xi1>, vector<16xf32>
        %swap3A = arith.index_cast %mul3A_66 : i32 to index
        %swap3A_80 = tpu.vector_load %arg13[%swap3A] {strides = array<i32>} : memref<1024xf32, #tpu.memory_space<vmem>>, vector<16xf32>,
        tpu.vector_store %arg13[%swap3A], %select_n3A_79 {strides = array<i32>} : memref<1024xf32, #tpu.memory_space<vmem>>, vector<16xf32>,
      }
      %scan3A_51 = arith.constant 64 : i32
      %dma_start3A = arith.constant 0 : i32
      %dma_start3A_52 = arith.constant 0 : i32
      %dma_start3A_53 = tpu.memref_slice %arg15[%dma_start3A, %dma_start3A_52] : memref<8x128xi32, #tpu.memory_space<vmem>> -> memref<1x128xi32, #tpu.memory_space<vmem>>
      %dma_start3A_54 = tpu.memref_squeeze %dma_start3A_53 : memref<1x128xi32, #tpu.memory_space<vmem>> -> memref<128xi32, #tpu.memory_space<vmem>>
      %dma_start3A_55 = arith.constant 0 : i32
      %dma_start3A_56 = arith.constant 0 : i32
      %dma_start3A_57 = tpu.memref_slice %arg2[%dma_start3A_55, %dma_start3A_56] : memref<10112x128xf32, #tpu.memory_space<hbm>> -> memref<10112x128xf32, #tpu.memory_space<hbm>>
      tpu.enqueue_indirect_dma source(%dma_start3A_57 : memref<10112x128xf32, #tpu.memory_space<hbm>>) target(%arg17 : memref<128x128xf32, #tpu.memory_space<vmem>>) offsets(%dma_start3A_54 : memref<128xi32, #tpu.memory_space<vmem>>) semaphore(%arg20 : memref<!tpu.dma_semaphore, #tpu.memory_space<semaphore_mem>>)
      %scan3A_58 = arith.constant 0 : i32
      %scan3A_59 = arith.constant 0 : i32
      %scan3A_60 = arith.constant 4 : i32
      %scan3A_61 = arith.addi %scan3A_59, %scan3A_60 : i32
      %scan3A_62 = arith.constant 1 : i32
      scf.for %scan3A_64 = %scan3A_59 to %scan3A_61 step %scan3A_62  : i32 {
        %mul3A_65 = arith.constant 2 : i32
        %mul3A_66 = arith.muli %scan3A_64, %mul3A_65 : i32
        %add3A_67 = arith.constant 1 : i32
        %add3A_68 = arith.addi %mul3A_66, %add3A_67 : i32
        %dma_start3A_69 = arith.constant 0 : i32
        %dma_start3A_70 = tpu.memref_slice %arg15[%add3A_68, %dma_start3A_69] : memref<8x128xi32, #tpu.memory_space<vmem>> -> memref<1x128xi32, #tpu.memory_space<vmem>>
        %dma_start3A_71 = tpu.memref_squeeze %dma_start3A_70 : memref<1x128xi32, #tpu.memory_space<vmem>> -> memref<128xi32, #tpu.memory_space<vmem>>
        %dma_start3A_72 = arith.constant 0 : i32
        %dma_start3A_73 = arith.constant 0 : i32
        %dma_start3A_74 = tpu.memref_slice %arg2[%dma_start3A_72, %dma_start3A_73] : memref<10112x128xf32, #tpu.memory_space<hbm>> -> memref<10112x128xf32, #tpu.memory_space<hbm>>
        tpu.enqueue_indirect_dma source(%dma_start3A_74 : memref<10112x128xf32, #tpu.memory_space<hbm>>) target(%arg18 : memref<128x128xf32, #tpu.memory_space<vmem>>) offsets(%dma_start3A_71 : memref<128xi32, #tpu.memory_space<vmem>>) semaphore(%arg21 : memref<!tpu.dma_semaphore, #tpu.memory_space<semaphore_mem>>)
        %dma_wait3A = arith.constant 0 : i32
        %dma_wait3A_75 = tpu.memref_slice %arg15[%mul3A_66, %dma_wait3A] : memref<8x128xi32, #tpu.memory_space<vmem>> -> memref<1x128xi32, #tpu.memory_space<vmem>>
        %dma_wait3A_76 = tpu.memref_squeeze %dma_wait3A_75 : memref<1x128xi32, #tpu.memory_space<vmem>> -> memref<128xi32, #tpu.memory_space<vmem>>
        %dma_wait3A_77 = arith.constant 0 : i32
        %dma_wait3A_78 = arith.constant 0 : i32
        %dma_wait3A_79 = tpu.memref_slice %arg2[%dma_wait3A_77, %dma_wait3A_78] : memref<10112x128xf32, #tpu.memory_space<hbm>> -> memref<10112x128xf32, #tpu.memory_space<hbm>>
        tpu.wait_indirect_dma semaphore(%arg20 : memref<!tpu.dma_semaphore, #tpu.memory_space<semaphore_mem>>) src(%dma_wait3A_79 : memref<10112x128xf32, #tpu.memory_space<hbm>>) dst(%arg17 : memref<128x128xf32, #tpu.memory_space<vmem>>)
        %scan3A_80 = arith.constant 0 : i32
        %scan3A_81 = arith.constant 0 : i32
        %scan3A_82 = arith.constant 32 : i32
        %scan3A_83 = arith.addi %scan3A_81, %scan3A_82 : i32
        %scan3A_84 = arith.constant 1 : i32
        scf.for %scan3A_106 = %scan3A_81 to %scan3A_83 step %scan3A_84  : i32 {
          %mul3A_107 = arith.constant 4 : i32
          %mul3A_108 = arith.muli %scan3A_106, %mul3A_107 : i32
          %add3A_109 = arith.constant 0 : i32
          %add3A_110 = arith.addi %mul3A_108, %add3A_109 : i32
          %mul3A_111 = arith.constant 128 : i32
          %mul3A_112 = arith.muli %mul3A_66, %mul3A_111 : i32
          %add3A_113 = arith.addi %mul3A_112, %add3A_110 : i32
          %broadcast_in_dim3A = vector.broadcast %add3A_113 : i32 to vector<16xi32>
          %gather3A = tpu.vector_load_idx %arg13[%broadcast_in_dim3A] : memref<1024xf32, #tpu.memory_space<vmem>>[vector<16xi32>], vector<16xf32>,
          %get3A = arith.index_cast %add3A_110 : i32 to index
          %get3A_114 = arith.constant 0 : index
          %get3A_115 = tpu.vector_load %arg17[%get3A, %get3A_114] {strides = array<i32>} : memref<128x128xf32, #tpu.memory_space<vmem>>, vector<16xf32>,
          %mul3A_116 = arith.mulf %get3A_115, %gather3A : vector<16xf32>
          %swap3A = arith.index_cast %add3A_110 : i32 to index
          %swap3A_117 = arith.constant 0 : index
          %swap3A_118 = tpu.vector_load %arg17[%swap3A, %swap3A_117] {strides = array<i32>} : memref<128x128xf32, #tpu.memory_space<vmem>>, vector<16xf32>,
          tpu.vector_store %arg17[%swap3A, %swap3A_117], %mul3A_116 {strides = array<i32>} : memref<128x128xf32, #tpu.memory_space<vmem>>, vector<16xf32>,
          %get3A_119 = arith.index_cast %add3A_110 : i32 to index
          %get3A_120 = arith.constant 16 : index
          %get3A_121 = tpu.vector_load %arg17[%get3A_119, %get3A_120] {strides = array<i32>} : memref<128x128xf32, #tpu.memory_space<vmem>>, vector<16xf32>,
          %mul3A_122 = arith.mulf %get3A_121, %gather3A : vector<16xf32>
          %swap3A_123 = arith.index_cast %add3A_110 : i32 to index
          %swap3A_124 = arith.constant 16 : index
          %swap3A_125 = tpu.vector_load %arg17[%swap3A_123, %swap3A_124] {strides = array<i32>} : memref<128x128xf32, #tpu.memory_space<vmem>>, vector<16xf32>,
          tpu.vector_store %arg17[%swap3A_123, %swap3A_124], %mul3A_122 {strides = array<i32>} : memref<128x128xf32, #tpu.memory_space<vmem>>, vector<16xf32>,
          %get3A_126 = arith.index_cast %add3A_110 : i32 to index
          %get3A_127 = arith.constant 32 : index
          %get3A_128 = tpu.vector_load %arg17[%get3A_126, %get3A_127] {strides = array<i32>} : memref<128x128xf32, #tpu.memory_space<vmem>>, vector<16xf32>,
          %mul3A_129 = arith.mulf %get3A_128, %gather3A : vector<16xf32>
          %swap3A_130 = arith.index_cast %add3A_110 : i32 to index
          %swap3A_131 = arith.constant 32 : index
          %swap3A_132 = tpu.vector_load %arg17[%swap3A_130, %swap3A_131] {strides = array<i32>} : memref<128x128xf32, #tpu.memory_space<vmem>>, vector<16xf32>,
          tpu.vector_store %arg17[%swap3A_130, %swap3A_131], %mul3A_129 {strides = array<i32>} : memref<128x128xf32, #tpu.memory_space<vmem>>, vector<16xf32>,
          %get3A_133 = arith.index_cast %add3A_110 : i32 to index
          %get3A_134 = arith.constant 48 : index
          %get3A_135 = tpu.vector_load %arg17[%get3A_133, %get3A_134] {strides = array<i32>} : memref<128x128xf32, #tpu.memory_space<vmem>>, vector<16xf32>,
          %mul3A_136 = arith.mulf %get3A_135, %gather3A : vector<16xf32>
          %swap3A_137 = arith.index_cast %add3A_110 : i32 to index
          %swap3A_138 = arith.constant 48 : index
          %swap3A_139 = tpu.vector_load %arg17[%swap3A_137, %swap3A_138] {strides = array<i32>} : memref<128x128xf32, #tpu.memory_space<vmem>>, vector<16xf32>,
          tpu.vector_store %arg17[%swap3A_137, %swap3A_138], %mul3A_136 {strides = array<i32>} : memref<128x128xf32, #tpu.memory_space<vmem>>, vector<16xf32>,
          %get3A_140 = arith.index_cast %add3A_110 : i32 to index
          %get3A_141 = arith.constant 64 : index
          %get3A_142 = tpu.vector_load %arg17[%get3A_140, %get3A_141] {strides = array<i32>} : memref<128x128xf32, #tpu.memory_space<vmem>>, vector<16xf32>,
          %mul3A_143 = arith.mulf %get3A_142, %gather3A : vector<16xf32>
          %swap3A_144 = arith.index_cast %add3A_110 : i32 to index
          %swap3A_145 = arith.constant 64 : index
          %swap3A_146 = tpu.vector_load %arg17[%swap3A_144, %swap3A_145] {strides = array<i32>} : memref<128x128xf32, #tpu.memory_space<vmem>>, vector<16xf32>,
          tpu.vector_store %arg17[%swap3A_144, %swap3A_145], %mul3A_143 {strides = array<i32>} : memref<128x128xf32, #tpu.memory_space<vmem>>, vector<16xf32>,
          %get3A_147 = arith.index_cast %add3A_110 : i32 to index
          %get3A_148 = arith.constant 80 : index
          %get3A_149 = tpu.vector_load %arg17[%get3A_147, %get3A_148] {strides = array<i32>} : memref<128x128xf32, #tpu.memory_space<vmem>>, vector<16xf32>,
          %mul3A_150 = arith.mulf %get3A_149, %gather3A : vector<16xf32>
          %swap3A_151 = arith.index_cast %add3A_110 : i32 to index
          %swap3A_152 = arith.constant 80 : index
          %swap3A_153 = tpu.vector_load %arg17[%swap3A_151, %swap3A_152] {strides = array<i32>} : memref<128x128xf32, #tpu.memory_space<vmem>>, vector<16xf32>,
          tpu.vector_store %arg17[%swap3A_151, %swap3A_152], %mul3A_150 {strides = array<i32>} : memref<128x128xf32, #tpu.memory_space<vmem>>, vector<16xf32>,
          %get3A_154 = arith.index_cast %add3A_110 : i32 to index
          %get3A_155 = arith.constant 96 : index
          %get3A_156 = tpu.vector_load %arg17[%get3A_154, %get3A_155] {strides = array<i32>} : memref<128x128xf32, #tpu.memory_space<vmem>>, vector<16xf32>,
          %mul3A_157 = arith.mulf %get3A_156, %gather3A : vector<16xf32>
          %swap3A_158 = arith.index_cast %add3A_110 : i32 to index
          %swap3A_159 = arith.constant 96 : index
          %swap3A_160 = tpu.vector_load %arg17[%swap3A_158, %swap3A_159] {strides = array<i32>} : memref<128x128xf32, #tpu.memory_space<vmem>>, vector<16xf32>,
          tpu.vector_store %arg17[%swap3A_158, %swap3A_159], %mul3A_157 {strides = array<i32>} : memref<128x128xf32, #tpu.memory_space<vmem>>, vector<16xf32>,
          %get3A_161 = arith.index_cast %add3A_110 : i32 to index
          %get3A_162 = arith.constant 112 : index
          %get3A_163 = tpu.vector_load %arg17[%get3A_161, %get3A_162] {strides = array<i32>} : memref<128x128xf32, #tpu.memory_space<vmem>>, vector<16xf32>,
          %mul3A_164 = arith.mulf %get3A_163, %gather3A : vector<16xf32>
          %swap3A_165 = arith.index_cast %add3A_110 : i32 to index
          %swap3A_166 = arith.constant 112 : index
          %swap3A_167 = tpu.vector_load %arg17[%swap3A_165, %swap3A_166] {strides = array<i32>} : memref<128x128xf32, #tpu.memory_space<vmem>>, vector<16xf32>,
          tpu.vector_store %arg17[%swap3A_165, %swap3A_166], %mul3A_164 {strides = array<i32>} : memref<128x128xf32, #tpu.memory_space<vmem>>, vector<16xf32>,
          %mul3A_168 = arith.constant 4 : i32
          %mul3A_169 = arith.muli %scan3A_106, %mul3A_168 : i32
          %add3A_170 = arith.constant 1 : i32
          %add3A_171 = arith.addi %mul3A_169, %add3A_170 : i32
          %mul3A_172 = arith.constant 128 : i32
          %mul3A_173 = arith.muli %mul3A_66, %mul3A_172 : i32
          %add3A_174 = arith.addi %mul3A_173, %add3A_171 : i32
          %broadcast_in_dim3A_175 = vector.broadcast %add3A_174 : i32 to vector<16xi32>
          %gather3A_176 = tpu.vector_load_idx %arg13[%broadcast_in_dim3A_175] : memref<1024xf32, #tpu.memory_space<vmem>>[vector<16xi32>], vector<16xf32>,
          %get3A_177 = arith.index_cast %add3A_171 : i32 to index
          %get3A_178 = arith.constant 0 : index
          %get3A_179 = tpu.vector_load %arg17[%get3A_177, %get3A_178] {strides = array<i32>} : memref<128x128xf32, #tpu.memory_space<vmem>>, vector<16xf32>,
          %mul3A_180 = arith.mulf %get3A_179, %gather3A_176 : vector<16xf32>
          %swap3A_181 = arith.index_cast %add3A_171 : i32 to index
          %swap3A_182 = arith.constant 0 : index
          %swap3A_183 = tpu.vector_load %arg17[%swap3A_181, %swap3A_182] {strides = array<i32>} : memref<128x128xf32, #tpu.memory_space<vmem>>, vector<16xf32>,
          tpu.vector_store %arg17[%swap3A_181, %swap3A_182], %mul3A_180 {strides = array<i32>} : memref<128x128xf32, #tpu.memory_space<vmem>>, vector<16xf32>,
          %get3A_184 = arith.index_cast %add3A_171 : i32 to index
          %get3A_185 = arith.constant 16 : index
          %get3A_186 = tpu.vector_load %arg17[%get3A_184, %get3A_185] {strides = array<i32>} : memref<128x128xf32, #tpu.memory_space<vmem>>, vector<16xf32>,
          %mul3A_187 = arith.mulf %get3A_186, %gather3A_176 : vector<16xf32>
          %swap3A_188 = arith.index_cast %add3A_171 : i32 to index
          %swap3A_189 = arith.constant 16 : index
          %swap3A_190 = tpu.vector_load %arg17[%swap3A_188, %swap3A_189] {strides = array<i32>} : memref<128x128xf32, #tpu.memory_space<vmem>>, vector<16xf32>,
          tpu.vector_store %arg17[%swap3A_188, %swap3A_189], %mul3A_187 {strides = array<i32>} : memref<128x128xf32, #tpu.memory_space<vmem>>, vector<16xf32>,
          %get3A_191 = arith.index_cast %add3A_171 : i32 to index
          %get3A_192 = arith.constant 32 : index
          %get3A_193 = tpu.vector_load %arg17[%get3A_191, %get3A_192] {strides = array<i32>} : memref<128x128xf32, #tpu.memory_space<vmem>>, vector<16xf32>,
          %mul3A_194 = arith.mulf %get3A_193, %gather3A_176 : vector<16xf32>
          %swap3A_195 = arith.index_cast %add3A_171 : i32 to index
          %swap3A_196 = arith.constant 32 : index
          %swap3A_197 = tpu.vector_load %arg17[%swap3A_195, %swap3A_196] {strides = array<i32>} : memref<128x128xf32, #tpu.memory_space<vmem>>, vector<16xf32>,
          tpu.vector_store %arg17[%swap3A_195, %swap3A_196], %mul3A_194 {strides = array<i32>} : memref<128x128xf32, #tpu.memory_space<vmem>>, vector<16xf32>,
          %get3A_198 = arith.index_cast %add3A_171 : i32 to index
          %get3A_199 = arith.constant 48 : index
          %get3A_200 = tpu.vector_load %arg17[%get3A_198, %get3A_199] {strides = array<i32>} : memref<128x128xf32, #tpu.memory_space<vmem>>, vector<16xf32>,
          %mul3A_201 = arith.mulf %get3A_200, %gather3A_176 : vector<16xf32>
          %swap3A_202 = arith.index_cast %add3A_171 : i32 to index
          %swap3A_203 = arith.constant 48 : index
          %swap3A_204 = tpu.vector_load %arg17[%swap3A_202, %swap3A_203] {strides = array<i32>} : memref<128x128xf32, #tpu.memory_space<vmem>>, vector<16xf32>,
          tpu.vector_store %arg17[%swap3A_202, %swap3A_203], %mul3A_201 {strides = array<i32>} : memref<128x128xf32, #tpu.memory_space<vmem>>, vector<16xf32>,
          %get3A_205 = arith.index_cast %add3A_171 : i32 to index
          %get3A_206 = arith.constant 64 : index
          %get3A_207 = tpu.vector_load %arg17[%get3A_205, %get3A_206] {strides = array<i32>} : memref<128x128xf32, #tpu.memory_space<vmem>>, vector<16xf32>,
          %mul3A_208 = arith.mulf %get3A_207, %gather3A_176 : vector<16xf32>
          %swap3A_209 = arith.index_cast %add3A_171 : i32 to index
          %swap3A_210 = arith.constant 64 : index
          %swap3A_211 = tpu.vector_load %arg17[%swap3A_209, %swap3A_210] {strides = array<i32>} : memref<128x128xf32, #tpu.memory_space<vmem>>, vector<16xf32>,
          tpu.vector_store %arg17[%swap3A_209, %swap3A_210], %mul3A_208 {strides = array<i32>} : memref<128x128xf32, #tpu.memory_space<vmem>>, vector<16xf32>,
          %get3A_212 = arith.index_cast %add3A_171 : i32 to index
          %get3A_213 = arith.constant 80 : index
          %get3A_214 = tpu.vector_load %arg17[%get3A_212, %get3A_213] {strides = array<i32>} : memref<128x128xf32, #tpu.memory_space<vmem>>, vector<16xf32>,
          %mul3A_215 = arith.mulf %get3A_214, %gather3A_176 : vector<16xf32>
          %swap3A_216 = arith.index_cast %add3A_171 : i32 to index
          %swap3A_217 = arith.constant 80 : index
          %swap3A_218 = tpu.vector_load %arg17[%swap3A_216, %swap3A_217] {strides = array<i32>} : memref<128x128xf32, #tpu.memory_space<vmem>>, vector<16xf32>,
          tpu.vector_store %arg17[%swap3A_216, %swap3A_217], %mul3A_215 {strides = array<i32>} : memref<128x128xf32, #tpu.memory_space<vmem>>, vector<16xf32>,
          %get3A_219 = arith.index_cast %add3A_171 : i32 to index
          %get3A_220 = arith.constant 96 : index
          %get3A_221 = tpu.vector_load %arg17[%get3A_219, %get3A_220] {strides = array<i32>} : memref<128x128xf32, #tpu.memory_space<vmem>>, vector<16xf32>,
          %mul3A_222 = arith.mulf %get3A_221, %gather3A_176 : vector<16xf32>
          %swap3A_223 = arith.index_cast %add3A_171 : i32 to index
          %swap3A_224 = arith.constant 96 : index
          %swap3A_225 = tpu.vector_load %arg17[%swap3A_223, %swap3A_224] {strides = array<i32>} : memref<128x128xf32, #tpu.memory_space<vmem>>, vector<16xf32>,
          tpu.vector_store %arg17[%swap3A_223, %swap3A_224], %mul3A_222 {strides = array<i32>} : memref<128x128xf32, #tpu.memory_space<vmem>>, vector<16xf32>,
          %get3A_226 = arith.index_cast %add3A_171 : i32 to index
          %get3A_227 = arith.constant 112 : index
          %get3A_228 = tpu.vector_load %arg17[%get3A_226, %get3A_227] {strides = array<i32>} : memref<128x128xf32, #tpu.memory_space<vmem>>, vector<16xf32>,
          %mul3A_229 = arith.mulf %get3A_228, %gather3A_176 : vector<16xf32>
          %swap3A_230 = arith.index_cast %add3A_171 : i32 to index
          %swap3A_231 = arith.constant 112 : index
          %swap3A_232 = tpu.vector_load %arg17[%swap3A_230, %swap3A_231] {strides = array<i32>} : memref<128x128xf32, #tpu.memory_space<vmem>>, vector<16xf32>,
          tpu.vector_store %arg17[%swap3A_230, %swap3A_231], %mul3A_229 {strides = array<i32>} : memref<128x128xf32, #tpu.memory_space<vmem>>, vector<16xf32>,
          %mul3A_233 = arith.constant 4 : i32
          %mul3A_234 = arith.muli %scan3A_106, %mul3A_233 : i32
          %add3A_235 = arith.constant 2 : i32
          %add3A_236 = arith.addi %mul3A_234, %add3A_235 : i32
          %mul3A_237 = arith.constant 128 : i32
          %mul3A_238 = arith.muli %mul3A_66, %mul3A_237 : i32
          %add3A_239 = arith.addi %mul3A_238, %add3A_236 : i32
          %broadcast_in_dim3A_240 = vector.broadcast %add3A_239 : i32 to vector<16xi32>
          %gather3A_241 = tpu.vector_load_idx %arg13[%broadcast_in_dim3A_240] : memref<1024xf32, #tpu.memory_space<vmem>>[vector<16xi32>], vector<16xf32>,
          %get3A_242 = arith.index_cast %add3A_236 : i32 to index
          %get3A_243 = arith.constant 0 : index
          %get3A_244 = tpu.vector_load %arg17[%get3A_242, %get3A_243] {strides = array<i32>} : memref<128x128xf32, #tpu.memory_space<vmem>>, vector<16xf32>,
          %mul3A_245 = arith.mulf %get3A_244, %gather3A_241 : vector<16xf32>
          %swap3A_246 = arith.index_cast %add3A_236 : i32 to index
          %swap3A_247 = arith.constant 0 : index
          %swap3A_248 = tpu.vector_load %arg17[%swap3A_246, %swap3A_247] {strides = array<i32>} : memref<128x128xf32, #tpu.memory_space<vmem>>, vector<16xf32>,
          tpu.vector_store %arg17[%swap3A_246, %swap3A_247], %mul3A_245 {strides = array<i32>} : memref<128x128xf32, #tpu.memory_space<vmem>>, vector<16xf32>,
          %get3A_249 = arith.index_cast %add3A_236 : i32 to index
          %get3A_250 = arith.constant 16 : index
          %get3A_251 = tpu.vector_load %arg17[%get3A_249, %get3A_250] {strides = array<i32>} : memref<128x128xf32, #tpu.memory_space<vmem>>, vector<16xf32>,
          %mul3A_252 = arith.mulf %get3A_251, %gather3A_241 : vector<16xf32>
          %swap3A_253 = arith.index_cast %add3A_236 : i32 to index
          %swap3A_254 = arith.constant 16 : index
          %swap3A_255 = tpu.vector_load %arg17[%swap3A_253, %swap3A_254] {strides = array<i32>} : memref<128x128xf32, #tpu.memory_space<vmem>>, vector<16xf32>,
          tpu.vector_store %arg17[%swap3A_253, %swap3A_254], %mul3A_252 {strides = array<i32>} : memref<128x128xf32, #tpu.memory_space<vmem>>, vector<16xf32>,
          %get3A_256 = arith.index_cast %add3A_236 : i32 to index
          %get3A_257 = arith.constant 32 : index
          %get3A_258 = tpu.vector_load %arg17[%get3A_256, %get3A_257] {strides = array<i32>} : memref<128x128xf32, #tpu.memory_space<vmem>>, vector<16xf32>,
          %mul3A_259 = arith.mulf %get3A_258, %gather3A_241 : vector<16xf32>
          %swap3A_260 = arith.index_cast %add3A_236 : i32 to index
          %swap3A_261 = arith.constant 32 : index
          %swap3A_262 = tpu.vector_load %arg17[%swap3A_260, %swap3A_261] {strides = array<i32>} : memref<128x128xf32, #tpu.memory_space<vmem>>, vector<16xf32>,
          tpu.vector_store %arg17[%swap3A_260, %swap3A_261], %mul3A_259 {strides = array<i32>} : memref<128x128xf32, #tpu.memory_space<vmem>>, vector<16xf32>,
          %get3A_263 = arith.index_cast %add3A_236 : i32 to index
          %get3A_264 = arith.constant 48 : index
          %get3A_265 = tpu.vector_load %arg17[%get3A_263, %get3A_264] {strides = array<i32>} : memref<128x128xf32, #tpu.memory_space<vmem>>, vector<16xf32>,
          %mul3A_266 = arith.mulf %get3A_265, %gather3A_241 : vector<16xf32>
          %swap3A_267 = arith.index_cast %add3A_236 : i32 to index
          %swap3A_268 = arith.constant 48 : index
          %swap3A_269 = tpu.vector_load %arg17[%swap3A_267, %swap3A_268] {strides = array<i32>} : memref<128x128xf32, #tpu.memory_space<vmem>>, vector<16xf32>,
          tpu.vector_store %arg17[%swap3A_267, %swap3A_268], %mul3A_266 {strides = array<i32>} : memref<128x128xf32, #tpu.memory_space<vmem>>, vector<16xf32>,
          %get3A_270 = arith.index_cast %add3A_236 : i32 to index
          %get3A_271 = arith.constant 64 : index
          %get3A_272 = tpu.vector_load %arg17[%get3A_270, %get3A_271] {strides = array<i32>} : memref<128x128xf32, #tpu.memory_space<vmem>>, vector<16xf32>,
          %mul3A_273 = arith.mulf %get3A_272, %gather3A_241 : vector<16xf32>
          %swap3A_274 = arith.index_cast %add3A_236 : i32 to index
          %swap3A_275 = arith.constant 64 : index
          %swap3A_276 = tpu.vector_load %arg17[%swap3A_274, %swap3A_275] {strides = array<i32>} : memref<128x128xf32, #tpu.memory_space<vmem>>, vector<16xf32>,
          tpu.vector_store %arg17[%swap3A_274, %swap3A_275], %mul3A_273 {strides = array<i32>} : memref<128x128xf32, #tpu.memory_space<vmem>>, vector<16xf32>,
          %get3A_277 = arith.index_cast %add3A_236 : i32 to index
          %get3A_278 = arith.constant 80 : index
          %get3A_279 = tpu.vector_load %arg17[%get3A_277, %get3A_278] {strides = array<i32>} : memref<128x128xf32, #tpu.memory_space<vmem>>, vector<16xf32>,
          %mul3A_280 = arith.mulf %get3A_279, %gather3A_241 : vector<16xf32>
          %swap3A_281 = arith.index_cast %add3A_236 : i32 to index
          %swap3A_282 = arith.constant 80 : index
          %swap3A_283 = tpu.vector_load %arg17[%swap3A_281, %swap3A_282] {strides = array<i32>} : memref<128x128xf32, #tpu.memory_space<vmem>>, vector<16xf32>,
          tpu.vector_store %arg17[%swap3A_281, %swap3A_282], %mul3A_280 {strides = array<i32>} : memref<128x128xf32, #tpu.memory_space<vmem>>, vector<16xf32>,
          %get3A_284 = arith.index_cast %add3A_236 : i32 to index
          %get3A_285 = arith.constant 96 : index
          %get3A_286 = tpu.vector_load %arg17[%get3A_284, %get3A_285] {strides = array<i32>} : memref<128x128xf32, #tpu.memory_space<vmem>>, vector<16xf32>,
          %mul3A_287 = arith.mulf %get3A_286, %gather3A_241 : vector<16xf32>
          %swap3A_288 = arith.index_cast %add3A_236 : i32 to index
          %swap3A_289 = arith.constant 96 : index
          %swap3A_290 = tpu.vector_load %arg17[%swap3A_288, %swap3A_289] {strides = array<i32>} : memref<128x128xf32, #tpu.memory_space<vmem>>, vector<16xf32>,
          tpu.vector_store %arg17[%swap3A_288, %swap3A_289], %mul3A_287 {strides = array<i32>} : memref<128x128xf32, #tpu.memory_space<vmem>>, vector<16xf32>,
          %get3A_291 = arith.index_cast %add3A_236 : i32 to index
          %get3A_292 = arith.constant 112 : index
          %get3A_293 = tpu.vector_load %arg17[%get3A_291, %get3A_292] {strides = array<i32>} : memref<128x128xf32, #tpu.memory_space<vmem>>, vector<16xf32>,
          %mul3A_294 = arith.mulf %get3A_293, %gather3A_241 : vector<16xf32>
          %swap3A_295 = arith.index_cast %add3A_236 : i32 to index
          %swap3A_296 = arith.constant 112 : index
          %swap3A_297 = tpu.vector_load %arg17[%swap3A_295, %swap3A_296] {strides = array<i32>} : memref<128x128xf32, #tpu.memory_space<vmem>>, vector<16xf32>,
          tpu.vector_store %arg17[%swap3A_295, %swap3A_296], %mul3A_294 {strides = array<i32>} : memref<128x128xf32, #tpu.memory_space<vmem>>, vector<16xf32>,
          %mul3A_298 = arith.constant 4 : i32
          %mul3A_299 = arith.muli %scan3A_106, %mul3A_298 : i32
          %add3A_300 = arith.constant 3 : i32
          %add3A_301 = arith.addi %mul3A_299, %add3A_300 : i32
          %mul3A_302 = arith.constant 128 : i32
          %mul3A_303 = arith.muli %mul3A_66, %mul3A_302 : i32
          %add3A_304 = arith.addi %mul3A_303, %add3A_301 : i32
          %broadcast_in_dim3A_305 = vector.broadcast %add3A_304 : i32 to vector<16xi32>
          %gather3A_306 = tpu.vector_load_idx %arg13[%broadcast_in_dim3A_305] : memref<1024xf32, #tpu.memory_space<vmem>>[vector<16xi32>], vector<16xf32>,
          %get3A_307 = arith.index_cast %add3A_301 : i32 to index
          %get3A_308 = arith.constant 0 : index
          %get3A_309 = tpu.vector_load %arg17[%get3A_307, %get3A_308] {strides = array<i32>} : memref<128x128xf32, #tpu.memory_space<vmem>>, vector<16xf32>,
          %mul3A_310 = arith.mulf %get3A_309, %gather3A_306 : vector<16xf32>
          %swap3A_311 = arith.index_cast %add3A_301 : i32 to index
          %swap3A_312 = arith.constant 0 : index
          %swap3A_313 = tpu.vector_load %arg17[%swap3A_311, %swap3A_312] {strides = array<i32>} : memref<128x128xf32, #tpu.memory_space<vmem>>, vector<16xf32>,
          tpu.vector_store %arg17[%swap3A_311, %swap3A_312], %mul3A_310 {strides = array<i32>} : memref<128x128xf32, #tpu.memory_space<vmem>>, vector<16xf32>,
          %get3A_314 = arith.index_cast %add3A_301 : i32 to index
          %get3A_315 = arith.constant 16 : index
          %get3A_316 = tpu.vector_load %arg17[%get3A_314, %get3A_315] {strides = array<i32>} : memref<128x128xf32, #tpu.memory_space<vmem>>, vector<16xf32>,
          %mul3A_317 = arith.mulf %get3A_316, %gather3A_306 : vector<16xf32>
          %swap3A_318 = arith.index_cast %add3A_301 : i32 to index
          %swap3A_319 = arith.constant 16 : index
          %swap3A_320 = tpu.vector_load %arg17[%swap3A_318, %swap3A_319] {strides = array<i32>} : memref<128x128xf32, #tpu.memory_space<vmem>>, vector<16xf32>,
          tpu.vector_store %arg17[%swap3A_318, %swap3A_319], %mul3A_317 {strides = array<i32>} : memref<128x128xf32, #tpu.memory_space<vmem>>, vector<16xf32>,
          %get3A_321 = arith.index_cast %add3A_301 : i32 to index
          %get3A_322 = arith.constant 32 : index
          %get3A_323 = tpu.vector_load %arg17[%get3A_321, %get3A_322] {strides = array<i32>} : memref<128x128xf32, #tpu.memory_space<vmem>>, vector<16xf32>,
          %mul3A_324 = arith.mulf %get3A_323, %gather3A_306 : vector<16xf32>
          %swap3A_325 = arith.index_cast %add3A_301 : i32 to index
          %swap3A_326 = arith.constant 32 : index
          %swap3A_327 = tpu.vector_load %arg17[%swap3A_325, %swap3A_326] {strides = array<i32>} : memref<128x128xf32, #tpu.memory_space<vmem>>, vector<16xf32>,
          tpu.vector_store %arg17[%swap3A_325, %swap3A_326], %mul3A_324 {strides = array<i32>} : memref<128x128xf32, #tpu.memory_space<vmem>>, vector<16xf32>,
          %get3A_328 = arith.index_cast %add3A_301 : i32 to index
          %get3A_329 = arith.constant 48 : index
          %get3A_330 = tpu.vector_load %arg17[%get3A_328, %get3A_329] {strides = array<i32>} : memref<128x128xf32, #tpu.memory_space<vmem>>, vector<16xf32>,
          %mul3A_331 = arith.mulf %get3A_330, %gather3A_306 : vector<16xf32>
          %swap3A_332 = arith.index_cast %add3A_301 : i32 to index
          %swap3A_333 = arith.constant 48 : index
          %swap3A_334 = tpu.vector_load %arg17[%swap3A_332, %swap3A_333] {strides = array<i32>} : memref<128x128xf32, #tpu.memory_space<vmem>>, vector<16xf32>,
          tpu.vector_store %arg17[%swap3A_332, %swap3A_333], %mul3A_331 {strides = array<i32>} : memref<128x128xf32, #tpu.memory_space<vmem>>, vector<16xf32>,
          %get3A_335 = arith.index_cast %add3A_301 : i32 to index
          %get3A_336 = arith.constant 64 : index
          %get3A_337 = tpu.vector_load %arg17[%get3A_335, %get3A_336] {strides = array<i32>} : memref<128x128xf32, #tpu.memory_space<vmem>>, vector<16xf32>,
          %mul3A_338 = arith.mulf %get3A_337, %gather3A_306 : vector<16xf32>
          %swap3A_339 = arith.index_cast %add3A_301 : i32 to index
          %swap3A_340 = arith.constant 64 : index
          %swap3A_341 = tpu.vector_load %arg17[%swap3A_339, %swap3A_340] {strides = array<i32>} : memref<128x128xf32, #tpu.memory_space<vmem>>, vector<16xf32>,
          tpu.vector_store %arg17[%swap3A_339, %swap3A_340], %mul3A_338 {strides = array<i32>} : memref<128x128xf32, #tpu.memory_space<vmem>>, vector<16xf32>,
          %get3A_342 = arith.index_cast %add3A_301 : i32 to index
          %get3A_343 = arith.constant 80 : index
          %get3A_344 = tpu.vector_load %arg17[%get3A_342, %get3A_343] {strides = array<i32>} : memref<128x128xf32, #tpu.memory_space<vmem>>, vector<16xf32>,
          %mul3A_345 = arith.mulf %get3A_344, %gather3A_306 : vector<16xf32>
          %swap3A_346 = arith.index_cast %add3A_301 : i32 to index
          %swap3A_347 = arith.constant 80 : index
          %swap3A_348 = tpu.vector_load %arg17[%swap3A_346, %swap3A_347] {strides = array<i32>} : memref<128x128xf32, #tpu.memory_space<vmem>>, vector<16xf32>,
          tpu.vector_store %arg17[%swap3A_346, %swap3A_347], %mul3A_345 {strides = array<i32>} : memref<128x128xf32, #tpu.memory_space<vmem>>, vector<16xf32>,
          %get3A_349 = arith.index_cast %add3A_301 : i32 to index
          %get3A_350 = arith.constant 96 : index
          %get3A_351 = tpu.vector_load %arg17[%get3A_349, %get3A_350] {strides = array<i32>} : memref<128x128xf32, #tpu.memory_space<vmem>>, vector<16xf32>,
          %mul3A_352 = arith.mulf %get3A_351, %gather3A_306 : vector<16xf32>
          %swap3A_353 = arith.index_cast %add3A_301 : i32 to index
          %swap3A_354 = arith.constant 96 : index
          %swap3A_355 = tpu.vector_load %arg17[%swap3A_353, %swap3A_354] {strides = array<i32>} : memref<128x128xf32, #tpu.memory_space<vmem>>, vector<16xf32>,
          tpu.vector_store %arg17[%swap3A_353, %swap3A_354], %mul3A_352 {strides = array<i32>} : memref<128x128xf32, #tpu.memory_space<vmem>>, vector<16xf32>,
          %get3A_356 = arith.index_cast %add3A_301 : i32 to index
          %get3A_357 = arith.constant 112 : index
          %get3A_358 = tpu.vector_load %arg17[%get3A_356, %get3A_357] {strides = array<i32>} : memref<128x128xf32, #tpu.memory_space<vmem>>, vector<16xf32>,
          %mul3A_359 = arith.mulf %get3A_358, %gather3A_306 : vector<16xf32>
          %swap3A_360 = arith.index_cast %add3A_301 : i32 to index
          %swap3A_361 = arith.constant 112 : index
          %swap3A_362 = tpu.vector_load %arg17[%swap3A_360, %swap3A_361] {strides = array<i32>} : memref<128x128xf32, #tpu.memory_space<vmem>>, vector<16xf32>,
          tpu.vector_store %arg17[%swap3A_360, %swap3A_361], %mul3A_359 {strides = array<i32>} : memref<128x128xf32, #tpu.memory_space<vmem>>, vector<16xf32>,
        }
        %scan3A_85 = arith.constant 32 : i32
        "tpu.region"() ({
          %run_scoped3A = tpu.sem_alloc : memref<!tpu.dma_semaphore, #tpu.memory_space<semaphore_mem>>
          %dma_start3A_106 = arith.constant 0 : i32
          %dma_start3A_107 = tpu.memref_slice %arg16[%mul3A_66, %dma_start3A_106] : memref<8x128xi32, #tpu.memory_space<vmem>> -> memref<1x128xi32, #tpu.memory_space<vmem>>
          %dma_start3A_108 = tpu.memref_squeeze %dma_start3A_107 : memref<1x128xi32, #tpu.memory_space<vmem>> -> memref<128xi32, #tpu.memory_space<vmem>>
          %dma_start3A_109 = arith.constant 0 : i32
          %dma_start3A_110 = arith.constant 0 : i32
          %dma_start3A_111 = tpu.memref_slice %arg19[%dma_start3A_109, %dma_start3A_110] : memref<10112x128xf32, #tpu.memory_space<vmem_shared>> -> memref<10112x128xf32, #tpu.memory_space<vmem_shared>>
          tpu.enqueue_indirect_dma source(%arg17 : memref<128x128xf32, #tpu.memory_space<vmem>>) target(%dma_start3A_111 : memref<10112x128xf32, #tpu.memory_space<vmem_shared>>) offsets(%dma_start3A_108 : memref<128xi32, #tpu.memory_space<vmem>>) semaphore(%run_scoped3A : memref<!tpu.dma_semaphore, #tpu.memory_space<semaphore_mem>>) {add = true}
          %dma_wait3A_112 = arith.constant 0 : i32
          %dma_wait3A_113 = tpu.memref_slice %arg16[%mul3A_66, %dma_wait3A_112] : memref<8x128xi32, #tpu.memory_space<vmem>> -> memref<1x128xi32, #tpu.memory_space<vmem>>
          %dma_wait3A_114 = tpu.memref_squeeze %dma_wait3A_113 : memref<1x128xi32, #tpu.memory_space<vmem>> -> memref<128xi32, #tpu.memory_space<vmem>>
          %dma_wait3A_115 = arith.constant 0 : i32
          %dma_wait3A_116 = arith.constant 0 : i32
          %dma_wait3A_117 = tpu.memref_slice %arg19[%dma_wait3A_115, %dma_wait3A_116] : memref<10112x128xf32, #tpu.memory_space<vmem_shared>> -> memref<10112x128xf32, #tpu.memory_space<vmem_shared>>
          tpu.wait_indirect_dma semaphore(%run_scoped3A : memref<!tpu.dma_semaphore, #tpu.memory_space<semaphore_mem>>) src(%arg17 : memref<128x128xf32, #tpu.memory_space<vmem>>) dst(%dma_wait3A_117 : memref<10112x128xf32, #tpu.memory_space<vmem_shared>>)
          tpu.yield
        }) : () -> ()
        %add3A_86 = arith.constant 1 : i32
        %add3A_87 = arith.addi %scan3A_64, %add3A_86 : i32
        %lt3A = arith.constant 4 : i32
        %lt3A_88 = arith.cmpi slt, %add3A_87, %lt3A : i32
        %convert_element_type3A = arith.extui %lt3A_88 : i1 to i32
        %cond3A = arith.constant 0 : i32
        %cond3A_89 = arith.cmpi ne, %convert_element_type3A, %cond3A : i32
        scf.if %cond3A_89 {
          %add3A_106 = arith.constant 2 : i32
          %add3A_107 = arith.addi %mul3A_66, %add3A_106 : i32
          %dma_start3A_108 = arith.constant 0 : i32
          %dma_start3A_109 = tpu.memref_slice %arg15[%add3A_107, %dma_start3A_108] : memref<8x128xi32, #tpu.memory_space<vmem>> -> memref<1x128xi32, #tpu.memory_space<vmem>>
          %dma_start3A_110 = tpu.memref_squeeze %dma_start3A_109 : memref<1x128xi32, #tpu.memory_space<vmem>> -> memref<128xi32, #tpu.memory_space<vmem>>
          %dma_start3A_111 = arith.constant 0 : i32
          %dma_start3A_112 = arith.constant 0 : i32
          %dma_start3A_113 = tpu.memref_slice %arg2[%dma_start3A_111, %dma_start3A_112] : memref<10112x128xf32, #tpu.memory_space<hbm>> -> memref<10112x128xf32, #tpu.memory_space<hbm>>
          tpu.enqueue_indirect_dma source(%dma_start3A_113 : memref<10112x128xf32, #tpu.memory_space<hbm>>) target(%arg17 : memref<128x128xf32, #tpu.memory_space<vmem>>) offsets(%dma_start3A_110 : memref<128xi32, #tpu.memory_space<vmem>>) semaphore(%arg20 : memref<!tpu.dma_semaphore, #tpu.memory_space<semaphore_mem>>)
        } else {
        }
        %add3A_90 = arith.constant 1 : i32
        %add3A_91 = arith.addi %mul3A_66, %add3A_90 : i32
        %dma_wait3A_92 = arith.constant 0 : i32
        %dma_wait3A_93 = tpu.memref_slice %arg15[%add3A_91, %dma_wait3A_92] : memref<8x128xi32, #tpu.memory_space<vmem>> -> memref<1x128xi32, #tpu.memory_space<vmem>>
        %dma_wait3A_94 = tpu.memref_squeeze %dma_wait3A_93 : memref<1x128xi32, #tpu.memory_space<vmem>> -> memref<128xi32, #tpu.memory_space<vmem>>
        %dma_wait3A_95 = arith.constant 0 : i32
        %dma_wait3A_96 = arith.constant 0 : i32
        %dma_wait3A_97 = tpu.memref_slice %arg2[%dma_wait3A_95, %dma_wait3A_96] : memref<10112x128xf32, #tpu.memory_space<hbm>> -> memref<10112x128xf32, #tpu.memory_space<hbm>>
        tpu.wait_indirect_dma semaphore(%arg21 : memref<!tpu.dma_semaphore, #tpu.memory_space<semaphore_mem>>) src(%dma_wait3A_97 : memref<10112x128xf32, #tpu.memory_space<hbm>>) dst(%arg18 : memref<128x128xf32, #tpu.memory_space<vmem>>)
        %add3A_98 = arith.constant 1 : i32
        %add3A_99 = arith.addi %mul3A_66, %add3A_98 : i32
        %scan3A_100 = arith.constant 0 : i32
        %scan3A_101 = arith.constant 0 : i32
        %scan3A_102 = arith.constant 32 : i32
        %scan3A_103 = arith.addi %scan3A_101, %scan3A_102 : i32
        %scan3A_104 = arith.constant 1 : i32
        scf.for %scan3A_106 = %scan3A_101 to %scan3A_103 step %scan3A_104  : i32 {
          %mul3A_107 = arith.constant 4 : i32
          %mul3A_108 = arith.muli %scan3A_106, %mul3A_107 : i32
          %add3A_109 = arith.constant 0 : i32
          %add3A_110 = arith.addi %mul3A_108, %add3A_109 : i32
          %mul3A_111 = arith.constant 128 : i32
          %mul3A_112 = arith.muli %add3A_99, %mul3A_111 : i32
          %add3A_113 = arith.addi %mul3A_112, %add3A_110 : i32
          %broadcast_in_dim3A = vector.broadcast %add3A_113 : i32 to vector<16xi32>
          %gather3A = tpu.vector_load_idx %arg13[%broadcast_in_dim3A] : memref<1024xf32, #tpu.memory_space<vmem>>[vector<16xi32>], vector<16xf32>,
          %get3A = arith.index_cast %add3A_110 : i32 to index
          %get3A_114 = arith.constant 0 : index
          %get3A_115 = tpu.vector_load %arg18[%get3A, %get3A_114] {strides = array<i32>} : memref<128x128xf32, #tpu.memory_space<vmem>>, vector<16xf32>,
          %mul3A_116 = arith.mulf %get3A_115, %gather3A : vector<16xf32>
          %swap3A = arith.index_cast %add3A_110 : i32 to index
          %swap3A_117 = arith.constant 0 : index
          %swap3A_118 = tpu.vector_load %arg18[%swap3A, %swap3A_117] {strides = array<i32>} : memref<128x128xf32, #tpu.memory_space<vmem>>, vector<16xf32>,
          tpu.vector_store %arg18[%swap3A, %swap3A_117], %mul3A_116 {strides = array<i32>} : memref<128x128xf32, #tpu.memory_space<vmem>>, vector<16xf32>,
          %get3A_119 = arith.index_cast %add3A_110 : i32 to index
          %get3A_120 = arith.constant 16 : index
          %get3A_121 = tpu.vector_load %arg18[%get3A_119, %get3A_120] {strides = array<i32>} : memref<128x128xf32, #tpu.memory_space<vmem>>, vector<16xf32>,
          %mul3A_122 = arith.mulf %get3A_121, %gather3A : vector<16xf32>
          %swap3A_123 = arith.index_cast %add3A_110 : i32 to index
          %swap3A_124 = arith.constant 16 : index
          %swap3A_125 = tpu.vector_load %arg18[%swap3A_123, %swap3A_124] {strides = array<i32>} : memref<128x128xf32, #tpu.memory_space<vmem>>, vector<16xf32>,
          tpu.vector_store %arg18[%swap3A_123, %swap3A_124], %mul3A_122 {strides = array<i32>} : memref<128x128xf32, #tpu.memory_space<vmem>>, vector<16xf32>,
          %get3A_126 = arith.index_cast %add3A_110 : i32 to index
          %get3A_127 = arith.constant 32 : index
          %get3A_128 = tpu.vector_load %arg18[%get3A_126, %get3A_127] {strides = array<i32>} : memref<128x128xf32, #tpu.memory_space<vmem>>, vector<16xf32>,
          %mul3A_129 = arith.mulf %get3A_128, %gather3A : vector<16xf32>
          %swap3A_130 = arith.index_cast %add3A_110 : i32 to index
          %swap3A_131 = arith.constant 32 : index
          %swap3A_132 = tpu.vector_load %arg18[%swap3A_130, %swap3A_131] {strides = array<i32>} : memref<128x128xf32, #tpu.memory_space<vmem>>, vector<16xf32>,
          tpu.vector_store %arg18[%swap3A_130, %swap3A_131], %mul3A_129 {strides = array<i32>} : memref<128x128xf32, #tpu.memory_space<vmem>>, vector<16xf32>,
          %get3A_133 = arith.index_cast %add3A_110 : i32 to index
          %get3A_134 = arith.constant 48 : index
          %get3A_135 = tpu.vector_load %arg18[%get3A_133, %get3A_134] {strides = array<i32>} : memref<128x128xf32, #tpu.memory_space<vmem>>, vector<16xf32>,
          %mul3A_136 = arith.mulf %get3A_135, %gather3A : vector<16xf32>
          %swap3A_137 = arith.index_cast %add3A_110 : i32 to index
          %swap3A_138 = arith.constant 48 : index
          %swap3A_139 = tpu.vector_load %arg18[%swap3A_137, %swap3A_138] {strides = array<i32>} : memref<128x128xf32, #tpu.memory_space<vmem>>, vector<16xf32>,
          tpu.vector_store %arg18[%swap3A_137, %swap3A_138], %mul3A_136 {strides = array<i32>} : memref<128x128xf32, #tpu.memory_space<vmem>>, vector<16xf32>,
          %get3A_140 = arith.index_cast %add3A_110 : i32 to index
          %get3A_141 = arith.constant 64 : index
          %get3A_142 = tpu.vector_load %arg18[%get3A_140, %get3A_141] {strides = array<i32>} : memref<128x128xf32, #tpu.memory_space<vmem>>, vector<16xf32>,
          %mul3A_143 = arith.mulf %get3A_142, %gather3A : vector<16xf32>
          %swap3A_144 = arith.index_cast %add3A_110 : i32 to index
          %swap3A_145 = arith.constant 64 : index
          %swap3A_146 = tpu.vector_load %arg18[%swap3A_144, %swap3A_145] {strides = array<i32>} : memref<128x128xf32, #tpu.memory_space<vmem>>, vector<16xf32>,
          tpu.vector_store %arg18[%swap3A_144, %swap3A_145], %mul3A_143 {strides = array<i32>} : memref<128x128xf32, #tpu.memory_space<vmem>>, vector<16xf32>,
          %get3A_147 = arith.index_cast %add3A_110 : i32 to index
          %get3A_148 = arith.constant 80 : index
          %get3A_149 = tpu.vector_load %arg18[%get3A_147, %get3A_148] {strides = array<i32>} : memref<128x128xf32, #tpu.memory_space<vmem>>, vector<16xf32>,
          %mul3A_150 = arith.mulf %get3A_149, %gather3A : vector<16xf32>
          %swap3A_151 = arith.index_cast %add3A_110 : i32 to index
          %swap3A_152 = arith.constant 80 : index
          %swap3A_153 = tpu.vector_load %arg18[%swap3A_151, %swap3A_152] {strides = array<i32>} : memref<128x128xf32, #tpu.memory_space<vmem>>, vector<16xf32>,
          tpu.vector_store %arg18[%swap3A_151, %swap3A_152], %mul3A_150 {strides = array<i32>} : memref<128x128xf32, #tpu.memory_space<vmem>>, vector<16xf32>,
          %get3A_154 = arith.index_cast %add3A_110 : i32 to index
          %get3A_155 = arith.constant 96 : index
          %get3A_156 = tpu.vector_load %arg18[%get3A_154, %get3A_155] {strides = array<i32>} : memref<128x128xf32, #tpu.memory_space<vmem>>, vector<16xf32>,
          %mul3A_157 = arith.mulf %get3A_156, %gather3A : vector<16xf32>
          %swap3A_158 = arith.index_cast %add3A_110 : i32 to index
          %swap3A_159 = arith.constant 96 : index
          %swap3A_160 = tpu.vector_load %arg18[%swap3A_158, %swap3A_159] {strides = array<i32>} : memref<128x128xf32, #tpu.memory_space<vmem>>, vector<16xf32>,
          tpu.vector_store %arg18[%swap3A_158, %swap3A_159], %mul3A_157 {strides = array<i32>} : memref<128x128xf32, #tpu.memory_space<vmem>>, vector<16xf32>,
          %get3A_161 = arith.index_cast %add3A_110 : i32 to index
          %get3A_162 = arith.constant 112 : index
          %get3A_163 = tpu.vector_load %arg18[%get3A_161, %get3A_162] {strides = array<i32>} : memref<128x128xf32, #tpu.memory_space<vmem>>, vector<16xf32>,
          %mul3A_164 = arith.mulf %get3A_163, %gather3A : vector<16xf32>
          %swap3A_165 = arith.index_cast %add3A_110 : i32 to index
          %swap3A_166 = arith.constant 112 : index
          %swap3A_167 = tpu.vector_load %arg18[%swap3A_165, %swap3A_166] {strides = array<i32>} : memref<128x128xf32, #tpu.memory_space<vmem>>, vector<16xf32>,
          tpu.vector_store %arg18[%swap3A_165, %swap3A_166], %mul3A_164 {strides = array<i32>} : memref<128x128xf32, #tpu.memory_space<vmem>>, vector<16xf32>,
          %mul3A_168 = arith.constant 4 : i32
          %mul3A_169 = arith.muli %scan3A_106, %mul3A_168 : i32
          %add3A_170 = arith.constant 1 : i32
          %add3A_171 = arith.addi %mul3A_169, %add3A_170 : i32
          %mul3A_172 = arith.constant 128 : i32
          %mul3A_173 = arith.muli %add3A_99, %mul3A_172 : i32
          %add3A_174 = arith.addi %mul3A_173, %add3A_171 : i32
          %broadcast_in_dim3A_175 = vector.broadcast %add3A_174 : i32 to vector<16xi32>
          %gather3A_176 = tpu.vector_load_idx %arg13[%broadcast_in_dim3A_175] : memref<1024xf32, #tpu.memory_space<vmem>>[vector<16xi32>], vector<16xf32>,
          %get3A_177 = arith.index_cast %add3A_171 : i32 to index
          %get3A_178 = arith.constant 0 : index
          %get3A_179 = tpu.vector_load %arg18[%get3A_177, %get3A_178] {strides = array<i32>} : memref<128x128xf32, #tpu.memory_space<vmem>>, vector<16xf32>,
          %mul3A_180 = arith.mulf %get3A_179, %gather3A_176 : vector<16xf32>
          %swap3A_181 = arith.index_cast %add3A_171 : i32 to index
          %swap3A_182 = arith.constant 0 : index
          %swap3A_183 = tpu.vector_load %arg18[%swap3A_181, %swap3A_182] {strides = array<i32>} : memref<128x128xf32, #tpu.memory_space<vmem>>, vector<16xf32>,
          tpu.vector_store %arg18[%swap3A_181, %swap3A_182], %mul3A_180 {strides = array<i32>} : memref<128x128xf32, #tpu.memory_space<vmem>>, vector<16xf32>,
          %get3A_184 = arith.index_cast %add3A_171 : i32 to index
          %get3A_185 = arith.constant 16 : index
          %get3A_186 = tpu.vector_load %arg18[%get3A_184, %get3A_185] {strides = array<i32>} : memref<128x128xf32, #tpu.memory_space<vmem>>, vector<16xf32>,
          %mul3A_187 = arith.mulf %get3A_186, %gather3A_176 : vector<16xf32>
          %swap3A_188 = arith.index_cast %add3A_171 : i32 to index
          %swap3A_189 = arith.constant 16 : index
          %swap3A_190 = tpu.vector_load %arg18[%swap3A_188, %swap3A_189] {strides = array<i32>} : memref<128x128xf32, #tpu.memory_space<vmem>>, vector<16xf32>,
          tpu.vector_store %arg18[%swap3A_188, %swap3A_189], %mul3A_187 {strides = array<i32>} : memref<128x128xf32, #tpu.memory_space<vmem>>, vector<16xf32>,
          %get3A_191 = arith.index_cast %add3A_171 : i32 to index
          %get3A_192 = arith.constant 32 : index
          %get3A_193 = tpu.vector_load %arg18[%get3A_191, %get3A_192] {strides = array<i32>} : memref<128x128xf32, #tpu.memory_space<vmem>>, vector<16xf32>,
          %mul3A_194 = arith.mulf %get3A_193, %gather3A_176 : vector<16xf32>
          %swap3A_195 = arith.index_cast %add3A_171 : i32 to index
          %swap3A_196 = arith.constant 32 : index
          %swap3A_197 = tpu.vector_load %arg18[%swap3A_195, %swap3A_196] {strides = array<i32>} : memref<128x128xf32, #tpu.memory_space<vmem>>, vector<16xf32>,
          tpu.vector_store %arg18[%swap3A_195, %swap3A_196], %mul3A_194 {strides = array<i32>} : memref<128x128xf32, #tpu.memory_space<vmem>>, vector<16xf32>,
          %get3A_198 = arith.index_cast %add3A_171 : i32 to index
          %get3A_199 = arith.constant 48 : index
          %get3A_200 = tpu.vector_load %arg18[%get3A_198, %get3A_199] {strides = array<i32>} : memref<128x128xf32, #tpu.memory_space<vmem>>, vector<16xf32>,
          %mul3A_201 = arith.mulf %get3A_200, %gather3A_176 : vector<16xf32>
          %swap3A_202 = arith.index_cast %add3A_171 : i32 to index
          %swap3A_203 = arith.constant 48 : index
          %swap3A_204 = tpu.vector_load %arg18[%swap3A_202, %swap3A_203] {strides = array<i32>} : memref<128x128xf32, #tpu.memory_space<vmem>>, vector<16xf32>,
          tpu.vector_store %arg18[%swap3A_202, %swap3A_203], %mul3A_201 {strides = array<i32>} : memref<128x128xf32, #tpu.memory_space<vmem>>, vector<16xf32>,
          %get3A_205 = arith.index_cast %add3A_171 : i32 to index
          %get3A_206 = arith.constant 64 : index
          %get3A_207 = tpu.vector_load %arg18[%get3A_205, %get3A_206] {strides = array<i32>} : memref<128x128xf32, #tpu.memory_space<vmem>>, vector<16xf32>,
          %mul3A_208 = arith.mulf %get3A_207, %gather3A_176 : vector<16xf32>
          %swap3A_209 = arith.index_cast %add3A_171 : i32 to index
          %swap3A_210 = arith.constant 64 : index
          %swap3A_211 = tpu.vector_load %arg18[%swap3A_209, %swap3A_210] {strides = array<i32>} : memref<128x128xf32, #tpu.memory_space<vmem>>, vector<16xf32>,
          tpu.vector_store %arg18[%swap3A_209, %swap3A_210], %mul3A_208 {strides = array<i32>} : memref<128x128xf32, #tpu.memory_space<vmem>>, vector<16xf32>,
          %get3A_212 = arith.index_cast %add3A_171 : i32 to index
          %get3A_213 = arith.constant 80 : index
          %get3A_214 = tpu.vector_load %arg18[%get3A_212, %get3A_213] {strides = array<i32>} : memref<128x128xf32, #tpu.memory_space<vmem>>, vector<16xf32>,
          %mul3A_215 = arith.mulf %get3A_214, %gather3A_176 : vector<16xf32>
          %swap3A_216 = arith.index_cast %add3A_171 : i32 to index
          %swap3A_217 = arith.constant 80 : index
          %swap3A_218 = tpu.vector_load %arg18[%swap3A_216, %swap3A_217] {strides = array<i32>} : memref<128x128xf32, #tpu.memory_space<vmem>>, vector<16xf32>,
          tpu.vector_store %arg18[%swap3A_216, %swap3A_217], %mul3A_215 {strides = array<i32>} : memref<128x128xf32, #tpu.memory_space<vmem>>, vector<16xf32>,
          %get3A_219 = arith.index_cast %add3A_171 : i32 to index
          %get3A_220 = arith.constant 96 : index
          %get3A_221 = tpu.vector_load %arg18[%get3A_219, %get3A_220] {strides = array<i32>} : memref<128x128xf32, #tpu.memory_space<vmem>>, vector<16xf32>,
          %mul3A_222 = arith.mulf %get3A_221, %gather3A_176 : vector<16xf32>
          %swap3A_223 = arith.index_cast %add3A_171 : i32 to index
          %swap3A_224 = arith.constant 96 : index
          %swap3A_225 = tpu.vector_load %arg18[%swap3A_223, %swap3A_224] {strides = array<i32>} : memref<128x128xf32, #tpu.memory_space<vmem>>, vector<16xf32>,
          tpu.vector_store %arg18[%swap3A_223, %swap3A_224], %mul3A_222 {strides = array<i32>} : memref<128x128xf32, #tpu.memory_space<vmem>>, vector<16xf32>,
          %get3A_226 = arith.index_cast %add3A_171 : i32 to index
          %get3A_227 = arith.constant 112 : index
          %get3A_228 = tpu.vector_load %arg18[%get3A_226, %get3A_227] {strides = array<i32>} : memref<128x128xf32, #tpu.memory_space<vmem>>, vector<16xf32>,
          %mul3A_229 = arith.mulf %get3A_228, %gather3A_176 : vector<16xf32>
          %swap3A_230 = arith.index_cast %add3A_171 : i32 to index
          %swap3A_231 = arith.constant 112 : index
          %swap3A_232 = tpu.vector_load %arg18[%swap3A_230, %swap3A_231] {strides = array<i32>} : memref<128x128xf32, #tpu.memory_space<vmem>>, vector<16xf32>,
          tpu.vector_store %arg18[%swap3A_230, %swap3A_231], %mul3A_229 {strides = array<i32>} : memref<128x128xf32, #tpu.memory_space<vmem>>, vector<16xf32>,
          %mul3A_233 = arith.constant 4 : i32
          %mul3A_234 = arith.muli %scan3A_106, %mul3A_233 : i32
          %add3A_235 = arith.constant 2 : i32
          %add3A_236 = arith.addi %mul3A_234, %add3A_235 : i32
          %mul3A_237 = arith.constant 128 : i32
          %mul3A_238 = arith.muli %add3A_99, %mul3A_237 : i32
          %add3A_239 = arith.addi %mul3A_238, %add3A_236 : i32
          %broadcast_in_dim3A_240 = vector.broadcast %add3A_239 : i32 to vector<16xi32>
          %gather3A_241 = tpu.vector_load_idx %arg13[%broadcast_in_dim3A_240] : memref<1024xf32, #tpu.memory_space<vmem>>[vector<16xi32>], vector<16xf32>,
          %get3A_242 = arith.index_cast %add3A_236 : i32 to index
          %get3A_243 = arith.constant 0 : index
          %get3A_244 = tpu.vector_load %arg18[%get3A_242, %get3A_243] {strides = array<i32>} : memref<128x128xf32, #tpu.memory_space<vmem>>, vector<16xf32>,
          %mul3A_245 = arith.mulf %get3A_244, %gather3A_241 : vector<16xf32>
          %swap3A_246 = arith.index_cast %add3A_236 : i32 to index
          %swap3A_247 = arith.constant 0 : index
          %swap3A_248 = tpu.vector_load %arg18[%swap3A_246, %swap3A_247] {strides = array<i32>} : memref<128x128xf32, #tpu.memory_space<vmem>>, vector<16xf32>,
          tpu.vector_store %arg18[%swap3A_246, %swap3A_247], %mul3A_245 {strides = array<i32>} : memref<128x128xf32, #tpu.memory_space<vmem>>, vector<16xf32>,
          %get3A_249 = arith.index_cast %add3A_236 : i32 to index
          %get3A_250 = arith.constant 16 : index
          %get3A_251 = tpu.vector_load %arg18[%get3A_249, %get3A_250] {strides = array<i32>} : memref<128x128xf32, #tpu.memory_space<vmem>>, vector<16xf32>,
          %mul3A_252 = arith.mulf %get3A_251, %gather3A_241 : vector<16xf32>
          %swap3A_253 = arith.index_cast %add3A_236 : i32 to index
          %swap3A_254 = arith.constant 16 : index
          %swap3A_255 = tpu.vector_load %arg18[%swap3A_253, %swap3A_254] {strides = array<i32>} : memref<128x128xf32, #tpu.memory_space<vmem>>, vector<16xf32>,
          tpu.vector_store %arg18[%swap3A_253, %swap3A_254], %mul3A_252 {strides = array<i32>} : memref<128x128xf32, #tpu.memory_space<vmem>>, vector<16xf32>,
          %get3A_256 = arith.index_cast %add3A_236 : i32 to index
          %get3A_257 = arith.constant 32 : index
          %get3A_258 = tpu.vector_load %arg18[%get3A_256, %get3A_257] {strides = array<i32>} : memref<128x128xf32, #tpu.memory_space<vmem>>, vector<16xf32>,
          %mul3A_259 = arith.mulf %get3A_258, %gather3A_241 : vector<16xf32>
          %swap3A_260 = arith.index_cast %add3A_236 : i32 to index
          %swap3A_261 = arith.constant 32 : index
          %swap3A_262 = tpu.vector_load %arg18[%swap3A_260, %swap3A_261] {strides = array<i32>} : memref<128x128xf32, #tpu.memory_space<vmem>>, vector<16xf32>,
          tpu.vector_store %arg18[%swap3A_260, %swap3A_261], %mul3A_259 {strides = array<i32>} : memref<128x128xf32, #tpu.memory_space<vmem>>, vector<16xf32>,
          %get3A_263 = arith.index_cast %add3A_236 : i32 to index
          %get3A_264 = arith.constant 48 : index
          %get3A_265 = tpu.vector_load %arg18[%get3A_263, %get3A_264] {strides = array<i32>} : memref<128x128xf32, #tpu.memory_space<vmem>>, vector<16xf32>,
          %mul3A_266 = arith.mulf %get3A_265, %gather3A_241 : vector<16xf32>
          %swap3A_267 = arith.index_cast %add3A_236 : i32 to index
          %swap3A_268 = arith.constant 48 : index
          %swap3A_269 = tpu.vector_load %arg18[%swap3A_267, %swap3A_268] {strides = array<i32>} : memref<128x128xf32, #tpu.memory_space<vmem>>, vector<16xf32>,
          tpu.vector_store %arg18[%swap3A_267, %swap3A_268], %mul3A_266 {strides = array<i32>} : memref<128x128xf32, #tpu.memory_space<vmem>>, vector<16xf32>,
          %get3A_270 = arith.index_cast %add3A_236 : i32 to index
          %get3A_271 = arith.constant 64 : index
          %get3A_272 = tpu.vector_load %arg18[%get3A_270, %get3A_271] {strides = array<i32>} : memref<128x128xf32, #tpu.memory_space<vmem>>, vector<16xf32>,
          %mul3A_273 = arith.mulf %get3A_272, %gather3A_241 : vector<16xf32>
          %swap3A_274 = arith.index_cast %add3A_236 : i32 to index
          %swap3A_275 = arith.constant 64 : index
          %swap3A_276 = tpu.vector_load %arg18[%swap3A_274, %swap3A_275] {strides = array<i32>} : memref<128x128xf32, #tpu.memory_space<vmem>>, vector<16xf32>,
          tpu.vector_store %arg18[%swap3A_274, %swap3A_275], %mul3A_273 {strides = array<i32>} : memref<128x128xf32, #tpu.memory_space<vmem>>, vector<16xf32>,
          %get3A_277 = arith.index_cast %add3A_236 : i32 to index
          %get3A_278 = arith.constant 80 : index
          %get3A_279 = tpu.vector_load %arg18[%get3A_277, %get3A_278] {strides = array<i32>} : memref<128x128xf32, #tpu.memory_space<vmem>>, vector<16xf32>,
          %mul3A_280 = arith.mulf %get3A_279, %gather3A_241 : vector<16xf32>
          %swap3A_281 = arith.index_cast %add3A_236 : i32 to index
          %swap3A_282 = arith.constant 80 : index
          %swap3A_283 = tpu.vector_load %arg18[%swap3A_281, %swap3A_282] {strides = array<i32>} : memref<128x128xf32, #tpu.memory_space<vmem>>, vector<16xf32>,
          tpu.vector_store %arg18[%swap3A_281, %swap3A_282], %mul3A_280 {strides = array<i32>} : memref<128x128xf32, #tpu.memory_space<vmem>>, vector<16xf32>,
          %get3A_284 = arith.index_cast %add3A_236 : i32 to index
          %get3A_285 = arith.constant 96 : index
          %get3A_286 = tpu.vector_load %arg18[%get3A_284, %get3A_285] {strides = array<i32>} : memref<128x128xf32, #tpu.memory_space<vmem>>, vector<16xf32>,
          %mul3A_287 = arith.mulf %get3A_286, %gather3A_241 : vector<16xf32>
          %swap3A_288 = arith.index_cast %add3A_236 : i32 to index
          %swap3A_289 = arith.constant 96 : index
          %swap3A_290 = tpu.vector_load %arg18[%swap3A_288, %swap3A_289] {strides = array<i32>} : memref<128x128xf32, #tpu.memory_space<vmem>>, vector<16xf32>,
          tpu.vector_store %arg18[%swap3A_288, %swap3A_289], %mul3A_287 {strides = array<i32>} : memref<128x128xf32, #tpu.memory_space<vmem>>, vector<16xf32>,
          %get3A_291 = arith.index_cast %add3A_236 : i32 to index
          %get3A_292 = arith.constant 112 : index
          %get3A_293 = tpu.vector_load %arg18[%get3A_291, %get3A_292] {strides = array<i32>} : memref<128x128xf32, #tpu.memory_space<vmem>>, vector<16xf32>,
          %mul3A_294 = arith.mulf %get3A_293, %gather3A_241 : vector<16xf32>
          %swap3A_295 = arith.index_cast %add3A_236 : i32 to index
          %swap3A_296 = arith.constant 112 : index
          %swap3A_297 = tpu.vector_load %arg18[%swap3A_295, %swap3A_296] {strides = array<i32>} : memref<128x128xf32, #tpu.memory_space<vmem>>, vector<16xf32>,
          tpu.vector_store %arg18[%swap3A_295, %swap3A_296], %mul3A_294 {strides = array<i32>} : memref<128x128xf32, #tpu.memory_space<vmem>>, vector<16xf32>,
          %mul3A_298 = arith.constant 4 : i32
          %mul3A_299 = arith.muli %scan3A_106, %mul3A_298 : i32
          %add3A_300 = arith.constant 3 : i32
          %add3A_301 = arith.addi %mul3A_299, %add3A_300 : i32
          %mul3A_302 = arith.constant 128 : i32
          %mul3A_303 = arith.muli %add3A_99, %mul3A_302 : i32
          %add3A_304 = arith.addi %mul3A_303, %add3A_301 : i32
          %broadcast_in_dim3A_305 = vector.broadcast %add3A_304 : i32 to vector<16xi32>
          %gather3A_306 = tpu.vector_load_idx %arg13[%broadcast_in_dim3A_305] : memref<1024xf32, #tpu.memory_space<vmem>>[vector<16xi32>], vector<16xf32>,
          %get3A_307 = arith.index_cast %add3A_301 : i32 to index
          %get3A_308 = arith.constant 0 : index
          %get3A_309 = tpu.vector_load %arg18[%get3A_307, %get3A_308] {strides = array<i32>} : memref<128x128xf32, #tpu.memory_space<vmem>>, vector<16xf32>,
          %mul3A_310 = arith.mulf %get3A_309, %gather3A_306 : vector<16xf32>
          %swap3A_311 = arith.index_cast %add3A_301 : i32 to index
          %swap3A_312 = arith.constant 0 : index
          %swap3A_313 = tpu.vector_load %arg18[%swap3A_311, %swap3A_312] {strides = array<i32>} : memref<128x128xf32, #tpu.memory_space<vmem>>, vector<16xf32>,
          tpu.vector_store %arg18[%swap3A_311, %swap3A_312], %mul3A_310 {strides = array<i32>} : memref<128x128xf32, #tpu.memory_space<vmem>>, vector<16xf32>,
          %get3A_314 = arith.index_cast %add3A_301 : i32 to index
          %get3A_315 = arith.constant 16 : index
          %get3A_316 = tpu.vector_load %arg18[%get3A_314, %get3A_315] {strides = array<i32>} : memref<128x128xf32, #tpu.memory_space<vmem>>, vector<16xf32>,
          %mul3A_317 = arith.mulf %get3A_316, %gather3A_306 : vector<16xf32>
          %swap3A_318 = arith.index_cast %add3A_301 : i32 to index
          %swap3A_319 = arith.constant 16 : index
          %swap3A_320 = tpu.vector_load %arg18[%swap3A_318, %swap3A_319] {strides = array<i32>} : memref<128x128xf32, #tpu.memory_space<vmem>>, vector<16xf32>,
          tpu.vector_store %arg18[%swap3A_318, %swap3A_319], %mul3A_317 {strides = array<i32>} : memref<128x128xf32, #tpu.memory_space<vmem>>, vector<16xf32>,
          %get3A_321 = arith.index_cast %add3A_301 : i32 to index
          %get3A_322 = arith.constant 32 : index
          %get3A_323 = tpu.vector_load %arg18[%get3A_321, %get3A_322] {strides = array<i32>} : memref<128x128xf32, #tpu.memory_space<vmem>>, vector<16xf32>,
          %mul3A_324 = arith.mulf %get3A_323, %gather3A_306 : vector<16xf32>
          %swap3A_325 = arith.index_cast %add3A_301 : i32 to index
          %swap3A_326 = arith.constant 32 : index
          %swap3A_327 = tpu.vector_load %arg18[%swap3A_325, %swap3A_326] {strides = array<i32>} : memref<128x128xf32, #tpu.memory_space<vmem>>, vector<16xf32>,
          tpu.vector_store %arg18[%swap3A_325, %swap3A_326], %mul3A_324 {strides = array<i32>} : memref<128x128xf32, #tpu.memory_space<vmem>>, vector<16xf32>,
          %get3A_328 = arith.index_cast %add3A_301 : i32 to index
          %get3A_329 = arith.constant 48 : index
          %get3A_330 = tpu.vector_load %arg18[%get3A_328, %get3A_329] {strides = array<i32>} : memref<128x128xf32, #tpu.memory_space<vmem>>, vector<16xf32>,
          %mul3A_331 = arith.mulf %get3A_330, %gather3A_306 : vector<16xf32>
          %swap3A_332 = arith.index_cast %add3A_301 : i32 to index
          %swap3A_333 = arith.constant 48 : index
          %swap3A_334 = tpu.vector_load %arg18[%swap3A_332, %swap3A_333] {strides = array<i32>} : memref<128x128xf32, #tpu.memory_space<vmem>>, vector<16xf32>,
          tpu.vector_store %arg18[%swap3A_332, %swap3A_333], %mul3A_331 {strides = array<i32>} : memref<128x128xf32, #tpu.memory_space<vmem>>, vector<16xf32>,
          %get3A_335 = arith.index_cast %add3A_301 : i32 to index
          %get3A_336 = arith.constant 64 : index
          %get3A_337 = tpu.vector_load %arg18[%get3A_335, %get3A_336] {strides = array<i32>} : memref<128x128xf32, #tpu.memory_space<vmem>>, vector<16xf32>,
          %mul3A_338 = arith.mulf %get3A_337, %gather3A_306 : vector<16xf32>
          %swap3A_339 = arith.index_cast %add3A_301 : i32 to index
          %swap3A_340 = arith.constant 64 : index
          %swap3A_341 = tpu.vector_load %arg18[%swap3A_339, %swap3A_340] {strides = array<i32>} : memref<128x128xf32, #tpu.memory_space<vmem>>, vector<16xf32>,
          tpu.vector_store %arg18[%swap3A_339, %swap3A_340], %mul3A_338 {strides = array<i32>} : memref<128x128xf32, #tpu.memory_space<vmem>>, vector<16xf32>,
          %get3A_342 = arith.index_cast %add3A_301 : i32 to index
          %get3A_343 = arith.constant 80 : index
          %get3A_344 = tpu.vector_load %arg18[%get3A_342, %get3A_343] {strides = array<i32>} : memref<128x128xf32, #tpu.memory_space<vmem>>, vector<16xf32>,
          %mul3A_345 = arith.mulf %get3A_344, %gather3A_306 : vector<16xf32>
          %swap3A_346 = arith.index_cast %add3A_301 : i32 to index
          %swap3A_347 = arith.constant 80 : index
          %swap3A_348 = tpu.vector_load %arg18[%swap3A_346, %swap3A_347] {strides = array<i32>} : memref<128x128xf32, #tpu.memory_space<vmem>>, vector<16xf32>,
          tpu.vector_store %arg18[%swap3A_346, %swap3A_347], %mul3A_345 {strides = array<i32>} : memref<128x128xf32, #tpu.memory_space<vmem>>, vector<16xf32>,
          %get3A_349 = arith.index_cast %add3A_301 : i32 to index
          %get3A_350 = arith.constant 96 : index
          %get3A_351 = tpu.vector_load %arg18[%get3A_349, %get3A_350] {strides = array<i32>} : memref<128x128xf32, #tpu.memory_space<vmem>>, vector<16xf32>,
          %mul3A_352 = arith.mulf %get3A_351, %gather3A_306 : vector<16xf32>
          %swap3A_353 = arith.index_cast %add3A_301 : i32 to index
          %swap3A_354 = arith.constant 96 : index
          %swap3A_355 = tpu.vector_load %arg18[%swap3A_353, %swap3A_354] {strides = array<i32>} : memref<128x128xf32, #tpu.memory_space<vmem>>, vector<16xf32>,
          tpu.vector_store %arg18[%swap3A_353, %swap3A_354], %mul3A_352 {strides = array<i32>} : memref<128x128xf32, #tpu.memory_space<vmem>>, vector<16xf32>,
          %get3A_356 = arith.index_cast %add3A_301 : i32 to index
          %get3A_357 = arith.constant 112 : index
          %get3A_358 = tpu.vector_load %arg18[%get3A_356, %get3A_357] {strides = array<i32>} : memref<128x128xf32, #tpu.memory_space<vmem>>, vector<16xf32>,
          %mul3A_359 = arith.mulf %get3A_358, %gather3A_306 : vector<16xf32>
          %swap3A_360 = arith.index_cast %add3A_301 : i32 to index
          %swap3A_361 = arith.constant 112 : index
          %swap3A_362 = tpu.vector_load %arg18[%swap3A_360, %swap3A_361] {strides = array<i32>} : memref<128x128xf32, #tpu.memory_space<vmem>>, vector<16xf32>,
          tpu.vector_store %arg18[%swap3A_360, %swap3A_361], %mul3A_359 {strides = array<i32>} : memref<128x128xf32, #tpu.memory_space<vmem>>, vector<16xf32>,
        }
        %scan3A_105 = arith.constant 32 : i32
        "tpu.region"() ({
          %run_scoped3A = tpu.sem_alloc : memref<!tpu.dma_semaphore, #tpu.memory_space<semaphore_mem>>
          %dma_start3A_106 = arith.constant 0 : i32
          %dma_start3A_107 = tpu.memref_slice %arg16[%add3A_99, %dma_start3A_106] : memref<8x128xi32, #tpu.memory_space<vmem>> -> memref<1x128xi32, #tpu.memory_space<vmem>>
          %dma_start3A_108 = tpu.memref_squeeze %dma_start3A_107 : memref<1x128xi32, #tpu.memory_space<vmem>> -> memref<128xi32, #tpu.memory_space<vmem>>
          %dma_start3A_109 = arith.constant 0 : i32
          %dma_start3A_110 = arith.constant 0 : i32
          %dma_start3A_111 = tpu.memref_slice %arg19[%dma_start3A_109, %dma_start3A_110] : memref<10112x128xf32, #tpu.memory_space<vmem_shared>> -> memref<10112x128xf32, #tpu.memory_space<vmem_shared>>
          tpu.enqueue_indirect_dma source(%arg18 : memref<128x128xf32, #tpu.memory_space<vmem>>) target(%dma_start3A_111 : memref<10112x128xf32, #tpu.memory_space<vmem_shared>>) offsets(%dma_start3A_108 : memref<128xi32, #tpu.memory_space<vmem>>) semaphore(%run_scoped3A : memref<!tpu.dma_semaphore, #tpu.memory_space<semaphore_mem>>) {add = true}
          %dma_wait3A_112 = arith.constant 0 : i32
          %dma_wait3A_113 = tpu.memref_slice %arg16[%add3A_99, %dma_wait3A_112] : memref<8x128xi32, #tpu.memory_space<vmem>> -> memref<1x128xi32, #tpu.memory_space<vmem>>
          %dma_wait3A_114 = tpu.memref_squeeze %dma_wait3A_113 : memref<1x128xi32, #tpu.memory_space<vmem>> -> memref<128xi32, #tpu.memory_space<vmem>>
          %dma_wait3A_115 = arith.constant 0 : i32
          %dma_wait3A_116 = arith.constant 0 : i32
          %dma_wait3A_117 = tpu.memref_slice %arg19[%dma_wait3A_115, %dma_wait3A_116] : memref<10112x128xf32, #tpu.memory_space<vmem_shared>> -> memref<10112x128xf32, #tpu.memory_space<vmem_shared>>
          tpu.wait_indirect_dma semaphore(%run_scoped3A : memref<!tpu.dma_semaphore, #tpu.memory_space<semaphore_mem>>) src(%arg18 : memref<128x128xf32, #tpu.memory_space<vmem>>) dst(%dma_wait3A_117 : memref<10112x128xf32, #tpu.memory_space<vmem_shared>>)
          tpu.yield
        }) : () -> ()
      }
      %scan3A_63 = arith.constant 4 : i32
    }
    %barrier3A_36 = arith.constant 0 : index
    tpu.barrier barrier_id(%barrier3A_36)
    %mul3A_37 = arith.constant 632 : i32
    %mul3A_38 = arith.muli %arg1, %mul3A_37 : i32
    %mul3A_39 = arith.constant 632 : i32
    %mul3A_40 = arith.muli %arg1, %mul3A_39 : i32
    "tpu.region"() ({
      %run_scoped3A = tpu.sem_alloc : memref<!tpu.dma_semaphore, #tpu.memory_space<semaphore_mem>>
      %dma_start3A = arith.constant 0 : i32
      %dma_start3A_41 = tpu.memref_slice %arg10[%arg0, %mul3A_40, %dma_start3A] : memref<2x10112x128xf32, #tpu.memory_space<hbm>> -> memref<1x632x128xf32, #tpu.memory_space<hbm>>
      %dma_start3A_42 = tpu.memref_squeeze %dma_start3A_41 : memref<1x632x128xf32, #tpu.memory_space<hbm>> -> memref<632x128xf32, #tpu.memory_space<hbm>>
      %dma_start3A_43 = arith.constant 0 : i32
      %dma_start3A_44 = tpu.memref_slice %arg19[%mul3A_38, %dma_start3A_43] : memref<10112x128xf32, #tpu.memory_space<vmem_shared>> -> memref<632x128xf32, #tpu.memory_space<vmem_shared>>
      tpu.enqueue_dma source(%dma_start3A_44 : memref<632x128xf32, #tpu.memory_space<vmem_shared>>) target(%dma_start3A_42 : memref<632x128xf32, #tpu.memory_space<hbm>>) target_semaphore(%run_scoped3A : memref<!tpu.dma_semaphore, #tpu.memory_space<semaphore_mem>>)
      %dma_wait3A = arith.constant 0 : i32
      %dma_wait3A_45 = tpu.memref_slice %arg10[%arg0, %mul3A_40, %dma_wait3A] : memref<2x10112x128xf32, #tpu.memory_space<hbm>> -> memref<1x632x128xf32, #tpu.memory_space<hbm>>
      %dma_wait3A_46 = tpu.memref_squeeze %dma_wait3A_45 : memref<1x632x128xf32, #tpu.memory_space<hbm>> -> memref<632x128xf32, #tpu.memory_space<hbm>>
      %dma_wait3A_47 = arith.constant 0 : i32
      %dma_wait3A_48 = tpu.memref_slice %arg19[%mul3A_38, %dma_wait3A_47] : memref<10112x128xf32, #tpu.memory_space<vmem_shared>> -> memref<632x128xf32, #tpu.memory_space<vmem_shared>>
      tpu.wait_dma2 semaphore(%run_scoped3A : memref<!tpu.dma_semaphore, #tpu.memory_space<semaphore_mem>>) src(%dma_wait3A_48 : memref<632x128xf32, #tpu.memory_space<vmem_shared>>) dst(%dma_wait3A_46 : memref<632x128xf32, #tpu.memory_space<hbm>>)
      tpu.yield
    }) : () -> ()
    return
  }
}

module attributes {stable_mosaic.version = 14 : i64} {
  func.func @_dis_body(%arg0: memref<2x10112xf32, #tpu.memory_space<vmem>>, %arg1: memref<1x10112xf32, #tpu.memory_space<vmem>>) attributes {dimension_semantics = [], scalar_prefetch = 0 : i64, scratch_operands = 0 : i64, tpu.core_type = #tpu.core_type<tc>} {
    %get3A = arith.constant 0 : index
    %get3A_0 = arith.constant 0 : index
    %get3A_1 = vector.load %arg0[%get3A, %get3A_0] : memref<2x10112xf32, #tpu.memory_space<vmem>>, vector<1x10112xf32>
    %get3A_2 = arith.constant 1 : index
    %get3A_3 = arith.constant 0 : index
    %get3A_4 = vector.load %arg0[%get3A_2, %get3A_3] : memref<2x10112xf32, #tpu.memory_space<vmem>>, vector<1x10112xf32>
    %add3A = arith.addf %get3A_1, %get3A_4 : vector<1x10112xf32>
    %gt3A = arith.constant 0.000000e+00 : f32
    %gt3A_5 = vector.broadcast %gt3A : f32 to vector<1x10112xf32>
    %gt3A_6 = arith.cmpf ogt, %add3A, %gt3A_5 : vector<1x10112xf32>
    %rsqrt3A = math.rsqrt %add3A : vector<1x10112xf32>
    %jit3A = arith.constant 0.000000e+00 : f32
    %broadcast_in_dim3A = vector.broadcast %jit3A : f32 to vector<1x10112xf32>
    %select_n3A = arith.select %gt3A_6, %rsqrt3A, %broadcast_in_dim3A : vector<1x10112xi1>, vector<1x10112xf32>
    %swap3A = arith.constant 0 : index
    %swap3A_7 = arith.constant 0 : index
    %swap3A_8 = vector.load %arg1[%swap3A, %swap3A_7] : memref<1x10112xf32, #tpu.memory_space<vmem>>, vector<1x10112xf32>
    tpu.vector_store %arg1[%swap3A, %swap3A_7], %select_n3A {strides = array<i32>} : memref<1x10112xf32, #tpu.memory_space<vmem>>, vector<1x10112xf32>,
    return
  }
}

module attributes {stable_mosaic.version = 14 : i64} {
  func.func @_mid_body(%arg0: i32, %arg1: memref<2x632x128xf32, #tpu.memory_space<vmem>>, %arg2: memref<632x128xf32, #tpu.memory_space<vmem>>) attributes {dimension_semantics = [#tpu.dimension_semantics<arbitrary>], iteration_bounds = array<i64: 16>, scalar_prefetch = 0 : i64, scratch_operands = 0 : i64, tpu.core_type = #tpu.core_type<tc>, window_params = [{transform_indices = @transform_0, window_bounds = array<i64: 2, 632, 128>}, {transform_indices = @transform_1, window_bounds = array<i64: 632, 128>}]} {
    %get3A = arith.constant 0 : index
    %get3A_0 = arith.constant 0 : index
    %get3A_1 = arith.constant 0 : index
    %get3A_2 = vector.load %arg1[%get3A, %get3A_0, %get3A_1] : memref<2x632x128xf32, #tpu.memory_space<vmem>>, vector<1x632x128xf32>
    %get3A_3 = vector.shape_cast %get3A_2 : vector<1x632x128xf32> to vector<632x128xf32>
    %get3A_4 = arith.constant 1 : index
    %get3A_5 = arith.constant 0 : index
    %get3A_6 = arith.constant 0 : index
    %get3A_7 = vector.load %arg1[%get3A_4, %get3A_5, %get3A_6] : memref<2x632x128xf32, #tpu.memory_space<vmem>>, vector<1x632x128xf32>
    %get3A_8 = vector.shape_cast %get3A_7 : vector<1x632x128xf32> to vector<632x128xf32>
    %add3A = arith.addf %get3A_3, %get3A_8 : vector<632x128xf32>
    %swap3A = arith.constant 0 : index
    %swap3A_9 = arith.constant 0 : index
    %swap3A_10 = vector.load %arg2[%swap3A, %swap3A_9] : memref<632x128xf32, #tpu.memory_space<vmem>>, vector<632x128xf32>
    tpu.vector_store %arg2[%swap3A, %swap3A_9], %add3A {strides = array<i32>} : memref<632x128xf32, #tpu.memory_space<vmem>>, vector<632x128xf32>,
    return
  }
  func.func @transform_0(%arg0: i32) -> (i32, i32, i32) {
    %c0_i32 = arith.constant 0 : i32
    %c0_i32_0 = arith.constant 0 : i32
    %c0_i32_1 = arith.constant 0 : i32
    return %c0_i32, %arg0, %c0_i32_0 : i32, i32, i32
  }
  func.func @transform_1(%arg0: i32) -> (i32, i32) {
    %c0_i32 = arith.constant 0 : i32
    %c0_i32_0 = arith.constant 0 : i32
    return %arg0, %c0_i32 : i32, i32
  }
}

module attributes {stable_mosaic.version = 14 : i64} {
  func.func @_final_body(%arg0: i32, %arg1: memref<632x128xf32, #tpu.memory_space<vmem>>, %arg2: memref<632x128xf32, #tpu.memory_space<vmem>>, %arg3: memref<2x632x128xf32, #tpu.memory_space<vmem>>, %arg4: memref<384x128xf32, #tpu.memory_space<vmem>>, %arg5: memref<384x128xf32, #tpu.memory_space<vmem>>, %arg6: memref<1x128xf32, #tpu.memory_space<vmem>>, %arg7: memref<1x128xf32, #tpu.memory_space<vmem>>, %arg8: memref<128x32xf32, #tpu.memory_space<vmem>>, %arg9: memref<1x32xf32, #tpu.memory_space<vmem>>, %arg10: memref<32x16xf32, #tpu.memory_space<vmem>>, %arg11: memref<1x16xf32, #tpu.memory_space<vmem>>, %arg12: memref<16x128xf32, #tpu.memory_space<vmem>>, %arg13: memref<1x128xf32, #tpu.memory_space<vmem>>, %arg14: memref<632x5xf32, #tpu.memory_space<vmem>>) attributes {dimension_semantics = [#tpu.dimension_semantics<arbitrary>], iteration_bounds = array<i64: 16>, scalar_prefetch = 0 : i64, scratch_operands = 0 : i64, tpu.core_type = #tpu.core_type<tc>, window_params = [{transform_indices = @transform_0, window_bounds = array<i64: 632, 128>}, {transform_indices = @transform_1, window_bounds = array<i64: 632, 128>}, {transform_indices = @transform_2, window_bounds = array<i64: 2, 632, 128>}, {pipeline_mode = #tpu.pipeline_mode<synchronous>, transform_indices = @transform_3, window_bounds = array<i64: 384, 128>}, {pipeline_mode = #tpu.pipeline_mode<synchronous>, transform_indices = @transform_4, window_bounds = array<i64: 384, 128>}, {pipeline_mode = #tpu.pipeline_mode<synchronous>, transform_indices = @transform_5, window_bounds = array<i64: 1, 128>}, {pipeline_mode = #tpu.pipeline_mode<synchronous>, transform_indices = @transform_6, window_bounds = array<i64: 1, 128>}, {pipeline_mode = #tpu.pipeline_mode<synchronous>, transform_indices = @transform_7, window_bounds = array<i64: 128, 32>}, {pipeline_mode = #tpu.pipeline_mode<synchronous>, transform_indices = @transform_8, window_bounds = array<i64: 1, 32>}, {pipeline_mode = #tpu.pipeline_mode<synchronous>, transform_indices = @transform_9, window_bounds = array<i64: 32, 16>}, {pipeline_mode = #tpu.pipeline_mode<synchronous>, transform_indices = @transform_10, window_bounds = array<i64: 1, 16>}, {pipeline_mode = #tpu.pipeline_mode<synchronous>, transform_indices = @transform_11, window_bounds = array<i64: 16, 128>}, {pipeline_mode = #tpu.pipeline_mode<synchronous>, transform_indices = @transform_12, window_bounds = array<i64: 1, 128>}, {transform_indices = @transform_13, window_bounds = array<i64: 632, 5>}]} {
    %get3A = arith.constant 0 : index
    %get3A_0 = arith.constant 0 : index
    %get3A_1 = vector.load %arg1[%get3A, %get3A_0] : memref<632x128xf32, #tpu.memory_space<vmem>>, vector<632x128xf32>
    %get3A_2 = arith.constant 0 : index
    %get3A_3 = arith.constant 0 : index
    %get3A_4 = vector.load %arg2[%get3A_2, %get3A_3] : memref<632x128xf32, #tpu.memory_space<vmem>>, vector<632x128xf32>
    %get3A_5 = arith.constant 0 : index
    %get3A_6 = arith.constant 0 : index
    %get3A_7 = arith.constant 0 : index
    %get3A_8 = vector.load %arg3[%get3A_5, %get3A_6, %get3A_7] : memref<2x632x128xf32, #tpu.memory_space<vmem>>, vector<1x632x128xf32>
    %get3A_9 = vector.shape_cast %get3A_8 : vector<1x632x128xf32> to vector<632x128xf32>
    %get3A_10 = arith.constant 1 : index
    %get3A_11 = arith.constant 0 : index
    %get3A_12 = arith.constant 0 : index
    %get3A_13 = vector.load %arg3[%get3A_10, %get3A_11, %get3A_12] : memref<2x632x128xf32, #tpu.memory_space<vmem>>, vector<1x632x128xf32>
    %get3A_14 = vector.shape_cast %get3A_13 : vector<1x632x128xf32> to vector<632x128xf32>
    %add3A = arith.addf %get3A_9, %get3A_14 : vector<632x128xf32>
    %mul3A = arith.constant 2.000000e+00 : f32
    %mul3A_15 = vector.broadcast %mul3A : f32 to vector<632x128xf32>
    %mul3A_16 = arith.mulf %mul3A_15, %add3A : vector<632x128xf32>
    %sub3A = arith.subf %mul3A_16, %get3A_1 : vector<632x128xf32>
    %concatenate3A = tpu.concatenate %get3A_1, %get3A_4, %sub3A in 1 : vector<632x128xf32>, vector<632x128xf32>, vector<632x128xf32> -> vector<632x384xf32>
    %get3A_17 = arith.constant 0 : index
    %get3A_18 = arith.constant 0 : index
    %get3A_19 = vector.load %arg4[%get3A_17, %get3A_18] : memref<384x128xf32, #tpu.memory_space<vmem>>, vector<384x128xf32>
    %dot_general3A = arith.constant dense<0.000000e+00> : vector<632x128xf32>
    %dot_general3A_20 = tpu.matmul %concatenate3A, %get3A_19, %dot_general3A {dimension_numbers = #tpu.dot_dimension_numbers<[1], [0], [0], [1], [0, 0, 1, 1], [], []>, transpose_lhs_hint = false} : vector<632x384xf32>, vector<384x128xf32>, vector<632x128xf32> -> vector<632x128xf32>
    %get3A_21 = arith.constant 0 : index
    %get3A_22 = arith.constant 0 : index
    %get3A_23 = vector.load %arg6[%get3A_21, %get3A_22] : memref<1x128xf32, #tpu.memory_space<vmem>>, vector<1x128xf32>
    %add3A_24 = vector.broadcast %get3A_23 : vector<1x128xf32> to vector<632x128xf32>
    %add3A_25 = arith.addf %dot_general3A_20, %add3A_24 : vector<632x128xf32>
    %get3A_26 = arith.constant 0 : index
    %get3A_27 = arith.constant 0 : index
    %get3A_28 = vector.load %arg5[%get3A_26, %get3A_27] : memref<384x128xf32, #tpu.memory_space<vmem>>, vector<384x128xf32>
    %dot_general3A_29 = arith.constant dense<0.000000e+00> : vector<632x128xf32>
    %dot_general3A_30 = tpu.matmul %concatenate3A, %get3A_28, %dot_general3A_29 {dimension_numbers = #tpu.dot_dimension_numbers<[1], [0], [0], [1], [0, 0, 1, 1], [], []>, transpose_lhs_hint = false} : vector<632x384xf32>, vector<384x128xf32>, vector<632x128xf32> -> vector<632x128xf32>
    %get3A_31 = arith.constant 0 : index
    %get3A_32 = arith.constant 0 : index
    %get3A_33 = vector.load %arg7[%get3A_31, %get3A_32] : memref<1x128xf32, #tpu.memory_space<vmem>>, vector<1x128xf32>
    %add3A_34 = vector.broadcast %get3A_33 : vector<1x128xf32> to vector<632x128xf32>
    %add3A_35 = arith.addf %dot_general3A_30, %add3A_34 : vector<632x128xf32>
    %logistic3A = arith.negf %add3A_25 : vector<632x128xf32>
    %logistic3A_36 = math.exp %logistic3A : vector<632x128xf32>
    %logistic3A_37 = arith.constant 1.000000e+00 : f32
    %logistic3A_38 = vector.broadcast %logistic3A_37 : f32 to vector<632x128xf32>
    %logistic3A_39 = arith.addf %logistic3A_38, %logistic3A_36 : vector<632x128xf32>
    %logistic3A_40 = arith.divf %logistic3A_38, %logistic3A_39 : vector<632x128xf32>
    %sub3A_41 = arith.constant 1.000000e+00 : f32
    %sub3A_42 = vector.broadcast %sub3A_41 : f32 to vector<632x128xf32>
    %sub3A_43 = arith.subf %sub3A_42, %logistic3A_40 : vector<632x128xf32>
    %tanh3A = math.tanh %add3A_35 : vector<632x128xf32>
    %mul3A_44 = arith.mulf %sub3A_43, %tanh3A : vector<632x128xf32>
    %max3A = arith.constant 0.000000e+00 : f32
    %max3A_45 = vector.broadcast %max3A : f32 to vector<632x128xf32>
    %max3A_46 = arith.maximumf %mul3A_44, %max3A_45 : vector<632x128xf32>
    %get3A_47 = arith.constant 0 : index
    %get3A_48 = arith.constant 0 : index
    %get3A_49 = vector.load %arg8[%get3A_47, %get3A_48] : memref<128x32xf32, #tpu.memory_space<vmem>>, vector<128x32xf32>
    %dot_general3A_50 = arith.constant dense<0.000000e+00> : vector<632x32xf32>
    %dot_general3A_51 = tpu.matmul %max3A_46, %get3A_49, %dot_general3A_50 {dimension_numbers = #tpu.dot_dimension_numbers<[1], [0], [0], [1], [0, 0, 1, 1], [], []>, transpose_lhs_hint = false} : vector<632x128xf32>, vector<128x32xf32>, vector<632x32xf32> -> vector<632x32xf32>
    %get3A_52 = arith.constant 0 : index
    %get3A_53 = arith.constant 0 : index
    %get3A_54 = vector.load %arg9[%get3A_52, %get3A_53] : memref<1x32xf32, #tpu.memory_space<vmem>>, vector<1x32xf32>
    %add3A_55 = vector.broadcast %get3A_54 : vector<1x32xf32> to vector<632x32xf32>
    %add3A_56 = arith.addf %dot_general3A_51, %add3A_55 : vector<632x32xf32>
    %max3A_57 = arith.constant 0.000000e+00 : f32
    %max3A_58 = vector.broadcast %max3A_57 : f32 to vector<632x32xf32>
    %max3A_59 = arith.maximumf %add3A_56, %max3A_58 : vector<632x32xf32>
    %get3A_60 = arith.constant 0 : index
    %get3A_61 = arith.constant 0 : index
    %get3A_62 = vector.load %arg10[%get3A_60, %get3A_61] : memref<32x16xf32, #tpu.memory_space<vmem>>, vector<32x16xf32>
    %dot_general3A_63 = arith.constant dense<0.000000e+00> : vector<632x16xf32>
    %dot_general3A_64 = tpu.matmul %max3A_59, %get3A_62, %dot_general3A_63 {dimension_numbers = #tpu.dot_dimension_numbers<[1], [0], [0], [1], [0, 0, 1, 1], [], []>, transpose_lhs_hint = false} : vector<632x32xf32>, vector<32x16xf32>, vector<632x16xf32> -> vector<632x16xf32>
    %get3A_65 = arith.constant 0 : index
    %get3A_66 = arith.constant 0 : index
    %get3A_67 = vector.load %arg11[%get3A_65, %get3A_66] : memref<1x16xf32, #tpu.memory_space<vmem>>, vector<1x16xf32>
    %add3A_68 = vector.broadcast %get3A_67 : vector<1x16xf32> to vector<632x16xf32>
    %add3A_69 = arith.addf %dot_general3A_64, %add3A_68 : vector<632x16xf32>
    %max3A_70 = arith.constant 0.000000e+00 : f32
    %max3A_71 = vector.broadcast %max3A_70 : f32 to vector<632x16xf32>
    %max3A_72 = arith.maximumf %add3A_69, %max3A_71 : vector<632x16xf32>
    %get3A_73 = arith.constant 0 : index
    %get3A_74 = arith.constant 0 : index
    %get3A_75 = vector.load %arg12[%get3A_73, %get3A_74] : memref<16x128xf32, #tpu.memory_space<vmem>>, vector<16x128xf32>
    %dot_general3A_76 = arith.constant dense<0.000000e+00> : vector<632x128xf32>
    %dot_general3A_77 = tpu.matmul %max3A_72, %get3A_75, %dot_general3A_76 {dimension_numbers = #tpu.dot_dimension_numbers<[1], [0], [0], [1], [0, 0, 1, 1], [], []>, transpose_lhs_hint = false} : vector<632x16xf32>, vector<16x128xf32>, vector<632x128xf32> -> vector<632x128xf32>
    %get3A_78 = arith.constant 0 : index
    %get3A_79 = arith.constant 0 : index
    %get3A_80 = vector.load %arg13[%get3A_78, %get3A_79] : memref<1x128xf32, #tpu.memory_space<vmem>>, vector<1x128xf32>
    %add3A_81 = vector.broadcast %get3A_80 : vector<1x128xf32> to vector<632x128xf32>
    %add3A_82 = arith.addf %dot_general3A_77, %add3A_81 : vector<632x128xf32>
    %iota3A = tpu.iota {dimensions = array<i32: 1>} : vector<632x128xi32>
    %lt3A = arith.constant 5 : i32
    %lt3A_83 = vector.broadcast %lt3A : i32 to vector<632x128xi32>
    %lt3A_84 = arith.cmpi slt, %iota3A, %lt3A_83 : vector<632x128xi32>
    %jit3A = arith.constant -1.000000e+30 : f32
    %broadcast_in_dim3A = vector.broadcast %jit3A : f32 to vector<632x128xf32>
    %select_n3A = arith.select %lt3A_84, %add3A_82, %broadcast_in_dim3A : vector<632x128xi1>, vector<632x128xf32>
    %reduce_max3A = arith.constant dense<0xFF800000> : vector<632xf32>
    %reduce_max3A_85 = vector.multi_reduction <maximumf>, %select_n3A, %reduce_max3A [1] : vector<632x128xf32> to vector<632xf32>
    %broadcast_in_dim3A_86 = vector.shape_cast %reduce_max3A_85 : vector<632xf32> to vector<632x1xf32>
    %sub3A_87 = vector.broadcast %broadcast_in_dim3A_86 : vector<632x1xf32> to vector<632x128xf32>
    %sub3A_88 = arith.subf %add3A_82, %sub3A_87 : vector<632x128xf32>
    %exp3A = math.exp %sub3A_88 : vector<632x128xf32>
    %jit3A_89 = arith.constant 0.000000e+00 : f32
    %broadcast_in_dim3A_90 = vector.broadcast %jit3A_89 : f32 to vector<632x128xf32>
    %select_n3A_91 = arith.select %lt3A_84, %exp3A, %broadcast_in_dim3A_90 : vector<632x128xi1>, vector<632x128xf32>
    %reduce_sum3A = arith.constant dense<0.000000e+00> : vector<632xf32>
    %reduce_sum3A_92 = vector.multi_reduction <add>, %select_n3A_91, %reduce_sum3A [1] : vector<632x128xf32> to vector<632xf32>
    %broadcast_in_dim3A_93 = vector.shape_cast %reduce_sum3A_92 : vector<632xf32> to vector<632x1xf32>
    %sub3A_94 = vector.broadcast %broadcast_in_dim3A_86 : vector<632x1xf32> to vector<632x128xf32>
    %sub3A_95 = arith.subf %add3A_82, %sub3A_94 : vector<632x128xf32>
    %log3A = math.log %broadcast_in_dim3A_93 : vector<632x1xf32>
    %sub3A_96 = vector.broadcast %log3A : vector<632x1xf32> to vector<632x128xf32>
    %sub3A_97 = arith.subf %sub3A_95, %sub3A_96 : vector<632x128xf32>
    %slice3A = vector.extract_strided_slice %sub3A_97 {offsets = [0, 0], sizes = [632, 5], strides = [1, 1]} : vector<632x128xf32> to vector<632x5xf32>
    %swap3A = arith.constant 0 : index
    %swap3A_98 = arith.constant 0 : index
    %swap3A_99 = vector.load %arg14[%swap3A, %swap3A_98] : memref<632x5xf32, #tpu.memory_space<vmem>>, vector<632x5xf32>
    tpu.vector_store %arg14[%swap3A, %swap3A_98], %slice3A {strides = array<i32>} : memref<632x5xf32, #tpu.memory_space<vmem>>, vector<632x5xf32>,
    return
  }
  func.func @transform_0(%arg0: i32) -> (i32, i32) {
    %c0_i32 = arith.constant 0 : i32
    %c0_i32_0 = arith.constant 0 : i32
    return %arg0, %c0_i32 : i32, i32
  }
  func.func @transform_1(%arg0: i32) -> (i32, i32) {
    %c0_i32 = arith.constant 0 : i32
    %c0_i32_0 = arith.constant 0 : i32
    return %arg0, %c0_i32 : i32, i32
  }
  func.func @transform_2(%arg0: i32) -> (i32, i32, i32) {
    %c0_i32 = arith.constant 0 : i32
    %c0_i32_0 = arith.constant 0 : i32
    %c0_i32_1 = arith.constant 0 : i32
    return %c0_i32, %arg0, %c0_i32_0 : i32, i32, i32
  }
  func.func @transform_3(%arg0: i32) -> (i32, i32) {
    %c0_i32 = arith.constant 0 : i32
    %c0_i32_0 = arith.constant 0 : i32
    %c0_i32_1 = arith.constant 0 : i32
    return %c0_i32, %c0_i32_0 : i32, i32
  }
  func.func @transform_4(%arg0: i32) -> (i32, i32) {
    %c0_i32 = arith.constant 0 : i32
    %c0_i32_0 = arith.constant 0 : i32
    %c0_i32_1 = arith.constant 0 : i32
    return %c0_i32, %c0_i32_0 : i32, i32
  }
  func.func @transform_5(%arg0: i32) -> (i32, i32) {
    %c0_i32 = arith.constant 0 : i32
    %c0_i32_0 = arith.constant 0 : i32
    %c0_i32_1 = arith.constant 0 : i32
    return %c0_i32, %c0_i32_0 : i32, i32
  }
  func.func @transform_6(%arg0: i32) -> (i32, i32) {
    %c0_i32 = arith.constant 0 : i32
    %c0_i32_0 = arith.constant 0 : i32
    %c0_i32_1 = arith.constant 0 : i32
    return %c0_i32, %c0_i32_0 : i32, i32
  }
  func.func @transform_7(%arg0: i32) -> (i32, i32) {
    %c0_i32 = arith.constant 0 : i32
    %c0_i32_0 = arith.constant 0 : i32
    %c0_i32_1 = arith.constant 0 : i32
    return %c0_i32, %c0_i32_0 : i32, i32
  }
  func.func @transform_8(%arg0: i32) -> (i32, i32) {
    %c0_i32 = arith.constant 0 : i32
    %c0_i32_0 = arith.constant 0 : i32
    %c0_i32_1 = arith.constant 0 : i32
    return %c0_i32, %c0_i32_0 : i32, i32
  }
  func.func @transform_9(%arg0: i32) -> (i32, i32) {
    %c0_i32 = arith.constant 0 : i32
    %c0_i32_0 = arith.constant 0 : i32
    %c0_i32_1 = arith.constant 0 : i32
    return %c0_i32, %c0_i32_0 : i32, i32
  }
  func.func @transform_10(%arg0: i32) -> (i32, i32) {
    %c0_i32 = arith.constant 0 : i32
    %c0_i32_0 = arith.constant 0 : i32
    %c0_i32_1 = arith.constant 0 : i32
    return %c0_i32, %c0_i32_0 : i32, i32
  }
  func.func @transform_11(%arg0: i32) -> (i32, i32) {
    %c0_i32 = arith.constant 0 : i32
    %c0_i32_0 = arith.constant 0 : i32
    %c0_i32_1 = arith.constant 0 : i32
    return %c0_i32, %c0_i32_0 : i32, i32
  }
  func.func @transform_12(%arg0: i32) -> (i32, i32) {
    %c0_i32 = arith.constant 0 : i32
    %c0_i32_0 = arith.constant 0 : i32
    %c0_i32_1 = arith.constant 0 : i32
    return %c0_i32, %c0_i32_0 : i32, i32
  }
  func.func @transform_13(%arg0: i32) -> (i32, i32) {
    %c0_i32 = arith.constant 0 : i32
    %c0_i32_0 = arith.constant 0 : i32
    return %arg0, %c0_i32 : i32, i32
  }
}

</mosaic_0001>

<sc_bundles>
// kernel: kernel.11.cloned.1.call-start
scs
__scs_entry_jumppad:
0x0: {  	(pc) =	sbr.rel $0x88, $3  }
0x1: {  	(tag) =	ssettag $0x0;
	lr =	simm.s32 $0x1  }
0x2: {  	[smem:$0x3F92] =	sst lr;
	_ =	strace $0xD0000000  }
0x3: {  	_ = 	snop  }
0x4: {  	_ = 	snop  }
0x5: {  	_ = 	snop  }
0x6: {  	_ = 	snop  }
0x7: {  	_ = 	snop  }
__scs_overlays_trampoline_lowered:
0x8: {  	[smem:$0x3FA1] =	sst s0  }
0x9: {  	[smem:$0x3FA2] =	sst s1  }
0xa: {  	[smem:$0x3FA3] =	sst s2  }
0xb: {  	[smem:$0x3FA4] =	sst s3  }
0xc: {  	[smem:$0x3FA5] =	sst s4  }
0xd: {  	[smem:$0x3FA6] =	sst s5  }
0xe: {  	[smem:$0x3FA7] =	sst s6  }
0xf: {  	[smem:$0x3FA8] =	sst s7  }
0x10: {  	[smem:$0x3FA9] =	sst s8  }
0x11: {  	[smem:$0x3FAA] =	sst s9;
	s0 =	simm.s32 @!p0 $0x0  }
0x12: {  	s1 =	sld [smem:$0x3F90];
	s0 =	simm.s32 @p0 $0x1  }
0x13: {  	[smem:$0x3FAB] =	sst s0;
	s0 =	simm.s32 @!p1 $0x0  }
0x14: {  	s2 =	sld [smem:$0x3F8F];
	s0 =	simm.s32 @p1 $0x1  }
0x15: {  	[smem:$0x3FAC] =	sst s0;
	s0 =	simm.s32 @!p2 $0x0  }
0x16: {  	s3 =	sld [smem:$0x3FDB];
	s0 =	simm.s32 @p2 $0x1  }
0x17: {  	s4 =	simm.s32 $0x1BF5;
	[smem:$0x3FAE] =	sst s0  }
0x18: {  	s0 =	sld [smem:$0x3F91];
	_ =	swait.ge [sflag:s4], $0x0  }
0x19: {  	s7 =	sld [smem:$0x3F92]  }
0x1a: {  	s8 =	sadd.s32 $0xFFFFE003, lr  }
0x1b: {  	s9 =	sadd.s32 $0xFFFFFEF7, lr;
	s5 =	simm.s32 $0xFFFFFFFF;
	p2 =	slt.u32 s8, $0xFFFFF086  }
0x1c: {  	p1 =	slt.u32 s9, $0xF7A;
	s5 =	simm.s32 @!p2 $0x0  }
0x1d: {  	s5 =	simm.s32 @p1 $0x1;
	p0 =	seq.s32 s7, s2  }
0x1e: {  	s7 =	smul.u32 @!p0 $0xF7A, s2;
	p2 =	seq.s32 @!p0 s5, $0x0  }
0x1f: {  	s9 =	smul.u32 $0xF7A, s1;
	s8 =	simm.s32 @!p0 $0x1BF5;
	p2 =	por !p2, p0  }
0x20: {  	[sflag:s8] =	ssyncset.s32 @!p0 $0xFFFFF086;
	s6 =	sadd.s32 @!p0 s3, s7;
	s7 =	simm.s32 @!p0 $0x108  }
0x21: {  	s3 =	sadd.s32 s3, s9;
	s6 =	sadd.s32 @!p0 $0x88, s6;
	s7 =	simm.s32 @p2 $0x1082  }
0x22: {  	[simem:s7], [sflag:s8] =	dma.local @!p0 [hbm:s6], $0xF7A  }
0x23: {  	s9 =	sor.u32 $0xD0000000, s2;
	s6 =	simm.s32 $0x108;
	_ =	swait.ge @!p0 [sflag:s8], $0x0  }
0x24: {  	s3 =	sadd.s32 $0x88, s3;
	s6 =	simm.s32 @!p1 $0x1082;
	[sflag:s4] =	ssyncset.s32 $0xFFFFF086  }
0x25: {  	[simem:s6], [sflag:s4] =	dma.local [hbm:s3], $0xF7A  }
0x26: {  	[smem:$0x3F92] =	sst s1;
	(tag) =	ssettag s2;
	_ =	strace s9  }
0x27: {  	s1 =	sld [smem:$0x3FA2]  }
0x28: {  	s2 =	sld [smem:$0x3FA3]  }
0x29: {  	s4 =	sld [smem:$0x3FA5]  }
0x2a: {  	p0 =	seq.s32 s5, $0x0;
	s5 =	sld [smem:$0x3FA6]  }
0x2b: {  	s6 =	sld [smem:$0x3FA7]  }
0x2c: {  	s7 =	sld [smem:$0x3FA8]  }
0x2d: {  	s3 =	simm.s32 $0x108;
	s8 =	sld [smem:$0x3FA9]  }
0x2e: {  	s3 =	simm.s32 @!p0 $0x1082;
	s9 =	sld [smem:$0x3FAA]  }
0x2f: {  	lr =	sadd.s32 s0, s3;
	s0 =	sld [smem:$0x3FA1]  }
0x30: {  	s3 =	sld [smem:$0x3FA4]  }
0x31: {  	[smem:$0x3FAD] =	sst s10  }
0x32: {  	s10 =	sld [smem:$0x3FAB];
	_ =	sdelay $0x3  }
0x33: {  	p0 =	seq.s32 s10, $0x1;
	s10 =	sld [smem:$0x3FAD];
	_ =	sdelay $0x3  }
0x34: {  	[smem:$0x3FAD] =	sst s10  }
0x35: {  	s10 =	sld [smem:$0x3FAC];
	_ =	sdelay $0x3  }
0x36: {  	p1 =	seq.s32 s10, $0x1;
	s10 =	sld [smem:$0x3FAD];
	_ =	sdelay $0x3  }
0x37: {  	[smem:$0x3FAD] =	sst s10  }
0x38: {  	s10 =	sld [smem:$0x3FAE]  }
0x39: {  	_ = 	snop;
	(pc) =	sbr.ind lr, $3  }
0x3a: {  	_ = 	snop  }
0x3b: {  	_ = 	snop  }
0x3c: {  	p2 =	seq.s32 s10, $0x1;
	s10 =	sld [smem:$0x3FAD]  }
0x3d: {  	_ =	shalt  }
0x3e: {  	_ =	shalt  }
0x3f: {  	_ =	shalt  }
0x40: {  	_ =	shalt  }
0x41: {  	_ =	shalt  }
0x42: {  	_ =	shalt  }
0x43: {  	_ =	shalt  }
0x44: {  	_ =	shalt  }
0x45: {  	_ =	shalt  }
0x46: {  	_ =	shalt  }
0x47: {  	_ =	shalt  }
0x48: {  	_ =	shalt  }
0x49: {  	_ =	shalt  }
0x4a: {  	_ =	shalt  }
0x4b: {  	_ =	shalt  }
0x4c: {  	_ =	shalt  }
0x4d: {  	_ =	shalt  }
0x4e: {  	_ =	shalt  }
0x4f: {  	_ =	shalt  }
0x50: {  	_ =	shalt  }
0x51: {  	_ =	shalt  }
0x52: {  	_ =	shalt  }
0x53: {  	_ =	shalt  }
0x54: {  	_ =	shalt  }
0x55: {  	_ =	shalt  }
0x56: {  	_ =	shalt  }
0x57: {  	_ =	shalt  }
0x58: {  	_ =	shalt  }
0x59: {  	_ =	shalt  }
0x5a: {  	_ =	shalt  }
0x5b: {  	_ =	shalt  }
0x5c: {  	_ =	shalt  }
0x5d: {  	_ =	shalt  }
0x5e: {  	_ =	shalt  }
0x5f: {  	_ =	shalt  }
0x60: {  	_ =	shalt  }
0x61: {  	_ =	shalt  }
0x62: {  	_ =	shalt  }
0x63: {  	_ =	shalt  }
0x64: {  	_ =	shalt  }
0x65: {  	_ =	shalt  }
0x66: {  	_ =	shalt  }
0x67: {  	_ =	shalt  }
0x68: {  	_ =	shalt  }
0x69: {  	_ =	shalt  }
0x6a: {  	_ =	shalt  }
0x6b: {  	_ =	shalt  }
0x6c: {  	_ =	shalt  }
0x6d: {  	_ =	shalt  }
0x6e: {  	_ =	shalt  }
0x6f: {  	_ =	shalt  }
0x70: {  	_ =	shalt  }
0x71: {  	_ =	shalt  }
0x72: {  	_ =	shalt  }
0x73: {  	_ =	shalt  }
0x74: {  	_ =	shalt  }
0x75: {  	_ =	shalt  }
0x76: {  	_ =	shalt  }
0x77: {  	_ =	shalt  }
0x78: {  	_ =	shalt  }
0x79: {  	_ =	shalt  }
0x7a: {  	_ =	shalt  }
0x7b: {  	_ =	shalt  }
0x7c: {  	_ =	shalt  }
0x7d: {  	_ =	shalt  }
0x7e: {  	_ =	shalt  }
0x7f: {  	_ =	shalt  }
0x80: {  	_ =	shalt  }
0x81: {  	_ =	shalt  }
0x82: {  	_ =	shalt  }
0x83: {  	_ =	shalt  }
0x84: {  	_ =	shalt  }
0x85: {  	_ =	shalt  }
0x86: {  	_ =	shalt  }
0x87: {  	_ =	shalt  }
.Lfunc_end0:
.L_simem_size_0:
called_computation.1_lowered:
.L_overlay_start_0:
0x88: {  	s2 =	sld [smem:$0x3FD9]  }
0x89: {  	s3 =	sld [smem:$0x3FFE];
	_ =	sdelay $0x1  }
0x8a: {  	s1 =	srdreg.scid  }
0x8b: {  	s0 =	sand.u32 $0x1, s1  }
0x8c: {  	s17 =	sshll.u32 s0, $0xA;
	s2 =	sadd.s32 s3, s2  }
0x8d: {  	s2 =	sadd.s32 s2, s17  }
0x8e: {  	[smem:$0x3FB9] =	sst s2  }
0x8f: {  	_ = 	snop  }
0x90: {  	s2 =	sld [smem:$0x3FD0];
	(tm) =	ssettm $0x1  }
0x91: {  	s18 =	sld [smem:$0x3FFB];
	_ =	sdelay $0x3  }
0x92: {  	_ =	strace s18  }
0x93: {  	s3 =	sld [smem:$0x3FFC];
	_ =	sdelay $0x3  }
0x94: {  	_ =	strace s3  }
0x95: {  	s3 =	sld [smem:$0x3FFD];
	_ =	sdelay $0x3  }
0x96: {  	_ =	strace s3  }
0x97: {  	_ =	strace $0x8FFFFFFF  }
0x98: {  	s19 =	sld [smem:$0x3FDB];
	_ =	sdelay $0x1  }
0x99: {  	s4 =	simm.s32 $_scs_section_size  }
0x9a: {  	s5 =	simm.s32 $_size__tile_overlayer_lowered;
	s6 =	simm.s32 $_tile_overlayer_lowered  }
0x9b: {  	s22 =	simm.s32 $0x1BFF;
	s21 =	sshll.u32 s6, $0x1;
	s3 =	sadd.s32 s4, s19  }
0x9c: {  	s7 =	simm.s32 $0x0;
	s20 =	sshll.u32 s5, $0x1;
	s5 =	sadd.s32 s21, s3  }
0x9d: {  	[timem:s7], [sflag:s22] =	dma.local [hbm:s5], s20  }
0x9e: {  	_ =	swait.ge [sflag:s22], s20  }
0x9f: {  	s4 =	ssub.s32 $0x0, s20;
	[sflag:s22] =	ssyncset.done $0x0  }
0xa0: {  	[sflag:s22] =	ssyncadd.s32 s4;
	_ =	sdelay $0x1  }
0xa1: {  	s23 =	simm.s32 $0x1B8B  }
0xa2: {  	_ =	swait.ge [sflag:s23], $0x1  }
0xa3: {  	[sflag:s23] =	ssyncset.done $0x0  }
0xa4: {  	s25 =	simm.s32 $0x1B8E;
	s24 =	sld [smem:$0x3FFE];
	[sflag:s23] =	ssyncadd.s32 $0xFFFFFFFF  }
0xa5: {  	s26 =	simm.s32 $execute0_lowered;
	[smem:$0x3FD2] =	sst s25  }
0xa6: {  	s5 =	sshll.u32 s26, $0x1;
	_ =	strace $0x80000049;
	[dreg:$0x1] =	wrdreg $0xFFFFFFFF  }
0xa7: {  	s28 =	simm.s32 $_size_execute0_lowered;
	s3 =	sadd.s32 s3, s5;
	[dreg:$0x0] =	wrdreg $0x0  }
0xa8: {  	s5 =	sshll.u32 s28, $0x1;
	[dreg:$0x2] =	wrdreg s3  }
0xa9: {  	[dreg:$0x3] =	wrdreg s5  }
0xaa: {  	[dreg:$0x4] =	wrdreg $0xC0  }
0xab: {  	_ =	task [dreg:s7], $0x5FFFF  }
0xac: {  	[dreg:$0x1] =	wrdreg $0xFFFFFFFF  }
0xad: {  	[dreg:$0x0] =	wrdreg $0x60  }
0xae: {  	[dreg:$0x2] =	wrdreg s24  }
0xaf: {  	[dreg:$0x3] =	wrdreg s2  }
0xb0: {  	[dreg:$0x4] =	wrdreg $0xBB800  }
0xb1: {  	[dreg:$0x5] =	wrdreg $0x9  }
0xb2: {  	_ =	task.clear_ibuf [dreg:s7], $0x6FFFF;
	_ =	strace $0x90000049  }
0xb3: {  	s29 =	simm.s32 $0x9;
	_ =	strace $0x8000004B  }
0xb4: {  	_ =	swait.ge [sflag:s29], $0x1  }
0xb5: {  	[sflag:s29] =	ssyncadd.s32 $0xFFFFFFFF  }
0xb6: {  	_ =	strace $0x9000004B  }
0xb7: {  	_ =	sfence  }
0xb8: {  	s30 =	sld [smem:$0x0];
	_ =	sdelay $0x2  }
0xb9: {  	s31 =	sshll.u32 s1, $0xD;
	s1 =	sshrl.u32 s1, $0x2  }
0xba: {  	s3 =	sand.u32 $0x4000, s31;
	s1 =	sadd.s32 s1, s30  }
0xbb: {  	s0 =	sor.u32 s3, s0;
	s1 =	sshll.u32 s1, $0x11  }
0xbc: {  	s0 =	sor.u32 s1, s0  }
0xbd: {  	s0 =	sadd.s32 $0x8F2B, s0  }
0xbe: {  	[sflag:s0] =	ssyncadd.remote.s32 $0x1  }
0xbf: {  	_ =	sfence.sel $0xFFFF  }
0xc0: {  	[dreg:$0x0] =	wrdreg $0xFFFFFFFF;
	(pc) =	sbr.abs _section_cstart, $3  }
0xc1: {  	[dreg:$0x1] =	wrdreg $0xFFFFFFFF  }
0xc2: {  	_ =	task.clear_ibuf [dreg:s7], $0x2FFFF;
	_ =	strace $0x9FFFFFFF  }
0xc3: {  	(tm) =	ssettm $0x7FFFFFFF  }
tec
execute0_lowered:
.L_overlay_start_1:
0x0: {  	(tag) =	ssettag $0x1  }
0x1: {  	s0 =	rddreg [dreg:$0x0]  }
0x2: {  	s2 =	rddreg [dreg:$0x2];
	s1 =	simm.s32 $0x0  }
0x3: {  	s18 =	stileid.u32;
	s3 =	srdreg.scid;
	s16 =	simm.s32 $0xC00  }
0x4: {  	s17 =	simm.s32 $0x3;
	s20 =	simm.s32 $0x400;
	s21 =	simm.s32 $0x800  }
0x5: {  	s28 =	simm.s32 $0x1;
	s29 =	simm.s32 $0x2;
	[smem:$0x7FF] =	sst s1  }
0x6: {  	s5 =	sadd.s32 $0x35200, s0;
	s6 =	sadd.s32 $0x16C00, s0;
	s22 =	smul.u32 $0x13C00, s18  }
0x7: {  	s7 =	sadd.s32 $0xCC00, s0;
	s8 =	sadd.s32 $0x2AC00, s0;
	s12 =	smul.u32 $0xA0, s18  }
0x8: {  	s3 =	sand.u32 $0x1, s3;
	s9 =	sadd.s32 $0x20C00, s0;
	s15 =	smul.u32 $0x4F000, s18  }
0x9: {  	s10 =	sadd.s32 $0x2C00, s0;
	s31 =	sshll.u32 s18, $0x6;
	s11 =	smul.u32 $0x13C000, s3  }
0xa: {  	_ =	strace $0x8000004A;
	s23 =	ssub.s32 $0x2, s3;
	s13 =	smul.u32 $0x78, s3  }
0xb: {  	p0 =	seq.s32 s3, $0x0;
	s4 =	sshrl.u32 s22, $0x3;
	s14 =	sshrl.u32 s23, $0x1  }
0xc: {  	s25 =	sshrl.u32 s15, $0x2;
	s4 =	sadd.s32 s4, s0;
	s1 =	sadd.s32 s22, s11  }
0xd: {  	s24 =	ssub.s32 s23, s14;
	s12 =	sadd.s32 s13, s12;
	s11 =	simm.s32 $0xF  }
0xe: {  	s26 =	sadd.s32 s25, s2;
	s22 =	simm.s32 $0x3380;
	s23 =	simm.s32 $0x3780  }
0xf: {  	s25 =	simm.s32 $0x3B80;
	s1 =	sshrl.u32 s1, $0x3;
	s4 =	sadd.s32 $0x5CA00, s4  }
0x10: {  	s11 =	simm.s32 @!p0 $0x5;
	s30 =	smax.u32 s24, $0x1;
	[dreg:$0x4] =	wrdreg s4  }
0x11: {  	s13 =	sshll.u32 s12, $0x4;
	s3 =	sshrl.u32 s26, $0x3;
	[dreg:$0x6] =	wrdreg s30  }
0x12: {  	s0 =	sadd.s32 s1, s0;
	s4 =	sor.u32 $0x1C03, s31;
	[dreg:$0x8] =	wrdreg s3  }
0x13: {  	s24 =	simm.s32 $0x80;
	s0 =	sadd.s32 $0x84200, s0;
	[dreg:$0x7] =	wrdreg s4  }
0x14: {  	s26 =	simm.s32 $0x7B80;
	s1 =	simm.s32 $0x0;
	[dreg:$0x5] =	wrdreg s0  }
.LBB2_1:
0x15: {  	[dreg:$0x9] =	wrdreg s1  }
0x16: {  	s0 =	rddreg [dreg:$0x1];
	s19 =	simm.s32 $0x0  }
0x17: {  	[tilespmem:s16], [sflag:$0x3] =	stream.linear.gather [hbm4b:s0+s19], $0x2780, $0x38;
	[tilespmem:$0x1F780] =	vst v63  }
0x18: {  	_ =	swait.ge [sflag:s17], $0x2780  }
0x19: {  	[sflag:s17] =	ssyncset.done $0x0  }
0x1a: {  	s30 =	rddreg [dreg:$0x4];
	[sflag:s17] =	ssyncadd.s32 $0xFFFFD880  }
0x1b: {  	[spmem:s3], [sflag:s4] =	dma.local [hbm:s30], $0x2780  }
0x1c: {  	_ =	swait.ge [sflag:s17], $0x2780  }
0x1d: {  	[sflag:s17] =	ssyncset.done $0x0  }
0x1e: {  	[sflag:s17] =	ssyncadd.s32 $0xFFFFD880  }
0x1f: {  	s31 =	simm.s32 $0x0;
	[bflag:$0x0] =	sbarrier.arrive $0xFFFF  }
.LBB2_2:
0x20: {  	s0 =	sshll.u32 s31, $0x7  }
0x21: {  	s0 =	sadd.s32 s13, s0  }
0x22: {  	s3 =	simm.s32 $0x0;
	s1 =	sadd.s32 s6, s0  }
0x23: {  	[tilespmem:s3], [sflag:$0x3] =	stream.linear.gather [hbm4b:s1+s3], $0x400, $0x38;
	[tilespmem:$0x1F780] =	vst v63  }
0x24: {  	_ =	swait.ge [sflag:s17], $0x400  }
0x25: {  	[sflag:s17] =	ssyncset.done $0x0  }
0x26: {  	s18 =	sadd.s32 s7, s0;
	[sflag:s17] =	ssyncadd.s32 $0xFFFFFC00  }
0x27: {  	[tilespmem:s20], [sflag:$0x3] =	stream.linear.gather [hbm4b:s18+s3], $0x400, $0x38;
	[tilespmem:$0x1F780] =	vst v63  }
0x28: {  	_ =	swait.ge [sflag:s17], $0x400  }
0x29: {  	[sflag:s17] =	ssyncset.done $0x0  }
0x2a: {  	s19 =	sadd.s32 s8, s0;
	[sflag:s17] =	ssyncadd.s32 $0xFFFFFC00  }
0x2b: {  	[tilespmem:s21], [sflag:$0x3] =	stream.linear.gather [hbm4b:s19+s3], $0x400, $0x38;
	[tilespmem:$0x1F780] =	vst v63  }
0x2c: {  	_ =	swait.ge [sflag:s17], $0x400  }
0x2d: {  	[sflag:s17] =	ssyncset.done $0x0  }
0x2e: {  	s30 =	sadd.s32 s9, s0;
	[sflag:s17] =	ssyncadd.s32 $0xFFFFFC00  }
0x2f: {  	[tilespmem:s22], [sflag:$0x3] =	stream.linear.gather [hbm4b:s30+s3], $0x400, $0x38;
	[tilespmem:$0x1F780] =	vst v63  }
0x30: {  	_ =	swait.ge [sflag:s17], $0x400  }
0x31: {  	[sflag:s17] =	ssyncset.done $0x0  }
0x32: {  	s0 =	sadd.s32 s10, s0;
	[sflag:s17] =	ssyncadd.s32 $0xFFFFFC00  }
0x33: {  	[tilespmem:s23], [sflag:$0x3] =	stream.linear.gather [hbm4b:s0+s3], $0x400, $0x38;
	[tilespmem:$0x1F780] =	vst v63  }
0x34: {  	_ =	swait.ge [sflag:s17], $0x400  }
0x35: {  	[sflag:s17] =	ssyncset.done $0x0  }
0x36: {  	s0 =	simm.s32 $0x0;
	[sflag:s17] =	ssyncadd.s32 $0xFFFFFC00  }
0x37: {  	v0 =	vld [tilespmem:s0+$0x0];
	_ =	sdelay $0x1  }
0x38: {  	v1 =	vld [tilespmem:s0+$0x400];
	_ =	sdelay $0x4  }
0x39: {  	v4 =	vld [tilespmem:s0+$0x800]  }
0x3a: {  	v2 =	vld.idx.msk [tilespmem:v0+s16+$0x0], $0xffff;
	_ =	sdelay $0x1  }
0x3b: {  	v3 =	vld.idx.msk [tilespmem:v1+s16+$0x0], $0xffff;
	_ =	sdelay $0x1  }
0x3c: {  	s1 =	simm.s32 $0x10;
	s3 =	simm.s32 $0x80  }
.LBB2_3:
0x3d: {  	p0 =	sne.s32 s3, $0xFC0;
	v5 =	vld [tilespmem:s1+$0x0];
	v2 =	vmul.f32 v4, v2;
	_ =	sdelay $0x1  }
0x3e: {  	v6 =	vld [tilespmem:s1+$0x400];
	v2 =	vmul.f32 v3, v2;
	_ =	sdelay $0x1  }
0x3f: {  	v2 =	vsub.f32 $0.0e+00, v2  }
0x40: {  	vm0 =	veq.s32 v0, v1;
	v0 =	vmov v5  }
0x41: {  	v2 =	vsel vm0, $0x0, v2  }
0x42: {  	[tilespmem:s0+$0x800] =	vst v2;
	v1 =	vmov v6;
	s0 =	smov.u32 s1  }
0x43: {  	v2 =	vld.idx.msk [tilespmem:v5+s16+$0x0], $0xffff  }
.Ltmp0:
0x44: {  	v4 =	vld [tilespmem:s0+$0x800];
	(pc) =	sbr.rel @p0 .LBB2_3-.Ltmp0, $2  }
0x45: {  	v3 =	vld.idx.msk [tilespmem:v6+s16+$0x0], $0xffff;
	_ =	sdelay $0x2  }
0x46: {  	s1 =	sshra.s32 s3, $0x2;
	s3 =	sadd.s32 $0x40, s3  }
0x47: {  	v5 =	vld [tilespmem:s1+$0x0];
	v2 =	vmul.f32 v4, v2;
	_ =	sdelay $0x1  }
0x48: {  	v2 =	vmul.f32 v3, v2  }
0x49: {  	v61 =	vld [tilespmem:s1+$0x400]  }
0x4a: {  	v2 =	vsub.f32 $0.0e+00, v2  }
0x4b: {  	vm0 =	veq.s32 v0, v1  }
0x4c: {  	v0 =	vsel vm0, $0x0, v2  }
0x4d: {  	[tilespmem:s0+$0x800] =	vst v0  }
0x4e: {  	v0 =	vld.idx.msk [tilespmem:v5+s16+$0x0], $0xffff  }
0x4f: {  	v62 =	vld [tilespmem:s1+$0x800];
	_ =	sdelay $0x1  }
0x50: {  	v63 =	vld.idx.msk [tilespmem:v61+s16+$0x0], $0xffff;
	_ =	sdelay $0x2  }
0x51: {  	v0 =	vmul.f32 v62, v0;
	_ =	sdelay $0x1  }
0x52: {  	v0 =	vmul.f32 v63, v0;
	_ =	sdelay $0x1  }
0x53: {  	v0 =	vsub.f32 $0.0e+00, v0  }
0x54: {  	vm15 =	veq.s32 v5, v61  }
0x55: {  	v0 =	vsel vm15, $0x0, v0  }
0x56: {  	s0 =	simm.s32 $0x0;
	[tilespmem:s1+$0x800] =	vst v0;
	s1 =	simm.s32 $0x0  }
0x57: {  	[tilespmem:s25], [sflag:$0x1] =	stream.indirect.gather [hbm4b:s5+s24], $0x80, s22, s24, $0xb8;
	[tilespmem:$0x1F780] =	vst v63  }
.LBB2_5:
0x58: {  	s14 =	sadd.s32 $0x0, s0  }
0x59: {  	v0 =	vmov s14  }
0x5a: {  	s3 =	sshll.u32 s1, $0x8;
	v0 =	vand.u32 $0xFFFFFFFC, v0  }
0x5b: {  	s4 =	sadd.s32 $0x3400, s3;
	v0 =	vbroadcast v0, $0x0  }
0x5c: {  	[tilespmem:s26], [sflag:$0x2] =	stream.indirect.gather [hbm4b:s5+s24], $0x80, s4, s24, $0xb8;
	[tilespmem:$0x1F780] =	vst v63  }
0x5d: {  	_ =	swait.ge [sflag:s28], $0x4000  }
0x5e: {  	[sflag:s28] =	ssyncset.done $0x0  }
0x5f: {  	s4 =	simm.s32 $0x3C80;
	[sflag:s28] =	ssyncadd.s32 $0xFFFFC000  }
0x60: {  	v1 =	vld [tilespmem:s4+$0xFFFFFF70]  }
0x61: {  	v0 =	vld.idx.msk [tilespmem:v0+s21+$0x0], $0xffff  }
0x62: {  	v2 =	vld [tilespmem:s4+$0xFFFFFF00]  }
0x63: {  	v3 =	vld [tilespmem:s4+$0xFFFFFF20]  }
0x64: {  	v4 =	vld [tilespmem:s4+$0xFFFFFF50]  }
0x65: {  	v5 =	vld [tilespmem:s4+$0xFFFFFF40]  }
0x66: {  	v6 =	vld [tilespmem:s4+$0xFFFFFF60];
	v1 =	vmul.f32 v1, v0  }
0x67: {  	s12 =	sadd.s32 $0x1, s14;
	v7 =	vld [tilespmem:s4+$0xFFFFFF30];
	v2 =	vmul.f32 v2, v0  }
0x68: {  	v8 =	vmov s12;
	v9 =	vld [tilespmem:s4+$0xFFFFFF10];
	v3 =	vmul.f32 v3, v0;
	[tilespmem:s4+$0xFFFFFF70] =	vst v1  }
0x69: {  	v4 =	vmul.f32 v4, v0;
	v1 =	vand.u32 $0xFFFFFFFD, v8;
	[tilespmem:s4+$0xFFFFFF00] =	vst v2  }
0x6a: {  	v2 =	vmul.f32 v5, v0;
	[tilespmem:s4+$0xFFFFFF20] =	vst v3;
	v1 =	vbroadcast v1, $0x0  }
0x6b: {  	v3 =	vmul.f32 v6, v0;
	[tilespmem:s4+$0xFFFFFF50] =	vst v4  }
0x6c: {  	v4 =	vmul.f32 v7, v0;
	[tilespmem:s4+$0xFFFFFF40] =	vst v2  }
0x6d: {  	v0 =	vmul.f32 v9, v0;
	[tilespmem:s4+$0xFFFFFF60] =	vst v3  }
0x6e: {  	[tilespmem:s4+$0xFFFFFF30] =	vst v4  }
0x6f: {  	[tilespmem:s4+$0xFFFFFF10] =	vst v0;
	v0 =	vld [tilespmem:s4+$0xFFFFFF90]  }
0x70: {  	v2 =	vld.idx.msk [tilespmem:v1+s21+$0x0], $0xffff  }
0x71: {  	v1 =	vld [tilespmem:s4+$0xFFFFFFA0]  }
0x72: {  	v3 =	vld [tilespmem:s4+$0xFFFFFF80]  }
0x73: {  	v4 =	vld [tilespmem:s4+$0xFFFFFFB0]  }
0x74: {  	v5 =	vld [tilespmem:s4+$0xFFFFFFC0]  }
0x75: {  	v6 =	vld [tilespmem:s4+$0xFFFFFFD0];
	v0 =	vmul.f32 v0, v2  }
0x76: {  	s30 =	sadd.s32 $0x2, s14;
	v7 =	vld [tilespmem:s4+$0xFFFFFFF0];
	v1 =	vmul.f32 v1, v2  }
0x77: {  	v63 =	vld [tilespmem:s4+$0xFFFFFFE0];
	v8 =	vmov s30;
	v3 =	vmul.f32 v3, v2;
	[tilespmem:s4+$0xFFFFFF90] =	vst v0  }
0x78: {  	v4 =	vmul.f32 v4, v2;
	v0 =	vand.u32 $0xFFFFFFFE, v8;
	[tilespmem:s4+$0xFFFFFFA0] =	vst v1  }
0x79: {  	v1 =	vmul.f32 v5, v2;
	[tilespmem:s4+$0xFFFFFF80] =	vst v3;
	v5 =	vld [tilespmem:s4+$0x60];
	v8 =	vbroadcast v0, $0x0  }
0x7a: {  	v3 =	vmul.f32 v6, v2;
	[tilespmem:s4+$0xFFFFFFB0] =	vst v4;
	v6 =	vld [tilespmem:s4+$0x0]  }
0x7b: {  	v4 =	vmul.f32 v7, v2;
	v0 =	vld [tilespmem:s4+$0x20];
	[tilespmem:s4+$0xFFFFFFC0] =	vst v1  }
0x7c: {  	v2 =	vmul.f32 v63, v2;
	v1 =	vld [tilespmem:s4+$0x30];
	[tilespmem:s4+$0xFFFFFFD0] =	vst v3  }
0x7d: {  	[tilespmem:s4+$0xFFFFFFF0] =	vst v4;
	v3 =	vld [tilespmem:s4+$0x40]  }
0x7e: {  	s3 =	sor.u32 $0x80, s3;
	[tilespmem:s4+$0xFFFFFFE0] =	vst v2;
	v4 =	vld [tilespmem:s4+$0x10]  }
0x7f: {  	s15 =	sadd.s32 $0x3, s14;
	s14 =	simm.s32 $0x3C80;
	s12 =	simm.s32 $0x4;
	v2 =	vld.idx.msk [tilespmem:v8+s21+$0x0], $0xffff  }
.LBB2_6:
0x80: {  	p0 =	sne.s32 s12, $0x7C  }
0x81: {  	v7 =	vld [tilespmem:s4+$0x50];
	s14 =	sadd.s32 $0x200, s14;
	s18 =	smov.u32 s12;
	s12 =	sadd.s32 $0x4, s12  }
0x82: {  	v8 =	vld [tilespmem:s4+$0x70];
	_ =	sdelay $0x1  }
0x83: {  	v5 =	vmul.f32 v5, v2;
	v6 =	vmul.f32 v6, v2  }
0x84: {  	v3 =	vmul.f32 v3, v2;
	v4 =	vmul.f32 v4, v2  }
0x85: {  	v0 =	vmul.f32 v0, v2;
	v1 =	vmul.f32 v1, v2;
	[tilespmem:s4+$0x60] =	vst v5  }
0x86: {  	[tilespmem:s4+$0x40] =	vst v3;
	v3 =	vmul.f32 v7, v2;
	v2 =	vmul.f32 v8, v2  }
0x87: {  	[tilespmem:s4+$0x20] =	vst v0;
	v5 =	vld [tilespmem:s4+$0x80]  }
0x88: {  	v0 =	vld [tilespmem:s14+$0x20];
	[tilespmem:s4+$0x0] =	vst v6;
	v6 =	vmov s15  }
0x89: {  	[tilespmem:s4+$0x50] =	vst v3;
	v3 =	vld [tilespmem:s4+$0xE0]  }
0x8a: {  	[tilespmem:s4+$0x30] =	vst v1;
	v7 =	vld [tilespmem:s4+$0xC0]  }
0x8b: {  	v1 =	vld [tilespmem:s14+$0x30];
	[tilespmem:s4+$0x10] =	vst v4  }
0x8c: {  	[tilespmem:s4+$0x70] =	vst v2;
	v2 =	vld [tilespmem:s4+$0xA0]  }
0x8d: {  	v4 =	vld.idx.msk [tilespmem:v6+s21+$0x0], $0xffff  }
0x8e: {  	v6 =	vld [tilespmem:s4+$0x90]  }
0x8f: {  	v8 =	vld [tilespmem:s4+$0xB0]  }
0x90: {  	v9 =	vld [tilespmem:s4+$0xD0]  }
0x91: {  	v10 =	vld [tilespmem:s4+$0xF0];
	_ =	sdelay $0x1  }
0x92: {  	v5 =	vmul.f32 v5, v4;
	v6 =	vmul.f32 v6, v4  }
0x93: {  	s15 =	sadd.s32 s18, s0;
	v2 =	vmul.f32 v2, v4;
	v8 =	vmul.f32 v8, v4  }
0x94: {  	v11 =	vmov s15;
	s18 =	sadd.s32 $0x1, s15;
	s19 =	sadd.s32 $0x2, s15;
	s15 =	sadd.s32 $0x3, s15;
	[tilespmem:s4+$0x80] =	vst v5;
	v5 =	vmul.f32 v7, v4;
	v7 =	vmul.f32 v9, v4  }
0x95: {  	v9 =	vand.u32 $0xFFFFFFFC, v11;
	[tilespmem:s4+$0xA0] =	vst v2;
	v2 =	vmul.f32 v3, v4;
	v3 =	vmul.f32 v10, v4  }
0x96: {  	v4 =	vbroadcast v9, $0x0;
	v9 =	vmov s18;
	v10 =	vmov s19;
	[tilespmem:s4+$0xC0] =	vst v5  }
0x97: {  	v5 =	vand.u32 $0xFFFFFFFD, v9;
	v9 =	vand.u32 $0xFFFFFFFE, v10;
	[tilespmem:s4+$0xF0] =	vst v3  }
0x98: {  	v3 =	vld [tilespmem:s14+$0xFFFFFF40];
	[tilespmem:s4+$0xE0] =	vst v2  }
0x99: {  	v2 =	vld [tilespmem:s14+$0xFFFFFF50];
	[tilespmem:s4+$0x90] =	vst v6  }
0x9a: {  	v6 =	vld [tilespmem:s14+$0xFFFFFF60];
	[tilespmem:s4+$0xB0] =	vst v8  }
0x9b: {  	v8 =	vld [tilespmem:s14+$0xFFFFFF70];
	[tilespmem:s4+$0xD0] =	vst v7;
	s4 =	smov.u32 s14  }
0x9c: {  	v4 =	vld.idx.msk [tilespmem:v4+s21+$0x0], $0xffff  }
0x9d: {  	v7 =	vld [tilespmem:s14+$0xFFFFFF00]  }
0x9e: {  	v10 =	vld [tilespmem:s14+$0xFFFFFF20]  }
0x9f: {  	v11 =	vld [tilespmem:s14+$0xFFFFFF10]  }
0xa0: {  	v12 =	vld [tilespmem:s14+$0xFFFFFF30];
	_ =	sdelay $0x1  }
0xa1: {  	v8 =	vmul.f32 v8, v4;
	v7 =	vmul.f32 v7, v4  }
0xa2: {  	v6 =	vmul.f32 v6, v4;
	v10 =	vmul.f32 v10, v4  }
0xa3: {  	v2 =	vmul.f32 v2, v4;
	v11 =	vmul.f32 v11, v4;
	[tilespmem:s14+$0xFFFFFF70] =	vst v8  }
0xa4: {  	v3 =	vmul.f32 v3, v4;
	[tilespmem:s14+$0xFFFFFF00] =	vst v7;
	v7 =	vmul.f32 v12, v4  }
0xa5: {  	v4 =	vbroadcast v5, $0x0;
	[tilespmem:s14+$0xFFFFFF20] =	vst v10  }
0xa6: {  	[tilespmem:s14+$0xFFFFFF50] =	vst v2  }
0xa7: {  	[tilespmem:s14+$0xFFFFFF40] =	vst v3;
	v2 =	vld [tilespmem:s14+$0xFFFFFFF0]  }
0xa8: {  	[tilespmem:s14+$0xFFFFFF60] =	vst v6;
	v3 =	vld [tilespmem:s14+$0xFFFFFFC0]  }
0xa9: {  	[tilespmem:s14+$0xFFFFFF30] =	vst v7;
	v5 =	vld [tilespmem:s14+$0xFFFFFFD0]  }
0xaa: {  	[tilespmem:s14+$0xFFFFFF10] =	vst v11;
	v6 =	vld [tilespmem:s14+$0xFFFFFF90]  }
0xab: {  	v4 =	vld.idx.msk [tilespmem:v4+s21+$0x0], $0xffff  }
0xac: {  	v7 =	vld [tilespmem:s14+$0xFFFFFF80]  }
0xad: {  	v8 =	vld [tilespmem:s14+$0xFFFFFFA0]  }
0xae: {  	v10 =	vld [tilespmem:s14+$0xFFFFFFB0]  }
0xaf: {  	v11 =	vld [tilespmem:s14+$0xFFFFFFE0];
	_ =	sdelay $0x1  }
0xb0: {  	v6 =	vmul.f32 v6, v4;
	v7 =	vmul.f32 v7, v4  }
0xb1: {  	v5 =	vmul.f32 v5, v4;
	v8 =	vmul.f32 v8, v4  }
0xb2: {  	v3 =	vmul.f32 v3, v4;
	[tilespmem:s14+$0xFFFFFF90] =	vst v6;
	v6 =	vmul.f32 v10, v4  }
0xb3: {  	v2 =	vmul.f32 v2, v4;
	[tilespmem:s14+$0xFFFFFFA0] =	vst v8;
	v8 =	vmul.f32 v11, v4  }
0xb4: {  	v4 =	vbroadcast v9, $0x0;
	[tilespmem:s14+$0xFFFFFF80] =	vst v7  }
0xb5: {  	[tilespmem:s14+$0xFFFFFFB0] =	vst v6  }
0xb6: {  	[tilespmem:s14+$0xFFFFFFC0] =	vst v3  }
0xb7: {  	[tilespmem:s14+$0xFFFFFFD0] =	vst v5  }
.Ltmp1:
0xb8: {  	[tilespmem:s14+$0xFFFFFFF0] =	vst v2;
	v3 =	vld [tilespmem:s14+$0x40];
	(pc) =	sbr.rel @p0 .LBB2_6-.Ltmp1, $4  }
0xb9: {  	[tilespmem:s14+$0xFFFFFFE0] =	vst v8;
	v5 =	vld [tilespmem:s14+$0x60]  }
0xba: {  	v2 =	vld.idx.msk [tilespmem:v4+s21+$0x0], $0xffff  }
0xbb: {  	v6 =	vld [tilespmem:s14+$0x0]  }
0xbc: {  	v4 =	vld [tilespmem:s14+$0x10]  }
0xbd: {  	_ =	sdelay $0x1  }
0xbe: {  	v5 =	vmul.f32 v5, v2  }
0xbf: {  	v7 =	vld [tilespmem:s4+$0x50];
	v3 =	vmul.f32 v3, v2  }
0xc0: {  	v8 =	vld [tilespmem:s4+$0x70];
	v0 =	vmul.f32 v0, v2;
	[tilespmem:s4+$0x60] =	vst v5  }
0xc1: {  	v5 =	vmul.f32 v6, v2;
	[tilespmem:s4+$0x40] =	vst v3  }
0xc2: {  	[tilespmem:s4+$0x20] =	vst v0;
	v0 =	vmul.f32 v1, v2  }
0xc3: {  	v4 =	vmul.f32 v4, v2;
	[tilespmem:s4+$0x0] =	vst v5;
	v5 =	vmov s15  }
0xc4: {  	v3 =	vmul.f32 v7, v2;
	[tilespmem:s4+$0x30] =	vst v0  }
0xc5: {  	v2 =	vmul.f32 v8, v2;
	[tilespmem:s4+$0x10] =	vst v4  }
0xc6: {  	[tilespmem:s4+$0x50] =	vst v3  }
0xc7: {  	v1 =	vld [tilespmem:s4+$0x80];
	[tilespmem:s4+$0x70] =	vst v2  }
0xc8: {  	v0 =	vld.idx.msk [tilespmem:v5+s21+$0x0], $0xffff  }
0xc9: {  	v2 =	vld [tilespmem:s4+$0xA0]  }
0xca: {  	v3 =	vld [tilespmem:s4+$0xC0]  }
0xcb: {  	v4 =	vld [tilespmem:s4+$0xF0]  }
0xcc: {  	v5 =	vld [tilespmem:s4+$0xE0]  }
0xcd: {  	v6 =	vld [tilespmem:s4+$0x90];
	v1 =	vmul.f32 v1, v0  }
0xce: {  	v7 =	vld [tilespmem:s4+$0xB0];
	v2 =	vmul.f32 v2, v0  }
0xcf: {  	v8 =	vld [tilespmem:s4+$0xD0];
	[tilespmem:s4+$0x80] =	vst v1;
	v1 =	vmul.f32 v3, v0  }
0xd0: {  	[tilespmem:s4+$0xA0] =	vst v2;
	v2 =	vmul.f32 v4, v0  }
0xd1: {  	v3 =	vmul.f32 v5, v0;
	[tilespmem:s4+$0xC0] =	vst v1  }
0xd2: {  	v1 =	vmul.f32 v6, v0;
	[tilespmem:s4+$0xF0] =	vst v2  }
0xd3: {  	s12 =	sshll.u32 s1, $0xA;
	v2 =	vmul.f32 v7, v0;
	[tilespmem:s4+$0xE0] =	vst v3  }
0xd4: {  	s14 =	sshrl.u32 s12, $0x2;
	v0 =	vmul.f32 v8, v0;
	[tilespmem:s4+$0x90] =	vst v1  }
0xd5: {  	s15 =	sadd.s32 $0x3780, s14;
	s14 =	sadd.s32 $0xFFFFFF80, s0;
	[tilespmem:s4+$0xB0] =	vst v2  }
0xd6: {  	s18 =	sadd.s32 $0x100, s14;
	[tilespmem:s4+$0xD0] =	vst v0  }
0xd7: {  	[spmem:s2] =	stream.indirect.scatter.add.f32 [tilespmem:s25], [sflag:$0x3], $0x80, s15, s24, $0xb8;
	[tilespmem:$0x1F780] =	vst v63  }
0xd8: {  	p0 =	seq.s32 s1, $0x3;
	v0 =	vmov s18;
	_ =	swait.ge [sflag:s17], $0x4000  }
0xd9: {  	s4 =	sshrl.u32 @!p0 s12, $0x2;
	s12 =	simm.s32 @!p0 $0x80;
	v0 =	vand.u32 $0xFFFFFFFC, v0;
	[sflag:s17] =	ssyncset.done $0x0  }
0xda: {  	s4 =	sadd.s32 @!p0 $0x3480, s4;
	s15 =	simm.s32 @!p0 $0x3B80;
	v0 =	vbroadcast v0, $0x0;
	[sflag:s17] =	ssyncadd.s32 $0xFFFFC000  }
0xdb: {  	[tilespmem:s15], [sflag:$0x1] =	stream.indirect.gather @!p0 [hbm4b:s5+s12], $0x80, s4, s12, $0xb8;
	[tilespmem:$0x1F780] =	vst v63  }
0xdc: {  	_ =	swait.ge [sflag:s29], $0x4000  }
0xdd: {  	[sflag:s29] =	ssyncset.done $0x0  }
0xde: {  	s4 =	simm.s32 $0x7C80;
	[sflag:s29] =	ssyncadd.s32 $0xFFFFC000  }
0xdf: {  	v1 =	vld [tilespmem:s4+$0xFFFFFF70]  }
0xe0: {  	v0 =	vld.idx.msk [tilespmem:v0+s21+$0x0], $0xffff  }
0xe1: {  	v2 =	vld [tilespmem:s4+$0xFFFFFF00]  }
0xe2: {  	v3 =	vld [tilespmem:s4+$0xFFFFFF20]  }
0xe3: {  	v4 =	vld [tilespmem:s4+$0xFFFFFF50]  }
0xe4: {  	v5 =	vld [tilespmem:s4+$0xFFFFFF40]  }
0xe5: {  	v6 =	vld [tilespmem:s4+$0xFFFFFF60];
	v1 =	vmul.f32 v1, v0  }
0xe6: {  	s19 =	sadd.s32 $0x101, s14;
	v7 =	vld [tilespmem:s4+$0xFFFFFF30];
	v2 =	vmul.f32 v2, v0  }
0xe7: {  	v8 =	vmov s19;
	v9 =	vld [tilespmem:s4+$0xFFFFFF10];
	v3 =	vmul.f32 v3, v0;
	[tilespmem:s4+$0xFFFFFF70] =	vst v1  }
0xe8: {  	v4 =	vmul.f32 v4, v0;
	v1 =	vand.u32 $0xFFFFFFFD, v8;
	[tilespmem:s4+$0xFFFFFF00] =	vst v2  }
0xe9: {  	v2 =	vmul.f32 v5, v0;
	[tilespmem:s4+$0xFFFFFF20] =	vst v3;
	v1 =	vbroadcast v1, $0x0  }
0xea: {  	v3 =	vmul.f32 v6, v0;
	[tilespmem:s4+$0xFFFFFF50] =	vst v4  }
0xeb: {  	v4 =	vmul.f32 v7, v0;
	[tilespmem:s4+$0xFFFFFF40] =	vst v2  }
0xec: {  	v0 =	vmul.f32 v9, v0;
	[tilespmem:s4+$0xFFFFFF60] =	vst v3  }
0xed: {  	[tilespmem:s4+$0xFFFFFF30] =	vst v4  }
0xee: {  	[tilespmem:s4+$0xFFFFFF10] =	vst v0;
	v0 =	vld [tilespmem:s4+$0xFFFFFF90]  }
0xef: {  	v2 =	vld.idx.msk [tilespmem:v1+s21+$0x0], $0xffff  }
0xf0: {  	v1 =	vld [tilespmem:s4+$0xFFFFFFA0]  }
0xf1: {  	v3 =	vld [tilespmem:s4+$0xFFFFFF80]  }
0xf2: {  	v4 =	vld [tilespmem:s4+$0xFFFFFFB0]  }
0xf3: {  	v5 =	vld [tilespmem:s4+$0xFFFFFFC0]  }
0xf4: {  	v6 =	vld [tilespmem:s4+$0xFFFFFFD0];
	v0 =	vmul.f32 v0, v2  }
0xf5: {  	s30 =	sadd.s32 $0x102, s14;
	v7 =	vld [tilespmem:s4+$0xFFFFFFF0];
	v1 =	vmul.f32 v1, v2  }
0xf6: {  	v63 =	vld [tilespmem:s4+$0xFFFFFFE0];
	v8 =	vmov s30;
	v3 =	vmul.f32 v3, v2;
	[tilespmem:s4+$0xFFFFFF90] =	vst v0  }
0xf7: {  	v4 =	vmul.f32 v4, v2;
	v0 =	vand.u32 $0xFFFFFFFE, v8;
	[tilespmem:s4+$0xFFFFFFA0] =	vst v1  }
0xf8: {  	v1 =	vmul.f32 v5, v2;
	[tilespmem:s4+$0xFFFFFF80] =	vst v3;
	v5 =	vld [tilespmem:s4+$0x60];
	v8 =	vbroadcast v0, $0x0  }
0xf9: {  	v3 =	vmul.f32 v6, v2;
	[tilespmem:s4+$0xFFFFFFB0] =	vst v4;
	v6 =	vld [tilespmem:s4+$0x0]  }
0xfa: {  	v4 =	vmul.f32 v7, v2;
	v0 =	vld [tilespmem:s4+$0x20];
	[tilespmem:s4+$0xFFFFFFC0] =	vst v1  }
0xfb: {  	v2 =	vmul.f32 v63, v2;
	v1 =	vld [tilespmem:s4+$0x30];
	[tilespmem:s4+$0xFFFFFFD0] =	vst v3  }
0xfc: {  	[tilespmem:s4+$0xFFFFFFF0] =	vst v4;
	v3 =	vld [tilespmem:s4+$0x40]  }
0xfd: {  	s1 =	sadd.s32 $0x1, s1;
	[tilespmem:s4+$0xFFFFFFE0] =	vst v2;
	v4 =	vld [tilespmem:s4+$0x10]  }
0xfe: {  	s12 =	simm.s32 $0xFFFFFF84;
	s15 =	sadd.s32 $0x103, s14;
	s14 =	simm.s32 $0x7C80;
	v2 =	vld.idx.msk [tilespmem:v8+s21+$0x0], $0xffff  }
.LBB2_8:
0xff: {  	p0 =	sne.s32 s12, $0xFFFFFFFC  }
0x100: {  	v7 =	vld [tilespmem:s4+$0x50];
	s14 =	sadd.s32 $0x200, s14;
	s18 =	smov.u32 s12;
	s12 =	sadd.s32 $0x4, s12  }
0x101: {  	v8 =	vld [tilespmem:s4+$0x70];
	_ =	sdelay $0x1  }
0x102: {  	v5 =	vmul.f32 v5, v2;
	v6 =	vmul.f32 v6, v2  }
0x103: {  	v3 =	vmul.f32 v3, v2;
	v4 =	vmul.f32 v4, v2  }
0x104: {  	v0 =	vmul.f32 v0, v2;
	v1 =	vmul.f32 v1, v2;
	[tilespmem:s4+$0x60] =	vst v5  }
0x105: {  	[tilespmem:s4+$0x40] =	vst v3;
	v3 =	vmul.f32 v7, v2;
	v2 =	vmul.f32 v8, v2  }
0x106: {  	[tilespmem:s4+$0x20] =	vst v0;
	v5 =	vld [tilespmem:s4+$0x80]  }
0x107: {  	v0 =	vld [tilespmem:s14+$0x20];
	[tilespmem:s4+$0x0] =	vst v6;
	v6 =	vmov s15  }
0x108: {  	[tilespmem:s4+$0x50] =	vst v3;
	v3 =	vld [tilespmem:s4+$0xE0]  }
0x109: {  	[tilespmem:s4+$0x30] =	vst v1;
	v7 =	vld [tilespmem:s4+$0xC0]  }
0x10a: {  	v1 =	vld [tilespmem:s14+$0x30];
	[tilespmem:s4+$0x10] =	vst v4  }
0x10b: {  	[tilespmem:s4+$0x70] =	vst v2;
	v2 =	vld [tilespmem:s4+$0xA0]  }
0x10c: {  	v4 =	vld.idx.msk [tilespmem:v6+s21+$0x0], $0xffff  }
0x10d: {  	v6 =	vld [tilespmem:s4+$0x90]  }
0x10e: {  	v8 =	vld [tilespmem:s4+$0xB0]  }
0x10f: {  	v9 =	vld [tilespmem:s4+$0xD0]  }
0x110: {  	v10 =	vld [tilespmem:s4+$0xF0];
	_ =	sdelay $0x1  }
0x111: {  	s15 =	sadd.s32 s18, s0;
	v5 =	vmul.f32 v5, v4;
	v6 =	vmul.f32 v6, v4  }
0x112: {  	s18 =	sadd.s32 $0x100, s15;
	s19 =	sadd.s32 $0x101, s15;
	s30 =	sadd.s32 $0x102, s15;
	v2 =	vmul.f32 v2, v4;
	v8 =	vmul.f32 v8, v4  }
0x113: {  	s15 =	sadd.s32 $0x103, s15;
	v11 =	vmov s18;
	[tilespmem:s4+$0x80] =	vst v5;
	v5 =	vmul.f32 v7, v4;
	v7 =	vmul.f32 v9, v4  }
0x114: {  	v9 =	vand.u32 $0xFFFFFFFC, v11;
	[tilespmem:s4+$0xA0] =	vst v2;
	v2 =	vmul.f32 v3, v4;
	v3 =	vmul.f32 v10, v4  }
0x115: {  	v4 =	vbroadcast v9, $0x0;
	v9 =	vmov s19;
	v10 =	vmov s30;
	[tilespmem:s4+$0xC0] =	vst v5  }
0x116: {  	v5 =	vand.u32 $0xFFFFFFFD, v9;
	v9 =	vand.u32 $0xFFFFFFFE, v10;
	[tilespmem:s4+$0xF0] =	vst v3  }
0x117: {  	v3 =	vld [tilespmem:s14+$0xFFFFFF40];
	[tilespmem:s4+$0xE0] =	vst v2  }
0x118: {  	v2 =	vld [tilespmem:s14+$0xFFFFFF50];
	[tilespmem:s4+$0x90] =	vst v6  }
0x119: {  	v6 =	vld [tilespmem:s14+$0xFFFFFF60];
	[tilespmem:s4+$0xB0] =	vst v8  }
0x11a: {  	v8 =	vld [tilespmem:s14+$0xFFFFFF70];
	[tilespmem:s4+$0xD0] =	vst v7;
	s4 =	smov.u32 s14  }
0x11b: {  	v4 =	vld.idx.msk [tilespmem:v4+s21+$0x0], $0xffff  }
0x11c: {  	v7 =	vld [tilespmem:s14+$0xFFFFFF00]  }
0x11d: {  	v10 =	vld [tilespmem:s14+$0xFFFFFF20]  }
0x11e: {  	v11 =	vld [tilespmem:s14+$0xFFFFFF10]  }
0x11f: {  	v12 =	vld [tilespmem:s14+$0xFFFFFF30];
	_ =	sdelay $0x1  }
0x120: {  	v8 =	vmul.f32 v8, v4;
	v7 =	vmul.f32 v7, v4  }
0x121: {  	v6 =	vmul.f32 v6, v4;
	v10 =	vmul.f32 v10, v4  }
0x122: {  	v2 =	vmul.f32 v2, v4;
	v11 =	vmul.f32 v11, v4;
	[tilespmem:s14+$0xFFFFFF70] =	vst v8  }
0x123: {  	v3 =	vmul.f32 v3, v4;
	[tilespmem:s14+$0xFFFFFF00] =	vst v7;
	v7 =	vmul.f32 v12, v4  }
0x124: {  	v4 =	vbroadcast v5, $0x0;
	[tilespmem:s14+$0xFFFFFF20] =	vst v10  }
0x125: {  	[tilespmem:s14+$0xFFFFFF50] =	vst v2  }
0x126: {  	[tilespmem:s14+$0xFFFFFF40] =	vst v3;
	v2 =	vld [tilespmem:s14+$0xFFFFFFF0]  }
0x127: {  	[tilespmem:s14+$0xFFFFFF60] =	vst v6;
	v3 =	vld [tilespmem:s14+$0xFFFFFFC0]  }
0x128: {  	[tilespmem:s14+$0xFFFFFF30] =	vst v7;
	v5 =	vld [tilespmem:s14+$0xFFFFFFD0]  }
0x129: {  	[tilespmem:s14+$0xFFFFFF10] =	vst v11;
	v6 =	vld [tilespmem:s14+$0xFFFFFF90]  }
0x12a: {  	v4 =	vld.idx.msk [tilespmem:v4+s21+$0x0], $0xffff  }
0x12b: {  	v7 =	vld [tilespmem:s14+$0xFFFFFF80]  }
0x12c: {  	v8 =	vld [tilespmem:s14+$0xFFFFFFA0]  }
0x12d: {  	v10 =	vld [tilespmem:s14+$0xFFFFFFB0]  }
0x12e: {  	v11 =	vld [tilespmem:s14+$0xFFFFFFE0];
	_ =	sdelay $0x1  }
0x12f: {  	v6 =	vmul.f32 v6, v4;
	v7 =	vmul.f32 v7, v4  }
0x130: {  	v5 =	vmul.f32 v5, v4;
	v8 =	vmul.f32 v8, v4  }
0x131: {  	v3 =	vmul.f32 v3, v4;
	[tilespmem:s14+$0xFFFFFF90] =	vst v6;
	v6 =	vmul.f32 v10, v4  }
0x132: {  	v2 =	vmul.f32 v2, v4;
	[tilespmem:s14+$0xFFFFFFA0] =	vst v8;
	v8 =	vmul.f32 v11, v4  }
0x133: {  	v4 =	vbroadcast v9, $0x0;
	[tilespmem:s14+$0xFFFFFF80] =	vst v7  }
0x134: {  	[tilespmem:s14+$0xFFFFFFB0] =	vst v6  }
0x135: {  	[tilespmem:s14+$0xFFFFFFC0] =	vst v3  }
0x136: {  	[tilespmem:s14+$0xFFFFFFD0] =	vst v5  }
.Ltmp2:
0x137: {  	[tilespmem:s14+$0xFFFFFFF0] =	vst v2;
	v3 =	vld [tilespmem:s14+$0x40];
	(pc) =	sbr.rel @p0 .LBB2_8-.Ltmp2, $4  }
0x138: {  	[tilespmem:s14+$0xFFFFFFE0] =	vst v8;
	v5 =	vld [tilespmem:s14+$0x60]  }
0x139: {  	v2 =	vld.idx.msk [tilespmem:v4+s21+$0x0], $0xffff  }
0x13a: {  	v6 =	vld [tilespmem:s14+$0x0]  }
0x13b: {  	v4 =	vld [tilespmem:s14+$0x10]  }
0x13c: {  	_ =	sdelay $0x1  }
0x13d: {  	v5 =	vmul.f32 v5, v2  }
0x13e: {  	v7 =	vld [tilespmem:s4+$0x50];
	v3 =	vmul.f32 v3, v2  }
0x13f: {  	v8 =	vld [tilespmem:s4+$0x70];
	v0 =	vmul.f32 v0, v2;
	[tilespmem:s4+$0x60] =	vst v5  }
0x140: {  	v48 =	vmul.f32 v1, v2;
	[tilespmem:s4+$0x40] =	vst v3  }
0x141: {  	v46 =	vmul.f32 v6, v2;
	[tilespmem:s4+$0x20] =	vst v0  }
0x142: {  	v50 =	vmov s15;
	v4 =	vmul.f32 v4, v2;
	[tilespmem:s4+$0x30] =	vst v48  }
0x143: {  	v47 =	vmul.f32 v7, v2;
	[tilespmem:s4+$0x0] =	vst v46  }
0x144: {  	v51 =	vmul.f32 v8, v2;
	[tilespmem:s4+$0x10] =	vst v4  }
0x145: {  	[tilespmem:s4+$0x50] =	vst v47  }
0x146: {  	v49 =	vld [tilespmem:s4+$0x80];
	[tilespmem:s4+$0x70] =	vst v51  }
0x147: {  	v0 =	vld.idx.msk [tilespmem:v50+s21+$0x0], $0xffff  }
0x148: {  	v52 =	vld [tilespmem:s4+$0xA0]  }
0x149: {  	v53 =	vld [tilespmem:s4+$0xC0]  }
0x14a: {  	v54 =	vld [tilespmem:s4+$0xF0]  }
0x14b: {  	v55 =	vld [tilespmem:s4+$0xE0]  }
0x14c: {  	v56 =	vld [tilespmem:s4+$0x90];
	v1 =	vmul.f32 v49, v0  }
0x14d: {  	v57 =	vld [tilespmem:s4+$0xB0];
	v2 =	vmul.f32 v52, v0  }
0x14e: {  	v58 =	vld [tilespmem:s4+$0xD0];
	v59 =	vmul.f32 v53, v0;
	[tilespmem:s4+$0x80] =	vst v1  }
0x14f: {  	v60 =	vmul.f32 v54, v0;
	[tilespmem:s4+$0xA0] =	vst v2  }
0x150: {  	v61 =	vmul.f32 v55, v0;
	[tilespmem:s4+$0xC0] =	vst v59  }
0x151: {  	v62 =	vmul.f32 v56, v0;
	[tilespmem:s4+$0xF0] =	vst v60  }
0x152: {  	v63 =	vmul.f32 v57, v0;
	[tilespmem:s4+$0xE0] =	vst v61  }
0x153: {  	v0 =	vmul.f32 v58, v0;
	[tilespmem:s4+$0x90] =	vst v62  }
0x154: {  	p0 =	sne.s32 s1, $0x4;
	[tilespmem:s4+$0xB0] =	vst v63  }
.Ltmp3:
0x155: {  	s3 =	sadd.s32 $0x3780, s3;
	[tilespmem:s4+$0xD0] =	vst v0;
	(pc) =	sbr.rel @p0 .LBB2_5-.Ltmp3, $4  }
0x156: {  	[spmem:s2] =	stream.indirect.scatter.add.f32 [tilespmem:s26], [sflag:$0x3], $0x80, s3, s24, $0xb8;
	[tilespmem:$0x1F780] =	vst v63  }
0x157: {  	_ =	swait.ge [sflag:s17], $0x4000  }
0x158: {  	[sflag:s17] =	ssyncset.done $0x0  }
0x159: {  	s0 =	sadd.s32 $0x100, s0;
	[sflag:s17] =	ssyncadd.s32 $0xFFFFC000  }
0x15a: {  	s31 =	sadd.s32 $0x1, s31  }
0x15b: {  	p0 =	sne.s32 s31, s11  }
.Ltmp4:
0x15c: {  	_ = 	snop;
	(pc) =	sbr.rel @p0 .LBB2_2-.Ltmp4, $1  }
0x15d: {  	_ =	sdelay $0x3  }
0x15e: {  	[bflag:$0x0] =	sbarrier.arrive $0xFFFF  }
0x15f: {  	s0 =	rddreg [dreg:$0x5]  }
0x160: {  	s4 =	rddreg [dreg:$0x7]  }
0x161: {  	s3 =	rddreg [dreg:$0x8]  }
0x162: {  	[hbm:s0], [sflag:s4] =	dma.local [spmem:s3], $0x2780  }
0x163: {  	_ =	swait.ge [sflag:s17], $0x2780  }
0x164: {  	s1 =	rddreg [dreg:$0x9]  }
0x165: {  	s31 =	rddreg [dreg:$0x6];
	s1 =	sadd.s32 $0x1, s1  }
0x166: {  	p0 =	sne.s32 s1, s31  }
.Ltmp5:
0x167: {  	_ = 	snop;
	(pc) =	sbr.rel @p0 .LBB2_1-.Ltmp5, $3  }
0x168: {  	_ =	sdelay $0x1  }
0x169: {  	[sflag:s17] =	ssyncset.done $0x0  }
0x16a: {  	[sflag:s17] =	ssyncadd.s32 $0xFFFFD880  }
0x16b: {  	_ =	sfence.sel $0x180000  }
0x16c: {  	[bflag:$0x0] =	sbarrier.arrive $0xFFFF  }
0x16d: {  	_ =	strace $0x9000004A  }
0x16e: {  	s0 =	stileid.u32;
	[bflag:$0x2] =	sbarrier.arrive $0xFFFF  }
0x16f: {  	p0 =	sne.s32 s0, $0x0;
	s0 =	rddreg [dreg:$0x3]  }
0x170: {  	s0 =	sadd.s32 @!p0 $0x100000, s0  }
0x171: {  	[sflag:s0] =	ssyncadd.tile.s32 @!p0 $0x1;
	_ =	shalt  }
.Lfunc_end2:
_tile_overlayer_lowered:
.L_overlay_start_2:
0x172: {  	(tag) =	ssettag $0x2  }
0x173: {  	s0 =	rddreg [dreg:$0x0];
	s2 =	stileid.u32  }
0x174: {  	s1 =	rddreg [dreg:$0x1];
	p0 =	sne.s32 s2, $0x0  }
0x175: {  	s3 =	rddreg [dreg:$0x2];
	[bflag:$0x3] =	sbarrier.arrive $0xFFFF;
	s2 =	simm.s32 @!p0 $0x1C03  }
0x176: {  	[timem:s3], [sflag:s2] =	dma.local @!p0 [hbm:s0], s1  }
0x177: {  	s0 =	simm.s32 @!p0 $0x3  }
0x178: {  	_ =	swait.ge @!p0 [sflag:s0], s1  }
0x179: {  	s1 =	ssub.s32 @!p0 $0x0, s1;
	[sflag:s0] =	ssyncset.done @!p0 $0x0  }
0x17a: {  	[sflag:s0] =	ssyncadd.s32 @!p0 s1  }
0x17b: {  	[bflag:$0x3] =	sbarrier.arrive $0xFFFF  }
0x17c: {  	_ =	shalt  }

// kernel: kernel.14.cloned.1.call-start
scs
__scs_entry_jumppad:
0x0: {  	(pc) =	sbr.rel $0x88, $3  }
0x1: {  	(tag) =	ssettag $0x0;
	lr =	simm.s32 $0x1  }
0x2: {  	[smem:$0x3F92] =	sst lr;
	_ =	strace $0xD0000000  }
0x3: {  	_ = 	snop  }
0x4: {  	_ = 	snop  }
0x5: {  	_ = 	snop  }
0x6: {  	_ = 	snop  }
0x7: {  	_ = 	snop  }
__scs_overlays_trampoline_lowered:
0x8: {  	[smem:$0x3FA1] =	sst s0  }
0x9: {  	[smem:$0x3FA2] =	sst s1  }
0xa: {  	[smem:$0x3FA3] =	sst s2  }
0xb: {  	[smem:$0x3FA4] =	sst s3  }
0xc: {  	[smem:$0x3FA5] =	sst s4  }
0xd: {  	[smem:$0x3FA6] =	sst s5  }
0xe: {  	[smem:$0x3FA7] =	sst s6  }
0xf: {  	[smem:$0x3FA8] =	sst s7  }
0x10: {  	[smem:$0x3FA9] =	sst s8  }
0x11: {  	[smem:$0x3FAA] =	sst s9;
	s0 =	simm.s32 @!p0 $0x0  }
0x12: {  	s1 =	sld [smem:$0x3F90];
	s0 =	simm.s32 @p0 $0x1  }
0x13: {  	[smem:$0x3FAB] =	sst s0;
	s0 =	simm.s32 @!p1 $0x0  }
0x14: {  	s2 =	sld [smem:$0x3F8F];
	s0 =	simm.s32 @p1 $0x1  }
0x15: {  	[smem:$0x3FAC] =	sst s0;
	s0 =	simm.s32 @!p2 $0x0  }
0x16: {  	s3 =	sld [smem:$0x3FDB];
	s0 =	simm.s32 @p2 $0x1  }
0x17: {  	s4 =	simm.s32 $0x1BF5;
	[smem:$0x3FAE] =	sst s0  }
0x18: {  	s0 =	sld [smem:$0x3F91];
	_ =	swait.ge [sflag:s4], $0x0  }
0x19: {  	s7 =	sld [smem:$0x3F92]  }
0x1a: {  	s8 =	sadd.s32 $0xFFFFE003, lr  }
0x1b: {  	s9 =	sadd.s32 $0xFFFFFEF7, lr;
	s5 =	simm.s32 $0xFFFFFFFF;
	p2 =	slt.u32 s8, $0xFFFFF086  }
0x1c: {  	p1 =	slt.u32 s9, $0xF7A;
	s5 =	simm.s32 @!p2 $0x0  }
0x1d: {  	s5 =	simm.s32 @p1 $0x1;
	p0 =	seq.s32 s7, s2  }
0x1e: {  	s7 =	smul.u32 @!p0 $0xF7A, s2;
	p2 =	seq.s32 @!p0 s5, $0x0  }
0x1f: {  	s9 =	smul.u32 $0xF7A, s1;
	s8 =	simm.s32 @!p0 $0x1BF5;
	p2 =	por !p2, p0  }
0x20: {  	[sflag:s8] =	ssyncset.s32 @!p0 $0xFFFFF086;
	s6 =	sadd.s32 @!p0 s3, s7;
	s7 =	simm.s32 @!p0 $0x108  }
0x21: {  	s3 =	sadd.s32 s3, s9;
	s6 =	sadd.s32 @!p0 $0x88, s6;
	s7 =	simm.s32 @p2 $0x1082  }
0x22: {  	[simem:s7], [sflag:s8] =	dma.local @!p0 [hbm:s6], $0xF7A  }
0x23: {  	s9 =	sor.u32 $0xD0000000, s2;
	s6 =	simm.s32 $0x108;
	_ =	swait.ge @!p0 [sflag:s8], $0x0  }
0x24: {  	s3 =	sadd.s32 $0x88, s3;
	s6 =	simm.s32 @!p1 $0x1082;
	[sflag:s4] =	ssyncset.s32 $0xFFFFF086  }
0x25: {  	[simem:s6], [sflag:s4] =	dma.local [hbm:s3], $0xF7A  }
0x26: {  	[smem:$0x3F92] =	sst s1;
	(tag) =	ssettag s2;
	_ =	strace s9  }
0x27: {  	s1 =	sld [smem:$0x3FA2]  }
0x28: {  	s2 =	sld [smem:$0x3FA3]  }
0x29: {  	s4 =	sld [smem:$0x3FA5]  }
0x2a: {  	p0 =	seq.s32 s5, $0x0;
	s5 =	sld [smem:$0x3FA6]  }
0x2b: {  	s6 =	sld [smem:$0x3FA7]  }
0x2c: {  	s7 =	sld [smem:$0x3FA8]  }
0x2d: {  	s3 =	simm.s32 $0x108;
	s8 =	sld [smem:$0x3FA9]  }
0x2e: {  	s3 =	simm.s32 @!p0 $0x1082;
	s9 =	sld [smem:$0x3FAA]  }
0x2f: {  	lr =	sadd.s32 s0, s3;
	s0 =	sld [smem:$0x3FA1]  }
0x30: {  	s3 =	sld [smem:$0x3FA4]  }
0x31: {  	[smem:$0x3FAD] =	sst s10  }
0x32: {  	s10 =	sld [smem:$0x3FAB];
	_ =	sdelay $0x3  }
0x33: {  	p0 =	seq.s32 s10, $0x1;
	s10 =	sld [smem:$0x3FAD];
	_ =	sdelay $0x3  }
0x34: {  	[smem:$0x3FAD] =	sst s10  }
0x35: {  	s10 =	sld [smem:$0x3FAC];
	_ =	sdelay $0x3  }
0x36: {  	p1 =	seq.s32 s10, $0x1;
	s10 =	sld [smem:$0x3FAD];
	_ =	sdelay $0x3  }
0x37: {  	[smem:$0x3FAD] =	sst s10  }
0x38: {  	s10 =	sld [smem:$0x3FAE]  }
0x39: {  	_ = 	snop;
	(pc) =	sbr.ind lr, $3  }
0x3a: {  	_ = 	snop  }
0x3b: {  	_ = 	snop  }
0x3c: {  	p2 =	seq.s32 s10, $0x1;
	s10 =	sld [smem:$0x3FAD]  }
0x3d: {  	_ =	shalt  }
0x3e: {  	_ =	shalt  }
0x3f: {  	_ =	shalt  }
0x40: {  	_ =	shalt  }
0x41: {  	_ =	shalt  }
0x42: {  	_ =	shalt  }
0x43: {  	_ =	shalt  }
0x44: {  	_ =	shalt  }
0x45: {  	_ =	shalt  }
0x46: {  	_ =	shalt  }
0x47: {  	_ =	shalt  }
0x48: {  	_ =	shalt  }
0x49: {  	_ =	shalt  }
0x4a: {  	_ =	shalt  }
0x4b: {  	_ =	shalt  }
0x4c: {  	_ =	shalt  }
0x4d: {  	_ =	shalt  }
0x4e: {  	_ =	shalt  }
0x4f: {  	_ =	shalt  }
0x50: {  	_ =	shalt  }
0x51: {  	_ =	shalt  }
0x52: {  	_ =	shalt  }
0x53: {  	_ =	shalt  }
0x54: {  	_ =	shalt  }
0x55: {  	_ =	shalt  }
0x56: {  	_ =	shalt  }
0x57: {  	_ =	shalt  }
0x58: {  	_ =	shalt  }
0x59: {  	_ =	shalt  }
0x5a: {  	_ =	shalt  }
0x5b: {  	_ =	shalt  }
0x5c: {  	_ =	shalt  }
0x5d: {  	_ =	shalt  }
0x5e: {  	_ =	shalt  }
0x5f: {  	_ =	shalt  }
0x60: {  	_ =	shalt  }
0x61: {  	_ =	shalt  }
0x62: {  	_ =	shalt  }
0x63: {  	_ =	shalt  }
0x64: {  	_ =	shalt  }
0x65: {  	_ =	shalt  }
0x66: {  	_ =	shalt  }
0x67: {  	_ =	shalt  }
0x68: {  	_ =	shalt  }
0x69: {  	_ =	shalt  }
0x6a: {  	_ =	shalt  }
0x6b: {  	_ =	shalt  }
0x6c: {  	_ =	shalt  }
0x6d: {  	_ =	shalt  }
0x6e: {  	_ =	shalt  }
0x6f: {  	_ =	shalt  }
0x70: {  	_ =	shalt  }
0x71: {  	_ =	shalt  }
0x72: {  	_ =	shalt  }
0x73: {  	_ =	shalt  }
0x74: {  	_ =	shalt  }
0x75: {  	_ =	shalt  }
0x76: {  	_ =	shalt  }
0x77: {  	_ =	shalt  }
0x78: {  	_ =	shalt  }
0x79: {  	_ =	shalt  }
0x7a: {  	_ =	shalt  }
0x7b: {  	_ =	shalt  }
0x7c: {  	_ =	shalt  }
0x7d: {  	_ =	shalt  }
0x7e: {  	_ =	shalt  }
0x7f: {  	_ =	shalt  }
0x80: {  	_ =	shalt  }
0x81: {  	_ =	shalt  }
0x82: {  	_ =	shalt  }
0x83: {  	_ =	shalt  }
0x84: {  	_ =	shalt  }
0x85: {  	_ =	shalt  }
0x86: {  	_ =	shalt  }
0x87: {  	_ =	shalt  }
.Lfunc_end0:
.L_simem_size_0:
called_computation.2_lowered:
.L_overlay_start_0:
0x88: {  	s2 =	sld [smem:$0x3FD9]  }
0x89: {  	s3 =	sld [smem:$0x3FFE];
	_ =	sdelay $0x1  }
0x8a: {  	s1 =	srdreg.scid  }
0x8b: {  	s0 =	sand.u32 $0x1, s1  }
0x8c: {  	s17 =	sshll.u32 s0, $0xA;
	s2 =	sadd.s32 s3, s2  }
0x8d: {  	s2 =	sadd.s32 s2, s17  }
0x8e: {  	[smem:$0x3FB9] =	sst s2  }
0x8f: {  	_ = 	snop  }
0x90: {  	s2 =	sld [smem:$0x3FD0];
	(tm) =	ssettm $0x1  }
0x91: {  	s18 =	sld [smem:$0x3FFB];
	_ =	sdelay $0x3  }
0x92: {  	_ =	strace s18  }
0x93: {  	s3 =	sld [smem:$0x3FFC];
	_ =	sdelay $0x3  }
0x94: {  	_ =	strace s3  }
0x95: {  	s3 =	sld [smem:$0x3FFD];
	_ =	sdelay $0x3  }
0x96: {  	_ =	strace s3  }
0x97: {  	_ =	strace $0x8FFFFFFF  }
0x98: {  	s19 =	sld [smem:$0x3FDB];
	_ =	sdelay $0x1  }
0x99: {  	s4 =	simm.s32 $_scs_section_size  }
0x9a: {  	s5 =	simm.s32 $_size__tile_overlayer_lowered;
	s6 =	simm.s32 $_tile_overlayer_lowered  }
0x9b: {  	s22 =	simm.s32 $0x1BFF;
	s21 =	sshll.u32 s6, $0x1;
	s3 =	sadd.s32 s4, s19  }
0x9c: {  	s7 =	simm.s32 $0x0;
	s20 =	sshll.u32 s5, $0x1;
	s5 =	sadd.s32 s21, s3  }
0x9d: {  	[timem:s7], [sflag:s22] =	dma.local [hbm:s5], s20  }
0x9e: {  	_ =	swait.ge [sflag:s22], s20  }
0x9f: {  	s4 =	ssub.s32 $0x0, s20;
	[sflag:s22] =	ssyncset.done $0x0  }
0xa0: {  	[sflag:s22] =	ssyncadd.s32 s4;
	_ =	sdelay $0x1  }
0xa1: {  	s23 =	simm.s32 $0x1B8B  }
0xa2: {  	_ =	swait.ge [sflag:s23], $0x1  }
0xa3: {  	[sflag:s23] =	ssyncset.done $0x0  }
0xa4: {  	s25 =	simm.s32 $0x1B8E;
	s24 =	sld [smem:$0x3FFE];
	[sflag:s23] =	ssyncadd.s32 $0xFFFFFFFF  }
0xa5: {  	s26 =	simm.s32 $execute0_lowered;
	[smem:$0x3FD2] =	sst s25  }
0xa6: {  	s5 =	sshll.u32 s26, $0x1;
	_ =	strace $0x8000004C;
	[dreg:$0x1] =	wrdreg $0xFFFFFFFF  }
0xa7: {  	s28 =	simm.s32 $_size_execute0_lowered;
	s3 =	sadd.s32 s3, s5;
	[dreg:$0x0] =	wrdreg $0x0  }
0xa8: {  	s5 =	sshll.u32 s28, $0x1;
	[dreg:$0x2] =	wrdreg s3  }
0xa9: {  	[dreg:$0x3] =	wrdreg s5  }
0xaa: {  	[dreg:$0x4] =	wrdreg $0xC0  }
0xab: {  	_ =	task [dreg:s7], $0x5FFFF  }
0xac: {  	[dreg:$0x1] =	wrdreg $0xFFFFFFFF  }
0xad: {  	[dreg:$0x0] =	wrdreg $0x60  }
0xae: {  	[dreg:$0x2] =	wrdreg s24  }
0xaf: {  	[dreg:$0x3] =	wrdreg s2  }
0xb0: {  	[dreg:$0x4] =	wrdreg $0xBB800  }
0xb1: {  	[dreg:$0x5] =	wrdreg $0x9  }
0xb2: {  	_ =	task.clear_ibuf [dreg:s7], $0x6FFFF;
	_ =	strace $0x9000004C  }
0xb3: {  	s29 =	simm.s32 $0x9;
	_ =	strace $0x8000004E  }
0xb4: {  	_ =	swait.ge [sflag:s29], $0x1  }
0xb5: {  	[sflag:s29] =	ssyncadd.s32 $0xFFFFFFFF  }
0xb6: {  	_ =	strace $0x9000004E  }
0xb7: {  	_ =	sfence  }
0xb8: {  	s30 =	sld [smem:$0x0];
	_ =	sdelay $0x2  }
0xb9: {  	s31 =	sshll.u32 s1, $0xD;
	s1 =	sshrl.u32 s1, $0x2  }
0xba: {  	s3 =	sand.u32 $0x4000, s31;
	s1 =	sadd.s32 s1, s30  }
0xbb: {  	s0 =	sor.u32 s3, s0;
	s1 =	sshll.u32 s1, $0x11  }
0xbc: {  	s0 =	sor.u32 s1, s0  }
0xbd: {  	s0 =	sadd.s32 $0x8F2B, s0  }
0xbe: {  	[sflag:s0] =	ssyncadd.remote.s32 $0x1  }
0xbf: {  	_ =	sfence.sel $0xFFFF  }
0xc0: {  	[dreg:$0x0] =	wrdreg $0xFFFFFFFF;
	(pc) =	sbr.abs _section_cstart, $3  }
0xc1: {  	[dreg:$0x1] =	wrdreg $0xFFFFFFFF  }
0xc2: {  	_ =	task.clear_ibuf [dreg:s7], $0x2FFFF;
	_ =	strace $0x9FFFFFFF  }
0xc3: {  	(tm) =	ssettm $0x7FFFFFFF  }
tec
execute0_lowered:
.L_overlay_start_1:
0x0: {  	(tag) =	ssettag $0x1  }
0x1: {  	s0 =	rddreg [dreg:$0x0]  }
0x2: {  	s2 =	rddreg [dreg:$0x2];
	s1 =	simm.s32 $0x0  }
0x3: {  	s18 =	stileid.u32;
	s3 =	srdreg.scid;
	s16 =	simm.s32 $0xC00  }
0x4: {  	s17 =	simm.s32 $0x3;
	s20 =	simm.s32 $0x400;
	s21 =	simm.s32 $0x800  }
0x5: {  	s28 =	simm.s32 $0x1;
	s29 =	simm.s32 $0x2;
	[smem:$0x7FF] =	sst s1  }
0x6: {  	s5 =	sadd.s32 $0x84200, s0;
	s6 =	sadd.s32 $0x16C00, s0;
	s22 =	smul.u32 $0x13C00, s18  }
0x7: {  	s7 =	sadd.s32 $0xCC00, s0;
	s8 =	sadd.s32 $0x2AC00, s0;
	s12 =	smul.u32 $0xA0, s18  }
0x8: {  	s3 =	sand.u32 $0x1, s3;
	s9 =	sadd.s32 $0x20C00, s0;
	s15 =	smul.u32 $0x4F000, s18  }
0x9: {  	s10 =	sadd.s32 $0x2C00, s0;
	s31 =	sshll.u32 s18, $0x6;
	s11 =	smul.u32 $0x13C000, s3  }
0xa: {  	_ =	strace $0x8000004D;
	s23 =	ssub.s32 $0x2, s3;
	s13 =	smul.u32 $0x78, s3  }
0xb: {  	p0 =	seq.s32 s3, $0x0;
	s4 =	sshrl.u32 s22, $0x3;
	s14 =	sshrl.u32 s23, $0x1  }
0xc: {  	s25 =	sshrl.u32 s15, $0x2;
	s4 =	sadd.s32 s4, s0;
	s1 =	sadd.s32 s22, s11  }
0xd: {  	s24 =	ssub.s32 s23, s14;
	s12 =	sadd.s32 s13, s12;
	s11 =	simm.s32 $0xF  }
0xe: {  	s26 =	sadd.s32 s25, s2;
	s22 =	simm.s32 $0x3380;
	s23 =	simm.s32 $0x3780  }
0xf: {  	s25 =	simm.s32 $0x3B80;
	s1 =	sshrl.u32 s1, $0x3;
	s4 =	sadd.s32 $0x5CA00, s4  }
0x10: {  	s11 =	simm.s32 @!p0 $0x5;
	s30 =	smax.u32 s24, $0x1;
	[dreg:$0x4] =	wrdreg s4  }
0x11: {  	s13 =	sshll.u32 s12, $0x4;
	s3 =	sshrl.u32 s26, $0x3;
	[dreg:$0x6] =	wrdreg s30  }
0x12: {  	s0 =	sadd.s32 s1, s0;
	s4 =	sor.u32 $0x1C03, s31;
	[dreg:$0x8] =	wrdreg s3  }
0x13: {  	s24 =	simm.s32 $0x80;
	s0 =	sadd.s32 $0xABA00, s0;
	[dreg:$0x7] =	wrdreg s4  }
0x14: {  	s26 =	simm.s32 $0x7B80;
	s1 =	simm.s32 $0x0;
	[dreg:$0x5] =	wrdreg s0  }
.LBB2_1:
0x15: {  	[dreg:$0x9] =	wrdreg s1  }
0x16: {  	s0 =	rddreg [dreg:$0x1];
	s19 =	simm.s32 $0x0  }
0x17: {  	[tilespmem:s16], [sflag:$0x3] =	stream.linear.gather [hbm4b:s0+s19], $0x2780, $0x38;
	[tilespmem:$0x1F780] =	vst v63  }
0x18: {  	_ =	swait.ge [sflag:s17], $0x2780  }
0x19: {  	[sflag:s17] =	ssyncset.done $0x0  }
0x1a: {  	s30 =	rddreg [dreg:$0x4];
	[sflag:s17] =	ssyncadd.s32 $0xFFFFD880  }
0x1b: {  	[spmem:s3], [sflag:s4] =	dma.local [hbm:s30], $0x2780  }
0x1c: {  	_ =	swait.ge [sflag:s17], $0x2780  }
0x1d: {  	[sflag:s17] =	ssyncset.done $0x0  }
0x1e: {  	[sflag:s17] =	ssyncadd.s32 $0xFFFFD880  }
0x1f: {  	s31 =	simm.s32 $0x0;
	[bflag:$0x0] =	sbarrier.arrive $0xFFFF  }
.LBB2_2:
0x20: {  	s0 =	sshll.u32 s31, $0x7  }
0x21: {  	s0 =	sadd.s32 s13, s0  }
0x22: {  	s3 =	simm.s32 $0x0;
	s1 =	sadd.s32 s6, s0  }
0x23: {  	[tilespmem:s3], [sflag:$0x3] =	stream.linear.gather [hbm4b:s1+s3], $0x400, $0x38;
	[tilespmem:$0x1F780] =	vst v63  }
0x24: {  	_ =	swait.ge [sflag:s17], $0x400  }
0x25: {  	[sflag:s17] =	ssyncset.done $0x0  }
0x26: {  	s18 =	sadd.s32 s7, s0;
	[sflag:s17] =	ssyncadd.s32 $0xFFFFFC00  }
0x27: {  	[tilespmem:s20], [sflag:$0x3] =	stream.linear.gather [hbm4b:s18+s3], $0x400, $0x38;
	[tilespmem:$0x1F780] =	vst v63  }
0x28: {  	_ =	swait.ge [sflag:s17], $0x400  }
0x29: {  	[sflag:s17] =	ssyncset.done $0x0  }
0x2a: {  	s19 =	sadd.s32 s8, s0;
	[sflag:s17] =	ssyncadd.s32 $0xFFFFFC00  }
0x2b: {  	[tilespmem:s21], [sflag:$0x3] =	stream.linear.gather [hbm4b:s19+s3], $0x400, $0x38;
	[tilespmem:$0x1F780] =	vst v63  }
0x2c: {  	_ =	swait.ge [sflag:s17], $0x400  }
0x2d: {  	[sflag:s17] =	ssyncset.done $0x0  }
0x2e: {  	s30 =	sadd.s32 s9, s0;
	[sflag:s17] =	ssyncadd.s32 $0xFFFFFC00  }
0x2f: {  	[tilespmem:s22], [sflag:$0x3] =	stream.linear.gather [hbm4b:s30+s3], $0x400, $0x38;
	[tilespmem:$0x1F780] =	vst v63  }
0x30: {  	_ =	swait.ge [sflag:s17], $0x400  }
0x31: {  	[sflag:s17] =	ssyncset.done $0x0  }
0x32: {  	s0 =	sadd.s32 s10, s0;
	[sflag:s17] =	ssyncadd.s32 $0xFFFFFC00  }
0x33: {  	[tilespmem:s23], [sflag:$0x3] =	stream.linear.gather [hbm4b:s0+s3], $0x400, $0x38;
	[tilespmem:$0x1F780] =	vst v63  }
0x34: {  	_ =	swait.ge [sflag:s17], $0x400  }
0x35: {  	[sflag:s17] =	ssyncset.done $0x0  }
0x36: {  	s0 =	simm.s32 $0x0;
	[sflag:s17] =	ssyncadd.s32 $0xFFFFFC00  }
0x37: {  	v0 =	vld [tilespmem:s0+$0x0];
	_ =	sdelay $0x1  }
0x38: {  	v1 =	vld [tilespmem:s0+$0x400];
	_ =	sdelay $0x4  }
0x39: {  	v4 =	vld [tilespmem:s0+$0x800]  }
0x3a: {  	v2 =	vld.idx.msk [tilespmem:v0+s16+$0x0], $0xffff;
	_ =	sdelay $0x1  }
0x3b: {  	v3 =	vld.idx.msk [tilespmem:v1+s16+$0x0], $0xffff;
	_ =	sdelay $0x1  }
0x3c: {  	s1 =	simm.s32 $0x10;
	s3 =	simm.s32 $0x80  }
.LBB2_3:
0x3d: {  	p0 =	sne.s32 s3, $0xFC0;
	v5 =	vld [tilespmem:s1+$0x0];
	v2 =	vmul.f32 v4, v2;
	_ =	sdelay $0x1  }
0x3e: {  	v6 =	vld [tilespmem:s1+$0x400];
	v2 =	vmul.f32 v3, v2;
	_ =	sdelay $0x1  }
0x3f: {  	v2 =	vsub.f32 $0.0e+00, v2  }
0x40: {  	vm0 =	veq.s32 v0, v1;
	v0 =	vmov v5  }
0x41: {  	v2 =	vsel vm0, $0x0, v2  }
0x42: {  	[tilespmem:s0+$0x800] =	vst v2;
	v1 =	vmov v6;
	s0 =	smov.u32 s1  }
0x43: {  	v2 =	vld.idx.msk [tilespmem:v5+s16+$0x0], $0xffff  }
.Ltmp0:
0x44: {  	v4 =	vld [tilespmem:s0+$0x800];
	(pc) =	sbr.rel @p0 .LBB2_3-.Ltmp0, $2  }
0x45: {  	v3 =	vld.idx.msk [tilespmem:v6+s16+$0x0], $0xffff;
	_ =	sdelay $0x2  }
0x46: {  	s1 =	sshra.s32 s3, $0x2;
	s3 =	sadd.s32 $0x40, s3  }
0x47: {  	v5 =	vld [tilespmem:s1+$0x0];
	v2 =	vmul.f32 v4, v2;
	_ =	sdelay $0x1  }
0x48: {  	v2 =	vmul.f32 v3, v2  }
0x49: {  	v61 =	vld [tilespmem:s1+$0x400]  }
0x4a: {  	v2 =	vsub.f32 $0.0e+00, v2  }
0x4b: {  	vm0 =	veq.s32 v0, v1  }
0x4c: {  	v0 =	vsel vm0, $0x0, v2  }
0x4d: {  	[tilespmem:s0+$0x800] =	vst v0  }
0x4e: {  	v0 =	vld.idx.msk [tilespmem:v5+s16+$0x0], $0xffff  }
0x4f: {  	v62 =	vld [tilespmem:s1+$0x800];
	_ =	sdelay $0x1  }
0x50: {  	v63 =	vld.idx.msk [tilespmem:v61+s16+$0x0], $0xffff;
	_ =	sdelay $0x2  }
0x51: {  	v0 =	vmul.f32 v62, v0;
	_ =	sdelay $0x1  }
0x52: {  	v0 =	vmul.f32 v63, v0;
	_ =	sdelay $0x1  }
0x53: {  	v0 =	vsub.f32 $0.0e+00, v0  }
0x54: {  	vm15 =	veq.s32 v5, v61  }
0x55: {  	v0 =	vsel vm15, $0x0, v0  }
0x56: {  	s0 =	simm.s32 $0x0;
	[tilespmem:s1+$0x800] =	vst v0;
	s1 =	simm.s32 $0x0  }
0x57: {  	[tilespmem:s25], [sflag:$0x1] =	stream.indirect.gather [hbm4b:s5+s24], $0x80, s22, s24, $0xb8;
	[tilespmem:$0x1F780] =	vst v63  }
.LBB2_5:
0x58: {  	s14 =	sadd.s32 $0x0, s0  }
0x59: {  	v0 =	vmov s14  }
0x5a: {  	s3 =	sshll.u32 s1, $0x8;
	v0 =	vand.u32 $0xFFFFFFFC, v0  }
0x5b: {  	s4 =	sadd.s32 $0x3400, s3;
	v0 =	vbroadcast v0, $0x0  }
0x5c: {  	[tilespmem:s26], [sflag:$0x2] =	stream.indirect.gather [hbm4b:s5+s24], $0x80, s4, s24, $0xb8;
	[tilespmem:$0x1F780] =	vst v63  }
0x5d: {  	_ =	swait.ge [sflag:s28], $0x4000  }
0x5e: {  	[sflag:s28] =	ssyncset.done $0x0  }
0x5f: {  	s4 =	simm.s32 $0x3C80;
	[sflag:s28] =	ssyncadd.s32 $0xFFFFC000  }
0x60: {  	v1 =	vld [tilespmem:s4+$0xFFFFFF70]  }
0x61: {  	v0 =	vld.idx.msk [tilespmem:v0+s21+$0x0], $0xffff  }
0x62: {  	v2 =	vld [tilespmem:s4+$0xFFFFFF00]  }
0x63: {  	v3 =	vld [tilespmem:s4+$0xFFFFFF20]  }
0x64: {  	v4 =	vld [tilespmem:s4+$0xFFFFFF50]  }
0x65: {  	v5 =	vld [tilespmem:s4+$0xFFFFFF40]  }
0x66: {  	v6 =	vld [tilespmem:s4+$0xFFFFFF60];
	v1 =	vmul.f32 v1, v0  }
0x67: {  	s12 =	sadd.s32 $0x1, s14;
	v7 =	vld [tilespmem:s4+$0xFFFFFF30];
	v2 =	vmul.f32 v2, v0  }
0x68: {  	v8 =	vmov s12;
	v9 =	vld [tilespmem:s4+$0xFFFFFF10];
	v3 =	vmul.f32 v3, v0;
	[tilespmem:s4+$0xFFFFFF70] =	vst v1  }
0x69: {  	v4 =	vmul.f32 v4, v0;
	v1 =	vand.u32 $0xFFFFFFFD, v8;
	[tilespmem:s4+$0xFFFFFF00] =	vst v2  }
0x6a: {  	v2 =	vmul.f32 v5, v0;
	[tilespmem:s4+$0xFFFFFF20] =	vst v3;
	v1 =	vbroadcast v1, $0x0  }
0x6b: {  	v3 =	vmul.f32 v6, v0;
	[tilespmem:s4+$0xFFFFFF50] =	vst v4  }
0x6c: {  	v4 =	vmul.f32 v7, v0;
	[tilespmem:s4+$0xFFFFFF40] =	vst v2  }
0x6d: {  	v0 =	vmul.f32 v9, v0;
	[tilespmem:s4+$0xFFFFFF60] =	vst v3  }
0x6e: {  	[tilespmem:s4+$0xFFFFFF30] =	vst v4  }
0x6f: {  	[tilespmem:s4+$0xFFFFFF10] =	vst v0;
	v0 =	vld [tilespmem:s4+$0xFFFFFF90]  }
0x70: {  	v2 =	vld.idx.msk [tilespmem:v1+s21+$0x0], $0xffff  }
0x71: {  	v1 =	vld [tilespmem:s4+$0xFFFFFFA0]  }
0x72: {  	v3 =	vld [tilespmem:s4+$0xFFFFFF80]  }
0x73: {  	v4 =	vld [tilespmem:s4+$0xFFFFFFB0]  }
0x74: {  	v5 =	vld [tilespmem:s4+$0xFFFFFFC0]  }
0x75: {  	v6 =	vld [tilespmem:s4+$0xFFFFFFD0];
	v0 =	vmul.f32 v0, v2  }
0x76: {  	s30 =	sadd.s32 $0x2, s14;
	v7 =	vld [tilespmem:s4+$0xFFFFFFF0];
	v1 =	vmul.f32 v1, v2  }
0x77: {  	v63 =	vld [tilespmem:s4+$0xFFFFFFE0];
	v8 =	vmov s30;
	v3 =	vmul.f32 v3, v2;
	[tilespmem:s4+$0xFFFFFF90] =	vst v0  }
0x78: {  	v4 =	vmul.f32 v4, v2;
	v0 =	vand.u32 $0xFFFFFFFE, v8;
	[tilespmem:s4+$0xFFFFFFA0] =	vst v1  }
0x79: {  	v1 =	vmul.f32 v5, v2;
	[tilespmem:s4+$0xFFFFFF80] =	vst v3;
	v5 =	vld [tilespmem:s4+$0x60];
	v8 =	vbroadcast v0, $0x0  }
0x7a: {  	v3 =	vmul.f32 v6, v2;
	[tilespmem:s4+$0xFFFFFFB0] =	vst v4;
	v6 =	vld [tilespmem:s4+$0x0]  }
0x7b: {  	v4 =	vmul.f32 v7, v2;
	v0 =	vld [tilespmem:s4+$0x20];
	[tilespmem:s4+$0xFFFFFFC0] =	vst v1  }
0x7c: {  	v2 =	vmul.f32 v63, v2;
	v1 =	vld [tilespmem:s4+$0x30];
	[tilespmem:s4+$0xFFFFFFD0] =	vst v3  }
0x7d: {  	[tilespmem:s4+$0xFFFFFFF0] =	vst v4;
	v3 =	vld [tilespmem:s4+$0x40]  }
0x7e: {  	s3 =	sor.u32 $0x80, s3;
	[tilespmem:s4+$0xFFFFFFE0] =	vst v2;
	v4 =	vld [tilespmem:s4+$0x10]  }
0x7f: {  	s15 =	sadd.s32 $0x3, s14;
	s14 =	simm.s32 $0x3C80;
	s12 =	simm.s32 $0x4;
	v2 =	vld.idx.msk [tilespmem:v8+s21+$0x0], $0xffff  }
.LBB2_6:
0x80: {  	p0 =	sne.s32 s12, $0x7C  }
0x81: {  	v7 =	vld [tilespmem:s4+$0x50];
	s14 =	sadd.s32 $0x200, s14;
	s18 =	smov.u32 s12;
	s12 =	sadd.s32 $0x4, s12  }
0x82: {  	v8 =	vld [tilespmem:s4+$0x70];
	_ =	sdelay $0x1  }
0x83: {  	v5 =	vmul.f32 v5, v2;
	v6 =	vmul.f32 v6, v2  }
0x84: {  	v3 =	vmul.f32 v3, v2;
	v4 =	vmul.f32 v4, v2  }
0x85: {  	v0 =	vmul.f32 v0, v2;
	v1 =	vmul.f32 v1, v2;
	[tilespmem:s4+$0x60] =	vst v5  }
0x86: {  	[tilespmem:s4+$0x40] =	vst v3;
	v3 =	vmul.f32 v7, v2;
	v2 =	vmul.f32 v8, v2  }
0x87: {  	[tilespmem:s4+$0x20] =	vst v0;
	v5 =	vld [tilespmem:s4+$0x80]  }
0x88: {  	v0 =	vld [tilespmem:s14+$0x20];
	[tilespmem:s4+$0x0] =	vst v6;
	v6 =	vmov s15  }
0x89: {  	[tilespmem:s4+$0x50] =	vst v3;
	v3 =	vld [tilespmem:s4+$0xE0]  }
0x8a: {  	[tilespmem:s4+$0x30] =	vst v1;
	v7 =	vld [tilespmem:s4+$0xC0]  }
0x8b: {  	v1 =	vld [tilespmem:s14+$0x30];
	[tilespmem:s4+$0x10] =	vst v4  }
0x8c: {  	[tilespmem:s4+$0x70] =	vst v2;
	v2 =	vld [tilespmem:s4+$0xA0]  }
0x8d: {  	v4 =	vld.idx.msk [tilespmem:v6+s21+$0x0], $0xffff  }
0x8e: {  	v6 =	vld [tilespmem:s4+$0x90]  }
0x8f: {  	v8 =	vld [tilespmem:s4+$0xB0]  }
0x90: {  	v9 =	vld [tilespmem:s4+$0xD0]  }
0x91: {  	v10 =	vld [tilespmem:s4+$0xF0];
	_ =	sdelay $0x1  }
0x92: {  	v5 =	vmul.f32 v5, v4;
	v6 =	vmul.f32 v6, v4  }
0x93: {  	s15 =	sadd.s32 s18, s0;
	v2 =	vmul.f32 v2, v4;
	v8 =	vmul.f32 v8, v4  }
0x94: {  	v11 =	vmov s15;
	s18 =	sadd.s32 $0x1, s15;
	s19 =	sadd.s32 $0x2, s15;
	s15 =	sadd.s32 $0x3, s15;
	[tilespmem:s4+$0x80] =	vst v5;
	v5 =	vmul.f32 v7, v4;
	v7 =	vmul.f32 v9, v4  }
0x95: {  	v9 =	vand.u32 $0xFFFFFFFC, v11;
	[tilespmem:s4+$0xA0] =	vst v2;
	v2 =	vmul.f32 v3, v4;
	v3 =	vmul.f32 v10, v4  }
0x96: {  	v4 =	vbroadcast v9, $0x0;
	v9 =	vmov s18;
	v10 =	vmov s19;
	[tilespmem:s4+$0xC0] =	vst v5  }
0x97: {  	v5 =	vand.u32 $0xFFFFFFFD, v9;
	v9 =	vand.u32 $0xFFFFFFFE, v10;
	[tilespmem:s4+$0xF0] =	vst v3  }
0x98: {  	v3 =	vld [tilespmem:s14+$0xFFFFFF40];
	[tilespmem:s4+$0xE0] =	vst v2  }
0x99: {  	v2 =	vld [tilespmem:s14+$0xFFFFFF50];
	[tilespmem:s4+$0x90] =	vst v6  }
0x9a: {  	v6 =	vld [tilespmem:s14+$0xFFFFFF60];
	[tilespmem:s4+$0xB0] =	vst v8  }
0x9b: {  	v8 =	vld [tilespmem:s14+$0xFFFFFF70];
	[tilespmem:s4+$0xD0] =	vst v7;
	s4 =	smov.u32 s14  }
0x9c: {  	v4 =	vld.idx.msk [tilespmem:v4+s21+$0x0], $0xffff  }
0x9d: {  	v7 =	vld [tilespmem:s14+$0xFFFFFF00]  }
0x9e: {  	v10 =	vld [tilespmem:s14+$0xFFFFFF20]  }
0x9f: {  	v11 =	vld [tilespmem:s14+$0xFFFFFF10]  }
0xa0: {  	v12 =	vld [tilespmem:s14+$0xFFFFFF30];
	_ =	sdelay $0x1  }
0xa1: {  	v8 =	vmul.f32 v8, v4;
	v7 =	vmul.f32 v7, v4  }
0xa2: {  	v6 =	vmul.f32 v6, v4;
	v10 =	vmul.f32 v10, v4  }
0xa3: {  	v2 =	vmul.f32 v2, v4;
	v11 =	vmul.f32 v11, v4;
	[tilespmem:s14+$0xFFFFFF70] =	vst v8  }
0xa4: {  	v3 =	vmul.f32 v3, v4;
	[tilespmem:s14+$0xFFFFFF00] =	vst v7;
	v7 =	vmul.f32 v12, v4  }
0xa5: {  	v4 =	vbroadcast v5, $0x0;
	[tilespmem:s14+$0xFFFFFF20] =	vst v10  }
0xa6: {  	[tilespmem:s14+$0xFFFFFF50] =	vst v2  }
0xa7: {  	[tilespmem:s14+$0xFFFFFF40] =	vst v3;
	v2 =	vld [tilespmem:s14+$0xFFFFFFF0]  }
0xa8: {  	[tilespmem:s14+$0xFFFFFF60] =	vst v6;
	v3 =	vld [tilespmem:s14+$0xFFFFFFC0]  }
0xa9: {  	[tilespmem:s14+$0xFFFFFF30] =	vst v7;
	v5 =	vld [tilespmem:s14+$0xFFFFFFD0]  }
0xaa: {  	[tilespmem:s14+$0xFFFFFF10] =	vst v11;
	v6 =	vld [tilespmem:s14+$0xFFFFFF90]  }
0xab: {  	v4 =	vld.idx.msk [tilespmem:v4+s21+$0x0], $0xffff  }
0xac: {  	v7 =	vld [tilespmem:s14+$0xFFFFFF80]  }
0xad: {  	v8 =	vld [tilespmem:s14+$0xFFFFFFA0]  }
0xae: {  	v10 =	vld [tilespmem:s14+$0xFFFFFFB0]  }
0xaf: {  	v11 =	vld [tilespmem:s14+$0xFFFFFFE0];
	_ =	sdelay $0x1  }
0xb0: {  	v6 =	vmul.f32 v6, v4;
	v7 =	vmul.f32 v7, v4  }
0xb1: {  	v5 =	vmul.f32 v5, v4;
	v8 =	vmul.f32 v8, v4  }
0xb2: {  	v3 =	vmul.f32 v3, v4;
	[tilespmem:s14+$0xFFFFFF90] =	vst v6;
	v6 =	vmul.f32 v10, v4  }
0xb3: {  	v2 =	vmul.f32 v2, v4;
	[tilespmem:s14+$0xFFFFFFA0] =	vst v8;
	v8 =	vmul.f32 v11, v4  }
0xb4: {  	v4 =	vbroadcast v9, $0x0;
	[tilespmem:s14+$0xFFFFFF80] =	vst v7  }
0xb5: {  	[tilespmem:s14+$0xFFFFFFB0] =	vst v6  }
0xb6: {  	[tilespmem:s14+$0xFFFFFFC0] =	vst v3  }
0xb7: {  	[tilespmem:s14+$0xFFFFFFD0] =	vst v5  }
.Ltmp1:
0xb8: {  	[tilespmem:s14+$0xFFFFFFF0] =	vst v2;
	v3 =	vld [tilespmem:s14+$0x40];
	(pc) =	sbr.rel @p0 .LBB2_6-.Ltmp1, $4  }
0xb9: {  	[tilespmem:s14+$0xFFFFFFE0] =	vst v8;
	v5 =	vld [tilespmem:s14+$0x60]  }
0xba: {  	v2 =	vld.idx.msk [tilespmem:v4+s21+$0x0], $0xffff  }
0xbb: {  	v6 =	vld [tilespmem:s14+$0x0]  }
0xbc: {  	v4 =	vld [tilespmem:s14+$0x10]  }
0xbd: {  	_ =	sdelay $0x1  }
0xbe: {  	v5 =	vmul.f32 v5, v2  }
0xbf: {  	v7 =	vld [tilespmem:s4+$0x50];
	v3 =	vmul.f32 v3, v2  }
0xc0: {  	v8 =	vld [tilespmem:s4+$0x70];
	v0 =	vmul.f32 v0, v2;
	[tilespmem:s4+$0x60] =	vst v5  }
0xc1: {  	v5 =	vmul.f32 v6, v2;
	[tilespmem:s4+$0x40] =	vst v3  }
0xc2: {  	[tilespmem:s4+$0x20] =	vst v0;
	v0 =	vmul.f32 v1, v2  }
0xc3: {  	v4 =	vmul.f32 v4, v2;
	[tilespmem:s4+$0x0] =	vst v5;
	v5 =	vmov s15  }
0xc4: {  	v3 =	vmul.f32 v7, v2;
	[tilespmem:s4+$0x30] =	vst v0  }
0xc5: {  	v2 =	vmul.f32 v8, v2;
	[tilespmem:s4+$0x10] =	vst v4  }
0xc6: {  	[tilespmem:s4+$0x50] =	vst v3  }
0xc7: {  	v1 =	vld [tilespmem:s4+$0x80];
	[tilespmem:s4+$0x70] =	vst v2  }
0xc8: {  	v0 =	vld.idx.msk [tilespmem:v5+s21+$0x0], $0xffff  }
0xc9: {  	v2 =	vld [tilespmem:s4+$0xA0]  }
0xca: {  	v3 =	vld [tilespmem:s4+$0xC0]  }
0xcb: {  	v4 =	vld [tilespmem:s4+$0xF0]  }
0xcc: {  	v5 =	vld [tilespmem:s4+$0xE0]  }
0xcd: {  	v6 =	vld [tilespmem:s4+$0x90];
	v1 =	vmul.f32 v1, v0  }
0xce: {  	v7 =	vld [tilespmem:s4+$0xB0];
	v2 =	vmul.f32 v2, v0  }
0xcf: {  	v8 =	vld [tilespmem:s4+$0xD0];
	[tilespmem:s4+$0x80] =	vst v1;
	v1 =	vmul.f32 v3, v0  }
0xd0: {  	[tilespmem:s4+$0xA0] =	vst v2;
	v2 =	vmul.f32 v4, v0  }
0xd1: {  	v3 =	vmul.f32 v5, v0;
	[tilespmem:s4+$0xC0] =	vst v1  }
0xd2: {  	v1 =	vmul.f32 v6, v0;
	[tilespmem:s4+$0xF0] =	vst v2  }
0xd3: {  	s12 =	sshll.u32 s1, $0xA;
	v2 =	vmul.f32 v7, v0;
	[tilespmem:s4+$0xE0] =	vst v3  }
0xd4: {  	s14 =	sshrl.u32 s12, $0x2;
	v0 =	vmul.f32 v8, v0;
	[tilespmem:s4+$0x90] =	vst v1  }
0xd5: {  	s15 =	sadd.s32 $0x3780, s14;
	s14 =	sadd.s32 $0xFFFFFF80, s0;
	[tilespmem:s4+$0xB0] =	vst v2  }
0xd6: {  	s18 =	sadd.s32 $0x100, s14;
	[tilespmem:s4+$0xD0] =	vst v0  }
0xd7: {  	[spmem:s2] =	stream.indirect.scatter.add.f32 [tilespmem:s25], [sflag:$0x3], $0x80, s15, s24, $0xb8;
	[tilespmem:$0x1F780] =	vst v63  }
0xd8: {  	p0 =	seq.s32 s1, $0x3;
	v0 =	vmov s18;
	_ =	swait.ge [sflag:s17], $0x4000  }
0xd9: {  	s4 =	sshrl.u32 @!p0 s12, $0x2;
	s12 =	simm.s32 @!p0 $0x80;
	v0 =	vand.u32 $0xFFFFFFFC, v0;
	[sflag:s17] =	ssyncset.done $0x0  }
0xda: {  	s4 =	sadd.s32 @!p0 $0x3480, s4;
	s15 =	simm.s32 @!p0 $0x3B80;
	v0 =	vbroadcast v0, $0x0;
	[sflag:s17] =	ssyncadd.s32 $0xFFFFC000  }
0xdb: {  	[tilespmem:s15], [sflag:$0x1] =	stream.indirect.gather @!p0 [hbm4b:s5+s12], $0x80, s4, s12, $0xb8;
	[tilespmem:$0x1F780] =	vst v63  }
0xdc: {  	_ =	swait.ge [sflag:s29], $0x4000  }
0xdd: {  	[sflag:s29] =	ssyncset.done $0x0  }
0xde: {  	s4 =	simm.s32 $0x7C80;
	[sflag:s29] =	ssyncadd.s32 $0xFFFFC000  }
0xdf: {  	v1 =	vld [tilespmem:s4+$0xFFFFFF70]  }
0xe0: {  	v0 =	vld.idx.msk [tilespmem:v0+s21+$0x0], $0xffff  }
0xe1: {  	v2 =	vld [tilespmem:s4+$0xFFFFFF00]  }
0xe2: {  	v3 =	vld [tilespmem:s4+$0xFFFFFF20]  }
0xe3: {  	v4 =	vld [tilespmem:s4+$0xFFFFFF50]  }
0xe4: {  	v5 =	vld [tilespmem:s4+$0xFFFFFF40]  }
0xe5: {  	v6 =	vld [tilespmem:s4+$0xFFFFFF60];
	v1 =	vmul.f32 v1, v0  }
0xe6: {  	s19 =	sadd.s32 $0x101, s14;
	v7 =	vld [tilespmem:s4+$0xFFFFFF30];
	v2 =	vmul.f32 v2, v0  }
0xe7: {  	v8 =	vmov s19;
	v9 =	vld [tilespmem:s4+$0xFFFFFF10];
	v3 =	vmul.f32 v3, v0;
	[tilespmem:s4+$0xFFFFFF70] =	vst v1  }
0xe8: {  	v4 =	vmul.f32 v4, v0;
	v1 =	vand.u32 $0xFFFFFFFD, v8;
	[tilespmem:s4+$0xFFFFFF00] =	vst v2  }
0xe9: {  	v2 =	vmul.f32 v5, v0;
	[tilespmem:s4+$0xFFFFFF20] =	vst v3;
	v1 =	vbroadcast v1, $0x0  }
0xea: {  	v3 =	vmul.f32 v6, v0;
	[tilespmem:s4+$0xFFFFFF50] =	vst v4  }
0xeb: {  	v4 =	vmul.f32 v7, v0;
	[tilespmem:s4+$0xFFFFFF40] =	vst v2  }
0xec: {  	v0 =	vmul.f32 v9, v0;
	[tilespmem:s4+$0xFFFFFF60] =	vst v3  }
0xed: {  	[tilespmem:s4+$0xFFFFFF30] =	vst v4  }
0xee: {  	[tilespmem:s4+$0xFFFFFF10] =	vst v0;
	v0 =	vld [tilespmem:s4+$0xFFFFFF90]  }
0xef: {  	v2 =	vld.idx.msk [tilespmem:v1+s21+$0x0], $0xffff  }
0xf0: {  	v1 =	vld [tilespmem:s4+$0xFFFFFFA0]  }
0xf1: {  	v3 =	vld [tilespmem:s4+$0xFFFFFF80]  }
0xf2: {  	v4 =	vld [tilespmem:s4+$0xFFFFFFB0]  }
0xf3: {  	v5 =	vld [tilespmem:s4+$0xFFFFFFC0]  }
0xf4: {  	v6 =	vld [tilespmem:s4+$0xFFFFFFD0];
	v0 =	vmul.f32 v0, v2  }
0xf5: {  	s30 =	sadd.s32 $0x102, s14;
	v7 =	vld [tilespmem:s4+$0xFFFFFFF0];
	v1 =	vmul.f32 v1, v2  }
0xf6: {  	v63 =	vld [tilespmem:s4+$0xFFFFFFE0];
	v8 =	vmov s30;
	v3 =	vmul.f32 v3, v2;
	[tilespmem:s4+$0xFFFFFF90] =	vst v0  }
0xf7: {  	v4 =	vmul.f32 v4, v2;
	v0 =	vand.u32 $0xFFFFFFFE, v8;
	[tilespmem:s4+$0xFFFFFFA0] =	vst v1  }
0xf8: {  	v1 =	vmul.f32 v5, v2;
	[tilespmem:s4+$0xFFFFFF80] =	vst v3;
	v5 =	vld [tilespmem:s4+$0x60];
	v8 =	vbroadcast v0, $0x0  }
0xf9: {  	v3 =	vmul.f32 v6, v2;
	[tilespmem:s4+$0xFFFFFFB0] =	vst v4;
	v6 =	vld [tilespmem:s4+$0x0]  }
0xfa: {  	v4 =	vmul.f32 v7, v2;
	v0 =	vld [tilespmem:s4+$0x20];
	[tilespmem:s4+$0xFFFFFFC0] =	vst v1  }
0xfb: {  	v2 =	vmul.f32 v63, v2;
	v1 =	vld [tilespmem:s4+$0x30];
	[tilespmem:s4+$0xFFFFFFD0] =	vst v3  }
0xfc: {  	[tilespmem:s4+$0xFFFFFFF0] =	vst v4;
	v3 =	vld [tilespmem:s4+$0x40]  }
0xfd: {  	s1 =	sadd.s32 $0x1, s1;
	[tilespmem:s4+$0xFFFFFFE0] =	vst v2;
	v4 =	vld [tilespmem:s4+$0x10]  }
0xfe: {  	s12 =	simm.s32 $0xFFFFFF84;
	s15 =	sadd.s32 $0x103, s14;
	s14 =	simm.s32 $0x7C80;
	v2 =	vld.idx.msk [tilespmem:v8+s21+$0x0], $0xffff  }
.LBB2_8:
0xff: {  	p0 =	sne.s32 s12, $0xFFFFFFFC  }
0x100: {  	v7 =	vld [tilespmem:s4+$0x50];
	s14 =	sadd.s32 $0x200, s14;
	s18 =	smov.u32 s12;
	s12 =	sadd.s32 $0x4, s12  }
0x101: {  	v8 =	vld [tilespmem:s4+$0x70];
	_ =	sdelay $0x1  }
0x102: {  	v5 =	vmul.f32 v5, v2;
	v6 =	vmul.f32 v6, v2  }
0x103: {  	v3 =	vmul.f32 v3, v2;
	v4 =	vmul.f32 v4, v2  }
0x104: {  	v0 =	vmul.f32 v0, v2;
	v1 =	vmul.f32 v1, v2;
	[tilespmem:s4+$0x60] =	vst v5  }
0x105: {  	[tilespmem:s4+$0x40] =	vst v3;
	v3 =	vmul.f32 v7, v2;
	v2 =	vmul.f32 v8, v2  }
0x106: {  	[tilespmem:s4+$0x20] =	vst v0;
	v5 =	vld [tilespmem:s4+$0x80]  }
0x107: {  	v0 =	vld [tilespmem:s14+$0x20];
	[tilespmem:s4+$0x0] =	vst v6;
	v6 =	vmov s15  }
0x108: {  	[tilespmem:s4+$0x50] =	vst v3;
	v3 =	vld [tilespmem:s4+$0xE0]  }
0x109: {  	[tilespmem:s4+$0x30] =	vst v1;
	v7 =	vld [tilespmem:s4+$0xC0]  }
0x10a: {  	v1 =	vld [tilespmem:s14+$0x30];
	[tilespmem:s4+$0x10] =	vst v4  }
0x10b: {  	[tilespmem:s4+$0x70] =	vst v2;
	v2 =	vld [tilespmem:s4+$0xA0]  }
0x10c: {  	v4 =	vld.idx.msk [tilespmem:v6+s21+$0x0], $0xffff  }
0x10d: {  	v6 =	vld [tilespmem:s4+$0x90]  }
0x10e: {  	v8 =	vld [tilespmem:s4+$0xB0]  }
0x10f: {  	v9 =	vld [tilespmem:s4+$0xD0]  }
0x110: {  	v10 =	vld [tilespmem:s4+$0xF0];
	_ =	sdelay $0x1  }
0x111: {  	s15 =	sadd.s32 s18, s0;
	v5 =	vmul.f32 v5, v4;
	v6 =	vmul.f32 v6, v4  }
0x112: {  	s18 =	sadd.s32 $0x100, s15;
	s19 =	sadd.s32 $0x101, s15;
	s30 =	sadd.s32 $0x102, s15;
	v2 =	vmul.f32 v2, v4;
	v8 =	vmul.f32 v8, v4  }
0x113: {  	s15 =	sadd.s32 $0x103, s15;
	v11 =	vmov s18;
	[tilespmem:s4+$0x80] =	vst v5;
	v5 =	vmul.f32 v7, v4;
	v7 =	vmul.f32 v9, v4  }
0x114: {  	v9 =	vand.u32 $0xFFFFFFFC, v11;
	[tilespmem:s4+$0xA0] =	vst v2;
	v2 =	vmul.f32 v3, v4;
	v3 =	vmul.f32 v10, v4  }
0x115: {  	v4 =	vbroadcast v9, $0x0;
	v9 =	vmov s19;
	v10 =	vmov s30;
	[tilespmem:s4+$0xC0] =	vst v5  }
0x116: {  	v5 =	vand.u32 $0xFFFFFFFD, v9;
	v9 =	vand.u32 $0xFFFFFFFE, v10;
	[tilespmem:s4+$0xF0] =	vst v3  }
0x117: {  	v3 =	vld [tilespmem:s14+$0xFFFFFF40];
	[tilespmem:s4+$0xE0] =	vst v2  }
0x118: {  	v2 =	vld [tilespmem:s14+$0xFFFFFF50];
	[tilespmem:s4+$0x90] =	vst v6  }
0x119: {  	v6 =	vld [tilespmem:s14+$0xFFFFFF60];
	[tilespmem:s4+$0xB0] =	vst v8  }
0x11a: {  	v8 =	vld [tilespmem:s14+$0xFFFFFF70];
	[tilespmem:s4+$0xD0] =	vst v7;
	s4 =	smov.u32 s14  }
0x11b: {  	v4 =	vld.idx.msk [tilespmem:v4+s21+$0x0], $0xffff  }
0x11c: {  	v7 =	vld [tilespmem:s14+$0xFFFFFF00]  }
0x11d: {  	v10 =	vld [tilespmem:s14+$0xFFFFFF20]  }
0x11e: {  	v11 =	vld [tilespmem:s14+$0xFFFFFF10]  }
0x11f: {  	v12 =	vld [tilespmem:s14+$0xFFFFFF30];
	_ =	sdelay $0x1  }
0x120: {  	v8 =	vmul.f32 v8, v4;
	v7 =	vmul.f32 v7, v4  }
0x121: {  	v6 =	vmul.f32 v6, v4;
	v10 =	vmul.f32 v10, v4  }
0x122: {  	v2 =	vmul.f32 v2, v4;
	v11 =	vmul.f32 v11, v4;
	[tilespmem:s14+$0xFFFFFF70] =	vst v8  }
0x123: {  	v3 =	vmul.f32 v3, v4;
	[tilespmem:s14+$0xFFFFFF00] =	vst v7;
	v7 =	vmul.f32 v12, v4  }
0x124: {  	v4 =	vbroadcast v5, $0x0;
	[tilespmem:s14+$0xFFFFFF20] =	vst v10  }
0x125: {  	[tilespmem:s14+$0xFFFFFF50] =	vst v2  }
0x126: {  	[tilespmem:s14+$0xFFFFFF40] =	vst v3;
	v2 =	vld [tilespmem:s14+$0xFFFFFFF0]  }
0x127: {  	[tilespmem:s14+$0xFFFFFF60] =	vst v6;
	v3 =	vld [tilespmem:s14+$0xFFFFFFC0]  }
0x128: {  	[tilespmem:s14+$0xFFFFFF30] =	vst v7;
	v5 =	vld [tilespmem:s14+$0xFFFFFFD0]  }
0x129: {  	[tilespmem:s14+$0xFFFFFF10] =	vst v11;
	v6 =	vld [tilespmem:s14+$0xFFFFFF90]  }
0x12a: {  	v4 =	vld.idx.msk [tilespmem:v4+s21+$0x0], $0xffff  }
0x12b: {  	v7 =	vld [tilespmem:s14+$0xFFFFFF80]  }
0x12c: {  	v8 =	vld [tilespmem:s14+$0xFFFFFFA0]  }
0x12d: {  	v10 =	vld [tilespmem:s14+$0xFFFFFFB0]  }
0x12e: {  	v11 =	vld [tilespmem:s14+$0xFFFFFFE0];
	_ =	sdelay $0x1  }
0x12f: {  	v6 =	vmul.f32 v6, v4;
	v7 =	vmul.f32 v7, v4  }
0x130: {  	v5 =	vmul.f32 v5, v4;
	v8 =	vmul.f32 v8, v4  }
0x131: {  	v3 =	vmul.f32 v3, v4;
	[tilespmem:s14+$0xFFFFFF90] =	vst v6;
	v6 =	vmul.f32 v10, v4  }
0x132: {  	v2 =	vmul.f32 v2, v4;
	[tilespmem:s14+$0xFFFFFFA0] =	vst v8;
	v8 =	vmul.f32 v11, v4  }
0x133: {  	v4 =	vbroadcast v9, $0x0;
	[tilespmem:s14+$0xFFFFFF80] =	vst v7  }
0x134: {  	[tilespmem:s14+$0xFFFFFFB0] =	vst v6  }
0x135: {  	[tilespmem:s14+$0xFFFFFFC0] =	vst v3  }
0x136: {  	[tilespmem:s14+$0xFFFFFFD0] =	vst v5  }
.Ltmp2:
0x137: {  	[tilespmem:s14+$0xFFFFFFF0] =	vst v2;
	v3 =	vld [tilespmem:s14+$0x40];
	(pc) =	sbr.rel @p0 .LBB2_8-.Ltmp2, $4  }
0x138: {  	[tilespmem:s14+$0xFFFFFFE0] =	vst v8;
	v5 =	vld [tilespmem:s14+$0x60]  }
0x139: {  	v2 =	vld.idx.msk [tilespmem:v4+s21+$0x0], $0xffff  }
0x13a: {  	v6 =	vld [tilespmem:s14+$0x0]  }
0x13b: {  	v4 =	vld [tilespmem:s14+$0x10]  }
0x13c: {  	_ =	sdelay $0x1  }
0x13d: {  	v5 =	vmul.f32 v5, v2  }
0x13e: {  	v7 =	vld [tilespmem:s4+$0x50];
	v3 =	vmul.f32 v3, v2  }
0x13f: {  	v8 =	vld [tilespmem:s4+$0x70];
	v0 =	vmul.f32 v0, v2;
	[tilespmem:s4+$0x60] =	vst v5  }
0x140: {  	v48 =	vmul.f32 v1, v2;
	[tilespmem:s4+$0x40] =	vst v3  }
0x141: {  	v46 =	vmul.f32 v6, v2;
	[tilespmem:s4+$0x20] =	vst v0  }
0x142: {  	v50 =	vmov s15;
	v4 =	vmul.f32 v4, v2;
	[tilespmem:s4+$0x30] =	vst v48  }
0x143: {  	v47 =	vmul.f32 v7, v2;
	[tilespmem:s4+$0x0] =	vst v46  }
0x144: {  	v51 =	vmul.f32 v8, v2;
	[tilespmem:s4+$0x10] =	vst v4  }
0x145: {  	[tilespmem:s4+$0x50] =	vst v47  }
0x146: {  	v49 =	vld [tilespmem:s4+$0x80];
	[tilespmem:s4+$0x70] =	vst v51  }
0x147: {  	v0 =	vld.idx.msk [tilespmem:v50+s21+$0x0], $0xffff  }
0x148: {  	v52 =	vld [tilespmem:s4+$0xA0]  }
0x149: {  	v53 =	vld [tilespmem:s4+$0xC0]  }
0x14a: {  	v54 =	vld [tilespmem:s4+$0xF0]  }
0x14b: {  	v55 =	vld [tilespmem:s4+$0xE0]  }
0x14c: {  	v56 =	vld [tilespmem:s4+$0x90];
	v1 =	vmul.f32 v49, v0  }
0x14d: {  	v57 =	vld [tilespmem:s4+$0xB0];
	v2 =	vmul.f32 v52, v0  }
0x14e: {  	v58 =	vld [tilespmem:s4+$0xD0];
	v59 =	vmul.f32 v53, v0;
	[tilespmem:s4+$0x80] =	vst v1  }
0x14f: {  	v60 =	vmul.f32 v54, v0;
	[tilespmem:s4+$0xA0] =	vst v2  }
0x150: {  	v61 =	vmul.f32 v55, v0;
	[tilespmem:s4+$0xC0] =	vst v59  }
0x151: {  	v62 =	vmul.f32 v56, v0;
	[tilespmem:s4+$0xF0] =	vst v60  }
0x152: {  	v63 =	vmul.f32 v57, v0;
	[tilespmem:s4+$0xE0] =	vst v61  }
0x153: {  	v0 =	vmul.f32 v58, v0;
	[tilespmem:s4+$0x90] =	vst v62  }
0x154: {  	p0 =	sne.s32 s1, $0x4;
	[tilespmem:s4+$0xB0] =	vst v63  }
.Ltmp3:
0x155: {  	s3 =	sadd.s32 $0x3780, s3;
	[tilespmem:s4+$0xD0] =	vst v0;
	(pc) =	sbr.rel @p0 .LBB2_5-.Ltmp3, $4  }
0x156: {  	[spmem:s2] =	stream.indirect.scatter.add.f32 [tilespmem:s26], [sflag:$0x3], $0x80, s3, s24, $0xb8;
	[tilespmem:$0x1F780] =	vst v63  }
0x157: {  	_ =	swait.ge [sflag:s17], $0x4000  }
0x158: {  	[sflag:s17] =	ssyncset.done $0x0  }
0x159: {  	s0 =	sadd.s32 $0x100, s0;
	[sflag:s17] =	ssyncadd.s32 $0xFFFFC000  }
0x15a: {  	s31 =	sadd.s32 $0x1, s31  }
0x15b: {  	p0 =	sne.s32 s31, s11  }
.Ltmp4:
0x15c: {  	_ = 	snop;
	(pc) =	sbr.rel @p0 .LBB2_2-.Ltmp4, $1  }
0x15d: {  	_ =	sdelay $0x3  }
0x15e: {  	[bflag:$0x0] =	sbarrier.arrive $0xFFFF  }
0x15f: {  	s0 =	rddreg [dreg:$0x5]  }
0x160: {  	s4 =	rddreg [dreg:$0x7]  }
0x161: {  	s3 =	rddreg [dreg:$0x8]  }
0x162: {  	[hbm:s0], [sflag:s4] =	dma.local [spmem:s3], $0x2780  }
0x163: {  	_ =	swait.ge [sflag:s17], $0x2780  }
0x164: {  	s1 =	rddreg [dreg:$0x9]  }
0x165: {  	s31 =	rddreg [dreg:$0x6];
	s1 =	sadd.s32 $0x1, s1  }
0x166: {  	p0 =	sne.s32 s1, s31  }
.Ltmp5:
0x167: {  	_ = 	snop;
	(pc) =	sbr.rel @p0 .LBB2_1-.Ltmp5, $3  }
0x168: {  	_ =	sdelay $0x1  }
0x169: {  	[sflag:s17] =	ssyncset.done $0x0  }
0x16a: {  	[sflag:s17] =	ssyncadd.s32 $0xFFFFD880  }
0x16b: {  	_ =	sfence.sel $0x180000  }
0x16c: {  	[bflag:$0x0] =	sbarrier.arrive $0xFFFF  }
0x16d: {  	_ =	strace $0x9000004D  }
0x16e: {  	s0 =	stileid.u32;
	[bflag:$0x2] =	sbarrier.arrive $0xFFFF  }
0x16f: {  	p0 =	sne.s32 s0, $0x0;
	s0 =	rddreg [dreg:$0x3]  }
0x170: {  	s0 =	sadd.s32 @!p0 $0x100000, s0  }
0x171: {  	[sflag:s0] =	ssyncadd.tile.s32 @!p0 $0x1;
	_ =	shalt  }
.Lfunc_end2:
_tile_overlayer_lowered:
.L_overlay_start_2:
0x172: {  	(tag) =	ssettag $0x2  }
0x173: {  	s0 =	rddreg [dreg:$0x0];
	s2 =	stileid.u32  }
0x174: {  	s1 =	rddreg [dreg:$0x1];
	p0 =	sne.s32 s2, $0x0  }
0x175: {  	s3 =	rddreg [dreg:$0x2];
	[bflag:$0x3] =	sbarrier.arrive $0xFFFF;
	s2 =	simm.s32 @!p0 $0x1C03  }
0x176: {  	[timem:s3], [sflag:s2] =	dma.local @!p0 [hbm:s0], s1  }
0x177: {  	s0 =	simm.s32 @!p0 $0x3  }
0x178: {  	_ =	swait.ge @!p0 [sflag:s0], s1  }
0x179: {  	s1 =	ssub.s32 @!p0 $0x0, s1;
	[sflag:s0] =	ssyncset.done @!p0 $0x0  }
0x17a: {  	[sflag:s0] =	ssyncadd.s32 @!p0 s1  }
0x17b: {  	[bflag:$0x3] =	sbarrier.arrive $0xFFFF  }
0x17c: {  	_ =	shalt  }

// kernel: kernel.8.cloned.1.call-start
scs
__scs_entry_jumppad:
0x0: {  	(pc) =	sbr.rel $0x88, $3  }
0x1: {  	(tag) =	ssettag $0x0;
	lr =	simm.s32 $0x1  }
0x2: {  	[smem:$0x3F92] =	sst lr;
	_ =	strace $0xD0000000  }
0x3: {  	_ = 	snop  }
0x4: {  	_ = 	snop  }
0x5: {  	_ = 	snop  }
0x6: {  	_ = 	snop  }
0x7: {  	_ = 	snop  }
__scs_overlays_trampoline_lowered:
0x8: {  	[smem:$0x3FA1] =	sst s0  }
0x9: {  	[smem:$0x3FA2] =	sst s1  }
0xa: {  	[smem:$0x3FA3] =	sst s2  }
0xb: {  	[smem:$0x3FA4] =	sst s3  }
0xc: {  	[smem:$0x3FA5] =	sst s4  }
0xd: {  	[smem:$0x3FA6] =	sst s5  }
0xe: {  	[smem:$0x3FA7] =	sst s6  }
0xf: {  	[smem:$0x3FA8] =	sst s7  }
0x10: {  	[smem:$0x3FA9] =	sst s8  }
0x11: {  	[smem:$0x3FAA] =	sst s9;
	s0 =	simm.s32 @!p0 $0x0  }
0x12: {  	s1 =	sld [smem:$0x3F90];
	s0 =	simm.s32 @p0 $0x1  }
0x13: {  	[smem:$0x3FAB] =	sst s0;
	s0 =	simm.s32 @!p1 $0x0  }
0x14: {  	s2 =	sld [smem:$0x3F8F];
	s0 =	simm.s32 @p1 $0x1  }
0x15: {  	[smem:$0x3FAC] =	sst s0;
	s0 =	simm.s32 @!p2 $0x0  }
0x16: {  	s3 =	sld [smem:$0x3FDB];
	s0 =	simm.s32 @p2 $0x1  }
0x17: {  	s4 =	simm.s32 $0x1BF5;
	[smem:$0x3FAE] =	sst s0  }
0x18: {  	s0 =	sld [smem:$0x3F91];
	_ =	swait.ge [sflag:s4], $0x0  }
0x19: {  	s7 =	sld [smem:$0x3F92]  }
0x1a: {  	s8 =	sadd.s32 $0xFFFFE003, lr  }
0x1b: {  	s9 =	sadd.s32 $0xFFFFFEF7, lr;
	s5 =	simm.s32 $0xFFFFFFFF;
	p2 =	slt.u32 s8, $0xFFFFF086  }
0x1c: {  	p1 =	slt.u32 s9, $0xF7A;
	s5 =	simm.s32 @!p2 $0x0  }
0x1d: {  	s5 =	simm.s32 @p1 $0x1;
	p0 =	seq.s32 s7, s2  }
0x1e: {  	s7 =	smul.u32 @!p0 $0xF7A, s2;
	p2 =	seq.s32 @!p0 s5, $0x0  }
0x1f: {  	s9 =	smul.u32 $0xF7A, s1;
	s8 =	simm.s32 @!p0 $0x1BF5;
	p2 =	por !p2, p0  }
0x20: {  	[sflag:s8] =	ssyncset.s32 @!p0 $0xFFFFF086;
	s6 =	sadd.s32 @!p0 s3, s7;
	s7 =	simm.s32 @!p0 $0x108  }
0x21: {  	s3 =	sadd.s32 s3, s9;
	s6 =	sadd.s32 @!p0 $0x88, s6;
	s7 =	simm.s32 @p2 $0x1082  }
0x22: {  	[simem:s7], [sflag:s8] =	dma.local @!p0 [hbm:s6], $0xF7A  }
0x23: {  	s9 =	sor.u32 $0xD0000000, s2;
	s6 =	simm.s32 $0x108;
	_ =	swait.ge @!p0 [sflag:s8], $0x0  }
0x24: {  	s3 =	sadd.s32 $0x88, s3;
	s6 =	simm.s32 @!p1 $0x1082;
	[sflag:s4] =	ssyncset.s32 $0xFFFFF086  }
0x25: {  	[simem:s6], [sflag:s4] =	dma.local [hbm:s3], $0xF7A  }
0x26: {  	[smem:$0x3F92] =	sst s1;
	(tag) =	ssettag s2;
	_ =	strace s9  }
0x27: {  	s1 =	sld [smem:$0x3FA2]  }
0x28: {  	s2 =	sld [smem:$0x3FA3]  }
0x29: {  	s4 =	sld [smem:$0x3FA5]  }
0x2a: {  	p0 =	seq.s32 s5, $0x0;
	s5 =	sld [smem:$0x3FA6]  }
0x2b: {  	s6 =	sld [smem:$0x3FA7]  }
0x2c: {  	s7 =	sld [smem:$0x3FA8]  }
0x2d: {  	s3 =	simm.s32 $0x108;
	s8 =	sld [smem:$0x3FA9]  }
0x2e: {  	s3 =	simm.s32 @!p0 $0x1082;
	s9 =	sld [smem:$0x3FAA]  }
0x2f: {  	lr =	sadd.s32 s0, s3;
	s0 =	sld [smem:$0x3FA1]  }
0x30: {  	s3 =	sld [smem:$0x3FA4]  }
0x31: {  	[smem:$0x3FAD] =	sst s10  }
0x32: {  	s10 =	sld [smem:$0x3FAB];
	_ =	sdelay $0x3  }
0x33: {  	p0 =	seq.s32 s10, $0x1;
	s10 =	sld [smem:$0x3FAD];
	_ =	sdelay $0x3  }
0x34: {  	[smem:$0x3FAD] =	sst s10  }
0x35: {  	s10 =	sld [smem:$0x3FAC];
	_ =	sdelay $0x3  }
0x36: {  	p1 =	seq.s32 s10, $0x1;
	s10 =	sld [smem:$0x3FAD];
	_ =	sdelay $0x3  }
0x37: {  	[smem:$0x3FAD] =	sst s10  }
0x38: {  	s10 =	sld [smem:$0x3FAE]  }
0x39: {  	_ = 	snop;
	(pc) =	sbr.ind lr, $3  }
0x3a: {  	_ = 	snop  }
0x3b: {  	_ = 	snop  }
0x3c: {  	p2 =	seq.s32 s10, $0x1;
	s10 =	sld [smem:$0x3FAD]  }
0x3d: {  	_ =	shalt  }
0x3e: {  	_ =	shalt  }
0x3f: {  	_ =	shalt  }
0x40: {  	_ =	shalt  }
0x41: {  	_ =	shalt  }
0x42: {  	_ =	shalt  }
0x43: {  	_ =	shalt  }
0x44: {  	_ =	shalt  }
0x45: {  	_ =	shalt  }
0x46: {  	_ =	shalt  }
0x47: {  	_ =	shalt  }
0x48: {  	_ =	shalt  }
0x49: {  	_ =	shalt  }
0x4a: {  	_ =	shalt  }
0x4b: {  	_ =	shalt  }
0x4c: {  	_ =	shalt  }
0x4d: {  	_ =	shalt  }
0x4e: {  	_ =	shalt  }
0x4f: {  	_ =	shalt  }
0x50: {  	_ =	shalt  }
0x51: {  	_ =	shalt  }
0x52: {  	_ =	shalt  }
0x53: {  	_ =	shalt  }
0x54: {  	_ =	shalt  }
0x55: {  	_ =	shalt  }
0x56: {  	_ =	shalt  }
0x57: {  	_ =	shalt  }
0x58: {  	_ =	shalt  }
0x59: {  	_ =	shalt  }
0x5a: {  	_ =	shalt  }
0x5b: {  	_ =	shalt  }
0x5c: {  	_ =	shalt  }
0x5d: {  	_ =	shalt  }
0x5e: {  	_ =	shalt  }
0x5f: {  	_ =	shalt  }
0x60: {  	_ =	shalt  }
0x61: {  	_ =	shalt  }
0x62: {  	_ =	shalt  }
0x63: {  	_ =	shalt  }
0x64: {  	_ =	shalt  }
0x65: {  	_ =	shalt  }
0x66: {  	_ =	shalt  }
0x67: {  	_ =	shalt  }
0x68: {  	_ =	shalt  }
0x69: {  	_ =	shalt  }
0x6a: {  	_ =	shalt  }
0x6b: {  	_ =	shalt  }
0x6c: {  	_ =	shalt  }
0x6d: {  	_ =	shalt  }
0x6e: {  	_ =	shalt  }
0x6f: {  	_ =	shalt  }
0x70: {  	_ =	shalt  }
0x71: {  	_ =	shalt  }
0x72: {  	_ =	shalt  }
0x73: {  	_ =	shalt  }
0x74: {  	_ =	shalt  }
0x75: {  	_ =	shalt  }
0x76: {  	_ =	shalt  }
0x77: {  	_ =	shalt  }
0x78: {  	_ =	shalt  }
0x79: {  	_ =	shalt  }
0x7a: {  	_ =	shalt  }
0x7b: {  	_ =	shalt  }
0x7c: {  	_ =	shalt  }
0x7d: {  	_ =	shalt  }
0x7e: {  	_ =	shalt  }
0x7f: {  	_ =	shalt  }
0x80: {  	_ =	shalt  }
0x81: {  	_ =	shalt  }
0x82: {  	_ =	shalt  }
0x83: {  	_ =	shalt  }
0x84: {  	_ =	shalt  }
0x85: {  	_ =	shalt  }
0x86: {  	_ =	shalt  }
0x87: {  	_ =	shalt  }
.Lfunc_end0:
.L_simem_size_0:
called_computation_lowered:
.L_overlay_start_0:
0x88: {  	s2 =	sld [smem:$0x3FD9]  }
0x89: {  	s3 =	sld [smem:$0x3FFE];
	_ =	sdelay $0x1  }
0x8a: {  	s1 =	srdreg.scid  }
0x8b: {  	s0 =	sand.u32 $0x1, s1  }
0x8c: {  	s17 =	sshll.u32 s0, $0xA;
	s2 =	sadd.s32 s3, s2  }
0x8d: {  	s2 =	sadd.s32 s2, s17  }
0x8e: {  	[smem:$0x3FB9] =	sst s2  }
0x8f: {  	_ = 	snop  }
0x90: {  	s2 =	sld [smem:$0x3FD0];
	(tm) =	ssettm $0x1  }
0x91: {  	s18 =	sld [smem:$0x3FFB];
	_ =	sdelay $0x3  }
0x92: {  	_ =	strace s18  }
0x93: {  	s3 =	sld [smem:$0x3FFC];
	_ =	sdelay $0x3  }
0x94: {  	_ =	strace s3  }
0x95: {  	s3 =	sld [smem:$0x3FFD];
	_ =	sdelay $0x3  }
0x96: {  	_ =	strace s3  }
0x97: {  	_ =	strace $0x8FFFFFFF  }
0x98: {  	s19 =	sld [smem:$0x3FDB];
	_ =	sdelay $0x1  }
0x99: {  	s4 =	simm.s32 $_scs_section_size  }
0x9a: {  	s5 =	simm.s32 $_size__tile_overlayer_lowered;
	s6 =	simm.s32 $_tile_overlayer_lowered  }
0x9b: {  	s22 =	simm.s32 $0x1BFF;
	s21 =	sshll.u32 s6, $0x1;
	s3 =	sadd.s32 s4, s19  }
0x9c: {  	s7 =	simm.s32 $0x0;
	s20 =	sshll.u32 s5, $0x1;
	s5 =	sadd.s32 s21, s3  }
0x9d: {  	[timem:s7], [sflag:s22] =	dma.local [hbm:s5], s20  }
0x9e: {  	_ =	swait.ge [sflag:s22], s20  }
0x9f: {  	s4 =	ssub.s32 $0x0, s20;
	[sflag:s22] =	ssyncset.done $0x0  }
0xa0: {  	[sflag:s22] =	ssyncadd.s32 s4;
	_ =	sdelay $0x1  }
0xa1: {  	s23 =	simm.s32 $0x1B8B  }
0xa2: {  	_ =	swait.ge [sflag:s23], $0x1  }
0xa3: {  	[sflag:s23] =	ssyncset.done $0x0  }
0xa4: {  	s25 =	simm.s32 $0x1B8E;
	s24 =	sld [smem:$0x3FFE];
	[sflag:s23] =	ssyncadd.s32 $0xFFFFFFFF  }
0xa5: {  	s26 =	simm.s32 $execute0_lowered;
	[smem:$0x3FD2] =	sst s25  }
0xa6: {  	s5 =	sshll.u32 s26, $0x1;
	_ =	strace $0x80000046;
	[dreg:$0x1] =	wrdreg $0xFFFFFFFF  }
0xa7: {  	s28 =	simm.s32 $_size_execute0_lowered;
	s3 =	sadd.s32 s3, s5;
	[dreg:$0x0] =	wrdreg $0x0  }
0xa8: {  	s5 =	sshll.u32 s28, $0x1;
	[dreg:$0x2] =	wrdreg s3  }
0xa9: {  	[dreg:$0x3] =	wrdreg s5  }
0xaa: {  	[dreg:$0x4] =	wrdreg $0xC0  }
0xab: {  	_ =	task [dreg:s7], $0x5FFFF  }
0xac: {  	[dreg:$0x1] =	wrdreg $0xFFFFFFFF  }
0xad: {  	[dreg:$0x0] =	wrdreg $0x60  }
0xae: {  	[dreg:$0x2] =	wrdreg s24  }
0xaf: {  	[dreg:$0x3] =	wrdreg s2  }
0xb0: {  	[dreg:$0x4] =	wrdreg $0xA2800  }
0xb1: {  	[dreg:$0x5] =	wrdreg $0x9  }
0xb2: {  	_ =	task.clear_ibuf [dreg:s7], $0x6FFFF;
	_ =	strace $0x90000046  }
0xb3: {  	s29 =	simm.s32 $0x9;
	_ =	strace $0x80000048  }
0xb4: {  	_ =	swait.ge [sflag:s29], $0x1  }
0xb5: {  	[sflag:s29] =	ssyncadd.s32 $0xFFFFFFFF  }
0xb6: {  	_ =	strace $0x90000048  }
0xb7: {  	_ =	sfence  }
0xb8: {  	s30 =	sld [smem:$0x0];
	_ =	sdelay $0x2  }
0xb9: {  	s31 =	sshll.u32 s1, $0xD;
	s1 =	sshrl.u32 s1, $0x2  }
0xba: {  	s3 =	sand.u32 $0x4000, s31;
	s1 =	sadd.s32 s1, s30  }
0xbb: {  	s0 =	sor.u32 s3, s0;
	s1 =	sshll.u32 s1, $0x11  }
0xbc: {  	s0 =	sor.u32 s1, s0  }
0xbd: {  	s0 =	sadd.s32 $0x8F2B, s0  }
0xbe: {  	[sflag:s0] =	ssyncadd.remote.s32 $0x1  }
0xbf: {  	_ =	sfence.sel $0xFFFF  }
0xc0: {  	[dreg:$0x0] =	wrdreg $0xFFFFFFFF;
	(pc) =	sbr.abs _section_cstart, $3  }
0xc1: {  	[dreg:$0x1] =	wrdreg $0xFFFFFFFF  }
0xc2: {  	_ =	task.clear_ibuf [dreg:s7], $0x2FFFF;
	_ =	strace $0x9FFFFFFF  }
0xc3: {  	(tm) =	ssettm $0x7FFFFFFF  }
tec
execute0_lowered:
.L_overlay_start_1:
0x0: {  	(tag) =	ssettag $0x1  }
0x1: {  	s4 =	rddreg [dreg:$0x0]  }
0x2: {  	s1 =	srdreg.scid;
	s10 =	rddreg [dreg:$0x1]  }
0x3: {  	s0 =	stileid.u32;
	s2 =	rddreg [dreg:$0x2]  }
0x4: {  	s3 =	simm.s32 $0x0;
	s14 =	simm.s32 $0x5000;
	s15 =	simm.s32 $0x7800  }
0x5: {  	s16 =	simm.s32 $0xA000;
	s17 =	simm.s32 $0x80;
	s18 =	simm.s32 $0x0  }
0x6: {  	s5 =	sand.u32 $0x1, s1;
	s28 =	sshll.u32 s0, $0x1;
	s1 =	rddreg [dreg:$0x3]  }
0x7: {  	[smem:$0x7FF] =	sst s3;
	s9 =	smul.u32 $0x278, s0;
	s6 =	sor.u32 s5, s28  }
0x8: {  	_ =	strace $0x80000047;
	s8 =	ssub.s32 $0x2, s5;
	s12 =	smul.u32 $0x2780, s5  }
0x9: {  	s6 =	smul.u32 $0x500, s6;
	s29 =	sshrl.u32 s9, $0x3;
	s30 =	sshrl.u32 s8, $0x1  }
0xa: {  	s11 =	sadd.s32 s29, s4;
	s13 =	ssub.s32 s8, s30;
	s12 =	sadd.s32 s9, s12  }
0xb: {  	s9 =	sadd.s32 s9, s2;
	s7 =	sadd.s32 s6, s4;
	s8 =	sadd.s32 $0x34C00, s11  }
0xc: {  	s31 =	sshrl.u32 s12, $0x3;
	s11 =	smax.u32 s13, $0x1;
	s12 =	simm.s32 $0x1  }
0xd: {  	s13 =	simm.s32 $0x2800;
	s4 =	sadd.s32 $0x16C00, s7;
	s5 =	sadd.s32 $0xCC00, s7  }
0xe: {  	s6 =	sadd.s32 $0x2AC00, s7;
	s7 =	sadd.s32 $0x20C00, s7;
	s10 =	sadd.s32 s10, s31  }
.LBB2_1:
0xf: {  	[tilespmem:s3], [sflag:$0x1] =	stream.linear.gather [hbm4b:s4+s3], $0x2800, $0x38;
	[tilespmem:$0xA4F8] =	vst v63  }
0x10: {  	_ =	swait.ge [sflag:s12], $0x2800  }
0x11: {  	[sflag:s12] =	ssyncset.done $0x0  }
0x12: {  	[sflag:s12] =	ssyncadd.s32 $0xFFFFD800  }
0x13: {  	[tilespmem:s13], [sflag:$0x1] =	stream.linear.gather [hbm4b:s5+s3], $0x2800, $0x38;
	[tilespmem:$0xA4F8] =	vst v63  }
0x14: {  	_ =	swait.ge [sflag:s12], $0x2800  }
0x15: {  	[sflag:s12] =	ssyncset.done $0x0  }
0x16: {  	[sflag:s12] =	ssyncadd.s32 $0xFFFFD800  }
0x17: {  	[tilespmem:s14], [sflag:$0x1] =	stream.linear.gather [hbm4b:s6+s3], $0x2800, $0x38;
	[tilespmem:$0xA4F8] =	vst v63  }
0x18: {  	_ =	swait.ge [sflag:s12], $0x2800  }
0x19: {  	[sflag:s12] =	ssyncset.done $0x0  }
0x1a: {  	[sflag:s12] =	ssyncadd.s32 $0xFFFFD800  }
0x1b: {  	[tilespmem:s15], [sflag:$0x1] =	stream.linear.gather [hbm4b:s7+s3], $0x2800, $0x38;
	[tilespmem:$0xA4F8] =	vst v63  }
0x1c: {  	_ =	swait.ge [sflag:s12], $0x2800  }
0x1d: {  	[sflag:s12] =	ssyncset.done $0x0  }
0x1e: {  	[sflag:s12] =	ssyncadd.s32 $0xFFFFD800  }
0x1f: {  	[tilespmem:s16], [sflag:$0x1] =	stream.linear.gather [hbm4b:s8+s3], $0x278, $0x38;
	[tilespmem:$0xA4F8] =	vst v63  }
0x20: {  	_ =	swait.ge [sflag:s12], $0x278  }
0x21: {  	[sflag:s12] =	ssyncset.done $0x0  }
0x22: {  	[sflag:s12] =	ssyncadd.s32 $0xFFFFFD88  }
0x23: {  	[spmem:s9] =	stream.linear.scatter [tilespmem:s16], [sflag:$0x1], $0x278, $0x38;
	[tilespmem:$0xA4F8] =	vst v63  }
0x24: {  	_ =	swait.ge [sflag:s12], $0x278  }
0x25: {  	[sflag:s12] =	ssyncset.done $0x0  }
0x26: {  	s19 =	simm.s32 $0x0;
	[sflag:s12] =	ssyncadd.s32 $0xFFFFFD88  }
0x27: {  	v0 =	vld [tilespmem:s19+$0x0]  }
0x28: {  	v1 =	vld [tilespmem:s19+$0x2800]  }
0x29: {  	v2 =	vld [tilespmem:s19+$0x5000];
	_ =	sdelay $0x3  }
0x2a: {  	s20 =	simm.s32 $0x10;
	vm0 =	veq.s32 v0, v1  }
0x2b: {  	s21 =	simm.s32 $0x80;
	v0 =	vld [tilespmem:s20+$0x0];
	v1 =	vsel vm0, $0x0, v2  }
.LBB2_2:
0x2c: {  	p0 =	sne.s32 s21, $0x9FC0;
	v2 =	vld [tilespmem:s20+$0x2800];
	[tilespmem:s19+$0x5000] =	vst v1;
	s19 =	smov.u32 s20  }
0x2d: {  	v1 =	vld [tilespmem:s19+$0x5000]  }
.Ltmp0:
0x2e: {  	(pc) =	sbr.rel @p0 .LBB2_2-.Ltmp0, $3  }
0x2f: {  	_ =	sdelay $0x1  }
0x30: {  	s20 =	sshra.s32 s21, $0x2;
	vm0 =	veq.s32 v0, v2  }
0x31: {  	s21 =	sadd.s32 $0x40, s21;
	v0 =	vld [tilespmem:s20+$0x0];
	v1 =	vsel vm0, $0x0, v1  }
0x32: {  	v2 =	vld [tilespmem:s20+$0x2800];
	[tilespmem:s19+$0x5000] =	vst v1  }
0x33: {  	v1 =	vld [tilespmem:s20+$0x5000];
	_ =	sdelay $0x3  }
0x34: {  	vm0 =	veq.s32 v0, v2  }
0x35: {  	v0 =	vsel vm0, $0x0, v1  }
0x36: {  	[tilespmem:s20+$0x5000] =	vst v0  }
0x37: {  	s30 =	simm.s32 $0x5000;
	s31 =	simm.s32 $0x7800;
	[bflag:$0x0] =	sbarrier.arrive $0xFFFF  }
0x38: {  	[spmem:s2] =	stream.indirect.scatter.add.f32 [tilespmem:s30], [sflag:$0x1], $0x1, s31, s17, $0xb8;
	[tilespmem:$0xA4F8] =	vst v63  }
0x39: {  	s19 =	simm.s32 $0x200;
	_ =	swait.ge [sflag:s12], $0x80  }
.LBB2_4:
0x3a: {  	s20 =	sshra.s32 s19, $0x2  }
0x3b: {  	[sflag:s12] =	ssyncset.done $0x0;
	p0 =	sne.s32 s19, $0x9E00;
	s21 =	sadd.s32 $0x5000, s20  }
.Ltmp1:
0x3c: {  	s20 =	sadd.s32 $0x7800, s20;
	[sflag:s12] =	ssyncadd.s32 $0xFFFFFF80;
	(pc) =	sbr.rel @p0 .LBB2_4-.Ltmp1, $3  }
0x3d: {  	[spmem:s2] =	stream.indirect.scatter.add.f32 [tilespmem:s21], [sflag:$0x1], $0x1, s20, s17, $0xb8;
	[tilespmem:$0xA4F8] =	vst v63  }
0x3e: {  	s19 =	sadd.s32 $0x200, s19;
	_ =	sdelay $0x1  }
0x3f: {  	_ =	swait.ge [sflag:s12], $0x80  }
0x40: {  	[sflag:s12] =	ssyncset.done $0x0  }
0x41: {  	[sflag:s12] =	ssyncadd.s32 $0xFFFFFF80  }
0x42: {  	[bflag:$0x0] =	sbarrier.arrive $0xFFFF  }
0x43: {  	[tilespmem:s16], [sflag:$0x1] =	stream.linear.gather [spmem:s9], $0x278, $0x38;
	[tilespmem:$0xA4F8] =	vst v63  }
0x44: {  	s18 =	sadd.s32 $0x1, s18;
	_ =	swait.ge [sflag:s12], $0x278  }
0x45: {  	p0 =	sne.s32 s18, s11;
	[sflag:s12] =	ssyncset.done $0x0  }
.Ltmp2:
0x46: {  	[sflag:s12] =	ssyncadd.s32 $0xFFFFFD88;
	(pc) =	sbr.rel @p0 .LBB2_1-.Ltmp2, $4  }
0x47: {  	[hbm4b:s10+s3] =	stream.linear.scatter [tilespmem:s16], [sflag:$0x1], $0x278, $0x38;
	[tilespmem:$0xA4F8] =	vst v63  }
0x48: {  	_ =	swait.ge [sflag:s12], $0x278  }
0x49: {  	[sflag:s12] =	ssyncset.done $0x0  }
0x4a: {  	[sflag:s12] =	ssyncadd.s32 $0xFFFFFD88  }
0x4b: {  	_ =	sfence.sel $0x180000  }
0x4c: {  	[bflag:$0x0] =	sbarrier.arrive $0xFFFF  }
0x4d: {  	p0 =	sne.s32 s0, $0x0;
	_ =	strace $0x90000047  }
0x4e: {  	s0 =	sadd.s32 @!p0 $0x100000, s1;
	[bflag:$0x2] =	sbarrier.arrive $0xFFFF  }
0x4f: {  	[sflag:s0] =	ssyncadd.tile.s32 @!p0 $0x1;
	_ =	shalt  }
.Lfunc_end2:
_tile_overlayer_lowered:
.L_overlay_start_2:
0x50: {  	(tag) =	ssettag $0x2  }
0x51: {  	s0 =	rddreg [dreg:$0x0];
	s2 =	stileid.u32  }
0x52: {  	s1 =	rddreg [dreg:$0x1];
	p0 =	sne.s32 s2, $0x0  }
0x53: {  	s3 =	rddreg [dreg:$0x2];
	[bflag:$0x3] =	sbarrier.arrive $0xFFFF;
	s2 =	simm.s32 @!p0 $0x1C01  }
0x54: {  	[timem:s3], [sflag:s2] =	dma.local @!p0 [hbm:s0], s1  }
0x55: {  	s0 =	simm.s32 @!p0 $0x1  }
0x56: {  	_ =	swait.ge @!p0 [sflag:s0], s1  }
0x57: {  	s1 =	ssub.s32 @!p0 $0x0, s1;
	[sflag:s0] =	ssyncset.done @!p0 $0x0  }
0x58: {  	[sflag:s0] =	ssyncadd.s32 @!p0 s1  }
0x59: {  	[bflag:$0x3] =	sbarrier.arrive $0xFFFF  }
0x5a: {  	_ =	shalt  }

</sc_bundles>
